<compile_context>
chip_gen: v7x
topology: tpu7x:2x2x1
jax: 0.10.2.dev20260603
libtpu: 0.0.44.dev20260713+nightly
codegen_flags: <defaults>
</compile_context>

<pallas_src>
import functools

import jax
import jax.numpy as jnp
from jax import lax
from jax.experimental import pallas as pl
from jax.experimental.pallas import tpu as pltpu
from jax.experimental.pallas import tpu_sc as plsc

_D = 128
_NC = 2
_NS = 16
_NW = _NC * _NS
_K = 128
_CHUNK = 8
_RPT = 632
_NACC = _NS * _RPT
_DUMMY = 10000


def _proj_body(x1_ref, w1_ref, b1_ref, x2_ref, w2_ref, b2_ref,
               o1_ref, o2_ref):
    o1_ref[...] = (
        jnp.dot(x1_ref[...], w1_ref[...], preferred_element_type=jnp.float32)
        + b1_ref[...]
    )
    o2_ref[...] = (
        jnp.dot(x2_ref[...], w2_ref[...], preferred_element_type=jnp.float32)
        + b2_ref[...]
    )


def _project(H1, W1t, b1, H2, W2t, b2):
    M = H1.shape[0]
    B = 2000
    spec_x = pl.BlockSpec((B, _D), lambda i: (i, 0))
    spec_w = pl.BlockSpec((_D, _D), lambda i: (0, 0))
    spec_b = pl.BlockSpec((1, _D), lambda i: (0, 0))
    return pl.pallas_call(
        _proj_body,
        grid=(M // B,),
        in_specs=[spec_x, spec_w, spec_b, spec_x, spec_w, spec_b],
        out_specs=[spec_x, spec_x],
        out_shape=[jax.ShapeDtypeStruct((M, _D), jnp.float32)] * 2,
    )(H1, W1t, b1, H2, W2t, b2)


def _make_sc_agg(NB):
    mesh = plsc.VectorSubcoreMesh(
        core_axis_name="c", subcore_axis_name="s",
        num_cores=_NC, num_subcores=_NS,
    )
    sum_t = jax.ShapeDtypeStruct((_NC * _NACC, _D), jnp.float32)
    deg_t = jax.ShapeDtypeStruct((_NW, _NACC), jnp.float32)

    @functools.partial(
        pl.kernel,
        out_type=[sum_t, sum_t, sum_t, deg_t, deg_t, deg_t],
        mesh=mesh,
        compiler_params=pltpu.CompilerParams(needs_layout_passes=False),
        scratch_types=[
            pltpu.VMEM_SHARED((_NACC, _D), jnp.float32),
            pltpu.VMEM((_NACC,), jnp.float32),
            pltpu.VMEM((_CHUNK, _K), jnp.int32),
            pltpu.VMEM((_CHUNK, _K), jnp.int32),
            pltpu.VMEM((_CHUNK, _K), jnp.int32),
            pltpu.VMEM((_CHUNK, _K), jnp.int32),
            pltpu.VMEM((_K, _D), jnp.float32),
            pltpu.VMEM((_K, _D), jnp.float32),
            pltpu.SemaphoreType.DMA,
            pltpu.SemaphoreType.DMA,
        ],
    )
    def agg(t_op, t_m, s_seq, d_seq, s_m, d_m,
            st1, dt1, st2, dt2, st3, dt3, zrow, zdeg,
            o1, o2, o3, g1, g2, g3,
            acc, ldeg, iv_s0, iv_d0, iv_s1, iv_d1, rows_a, rows_b,
            sem_a, sem_b):
        cid = lax.axis_index("c")
        sid = lax.axis_index("s")
        wid = cid * _NS + sid
        base = sid * _RPT
        obase = cid * _NACC + base
        ones16 = jnp.full((16,), 1.0, jnp.float32)
        npair = _CHUNK // 2

        def one_pass(table, src_h, dst_h, stail_h, dtail_h, out_h, deg_h):
            pltpu.sync_copy(zrow, acc.at[pl.ds(base, _RPT)])
            pltpu.sync_copy(zdeg, ldeg)
            plsc.subcore_barrier()

            def deg_adds(ivd, b):
                for j in range(_K // 16):
                    i16 = ivd[b, pl.ds(j * 16, 16)]
                    plsc.addupdate_scatter(ldeg, [i16], ones16)

            def do_block(ivs, ivd, b, rows, sem):
                pltpu.make_async_copy(table.at[ivs.at[b]], rows, sem).wait()
                pltpu.sync_copy(rows, acc.at[ivd.at[b]], add=True)

            def run_chunk(ivs, ivd, tail_fire):
                def pair(b2, cc):
                    b = 2 * b2
                    pltpu.async_copy(table.at[ivs.at[b + 1]], rows_b, sem_b)
                    deg_adds(ivd, b)
                    do_block(ivs, ivd, b, rows_a, sem_a)
                    pltpu.async_copy(table.at[ivs.at[b + 2]], rows_a, sem_a)
                    deg_adds(ivd, b + 1)
                    do_block(ivs, ivd, b + 1, rows_b, sem_b)
                    return cc

                lax.fori_loop(0, npair - 1, pair, 0)
                b = _CHUNK - 2
                pltpu.async_copy(table.at[ivs.at[b + 1]], rows_b, sem_b)
                deg_adds(ivd, b)
                do_block(ivs, ivd, b, rows_a, sem_a)
                tail_fire()
                deg_adds(ivd, b + 1)
                do_block(ivs, ivd, b + 1, rows_b, sem_b)

            def stage(c, ivs, ivd):
                ibase = wid * NB + c * _CHUNK

                @pl.when(wid < _NW - 1)
                def _():
                    pltpu.sync_copy(src_h.at[pl.ds(ibase, _CHUNK)], ivs)
                    pltpu.sync_copy(dst_h.at[pl.ds(ibase, _CHUNK)], ivd)

                @pl.when(wid == _NW - 1)
                def _():
                    pltpu.sync_copy(stail_h.at[pl.ds(c * _CHUNK, _CHUNK)],
                                    ivs)
                    pltpu.sync_copy(dtail_h.at[pl.ds(c * _CHUNK, _CHUNK)],
                                    ivd)

            stage(0, iv_s0, iv_d0)
            pltpu.async_copy(table.at[iv_s0.at[0]], rows_a, sem_a)

            def outer(t, carry):
                c0 = 2 * t
                stage(c0 + 1, iv_s1, iv_d1)
                run_chunk(iv_s0, iv_d0, lambda: pltpu.async_copy(
                    table.at[iv_s1.at[0]], rows_a, sem_a))

                @pl.when(t < NB // (2 * _CHUNK) - 1)
                def _():
                    stage(c0 + 2, iv_s0, iv_d0)

                last = t == NB // (2 * _CHUNK) - 1

                def tail1():
                    @pl.when(jnp.logical_not(last))
                    def _():
                        pltpu.async_copy(table.at[iv_s0.at[0]],
                                         rows_a, sem_a)

                run_chunk(iv_s1, iv_d1, tail1)
                return carry

            lax.fori_loop(0, NB // (2 * _CHUNK), outer, 0)
            plsc.subcore_barrier()
            pltpu.sync_copy(acc.at[pl.ds(base, _RPT)],
                            out_h.at[pl.ds(obase, _RPT)])
            pltpu.sync_copy(ldeg, deg_h.at[wid])
            plsc.subcore_barrier()

        one_pass(t_op, s_seq, d_seq, st1, dt1, o1, g1)
        one_pass(t_op, s_m, d_m, st2, dt2, o2, g2)
        one_pass(t_m, d_m, s_m, st3, dt3, o3, g3)

    return agg


def _agg_term(s_ref, e_ref):
    deg = jnp.maximum(jnp.sum(e_ref[...], axis=0), 1.0)[:, None]
    return (s_ref[0] + s_ref[1]) / deg


def _comb_body(po_ref, s1_ref, e1_ref, s3_ref, e3_ref,
               pm_ref, s2_ref, e2_ref, oo_ref, om_ref):
    oo_ref[...] = jnp.maximum(
        po_ref[...] + _agg_term(s1_ref, e1_ref) + _agg_term(s3_ref, e3_ref),
        0.0)
    om_ref[...] = jnp.maximum(pm_ref[...] + _agg_term(s2_ref, e2_ref), 0.0)


def _combine(P_op, o1, g1, o3, g3, P_m, o2, g2):
    M = P_op.shape[0]
    B = 2048
    spec_p = pl.BlockSpec((B, _D), lambda i: (i, 0))
    spec_s = pl.BlockSpec((_NC, B, _D), lambda i: (0, i, 0))
    spec_e = pl.BlockSpec((_NW, B), lambda i: (0, i))
    return pl.pallas_call(
        _comb_body,
        grid=(pl.cdiv(M, B),),
        in_specs=[spec_p, spec_s, spec_e, spec_s, spec_e,
                  spec_p, spec_s, spec_e],
        out_specs=[spec_p, spec_p],
        out_shape=[jax.ShapeDtypeStruct((M, _D), jnp.float32)] * 2,
    )(P_op, o1, g1, o3, g3, P_m, o2, g2)


def kernel(H_op, H_m, E_seq, E_op2m, W_op, b_op, W_m, b_m):
    E = E_seq.shape[1]
    NB = -(-E // (_NW * _K))
    NB = -(-NB // (2 * _CHUNK)) * (2 * _CHUNK)
    E_pad = _NW * NB * _K

    assert E % _K == 0, "edge count must be a multiple of the block size"
    npad = E_pad - E
    pad_src = ((jnp.arange(npad, dtype=jnp.int32) * 79) %
               jnp.int32(10000)).reshape(-1, _K)
    pad_dst = (_DUMMY + jnp.arange(npad, dtype=jnp.int32) %
               (_NACC - _DUMMY)).reshape(-1, _K)
    last_base = (_NW - 1) * NB

    def raw(idx):
        return idx.reshape(E // _K, _K)

    def tail(idx, pad):
        return jnp.concatenate([raw(idx)[last_base:], pad])

    s_seq, d_seq = raw(E_seq[0]), raw(E_seq[1])
    s_m, d_m = raw(E_op2m[0]), raw(E_op2m[1])
    st1, dt1 = tail(E_seq[0], pad_src), tail(E_seq[1], pad_dst)
    st2, dt2 = tail(E_op2m[0], pad_src), tail(E_op2m[1], pad_dst)
    st3, dt3 = tail(E_op2m[1], pad_src), tail(E_op2m[0], pad_dst)

    zrow = jnp.zeros((_RPT, _D), jnp.float32)
    zdeg = jnp.zeros((_NACC,), jnp.float32)

    P_op, P_m = _project(H_op, W_op.T, b_op.reshape(1, _D),
                         H_m, W_m.T, b_m.reshape(1, _D))

    o1, o2, o3, g1, g2, g3 = _make_sc_agg(NB)(
        P_op, P_m, s_seq, d_seq, s_m, d_m,
        st1, dt1, st2, dt2, st3, dt3, zrow, zdeg)

    o1 = o1.reshape(_NC, _NACC, _D)
    o2 = o2.reshape(_NC, _NACC, _D)
    o3 = o3.reshape(_NC, _NACC, _D)

    H_op_new, H_m_new = _combine(P_op, o1, g1, o3, g3, P_m, o2, g2)
    return (H_op_new, H_m_new)

# --- scband reference (transcript-rebuilt; emitter-appended) ---
"""Pipeline reference for scband-hetero-gcnlayer-10496900072194 (READ-ONLY COPY).

The authoritative reference and input builder live on the scoring server;
editing this copy changes nothing except your own understanding.
"""

import jax, jax.numpy as jnp
import numpy as np


def mean_aggregate(messages, dst_index, num_nodes):
    out = jnp.zeros((num_nodes, messages.shape[1]), dtype=messages.dtype).at[dst_index].add(messages)
    deg = jnp.clip(jnp.bincount(dst_index, length=num_nodes), 1, None).astype(messages.dtype)[:, None]
    return out / deg


def setup_inputs(seed: int = 0) -> dict:
    key = jax.random.key(seed)
    k1, k2, k3, k4, k5, k6 = jax.random.split(key, 6)
    N_op, N_m, E, d_in, d_out = 10000, 10000, 320000, 128, 128
    H_op = jax.random.normal(k1, (N_op, d_in), dtype=jnp.float32)
    H_m = jax.random.normal(k2, (N_m, d_in), dtype=jnp.float32)
    E_seq = jax.random.randint(k3, (2, E), 0, N_op, dtype=jnp.int32)
    E_op2m = jax.random.randint(k4, (2, E), 0, N_m, dtype=jnp.int32)
    W_op = jax.random.normal(k5, (d_out, d_in), dtype=jnp.float32) * 0.05
    b_op = jnp.zeros((d_out,), dtype=jnp.float32)
    W_m = jax.random.normal(k6, (d_out, d_in), dtype=jnp.float32) * 0.05
    b_m = jnp.zeros((d_out,), dtype=jnp.float32)
    return {"H_op": H_op, "H_m": H_m, "E_seq": E_seq, "E_op2m": E_op2m,
            "W_op": W_op, "b_op": b_op, "W_m": W_m, "b_m": b_m}


def reference(H_op, H_m, E_seq, E_op2m, W_op, b_op, W_m, b_m):
    H_op_proj = H_op @ W_op.T + b_op
    H_m_proj = H_m @ W_m.T + b_m
    src, dst = E_seq[0], E_seq[1]
    agg_seq_to_op = mean_aggregate(H_op_proj[src], dst, H_op_proj.shape[0])
    src_op, dst_m = E_op2m[0], E_op2m[1]
    agg_to_m = mean_aggregate(H_op_proj[src_op], dst_m, H_m_proj.shape[0])
    agg_to_op = mean_aggregate(H_m_proj[dst_m], src_op, H_op_proj.shape[0])
    H_op_new = jax.nn.relu(H_op_proj + agg_seq_to_op + agg_to_op)
    H_m_new = jax.nn.relu(H_m_proj + agg_to_m)
    return (H_op_new, H_m_new)

if __name__ == "__main__":
    import jax
    _d = setup_inputs()
    print(jax.jit(kernel)(*tuple(_d.values())))

</pallas_src>

<mosaic_0001>
#map = affine_map<(d0, d1) -> (0, 0)>
#map1 = affine_map<(d0, d1) -> (0)>
module attributes {stable_mosaic.version = 14 : i64} {
  func.func @agg(%arg0: i32, %arg1: i32, %arg2: memref<10000x128xf32, #tpu.memory_space<hbm>>, %arg3: memref<10000x128xf32, #tpu.memory_space<hbm>>, %arg4: memref<2500x128xi32, #tpu.memory_space<hbm>>, %arg5: memref<2500x128xi32, #tpu.memory_space<hbm>>, %arg6: memref<2500x128xi32, #tpu.memory_space<hbm>>, %arg7: memref<2500x128xi32, #tpu.memory_space<hbm>>, %arg8: memref<80x128xi32, #tpu.memory_space<hbm>>, %arg9: memref<80x128xi32, #tpu.memory_space<hbm>>, %arg10: memref<80x128xi32, #tpu.memory_space<hbm>>, %arg11: memref<80x128xi32, #tpu.memory_space<hbm>>, %arg12: memref<80x128xi32, #tpu.memory_space<hbm>>, %arg13: memref<80x128xi32, #tpu.memory_space<hbm>>, %arg14: memref<632x128xf32, #tpu.memory_space<hbm>>, %arg15: memref<10112xf32, #tpu.memory_space<hbm>>, %arg16: memref<20224x128xf32, #tpu.memory_space<hbm>>, %arg17: memref<20224x128xf32, #tpu.memory_space<hbm>>, %arg18: memref<20224x128xf32, #tpu.memory_space<hbm>>, %arg19: memref<32x10112xf32, #tpu.memory_space<hbm>>, %arg20: memref<32x10112xf32, #tpu.memory_space<hbm>>, %arg21: memref<32x10112xf32, #tpu.memory_space<hbm>>, %arg22: memref<10112x128xf32, #tpu.memory_space<vmem_shared>>, %arg23: memref<10112xf32, #tpu.memory_space<vmem>>, %arg24: memref<8x128xi32, #tpu.memory_space<vmem>>, %arg25: memref<8x128xi32, #tpu.memory_space<vmem>>, %arg26: memref<8x128xi32, #tpu.memory_space<vmem>>, %arg27: memref<8x128xi32, #tpu.memory_space<vmem>>, %arg28: memref<128x128xf32, #tpu.memory_space<vmem>>, %arg29: memref<128x128xf32, #tpu.memory_space<vmem>>, %arg30: memref<!tpu.dma_semaphore, #tpu.memory_space<semaphore_mem>>, %arg31: memref<!tpu.dma_semaphore, #tpu.memory_space<semaphore_mem>>) attributes {dimension_semantics = [#tpu.dimension_semantics<core_parallel>, #tpu.dimension_semantics<subcore_parallel>], iteration_bounds = array<i64: 2, 16>, scalar_prefetch = 0 : i64, scratch_operands = 10 : i64, tpu.core_type = #tpu.core_type<sc_vector_subcore>, window_params = [{transform_indices = #map}, {transform_indices = #map}, {transform_indices = #map}, {transform_indices = #map}, {transform_indices = #map}, {transform_indices = #map}, {transform_indices = #map}, {transform_indices = #map}, {transform_indices = #map}, {transform_indices = #map}, {transform_indices = #map}, {transform_indices = #map}, {transform_indices = #map}, {transform_indices = #map1}, {transform_indices = #map}, {transform_indices = #map}, {transform_indices = #map}, {transform_indices = #map}, {transform_indices = #map}, {transform_indices = #map}]} {
    %mul3A = arith.constant 16 : i32
    %mul3A_0 = arith.muli %arg0, %mul3A : i32
    %add3A = arith.addi %mul3A_0, %arg1 : i32
    %mul3A_1 = arith.constant 632 : i32
    %mul3A_2 = arith.muli %arg1, %mul3A_1 : i32
    %mul3A_3 = arith.constant 10112 : i32
    %mul3A_4 = arith.muli %arg0, %mul3A_3 : i32
    %add3A_5 = arith.addi %mul3A_4, %mul3A_2 : i32
    %broadcast_in_dim3A = arith.constant 1.000000e+00 : f32
    %broadcast_in_dim3A_6 = vector.broadcast %broadcast_in_dim3A : f32 to vector<16xf32>
    "tpu.region"() ({
      %run_scoped3A = tpu.sem_alloc : memref<!tpu.dma_semaphore, #tpu.memory_space<semaphore_mem>>
      %dma_start3A_90 = arith.constant 0 : i32
      %dma_start3A_91 = tpu.memref_slice %arg22[%mul3A_2, %dma_start3A_90] : memref<10112x128xf32, #tpu.memory_space<vmem_shared>> -> memref<632x128xf32, #tpu.memory_space<vmem_shared>>
      tpu.enqueue_dma source(%arg14 : memref<632x128xf32, #tpu.memory_space<hbm>>) target(%dma_start3A_91 : memref<632x128xf32, #tpu.memory_space<vmem_shared>>) target_semaphore(%run_scoped3A : memref<!tpu.dma_semaphore, #tpu.memory_space<semaphore_mem>>)
      %dma_wait3A = arith.constant 0 : i32
      %dma_wait3A_92 = tpu.memref_slice %arg22[%mul3A_2, %dma_wait3A] : memref<10112x128xf32, #tpu.memory_space<vmem_shared>> -> memref<632x128xf32, #tpu.memory_space<vmem_shared>>
      tpu.wait_dma2 semaphore(%run_scoped3A : memref<!tpu.dma_semaphore, #tpu.memory_space<semaphore_mem>>) src(%arg14 : memref<632x128xf32, #tpu.memory_space<hbm>>) dst(%dma_wait3A_92 : memref<632x128xf32, #tpu.memory_space<vmem_shared>>)
      tpu.yield
    }) : () -> ()
    "tpu.region"() ({
      %run_scoped3A = tpu.sem_alloc : memref<!tpu.dma_semaphore, #tpu.memory_space<semaphore_mem>>
      tpu.enqueue_dma source(%arg15 : memref<10112xf32, #tpu.memory_space<hbm>>) target(%arg23 : memref<10112xf32, #tpu.memory_space<vmem>>) target_semaphore(%run_scoped3A : memref<!tpu.dma_semaphore, #tpu.memory_space<semaphore_mem>>)
      tpu.wait_dma2 semaphore(%run_scoped3A : memref<!tpu.dma_semaphore, #tpu.memory_space<semaphore_mem>>) src(%arg15 : memref<10112xf32, #tpu.memory_space<hbm>>) dst(%arg23 : memref<10112xf32, #tpu.memory_space<vmem>>)
      tpu.yield
    }) : () -> ()
    %barrier3A = arith.constant 0 : index
    tpu.barrier barrier_id(%barrier3A)
    %mul3A_7 = arith.constant 80 : i32
    %mul3A_8 = arith.muli %add3A, %mul3A_7 : i32
    %add3A_9 = arith.constant 0 : i32
    %add3A_10 = arith.addi %mul3A_8, %add3A_9 : i32
    %lt3A = arith.constant 31 : i32
    %lt3A_11 = arith.cmpi slt, %add3A, %lt3A : i32
    %convert_element_type3A = arith.extui %lt3A_11 : i1 to i32
    %cond3A = arith.constant 0 : i32
    %cond3A_12 = arith.cmpi ne, %convert_element_type3A, %cond3A : i32
    scf.if %cond3A_12 {
      "tpu.region"() ({
        %run_scoped3A = tpu.sem_alloc : memref<!tpu.dma_semaphore, #tpu.memory_space<semaphore_mem>>
        %dma_start3A_90 = arith.constant 0 : i32
        %dma_start3A_91 = tpu.memref_slice %arg4[%add3A_10, %dma_start3A_90] : memref<2500x128xi32, #tpu.memory_space<hbm>> -> memref<8x128xi32, #tpu.memory_space<hbm>>
        %dma_start3A_92 = arith.constant 0 : i32
        %dma_start3A_93 = tpu.memref_slice %arg4[%add3A_10, %dma_start3A_92] : memref<2500x128xi32, #tpu.memory_space<hbm>> -> memref<8x128xi32, #tpu.memory_space<hbm>>
        tpu.enqueue_dma source(%dma_start3A_93 : memref<8x128xi32, #tpu.memory_space<hbm>>) target(%arg24 : memref<8x128xi32, #tpu.memory_space<vmem>>) target_semaphore(%run_scoped3A : memref<!tpu.dma_semaphore, #tpu.memory_space<semaphore_mem>>)
        %dma_wait3A = arith.constant 0 : i32
        %dma_wait3A_94 = tpu.memref_slice %arg4[%add3A_10, %dma_wait3A] : memref<2500x128xi32, #tpu.memory_space<hbm>> -> memref<8x128xi32, #tpu.memory_space<hbm>>
        %dma_wait3A_95 = arith.constant 0 : i32
        %dma_wait3A_96 = tpu.memref_slice %arg4[%add3A_10, %dma_wait3A_95] : memref<2500x128xi32, #tpu.memory_space<hbm>> -> memref<8x128xi32, #tpu.memory_space<hbm>>
        tpu.wait_dma2 semaphore(%run_scoped3A : memref<!tpu.dma_semaphore, #tpu.memory_space<semaphore_mem>>) src(%dma_wait3A_96 : memref<8x128xi32, #tpu.memory_space<hbm>>) dst(%arg24 : memref<8x128xi32, #tpu.memory_space<vmem>>)
        tpu.yield
      }) : () -> ()
      "tpu.region"() ({
        %run_scoped3A = tpu.sem_alloc : memref<!tpu.dma_semaphore, #tpu.memory_space<semaphore_mem>>
        %dma_start3A_90 = arith.constant 0 : i32
        %dma_start3A_91 = tpu.memref_slice %arg5[%add3A_10, %dma_start3A_90] : memref<2500x128xi32, #tpu.memory_space<hbm>> -> memref<8x128xi32, #tpu.memory_space<hbm>>
        %dma_start3A_92 = arith.constant 0 : i32
        %dma_start3A_93 = tpu.memref_slice %arg5[%add3A_10, %dma_start3A_92] : memref<2500x128xi32, #tpu.memory_space<hbm>> -> memref<8x128xi32, #tpu.memory_space<hbm>>
        tpu.enqueue_dma source(%dma_start3A_93 : memref<8x128xi32, #tpu.memory_space<hbm>>) target(%arg25 : memref<8x128xi32, #tpu.memory_space<vmem>>) target_semaphore(%run_scoped3A : memref<!tpu.dma_semaphore, #tpu.memory_space<semaphore_mem>>)
        %dma_wait3A = arith.constant 0 : i32
        %dma_wait3A_94 = tpu.memref_slice %arg5[%add3A_10, %dma_wait3A] : memref<2500x128xi32, #tpu.memory_space<hbm>> -> memref<8x128xi32, #tpu.memory_space<hbm>>
        %dma_wait3A_95 = arith.constant 0 : i32
        %dma_wait3A_96 = tpu.memref_slice %arg5[%add3A_10, %dma_wait3A_95] : memref<2500x128xi32, #tpu.memory_space<hbm>> -> memref<8x128xi32, #tpu.memory_space<hbm>>
        tpu.wait_dma2 semaphore(%run_scoped3A : memref<!tpu.dma_semaphore, #tpu.memory_space<semaphore_mem>>) src(%dma_wait3A_96 : memref<8x128xi32, #tpu.memory_space<hbm>>) dst(%arg25 : memref<8x128xi32, #tpu.memory_space<vmem>>)
        tpu.yield
      }) : () -> ()
    } else {
    }
    %eq3A = arith.constant 31 : i32
    %eq3A_13 = arith.cmpi eq, %add3A, %eq3A : i32
    %convert_element_type3A_14 = arith.extui %eq3A_13 : i1 to i32
    %cond3A_15 = arith.constant 0 : i32
    %cond3A_16 = arith.cmpi ne, %convert_element_type3A_14, %cond3A_15 : i32
    scf.if %cond3A_16 {
      "tpu.region"() ({
        %run_scoped3A = tpu.sem_alloc : memref<!tpu.dma_semaphore, #tpu.memory_space<semaphore_mem>>
        %dma_start3A_90 = arith.constant 0 : i32
        %dma_start3A_91 = arith.constant 0 : i32
        %dma_start3A_92 = tpu.memref_slice %arg8[%dma_start3A_90, %dma_start3A_91] : memref<80x128xi32, #tpu.memory_space<hbm>> -> memref<8x128xi32, #tpu.memory_space<hbm>>
        %dma_start3A_93 = arith.constant 0 : i32
        %dma_start3A_94 = arith.constant 0 : i32
        %dma_start3A_95 = tpu.memref_slice %arg8[%dma_start3A_93, %dma_start3A_94] : memref<80x128xi32, #tpu.memory_space<hbm>> -> memref<8x128xi32, #tpu.memory_space<hbm>>
        tpu.enqueue_dma source(%dma_start3A_95 : memref<8x128xi32, #tpu.memory_space<hbm>>) target(%arg24 : memref<8x128xi32, #tpu.memory_space<vmem>>) target_semaphore(%run_scoped3A : memref<!tpu.dma_semaphore, #tpu.memory_space<semaphore_mem>>)
        %dma_wait3A = arith.constant 0 : i32
        %dma_wait3A_96 = arith.constant 0 : i32
        %dma_wait3A_97 = tpu.memref_slice %arg8[%dma_wait3A, %dma_wait3A_96] : memref<80x128xi32, #tpu.memory_space<hbm>> -> memref<8x128xi32, #tpu.memory_space<hbm>>
        %dma_wait3A_98 = arith.constant 0 : i32
        %dma_wait3A_99 = arith.constant 0 : i32
        %dma_wait3A_100 = tpu.memref_slice %arg8[%dma_wait3A_98, %dma_wait3A_99] : memref<80x128xi32, #tpu.memory_space<hbm>> -> memref<8x128xi32, #tpu.memory_space<hbm>>
        tpu.wait_dma2 semaphore(%run_scoped3A : memref<!tpu.dma_semaphore, #tpu.memory_space<semaphore_mem>>) src(%dma_wait3A_100 : memref<8x128xi32, #tpu.memory_space<hbm>>) dst(%arg24 : memref<8x128xi32, #tpu.memory_space<vmem>>)
        tpu.yield
      }) : () -> ()
      "tpu.region"() ({
        %run_scoped3A = tpu.sem_alloc : memref<!tpu.dma_semaphore, #tpu.memory_space<semaphore_mem>>
        %dma_start3A_90 = arith.constant 0 : i32
        %dma_start3A_91 = arith.constant 0 : i32
        %dma_start3A_92 = tpu.memref_slice %arg9[%dma_start3A_90, %dma_start3A_91] : memref<80x128xi32, #tpu.memory_space<hbm>> -> memref<8x128xi32, #tpu.memory_space<hbm>>
        %dma_start3A_93 = arith.constant 0 : i32
        %dma_start3A_94 = arith.constant 0 : i32
        %dma_start3A_95 = tpu.memref_slice %arg9[%dma_start3A_93, %dma_start3A_94] : memref<80x128xi32, #tpu.memory_space<hbm>> -> memref<8x128xi32, #tpu.memory_space<hbm>>
        tpu.enqueue_dma source(%dma_start3A_95 : memref<8x128xi32, #tpu.memory_space<hbm>>) target(%arg25 : memref<8x128xi32, #tpu.memory_space<vmem>>) target_semaphore(%run_scoped3A : memref<!tpu.dma_semaphore, #tpu.memory_space<semaphore_mem>>)
        %dma_wait3A = arith.constant 0 : i32
        %dma_wait3A_96 = arith.constant 0 : i32
        %dma_wait3A_97 = tpu.memref_slice %arg9[%dma_wait3A, %dma_wait3A_96] : memref<80x128xi32, #tpu.memory_space<hbm>> -> memref<8x128xi32, #tpu.memory_space<hbm>>
        %dma_wait3A_98 = arith.constant 0 : i32
        %dma_wait3A_99 = arith.constant 0 : i32
        %dma_wait3A_100 = tpu.memref_slice %arg9[%dma_wait3A_98, %dma_wait3A_99] : memref<80x128xi32, #tpu.memory_space<hbm>> -> memref<8x128xi32, #tpu.memory_space<hbm>>
        tpu.wait_dma2 semaphore(%run_scoped3A : memref<!tpu.dma_semaphore, #tpu.memory_space<semaphore_mem>>) src(%dma_wait3A_100 : memref<8x128xi32, #tpu.memory_space<hbm>>) dst(%arg25 : memref<8x128xi32, #tpu.memory_space<vmem>>)
        tpu.yield
      }) : () -> ()
    } else {
    }
    %dma_start3A = arith.constant 0 : i32
    %dma_start3A_17 = arith.constant 0 : i32
    %dma_start3A_18 = tpu.memref_slice %arg24[%dma_start3A, %dma_start3A_17] : memref<8x128xi32, #tpu.memory_space<vmem>> -> memref<1x128xi32, #tpu.memory_space<vmem>>
    %dma_start3A_19 = tpu.memref_squeeze %dma_start3A_18 : memref<1x128xi32, #tpu.memory_space<vmem>> -> memref<128xi32, #tpu.memory_space<vmem>>
    %dma_start3A_20 = arith.constant 0 : i32
    %dma_start3A_21 = arith.constant 0 : i32
    %dma_start3A_22 = tpu.memref_slice %arg2[%dma_start3A_20, %dma_start3A_21] : memref<10000x128xf32, #tpu.memory_space<hbm>> -> memref<10000x128xf32, #tpu.memory_space<hbm>>
    tpu.enqueue_indirect_dma source(%dma_start3A_22 : memref<10000x128xf32, #tpu.memory_space<hbm>>) target(%arg28 : memref<128x128xf32, #tpu.memory_space<vmem>>) offsets(%dma_start3A_19 : memref<128xi32, #tpu.memory_space<vmem>>) semaphore(%arg30 : memref<!tpu.dma_semaphore, #tpu.memory_space<semaphore_mem>>)
    %scan3A = arith.constant 0 : i32
    %scan3A_23 = arith.constant 0 : i32
    %scan3A_24 = arith.constant 5 : i32
    %scan3A_25 = arith.addi %scan3A_23, %scan3A_24 : i32
    %scan3A_26 = arith.constant 1 : i32
    scf.for %scan3A_90 = %scan3A_23 to %scan3A_25 step %scan3A_26  : i32 {
      %mul3A_91 = arith.constant 2 : i32
      %mul3A_92 = arith.muli %mul3A_91, %scan3A_90 : i32
      %add3A_93 = arith.constant 1 : i32
      %add3A_94 = arith.addi %mul3A_92, %add3A_93 : i32
      %mul3A_95 = arith.constant 80 : i32
      %mul3A_96 = arith.muli %add3A, %mul3A_95 : i32
      %mul3A_97 = arith.constant 8 : i32
      %mul3A_98 = arith.muli %add3A_94, %mul3A_97 : i32
      %add3A_99 = arith.addi %mul3A_96, %mul3A_98 : i32
      %lt3A_100 = arith.constant 31 : i32
      %lt3A_101 = arith.cmpi slt, %add3A, %lt3A_100 : i32
      %convert_element_type3A_102 = arith.extui %lt3A_101 : i1 to i32
      %cond3A_103 = arith.constant 0 : i32
      %cond3A_104 = arith.cmpi ne, %convert_element_type3A_102, %cond3A_103 : i32
      scf.if %cond3A_104 {
        "tpu.region"() ({
          %run_scoped3A_311 = tpu.sem_alloc : memref<!tpu.dma_semaphore, #tpu.memory_space<semaphore_mem>>
          %dma_start3A_312 = arith.constant 0 : i32
          %dma_start3A_313 = tpu.memref_slice %arg4[%add3A_99, %dma_start3A_312] : memref<2500x128xi32, #tpu.memory_space<hbm>> -> memref<8x128xi32, #tpu.memory_space<hbm>>
          %dma_start3A_314 = arith.constant 0 : i32
          %dma_start3A_315 = tpu.memref_slice %arg4[%add3A_99, %dma_start3A_314] : memref<2500x128xi32, #tpu.memory_space<hbm>> -> memref<8x128xi32, #tpu.memory_space<hbm>>
          tpu.enqueue_dma source(%dma_start3A_315 : memref<8x128xi32, #tpu.memory_space<hbm>>) target(%arg26 : memref<8x128xi32, #tpu.memory_space<vmem>>) target_semaphore(%run_scoped3A_311 : memref<!tpu.dma_semaphore, #tpu.memory_space<semaphore_mem>>)
          %dma_wait3A_316 = arith.constant 0 : i32
          %dma_wait3A_317 = tpu.memref_slice %arg4[%add3A_99, %dma_wait3A_316] : memref<2500x128xi32, #tpu.memory_space<hbm>> -> memref<8x128xi32, #tpu.memory_space<hbm>>
          %dma_wait3A_318 = arith.constant 0 : i32
          %dma_wait3A_319 = tpu.memref_slice %arg4[%add3A_99, %dma_wait3A_318] : memref<2500x128xi32, #tpu.memory_space<hbm>> -> memref<8x128xi32, #tpu.memory_space<hbm>>
          tpu.wait_dma2 semaphore(%run_scoped3A_311 : memref<!tpu.dma_semaphore, #tpu.memory_space<semaphore_mem>>) src(%dma_wait3A_319 : memref<8x128xi32, #tpu.memory_space<hbm>>) dst(%arg26 : memref<8x128xi32, #tpu.memory_space<vmem>>)
          tpu.yield
        }) : () -> ()
        "tpu.region"() ({
          %run_scoped3A_311 = tpu.sem_alloc : memref<!tpu.dma_semaphore, #tpu.memory_space<semaphore_mem>>
          %dma_start3A_312 = arith.constant 0 : i32
          %dma_start3A_313 = tpu.memref_slice %arg5[%add3A_99, %dma_start3A_312] : memref<2500x128xi32, #tpu.memory_space<hbm>> -> memref<8x128xi32, #tpu.memory_space<hbm>>
          %dma_start3A_314 = arith.constant 0 : i32
          %dma_start3A_315 = tpu.memref_slice %arg5[%add3A_99, %dma_start3A_314] : memref<2500x128xi32, #tpu.memory_space<hbm>> -> memref<8x128xi32, #tpu.memory_space<hbm>>
          tpu.enqueue_dma source(%dma_start3A_315 : memref<8x128xi32, #tpu.memory_space<hbm>>) target(%arg27 : memref<8x128xi32, #tpu.memory_space<vmem>>) target_semaphore(%run_scoped3A_311 : memref<!tpu.dma_semaphore, #tpu.memory_space<semaphore_mem>>)
          %dma_wait3A_316 = arith.constant 0 : i32
          %dma_wait3A_317 = tpu.memref_slice %arg5[%add3A_99, %dma_wait3A_316] : memref<2500x128xi32, #tpu.memory_space<hbm>> -> memref<8x128xi32, #tpu.memory_space<hbm>>
          %dma_wait3A_318 = arith.constant 0 : i32
          %dma_wait3A_319 = tpu.memref_slice %arg5[%add3A_99, %dma_wait3A_318] : memref<2500x128xi32, #tpu.memory_space<hbm>> -> memref<8x128xi32, #tpu.memory_space<hbm>>
          tpu.wait_dma2 semaphore(%run_scoped3A_311 : memref<!tpu.dma_semaphore, #tpu.memory_space<semaphore_mem>>) src(%dma_wait3A_319 : memref<8x128xi32, #tpu.memory_space<hbm>>) dst(%arg27 : memref<8x128xi32, #tpu.memory_space<vmem>>)
          tpu.yield
        }) : () -> ()
      } else {
      }
      %eq3A_105 = arith.constant 31 : i32
      %eq3A_106 = arith.cmpi eq, %add3A, %eq3A_105 : i32
      %convert_element_type3A_107 = arith.extui %eq3A_106 : i1 to i32
      %cond3A_108 = arith.constant 0 : i32
      %cond3A_109 = arith.cmpi ne, %convert_element_type3A_107, %cond3A_108 : i32
      scf.if %cond3A_109 {
        %mul3A_311 = arith.constant 8 : i32
        %mul3A_312 = arith.muli %add3A_94, %mul3A_311 : i32
        "tpu.region"() ({
          %run_scoped3A_315 = tpu.sem_alloc : memref<!tpu.dma_semaphore, #tpu.memory_space<semaphore_mem>>
          %dma_start3A_316 = arith.constant 0 : i32
          %dma_start3A_317 = tpu.memref_slice %arg8[%mul3A_312, %dma_start3A_316] : memref<80x128xi32, #tpu.memory_space<hbm>> -> memref<8x128xi32, #tpu.memory_space<hbm>>
          %dma_start3A_318 = arith.constant 0 : i32
          %dma_start3A_319 = tpu.memref_slice %arg8[%mul3A_312, %dma_start3A_318] : memref<80x128xi32, #tpu.memory_space<hbm>> -> memref<8x128xi32, #tpu.memory_space<hbm>>
          tpu.enqueue_dma source(%dma_start3A_319 : memref<8x128xi32, #tpu.memory_space<hbm>>) target(%arg26 : memref<8x128xi32, #tpu.memory_space<vmem>>) target_semaphore(%run_scoped3A_315 : memref<!tpu.dma_semaphore, #tpu.memory_space<semaphore_mem>>)
          %dma_wait3A_320 = arith.constant 0 : i32
          %dma_wait3A_321 = tpu.memref_slice %arg8[%mul3A_312, %dma_wait3A_320] : memref<80x128xi32, #tpu.memory_space<hbm>> -> memref<8x128xi32, #tpu.memory_space<hbm>>
          %dma_wait3A_322 = arith.constant 0 : i32
          %dma_wait3A_323 = tpu.memref_slice %arg8[%mul3A_312, %dma_wait3A_322] : memref<80x128xi32, #tpu.memory_space<hbm>> -> memref<8x128xi32, #tpu.memory_space<hbm>>
          tpu.wait_dma2 semaphore(%run_scoped3A_315 : memref<!tpu.dma_semaphore, #tpu.memory_space<semaphore_mem>>) src(%dma_wait3A_323 : memref<8x128xi32, #tpu.memory_space<hbm>>) dst(%arg26 : memref<8x128xi32, #tpu.memory_space<vmem>>)
          tpu.yield
        }) : () -> ()
        %mul3A_313 = arith.constant 8 : i32
        %mul3A_314 = arith.muli %add3A_94, %mul3A_313 : i32
        "tpu.region"() ({
          %run_scoped3A_315 = tpu.sem_alloc : memref<!tpu.dma_semaphore, #tpu.memory_space<semaphore_mem>>
          %dma_start3A_316 = arith.constant 0 : i32
          %dma_start3A_317 = tpu.memref_slice %arg9[%mul3A_314, %dma_start3A_316] : memref<80x128xi32, #tpu.memory_space<hbm>> -> memref<8x128xi32, #tpu.memory_space<hbm>>
          %dma_start3A_318 = arith.constant 0 : i32
          %dma_start3A_319 = tpu.memref_slice %arg9[%mul3A_314, %dma_start3A_318] : memref<80x128xi32, #tpu.memory_space<hbm>> -> memref<8x128xi32, #tpu.memory_space<hbm>>
          tpu.enqueue_dma source(%dma_start3A_319 : memref<8x128xi32, #tpu.memory_space<hbm>>) target(%arg27 : memref<8x128xi32, #tpu.memory_space<vmem>>) target_semaphore(%run_scoped3A_315 : memref<!tpu.dma_semaphore, #tpu.memory_space<semaphore_mem>>)
          %dma_wait3A_320 = arith.constant 0 : i32
          %dma_wait3A_321 = tpu.memref_slice %arg9[%mul3A_314, %dma_wait3A_320] : memref<80x128xi32, #tpu.memory_space<hbm>> -> memref<8x128xi32, #tpu.memory_space<hbm>>
          %dma_wait3A_322 = arith.constant 0 : i32
          %dma_wait3A_323 = tpu.memref_slice %arg9[%mul3A_314, %dma_wait3A_322] : memref<80x128xi32, #tpu.memory_space<hbm>> -> memref<8x128xi32, #tpu.memory_space<hbm>>
          tpu.wait_dma2 semaphore(%run_scoped3A_315 : memref<!tpu.dma_semaphore, #tpu.memory_space<semaphore_mem>>) src(%dma_wait3A_323 : memref<8x128xi32, #tpu.memory_space<hbm>>) dst(%arg27 : memref<8x128xi32, #tpu.memory_space<vmem>>)
          tpu.yield
        }) : () -> ()
      } else {
      }
      %scan3A_110 = arith.constant 0 : i32
      %scan3A_111 = arith.constant 0 : i32
      %scan3A_112 = arith.constant 3 : i32
      %scan3A_113 = arith.addi %scan3A_111, %scan3A_112 : i32
      %scan3A_114 = arith.constant 1 : i32
      scf.for %scan3A_311 = %scan3A_111 to %scan3A_113 step %scan3A_114  : i32 {
        %mul3A_312 = arith.constant 2 : i32
        %mul3A_313 = arith.muli %mul3A_312, %scan3A_311 : i32
        %add3A_314 = arith.constant 1 : i32
        %add3A_315 = arith.addi %mul3A_313, %add3A_314 : i32
        %dma_start3A_316 = arith.constant 0 : i32
        %dma_start3A_317 = tpu.memref_slice %arg24[%add3A_315, %dma_start3A_316] : memref<8x128xi32, #tpu.memory_space<vmem>> -> memref<1x128xi32, #tpu.memory_space<vmem>>
        %dma_start3A_318 = tpu.memref_squeeze %dma_start3A_317 : memref<1x128xi32, #tpu.memory_space<vmem>> -> memref<128xi32, #tpu.memory_space<vmem>>
        %dma_start3A_319 = arith.constant 0 : i32
        %dma_start3A_320 = arith.constant 0 : i32
        %dma_start3A_321 = tpu.memref_slice %arg2[%dma_start3A_319, %dma_start3A_320] : memref<10000x128xf32, #tpu.memory_space<hbm>> -> memref<10000x128xf32, #tpu.memory_space<hbm>>
        tpu.enqueue_indirect_dma source(%dma_start3A_321 : memref<10000x128xf32, #tpu.memory_space<hbm>>) target(%arg29 : memref<128x128xf32, #tpu.memory_space<vmem>>) offsets(%dma_start3A_318 : memref<128xi32, #tpu.memory_space<vmem>>) semaphore(%arg31 : memref<!tpu.dma_semaphore, #tpu.memory_space<semaphore_mem>>)
        %get3A_322 = arith.index_cast %mul3A_313 : i32 to index
        %get3A_323 = arith.constant 0 : index
        %get3A_324 = tpu.vector_load %arg25[%get3A_322, %get3A_323] {strides = array<i32>} : memref<8x128xi32, #tpu.memory_space<vmem>>, vector<16xi32>,
        tpu.vector_store_idx %arg23[%get3A_324], %broadcast_in_dim3A_6 {add = true} : memref<10112xf32, #tpu.memory_space<vmem>>[vector<16xi32>], vector<16xf32>,
        %get3A_325 = arith.index_cast %mul3A_313 : i32 to index
        %get3A_326 = arith.constant 16 : index
        %get3A_327 = tpu.vector_load %arg25[%get3A_325, %get3A_326] {strides = array<i32>} : memref<8x128xi32, #tpu.memory_space<vmem>>, vector<16xi32>,
        tpu.vector_store_idx %arg23[%get3A_327], %broadcast_in_dim3A_6 {add = true} : memref<10112xf32, #tpu.memory_space<vmem>>[vector<16xi32>], vector<16xf32>,
        %get3A_328 = arith.index_cast %mul3A_313 : i32 to index
        %get3A_329 = arith.constant 32 : index
        %get3A_330 = tpu.vector_load %arg25[%get3A_328, %get3A_329] {strides = array<i32>} : memref<8x128xi32, #tpu.memory_space<vmem>>, vector<16xi32>,
        tpu.vector_store_idx %arg23[%get3A_330], %broadcast_in_dim3A_6 {add = true} : memref<10112xf32, #tpu.memory_space<vmem>>[vector<16xi32>], vector<16xf32>,
        %get3A_331 = arith.index_cast %mul3A_313 : i32 to index
        %get3A_332 = arith.constant 48 : index
        %get3A_333 = tpu.vector_load %arg25[%get3A_331, %get3A_332] {strides = array<i32>} : memref<8x128xi32, #tpu.memory_space<vmem>>, vector<16xi32>,
        tpu.vector_store_idx %arg23[%get3A_333], %broadcast_in_dim3A_6 {add = true} : memref<10112xf32, #tpu.memory_space<vmem>>[vector<16xi32>], vector<16xf32>,
        %get3A_334 = arith.index_cast %mul3A_313 : i32 to index
        %get3A_335 = arith.constant 64 : index
        %get3A_336 = tpu.vector_load %arg25[%get3A_334, %get3A_335] {strides = array<i32>} : memref<8x128xi32, #tpu.memory_space<vmem>>, vector<16xi32>,
        tpu.vector_store_idx %arg23[%get3A_336], %broadcast_in_dim3A_6 {add = true} : memref<10112xf32, #tpu.memory_space<vmem>>[vector<16xi32>], vector<16xf32>,
        %get3A_337 = arith.index_cast %mul3A_313 : i32 to index
        %get3A_338 = arith.constant 80 : index
        %get3A_339 = tpu.vector_load %arg25[%get3A_337, %get3A_338] {strides = array<i32>} : memref<8x128xi32, #tpu.memory_space<vmem>>, vector<16xi32>,
        tpu.vector_store_idx %arg23[%get3A_339], %broadcast_in_dim3A_6 {add = true} : memref<10112xf32, #tpu.memory_space<vmem>>[vector<16xi32>], vector<16xf32>,
        %get3A_340 = arith.index_cast %mul3A_313 : i32 to index
        %get3A_341 = arith.constant 96 : index
        %get3A_342 = tpu.vector_load %arg25[%get3A_340, %get3A_341] {strides = array<i32>} : memref<8x128xi32, #tpu.memory_space<vmem>>, vector<16xi32>,
        tpu.vector_store_idx %arg23[%get3A_342], %broadcast_in_dim3A_6 {add = true} : memref<10112xf32, #tpu.memory_space<vmem>>[vector<16xi32>], vector<16xf32>,
        %get3A_343 = arith.index_cast %mul3A_313 : i32 to index
        %get3A_344 = arith.constant 112 : index
        %get3A_345 = tpu.vector_load %arg25[%get3A_343, %get3A_344] {strides = array<i32>} : memref<8x128xi32, #tpu.memory_space<vmem>>, vector<16xi32>,
        tpu.vector_store_idx %arg23[%get3A_345], %broadcast_in_dim3A_6 {add = true} : memref<10112xf32, #tpu.memory_space<vmem>>[vector<16xi32>], vector<16xf32>,
        %dma_wait3A_346 = arith.constant 0 : i32
        %dma_wait3A_347 = tpu.memref_slice %arg24[%mul3A_313, %dma_wait3A_346] : memref<8x128xi32, #tpu.memory_space<vmem>> -> memref<1x128xi32, #tpu.memory_space<vmem>>
        %dma_wait3A_348 = tpu.memref_squeeze %dma_wait3A_347 : memref<1x128xi32, #tpu.memory_space<vmem>> -> memref<128xi32, #tpu.memory_space<vmem>>
        %dma_wait3A_349 = arith.constant 0 : i32
        %dma_wait3A_350 = arith.constant 0 : i32
        %dma_wait3A_351 = tpu.memref_slice %arg2[%dma_wait3A_349, %dma_wait3A_350] : memref<10000x128xf32, #tpu.memory_space<hbm>> -> memref<10000x128xf32, #tpu.memory_space<hbm>>
        tpu.wait_indirect_dma semaphore(%arg30 : memref<!tpu.dma_semaphore, #tpu.memory_space<semaphore_mem>>) src(%dma_wait3A_351 : memref<10000x128xf32, #tpu.memory_space<hbm>>) dst(%arg28 : memref<128x128xf32, #tpu.memory_space<vmem>>)
        "tpu.region"() ({
          %run_scoped3A_394 = tpu.sem_alloc : memref<!tpu.dma_semaphore, #tpu.memory_space<semaphore_mem>>
          %dma_start3A_395 = arith.constant 0 : i32
          %dma_start3A_396 = tpu.memref_slice %arg25[%mul3A_313, %dma_start3A_395] : memref<8x128xi32, #tpu.memory_space<vmem>> -> memref<1x128xi32, #tpu.memory_space<vmem>>
          %dma_start3A_397 = tpu.memref_squeeze %dma_start3A_396 : memref<1x128xi32, #tpu.memory_space<vmem>> -> memref<128xi32, #tpu.memory_space<vmem>>
          %dma_start3A_398 = arith.constant 0 : i32
          %dma_start3A_399 = arith.constant 0 : i32
          %dma_start3A_400 = tpu.memref_slice %arg22[%dma_start3A_398, %dma_start3A_399] : memref<10112x128xf32, #tpu.memory_space<vmem_shared>> -> memref<10112x128xf32, #tpu.memory_space<vmem_shared>>
          tpu.enqueue_indirect_dma source(%arg28 : memref<128x128xf32, #tpu.memory_space<vmem>>) target(%dma_start3A_400 : memref<10112x128xf32, #tpu.memory_space<vmem_shared>>) offsets(%dma_start3A_397 : memref<128xi32, #tpu.memory_space<vmem>>) semaphore(%run_scoped3A_394 : memref<!tpu.dma_semaphore, #tpu.memory_space<semaphore_mem>>) {add = true}
          %dma_wait3A_401 = arith.constant 0 : i32
          %dma_wait3A_402 = tpu.memref_slice %arg25[%mul3A_313, %dma_wait3A_401] : memref<8x128xi32, #tpu.memory_space<vmem>> -> memref<1x128xi32, #tpu.memory_space<vmem>>
          %dma_wait3A_403 = tpu.memref_squeeze %dma_wait3A_402 : memref<1x128xi32, #tpu.memory_space<vmem>> -> memref<128xi32, #tpu.memory_space<vmem>>
          %dma_wait3A_404 = arith.constant 0 : i32
          %dma_wait3A_405 = arith.constant 0 : i32
          %dma_wait3A_406 = tpu.memref_slice %arg22[%dma_wait3A_404, %dma_wait3A_405] : memref<10112x128xf32, #tpu.memory_space<vmem_shared>> -> memref<10112x128xf32, #tpu.memory_space<vmem_shared>>
          tpu.wait_indirect_dma semaphore(%run_scoped3A_394 : memref<!tpu.dma_semaphore, #tpu.memory_space<semaphore_mem>>) src(%arg28 : memref<128x128xf32, #tpu.memory_space<vmem>>) dst(%dma_wait3A_406 : memref<10112x128xf32, #tpu.memory_space<vmem_shared>>)
          tpu.yield
        }) : () -> ()
        %add3A_352 = arith.constant 2 : i32
        %add3A_353 = arith.addi %mul3A_313, %add3A_352 : i32
        %dma_start3A_354 = arith.constant 0 : i32
        %dma_start3A_355 = tpu.memref_slice %arg24[%add3A_353, %dma_start3A_354] : memref<8x128xi32, #tpu.memory_space<vmem>> -> memref<1x128xi32, #tpu.memory_space<vmem>>
        %dma_start3A_356 = tpu.memref_squeeze %dma_start3A_355 : memref<1x128xi32, #tpu.memory_space<vmem>> -> memref<128xi32, #tpu.memory_space<vmem>>
        %dma_start3A_357 = arith.constant 0 : i32
        %dma_start3A_358 = arith.constant 0 : i32
        %dma_start3A_359 = tpu.memref_slice %arg2[%dma_start3A_357, %dma_start3A_358] : memref<10000x128xf32, #tpu.memory_space<hbm>> -> memref<10000x128xf32, #tpu.memory_space<hbm>>
        tpu.enqueue_indirect_dma source(%dma_start3A_359 : memref<10000x128xf32, #tpu.memory_space<hbm>>) target(%arg28 : memref<128x128xf32, #tpu.memory_space<vmem>>) offsets(%dma_start3A_356 : memref<128xi32, #tpu.memory_space<vmem>>) semaphore(%arg30 : memref<!tpu.dma_semaphore, #tpu.memory_space<semaphore_mem>>)
        %add3A_360 = arith.constant 1 : i32
        %add3A_361 = arith.addi %mul3A_313, %add3A_360 : i32
        %get3A_362 = arith.index_cast %add3A_361 : i32 to index
        %get3A_363 = arith.constant 0 : index
        %get3A_364 = tpu.vector_load %arg25[%get3A_362, %get3A_363] {strides = array<i32>} : memref<8x128xi32, #tpu.memory_space<vmem>>, vector<16xi32>,
        tpu.vector_store_idx %arg23[%get3A_364], %broadcast_in_dim3A_6 {add = true} : memref<10112xf32, #tpu.memory_space<vmem>>[vector<16xi32>], vector<16xf32>,
        %get3A_365 = arith.index_cast %add3A_361 : i32 to index
        %get3A_366 = arith.constant 16 : index
        %get3A_367 = tpu.vector_load %arg25[%get3A_365, %get3A_366] {strides = array<i32>} : memref<8x128xi32, #tpu.memory_space<vmem>>, vector<16xi32>,
        tpu.vector_store_idx %arg23[%get3A_367], %broadcast_in_dim3A_6 {add = true} : memref<10112xf32, #tpu.memory_space<vmem>>[vector<16xi32>], vector<16xf32>,
        %get3A_368 = arith.index_cast %add3A_361 : i32 to index
        %get3A_369 = arith.constant 32 : index
        %get3A_370 = tpu.vector_load %arg25[%get3A_368, %get3A_369] {strides = array<i32>} : memref<8x128xi32, #tpu.memory_space<vmem>>, vector<16xi32>,
        tpu.vector_store_idx %arg23[%get3A_370], %broadcast_in_dim3A_6 {add = true} : memref<10112xf32, #tpu.memory_space<vmem>>[vector<16xi32>], vector<16xf32>,
        %get3A_371 = arith.index_cast %add3A_361 : i32 to index
        %get3A_372 = arith.constant 48 : index
        %get3A_373 = tpu.vector_load %arg25[%get3A_371, %get3A_372] {strides = array<i32>} : memref<8x128xi32, #tpu.memory_space<vmem>>, vector<16xi32>,
        tpu.vector_store_idx %arg23[%get3A_373], %broadcast_in_dim3A_6 {add = true} : memref<10112xf32, #tpu.memory_space<vmem>>[vector<16xi32>], vector<16xf32>,
        %get3A_374 = arith.index_cast %add3A_361 : i32 to index
        %get3A_375 = arith.constant 64 : index
        %get3A_376 = tpu.vector_load %arg25[%get3A_374, %get3A_375] {strides = array<i32>} : memref<8x128xi32, #tpu.memory_space<vmem>>, vector<16xi32>,
        tpu.vector_store_idx %arg23[%get3A_376], %broadcast_in_dim3A_6 {add = true} : memref<10112xf32, #tpu.memory_space<vmem>>[vector<16xi32>], vector<16xf32>,
        %get3A_377 = arith.index_cast %add3A_361 : i32 to index
        %get3A_378 = arith.constant 80 : index
        %get3A_379 = tpu.vector_load %arg25[%get3A_377, %get3A_378] {strides = array<i32>} : memref<8x128xi32, #tpu.memory_space<vmem>>, vector<16xi32>,
        tpu.vector_store_idx %arg23[%get3A_379], %broadcast_in_dim3A_6 {add = true} : memref<10112xf32, #tpu.memory_space<vmem>>[vector<16xi32>], vector<16xf32>,
        %get3A_380 = arith.index_cast %add3A_361 : i32 to index
        %get3A_381 = arith.constant 96 : index
        %get3A_382 = tpu.vector_load %arg25[%get3A_380, %get3A_381] {strides = array<i32>} : memref<8x128xi32, #tpu.memory_space<vmem>>, vector<16xi32>,
        tpu.vector_store_idx %arg23[%get3A_382], %broadcast_in_dim3A_6 {add = true} : memref<10112xf32, #tpu.memory_space<vmem>>[vector<16xi32>], vector<16xf32>,
        %get3A_383 = arith.index_cast %add3A_361 : i32 to index
        %get3A_384 = arith.constant 112 : index
        %get3A_385 = tpu.vector_load %arg25[%get3A_383, %get3A_384] {strides = array<i32>} : memref<8x128xi32, #tpu.memory_space<vmem>>, vector<16xi32>,
        tpu.vector_store_idx %arg23[%get3A_385], %broadcast_in_dim3A_6 {add = true} : memref<10112xf32, #tpu.memory_space<vmem>>[vector<16xi32>], vector<16xf32>,
        %add3A_386 = arith.constant 1 : i32
        %add3A_387 = arith.addi %mul3A_313, %add3A_386 : i32
        %dma_wait3A_388 = arith.constant 0 : i32
        %dma_wait3A_389 = tpu.memref_slice %arg24[%add3A_387, %dma_wait3A_388] : memref<8x128xi32, #tpu.memory_space<vmem>> -> memref<1x128xi32, #tpu.memory_space<vmem>>
        %dma_wait3A_390 = tpu.memref_squeeze %dma_wait3A_389 : memref<1x128xi32, #tpu.memory_space<vmem>> -> memref<128xi32, #tpu.memory_space<vmem>>
        %dma_wait3A_391 = arith.constant 0 : i32
        %dma_wait3A_392 = arith.constant 0 : i32
        %dma_wait3A_393 = tpu.memref_slice %arg2[%dma_wait3A_391, %dma_wait3A_392] : memref<10000x128xf32, #tpu.memory_space<hbm>> -> memref<10000x128xf32, #tpu.memory_space<hbm>>
        tpu.wait_indirect_dma semaphore(%arg31 : memref<!tpu.dma_semaphore, #tpu.memory_space<semaphore_mem>>) src(%dma_wait3A_393 : memref<10000x128xf32, #tpu.memory_space<hbm>>) dst(%arg29 : memref<128x128xf32, #tpu.memory_space<vmem>>)
        "tpu.region"() ({
          %run_scoped3A_394 = tpu.sem_alloc : memref<!tpu.dma_semaphore, #tpu.memory_space<semaphore_mem>>
          %dma_start3A_395 = arith.constant 0 : i32
          %dma_start3A_396 = tpu.memref_slice %arg25[%add3A_387, %dma_start3A_395] : memref<8x128xi32, #tpu.memory_space<vmem>> -> memref<1x128xi32, #tpu.memory_space<vmem>>
          %dma_start3A_397 = tpu.memref_squeeze %dma_start3A_396 : memref<1x128xi32, #tpu.memory_space<vmem>> -> memref<128xi32, #tpu.memory_space<vmem>>
          %dma_start3A_398 = arith.constant 0 : i32
          %dma_start3A_399 = arith.constant 0 : i32
          %dma_start3A_400 = tpu.memref_slice %arg22[%dma_start3A_398, %dma_start3A_399] : memref<10112x128xf32, #tpu.memory_space<vmem_shared>> -> memref<10112x128xf32, #tpu.memory_space<vmem_shared>>
          tpu.enqueue_indirect_dma source(%arg29 : memref<128x128xf32, #tpu.memory_space<vmem>>) target(%dma_start3A_400 : memref<10112x128xf32, #tpu.memory_space<vmem_shared>>) offsets(%dma_start3A_397 : memref<128xi32, #tpu.memory_space<vmem>>) semaphore(%run_scoped3A_394 : memref<!tpu.dma_semaphore, #tpu.memory_space<semaphore_mem>>) {add = true}
          %dma_wait3A_401 = arith.constant 0 : i32
          %dma_wait3A_402 = tpu.memref_slice %arg25[%add3A_387, %dma_wait3A_401] : memref<8x128xi32, #tpu.memory_space<vmem>> -> memref<1x128xi32, #tpu.memory_space<vmem>>
          %dma_wait3A_403 = tpu.memref_squeeze %dma_wait3A_402 : memref<1x128xi32, #tpu.memory_space<vmem>> -> memref<128xi32, #tpu.memory_space<vmem>>
          %dma_wait3A_404 = arith.constant 0 : i32
          %dma_wait3A_405 = arith.constant 0 : i32
          %dma_wait3A_406 = tpu.memref_slice %arg22[%dma_wait3A_404, %dma_wait3A_405] : memref<10112x128xf32, #tpu.memory_space<vmem_shared>> -> memref<10112x128xf32, #tpu.memory_space<vmem_shared>>
          tpu.wait_indirect_dma semaphore(%run_scoped3A_394 : memref<!tpu.dma_semaphore, #tpu.memory_space<semaphore_mem>>) src(%arg29 : memref<128x128xf32, #tpu.memory_space<vmem>>) dst(%dma_wait3A_406 : memref<10112x128xf32, #tpu.memory_space<vmem_shared>>)
          tpu.yield
        }) : () -> ()
      }
      %scan3A_115 = arith.constant 3 : i32
      %dma_start3A_116 = arith.constant 7 : i32
      %dma_start3A_117 = arith.constant 0 : i32
      %dma_start3A_118 = tpu.memref_slice %arg24[%dma_start3A_116, %dma_start3A_117] : memref<8x128xi32, #tpu.memory_space<vmem>> -> memref<1x128xi32, #tpu.memory_space<vmem>>
      %dma_start3A_119 = tpu.memref_squeeze %dma_start3A_118 : memref<1x128xi32, #tpu.memory_space<vmem>> -> memref<128xi32, #tpu.memory_space<vmem>>
      %dma_start3A_120 = arith.constant 0 : i32
      %dma_start3A_121 = arith.constant 0 : i32
      %dma_start3A_122 = tpu.memref_slice %arg2[%dma_start3A_120, %dma_start3A_121] : memref<10000x128xf32, #tpu.memory_space<hbm>> -> memref<10000x128xf32, #tpu.memory_space<hbm>>
      tpu.enqueue_indirect_dma source(%dma_start3A_122 : memref<10000x128xf32, #tpu.memory_space<hbm>>) target(%arg29 : memref<128x128xf32, #tpu.memory_space<vmem>>) offsets(%dma_start3A_119 : memref<128xi32, #tpu.memory_space<vmem>>) semaphore(%arg31 : memref<!tpu.dma_semaphore, #tpu.memory_space<semaphore_mem>>)
      %get3A = arith.constant 6 : i32
      %get3A_123 = arith.index_cast %get3A : i32 to index
      %get3A_124 = arith.constant 0 : index
      %get3A_125 = tpu.vector_load %arg25[%get3A_123, %get3A_124] {strides = array<i32>} : memref<8x128xi32, #tpu.memory_space<vmem>>, vector<16xi32>,
      tpu.vector_store_idx %arg23[%get3A_125], %broadcast_in_dim3A_6 {add = true} : memref<10112xf32, #tpu.memory_space<vmem>>[vector<16xi32>], vector<16xf32>,
      %get3A_126 = arith.constant 6 : i32
      %get3A_127 = arith.index_cast %get3A_126 : i32 to index
      %get3A_128 = arith.constant 16 : index
      %get3A_129 = tpu.vector_load %arg25[%get3A_127, %get3A_128] {strides = array<i32>} : memref<8x128xi32, #tpu.memory_space<vmem>>, vector<16xi32>,
      tpu.vector_store_idx %arg23[%get3A_129], %broadcast_in_dim3A_6 {add = true} : memref<10112xf32, #tpu.memory_space<vmem>>[vector<16xi32>], vector<16xf32>,
      %get3A_130 = arith.constant 6 : i32
      %get3A_131 = arith.index_cast %get3A_130 : i32 to index
      %get3A_132 = arith.constant 32 : index
      %get3A_133 = tpu.vector_load %arg25[%get3A_131, %get3A_132] {strides = array<i32>} : memref<8x128xi32, #tpu.memory_space<vmem>>, vector<16xi32>,
      tpu.vector_store_idx %arg23[%get3A_133], %broadcast_in_dim3A_6 {add = true} : memref<10112xf32, #tpu.memory_space<vmem>>[vector<16xi32>], vector<16xf32>,
      %get3A_134 = arith.constant 6 : i32
      %get3A_135 = arith.index_cast %get3A_134 : i32 to index
      %get3A_136 = arith.constant 48 : index
      %get3A_137 = tpu.vector_load %arg25[%get3A_135, %get3A_136] {strides = array<i32>} : memref<8x128xi32, #tpu.memory_space<vmem>>, vector<16xi32>,
      tpu.vector_store_idx %arg23[%get3A_137], %broadcast_in_dim3A_6 {add = true} : memref<10112xf32, #tpu.memory_space<vmem>>[vector<16xi32>], vector<16xf32>,
      %get3A_138 = arith.constant 6 : i32
      %get3A_139 = arith.index_cast %get3A_138 : i32 to index
      %get3A_140 = arith.constant 64 : index
      %get3A_141 = tpu.vector_load %arg25[%get3A_139, %get3A_140] {strides = array<i32>} : memref<8x128xi32, #tpu.memory_space<vmem>>, vector<16xi32>,
      tpu.vector_store_idx %arg23[%get3A_141], %broadcast_in_dim3A_6 {add = true} : memref<10112xf32, #tpu.memory_space<vmem>>[vector<16xi32>], vector<16xf32>,
      %get3A_142 = arith.constant 6 : i32
      %get3A_143 = arith.index_cast %get3A_142 : i32 to index
      %get3A_144 = arith.constant 80 : index
      %get3A_145 = tpu.vector_load %arg25[%get3A_143, %get3A_144] {strides = array<i32>} : memref<8x128xi32, #tpu.memory_space<vmem>>, vector<16xi32>,
      tpu.vector_store_idx %arg23[%get3A_145], %broadcast_in_dim3A_6 {add = true} : memref<10112xf32, #tpu.memory_space<vmem>>[vector<16xi32>], vector<16xf32>,
      %get3A_146 = arith.constant 6 : i32
      %get3A_147 = arith.index_cast %get3A_146 : i32 to index
      %get3A_148 = arith.constant 96 : index
      %get3A_149 = tpu.vector_load %arg25[%get3A_147, %get3A_148] {strides = array<i32>} : memref<8x128xi32, #tpu.memory_space<vmem>>, vector<16xi32>,
      tpu.vector_store_idx %arg23[%get3A_149], %broadcast_in_dim3A_6 {add = true} : memref<10112xf32, #tpu.memory_space<vmem>>[vector<16xi32>], vector<16xf32>,
      %get3A_150 = arith.constant 6 : i32
      %get3A_151 = arith.index_cast %get3A_150 : i32 to index
      %get3A_152 = arith.constant 112 : index
      %get3A_153 = tpu.vector_load %arg25[%get3A_151, %get3A_152] {strides = array<i32>} : memref<8x128xi32, #tpu.memory_space<vmem>>, vector<16xi32>,
      tpu.vector_store_idx %arg23[%get3A_153], %broadcast_in_dim3A_6 {add = true} : memref<10112xf32, #tpu.memory_space<vmem>>[vector<16xi32>], vector<16xf32>,
      %dma_wait3A = arith.constant 6 : i32
      %dma_wait3A_154 = arith.constant 0 : i32
      %dma_wait3A_155 = tpu.memref_slice %arg24[%dma_wait3A, %dma_wait3A_154] : memref<8x128xi32, #tpu.memory_space<vmem>> -> memref<1x128xi32, #tpu.memory_space<vmem>>
      %dma_wait3A_156 = tpu.memref_squeeze %dma_wait3A_155 : memref<1x128xi32, #tpu.memory_space<vmem>> -> memref<128xi32, #tpu.memory_space<vmem>>
      %dma_wait3A_157 = arith.constant 0 : i32
      %dma_wait3A_158 = arith.constant 0 : i32
      %dma_wait3A_159 = tpu.memref_slice %arg2[%dma_wait3A_157, %dma_wait3A_158] : memref<10000x128xf32, #tpu.memory_space<hbm>> -> memref<10000x128xf32, #tpu.memory_space<hbm>>
      tpu.wait_indirect_dma semaphore(%arg30 : memref<!tpu.dma_semaphore, #tpu.memory_space<semaphore_mem>>) src(%dma_wait3A_159 : memref<10000x128xf32, #tpu.memory_space<hbm>>) dst(%arg28 : memref<128x128xf32, #tpu.memory_space<vmem>>)
      %run_scoped3A = arith.constant 6 : i32
      "tpu.region"() ({
        %run_scoped3A_311 = tpu.sem_alloc : memref<!tpu.dma_semaphore, #tpu.memory_space<semaphore_mem>>
        %dma_start3A_312 = arith.constant 0 : i32
        %dma_start3A_313 = tpu.memref_slice %arg25[%run_scoped3A, %dma_start3A_312] : memref<8x128xi32, #tpu.memory_space<vmem>> -> memref<1x128xi32, #tpu.memory_space<vmem>>
        %dma_start3A_314 = tpu.memref_squeeze %dma_start3A_313 : memref<1x128xi32, #tpu.memory_space<vmem>> -> memref<128xi32, #tpu.memory_space<vmem>>
        %dma_start3A_315 = arith.constant 0 : i32
        %dma_start3A_316 = arith.constant 0 : i32
        %dma_start3A_317 = tpu.memref_slice %arg22[%dma_start3A_315, %dma_start3A_316] : memref<10112x128xf32, #tpu.memory_space<vmem_shared>> -> memref<10112x128xf32, #tpu.memory_space<vmem_shared>>
        tpu.enqueue_indirect_dma source(%arg28 : memref<128x128xf32, #tpu.memory_space<vmem>>) target(%dma_start3A_317 : memref<10112x128xf32, #tpu.memory_space<vmem_shared>>) offsets(%dma_start3A_314 : memref<128xi32, #tpu.memory_space<vmem>>) semaphore(%run_scoped3A_311 : memref<!tpu.dma_semaphore, #tpu.memory_space<semaphore_mem>>) {add = true}
        %dma_wait3A_318 = arith.constant 0 : i32
        %dma_wait3A_319 = tpu.memref_slice %arg25[%run_scoped3A, %dma_wait3A_318] : memref<8x128xi32, #tpu.memory_space<vmem>> -> memref<1x128xi32, #tpu.memory_space<vmem>>
        %dma_wait3A_320 = tpu.memref_squeeze %dma_wait3A_319 : memref<1x128xi32, #tpu.memory_space<vmem>> -> memref<128xi32, #tpu.memory_space<vmem>>
        %dma_wait3A_321 = arith.constant 0 : i32
        %dma_wait3A_322 = arith.constant 0 : i32
        %dma_wait3A_323 = tpu.memref_slice %arg22[%dma_wait3A_321, %dma_wait3A_322] : memref<10112x128xf32, #tpu.memory_space<vmem_shared>> -> memref<10112x128xf32, #tpu.memory_space<vmem_shared>>
        tpu.wait_indirect_dma semaphore(%run_scoped3A_311 : memref<!tpu.dma_semaphore, #tpu.memory_space<semaphore_mem>>) src(%arg28 : memref<128x128xf32, #tpu.memory_space<vmem>>) dst(%dma_wait3A_323 : memref<10112x128xf32, #tpu.memory_space<vmem_shared>>)
        tpu.yield
      }) : () -> ()
      %dma_start3A_160 = arith.constant 0 : i32
      %dma_start3A_161 = arith.constant 0 : i32
      %dma_start3A_162 = tpu.memref_slice %arg26[%dma_start3A_160, %dma_start3A_161] : memref<8x128xi32, #tpu.memory_space<vmem>> -> memref<1x128xi32, #tpu.memory_space<vmem>>
      %dma_start3A_163 = tpu.memref_squeeze %dma_start3A_162 : memref<1x128xi32, #tpu.memory_space<vmem>> -> memref<128xi32, #tpu.memory_space<vmem>>
      %dma_start3A_164 = arith.constant 0 : i32
      %dma_start3A_165 = arith.constant 0 : i32
      %dma_start3A_166 = tpu.memref_slice %arg2[%dma_start3A_164, %dma_start3A_165] : memref<10000x128xf32, #tpu.memory_space<hbm>> -> memref<10000x128xf32, #tpu.memory_space<hbm>>
      tpu.enqueue_indirect_dma source(%dma_start3A_166 : memref<10000x128xf32, #tpu.memory_space<hbm>>) target(%arg28 : memref<128x128xf32, #tpu.memory_space<vmem>>) offsets(%dma_start3A_163 : memref<128xi32, #tpu.memory_space<vmem>>) semaphore(%arg30 : memref<!tpu.dma_semaphore, #tpu.memory_space<semaphore_mem>>)
      %get3A_167 = arith.constant 7 : i32
      %get3A_168 = arith.index_cast %get3A_167 : i32 to index
      %get3A_169 = arith.constant 0 : index
      %get3A_170 = tpu.vector_load %arg25[%get3A_168, %get3A_169] {strides = array<i32>} : memref<8x128xi32, #tpu.memory_space<vmem>>, vector<16xi32>,
      tpu.vector_store_idx %arg23[%get3A_170], %broadcast_in_dim3A_6 {add = true} : memref<10112xf32, #tpu.memory_space<vmem>>[vector<16xi32>], vector<16xf32>,
      %get3A_171 = arith.constant 7 : i32
      %get3A_172 = arith.index_cast %get3A_171 : i32 to index
      %get3A_173 = arith.constant 16 : index
      %get3A_174 = tpu.vector_load %arg25[%get3A_172, %get3A_173] {strides = array<i32>} : memref<8x128xi32, #tpu.memory_space<vmem>>, vector<16xi32>,
      tpu.vector_store_idx %arg23[%get3A_174], %broadcast_in_dim3A_6 {add = true} : memref<10112xf32, #tpu.memory_space<vmem>>[vector<16xi32>], vector<16xf32>,
      %get3A_175 = arith.constant 7 : i32
      %get3A_176 = arith.index_cast %get3A_175 : i32 to index
      %get3A_177 = arith.constant 32 : index
      %get3A_178 = tpu.vector_load %arg25[%get3A_176, %get3A_177] {strides = array<i32>} : memref<8x128xi32, #tpu.memory_space<vmem>>, vector<16xi32>,
      tpu.vector_store_idx %arg23[%get3A_178], %broadcast_in_dim3A_6 {add = true} : memref<10112xf32, #tpu.memory_space<vmem>>[vector<16xi32>], vector<16xf32>,
      %get3A_179 = arith.constant 7 : i32
      %get3A_180 = arith.index_cast %get3A_179 : i32 to index
      %get3A_181 = arith.constant 48 : index
      %get3A_182 = tpu.vector_load %arg25[%get3A_180, %get3A_181] {strides = array<i32>} : memref<8x128xi32, #tpu.memory_space<vmem>>, vector<16xi32>,
      tpu.vector_store_idx %arg23[%get3A_182], %broadcast_in_dim3A_6 {add = true} : memref<10112xf32, #tpu.memory_space<vmem>>[vector<16xi32>], vector<16xf32>,
      %get3A_183 = arith.constant 7 : i32
      %get3A_184 = arith.index_cast %get3A_183 : i32 to index
      %get3A_185 = arith.constant 64 : index
      %get3A_186 = tpu.vector_load %arg25[%get3A_184, %get3A_185] {strides = array<i32>} : memref<8x128xi32, #tpu.memory_space<vmem>>, vector<16xi32>,
      tpu.vector_store_idx %arg23[%get3A_186], %broadcast_in_dim3A_6 {add = true} : memref<10112xf32, #tpu.memory_space<vmem>>[vector<16xi32>], vector<16xf32>,
      %get3A_187 = arith.constant 7 : i32
      %get3A_188 = arith.index_cast %get3A_187 : i32 to index
      %get3A_189 = arith.constant 80 : index
      %get3A_190 = tpu.vector_load %arg25[%get3A_188, %get3A_189] {strides = array<i32>} : memref<8x128xi32, #tpu.memory_space<vmem>>, vector<16xi32>,
      tpu.vector_store_idx %arg23[%get3A_190], %broadcast_in_dim3A_6 {add = true} : memref<10112xf32, #tpu.memory_space<vmem>>[vector<16xi32>], vector<16xf32>,
      %get3A_191 = arith.constant 7 : i32
      %get3A_192 = arith.index_cast %get3A_191 : i32 to index
      %get3A_193 = arith.constant 96 : index
      %get3A_194 = tpu.vector_load %arg25[%get3A_192, %get3A_193] {strides = array<i32>} : memref<8x128xi32, #tpu.memory_space<vmem>>, vector<16xi32>,
      tpu.vector_store_idx %arg23[%get3A_194], %broadcast_in_dim3A_6 {add = true} : memref<10112xf32, #tpu.memory_space<vmem>>[vector<16xi32>], vector<16xf32>,
      %get3A_195 = arith.constant 7 : i32
      %get3A_196 = arith.index_cast %get3A_195 : i32 to index
      %get3A_197 = arith.constant 112 : index
      %get3A_198 = tpu.vector_load %arg25[%get3A_196, %get3A_197] {strides = array<i32>} : memref<8x128xi32, #tpu.memory_space<vmem>>, vector<16xi32>,
      tpu.vector_store_idx %arg23[%get3A_198], %broadcast_in_dim3A_6 {add = true} : memref<10112xf32, #tpu.memory_space<vmem>>[vector<16xi32>], vector<16xf32>,
      %dma_wait3A_199 = arith.constant 7 : i32
      %dma_wait3A_200 = arith.constant 0 : i32
      %dma_wait3A_201 = tpu.memref_slice %arg24[%dma_wait3A_199, %dma_wait3A_200] : memref<8x128xi32, #tpu.memory_space<vmem>> -> memref<1x128xi32, #tpu.memory_space<vmem>>
      %dma_wait3A_202 = tpu.memref_squeeze %dma_wait3A_201 : memref<1x128xi32, #tpu.memory_space<vmem>> -> memref<128xi32, #tpu.memory_space<vmem>>
      %dma_wait3A_203 = arith.constant 0 : i32
      %dma_wait3A_204 = arith.constant 0 : i32
      %dma_wait3A_205 = tpu.memref_slice %arg2[%dma_wait3A_203, %dma_wait3A_204] : memref<10000x128xf32, #tpu.memory_space<hbm>> -> memref<10000x128xf32, #tpu.memory_space<hbm>>
      tpu.wait_indirect_dma semaphore(%arg31 : memref<!tpu.dma_semaphore, #tpu.memory_space<semaphore_mem>>) src(%dma_wait3A_205 : memref<10000x128xf32, #tpu.memory_space<hbm>>) dst(%arg29 : memref<128x128xf32, #tpu.memory_space<vmem>>)
      %run_scoped3A_206 = arith.constant 7 : i32
      "tpu.region"() ({
        %run_scoped3A_311 = tpu.sem_alloc : memref<!tpu.dma_semaphore, #tpu.memory_space<semaphore_mem>>
        %dma_start3A_312 = arith.constant 0 : i32
        %dma_start3A_313 = tpu.memref_slice %arg25[%run_scoped3A_206, %dma_start3A_312] : memref<8x128xi32, #tpu.memory_space<vmem>> -> memref<1x128xi32, #tpu.memory_space<vmem>>
        %dma_start3A_314 = tpu.memref_squeeze %dma_start3A_313 : memref<1x128xi32, #tpu.memory_space<vmem>> -> memref<128xi32, #tpu.memory_space<vmem>>
        %dma_start3A_315 = arith.constant 0 : i32
        %dma_start3A_316 = arith.constant 0 : i32
        %dma_start3A_317 = tpu.memref_slice %arg22[%dma_start3A_315, %dma_start3A_316] : memref<10112x128xf32, #tpu.memory_space<vmem_shared>> -> memref<10112x128xf32, #tpu.memory_space<vmem_shared>>
        tpu.enqueue_indirect_dma source(%arg29 : memref<128x128xf32, #tpu.memory_space<vmem>>) target(%dma_start3A_317 : memref<10112x128xf32, #tpu.memory_space<vmem_shared>>) offsets(%dma_start3A_314 : memref<128xi32, #tpu.memory_space<vmem>>) semaphore(%run_scoped3A_311 : memref<!tpu.dma_semaphore, #tpu.memory_space<semaphore_mem>>) {add = true}
        %dma_wait3A_318 = arith.constant 0 : i32
        %dma_wait3A_319 = tpu.memref_slice %arg25[%run_scoped3A_206, %dma_wait3A_318] : memref<8x128xi32, #tpu.memory_space<vmem>> -> memref<1x128xi32, #tpu.memory_space<vmem>>
        %dma_wait3A_320 = tpu.memref_squeeze %dma_wait3A_319 : memref<1x128xi32, #tpu.memory_space<vmem>> -> memref<128xi32, #tpu.memory_space<vmem>>
        %dma_wait3A_321 = arith.constant 0 : i32
        %dma_wait3A_322 = arith.constant 0 : i32
        %dma_wait3A_323 = tpu.memref_slice %arg22[%dma_wait3A_321, %dma_wait3A_322] : memref<10112x128xf32, #tpu.memory_space<vmem_shared>> -> memref<10112x128xf32, #tpu.memory_space<vmem_shared>>
        tpu.wait_indirect_dma semaphore(%run_scoped3A_311 : memref<!tpu.dma_semaphore, #tpu.memory_space<semaphore_mem>>) src(%arg29 : memref<128x128xf32, #tpu.memory_space<vmem>>) dst(%dma_wait3A_323 : memref<10112x128xf32, #tpu.memory_space<vmem_shared>>)
        tpu.yield
      }) : () -> ()
      %lt3A_207 = arith.constant 4 : i32
      %lt3A_208 = arith.cmpi slt, %scan3A_90, %lt3A_207 : i32
      %convert_element_type3A_209 = arith.extui %lt3A_208 : i1 to i32
      %cond3A_210 = arith.constant 0 : i32
      %cond3A_211 = arith.cmpi ne, %convert_element_type3A_209, %cond3A_210 : i32
      scf.if %cond3A_211 {
        %add3A_311 = arith.constant 2 : i32
        %add3A_312 = arith.addi %mul3A_92, %add3A_311 : i32
        %mul3A_313 = arith.constant 80 : i32
        %mul3A_314 = arith.muli %add3A, %mul3A_313 : i32
        %mul3A_315 = arith.constant 8 : i32
        %mul3A_316 = arith.muli %add3A_312, %mul3A_315 : i32
        %add3A_317 = arith.addi %mul3A_314, %mul3A_316 : i32
        %lt3A_318 = arith.constant 31 : i32
        %lt3A_319 = arith.cmpi slt, %add3A, %lt3A_318 : i32
        %convert_element_type3A_320 = arith.extui %lt3A_319 : i1 to i32
        %cond3A_321 = arith.constant 0 : i32
        %cond3A_322 = arith.cmpi ne, %convert_element_type3A_320, %cond3A_321 : i32
        scf.if %cond3A_322 {
          "tpu.region"() ({
            %run_scoped3A_328 = tpu.sem_alloc : memref<!tpu.dma_semaphore, #tpu.memory_space<semaphore_mem>>
            %dma_start3A_329 = arith.constant 0 : i32
            %dma_start3A_330 = tpu.memref_slice %arg4[%add3A_317, %dma_start3A_329] : memref<2500x128xi32, #tpu.memory_space<hbm>> -> memref<8x128xi32, #tpu.memory_space<hbm>>
            %dma_start3A_331 = arith.constant 0 : i32
            %dma_start3A_332 = tpu.memref_slice %arg4[%add3A_317, %dma_start3A_331] : memref<2500x128xi32, #tpu.memory_space<hbm>> -> memref<8x128xi32, #tpu.memory_space<hbm>>
            tpu.enqueue_dma source(%dma_start3A_332 : memref<8x128xi32, #tpu.memory_space<hbm>>) target(%arg24 : memref<8x128xi32, #tpu.memory_space<vmem>>) target_semaphore(%run_scoped3A_328 : memref<!tpu.dma_semaphore, #tpu.memory_space<semaphore_mem>>)
            %dma_wait3A_333 = arith.constant 0 : i32
            %dma_wait3A_334 = tpu.memref_slice %arg4[%add3A_317, %dma_wait3A_333] : memref<2500x128xi32, #tpu.memory_space<hbm>> -> memref<8x128xi32, #tpu.memory_space<hbm>>
            %dma_wait3A_335 = arith.constant 0 : i32
            %dma_wait3A_336 = tpu.memref_slice %arg4[%add3A_317, %dma_wait3A_335] : memref<2500x128xi32, #tpu.memory_space<hbm>> -> memref<8x128xi32, #tpu.memory_space<hbm>>
            tpu.wait_dma2 semaphore(%run_scoped3A_328 : memref<!tpu.dma_semaphore, #tpu.memory_space<semaphore_mem>>) src(%dma_wait3A_336 : memref<8x128xi32, #tpu.memory_space<hbm>>) dst(%arg24 : memref<8x128xi32, #tpu.memory_space<vmem>>)
            tpu.yield
          }) : () -> ()
          "tpu.region"() ({
            %run_scoped3A_328 = tpu.sem_alloc : memref<!tpu.dma_semaphore, #tpu.memory_space<semaphore_mem>>
            %dma_start3A_329 = arith.constant 0 : i32
            %dma_start3A_330 = tpu.memref_slice %arg5[%add3A_317, %dma_start3A_329] : memref<2500x128xi32, #tpu.memory_space<hbm>> -> memref<8x128xi32, #tpu.memory_space<hbm>>
            %dma_start3A_331 = arith.constant 0 : i32
            %dma_start3A_332 = tpu.memref_slice %arg5[%add3A_317, %dma_start3A_331] : memref<2500x128xi32, #tpu.memory_space<hbm>> -> memref<8x128xi32, #tpu.memory_space<hbm>>
            tpu.enqueue_dma source(%dma_start3A_332 : memref<8x128xi32, #tpu.memory_space<hbm>>) target(%arg25 : memref<8x128xi32, #tpu.memory_space<vmem>>) target_semaphore(%run_scoped3A_328 : memref<!tpu.dma_semaphore, #tpu.memory_space<semaphore_mem>>)
            %dma_wait3A_333 = arith.constant 0 : i32
            %dma_wait3A_334 = tpu.memref_slice %arg5[%add3A_317, %dma_wait3A_333] : memref<2500x128xi32, #tpu.memory_space<hbm>> -> memref<8x128xi32, #tpu.memory_space<hbm>>
            %dma_wait3A_335 = arith.constant 0 : i32
            %dma_wait3A_336 = tpu.memref_slice %arg5[%add3A_317, %dma_wait3A_335] : memref<2500x128xi32, #tpu.memory_space<hbm>> -> memref<8x128xi32, #tpu.memory_space<hbm>>
            tpu.wait_dma2 semaphore(%run_scoped3A_328 : memref<!tpu.dma_semaphore, #tpu.memory_space<semaphore_mem>>) src(%dma_wait3A_336 : memref<8x128xi32, #tpu.memory_space<hbm>>) dst(%arg25 : memref<8x128xi32, #tpu.memory_space<vmem>>)
            tpu.yield
          }) : () -> ()
        } else {
        }
        %eq3A_323 = arith.constant 31 : i32
        %eq3A_324 = arith.cmpi eq, %add3A, %eq3A_323 : i32
        %convert_element_type3A_325 = arith.extui %eq3A_324 : i1 to i32
        %cond3A_326 = arith.constant 0 : i32
        %cond3A_327 = arith.cmpi ne, %convert_element_type3A_325, %cond3A_326 : i32
        scf.if %cond3A_327 {
          %mul3A_328 = arith.constant 8 : i32
          %mul3A_329 = arith.muli %add3A_312, %mul3A_328 : i32
          "tpu.region"() ({
            %run_scoped3A_332 = tpu.sem_alloc : memref<!tpu.dma_semaphore, #tpu.memory_space<semaphore_mem>>
            %dma_start3A_333 = arith.constant 0 : i32
            %dma_start3A_334 = tpu.memref_slice %arg8[%mul3A_329, %dma_start3A_333] : memref<80x128xi32, #tpu.memory_space<hbm>> -> memref<8x128xi32, #tpu.memory_space<hbm>>
            %dma_start3A_335 = arith.constant 0 : i32
            %dma_start3A_336 = tpu.memref_slice %arg8[%mul3A_329, %dma_start3A_335] : memref<80x128xi32, #tpu.memory_space<hbm>> -> memref<8x128xi32, #tpu.memory_space<hbm>>
            tpu.enqueue_dma source(%dma_start3A_336 : memref<8x128xi32, #tpu.memory_space<hbm>>) target(%arg24 : memref<8x128xi32, #tpu.memory_space<vmem>>) target_semaphore(%run_scoped3A_332 : memref<!tpu.dma_semaphore, #tpu.memory_space<semaphore_mem>>)
            %dma_wait3A_337 = arith.constant 0 : i32
            %dma_wait3A_338 = tpu.memref_slice %arg8[%mul3A_329, %dma_wait3A_337] : memref<80x128xi32, #tpu.memory_space<hbm>> -> memref<8x128xi32, #tpu.memory_space<hbm>>
            %dma_wait3A_339 = arith.constant 0 : i32
            %dma_wait3A_340 = tpu.memref_slice %arg8[%mul3A_329, %dma_wait3A_339] : memref<80x128xi32, #tpu.memory_space<hbm>> -> memref<8x128xi32, #tpu.memory_space<hbm>>
            tpu.wait_dma2 semaphore(%run_scoped3A_332 : memref<!tpu.dma_semaphore, #tpu.memory_space<semaphore_mem>>) src(%dma_wait3A_340 : memref<8x128xi32, #tpu.memory_space<hbm>>) dst(%arg24 : memref<8x128xi32, #tpu.memory_space<vmem>>)
            tpu.yield
          }) : () -> ()
          %mul3A_330 = arith.constant 8 : i32
          %mul3A_331 = arith.muli %add3A_312, %mul3A_330 : i32
          "tpu.region"() ({
            %run_scoped3A_332 = tpu.sem_alloc : memref<!tpu.dma_semaphore, #tpu.memory_space<semaphore_mem>>
            %dma_start3A_333 = arith.constant 0 : i32
            %dma_start3A_334 = tpu.memref_slice %arg9[%mul3A_331, %dma_start3A_333] : memref<80x128xi32, #tpu.memory_space<hbm>> -> memref<8x128xi32, #tpu.memory_space<hbm>>
            %dma_start3A_335 = arith.constant 0 : i32
            %dma_start3A_336 = tpu.memref_slice %arg9[%mul3A_331, %dma_start3A_335] : memref<80x128xi32, #tpu.memory_space<hbm>> -> memref<8x128xi32, #tpu.memory_space<hbm>>
            tpu.enqueue_dma source(%dma_start3A_336 : memref<8x128xi32, #tpu.memory_space<hbm>>) target(%arg25 : memref<8x128xi32, #tpu.memory_space<vmem>>) target_semaphore(%run_scoped3A_332 : memref<!tpu.dma_semaphore, #tpu.memory_space<semaphore_mem>>)
            %dma_wait3A_337 = arith.constant 0 : i32
            %dma_wait3A_338 = tpu.memref_slice %arg9[%mul3A_331, %dma_wait3A_337] : memref<80x128xi32, #tpu.memory_space<hbm>> -> memref<8x128xi32, #tpu.memory_space<hbm>>
            %dma_wait3A_339 = arith.constant 0 : i32
            %dma_wait3A_340 = tpu.memref_slice %arg9[%mul3A_331, %dma_wait3A_339] : memref<80x128xi32, #tpu.memory_space<hbm>> -> memref<8x128xi32, #tpu.memory_space<hbm>>
            tpu.wait_dma2 semaphore(%run_scoped3A_332 : memref<!tpu.dma_semaphore, #tpu.memory_space<semaphore_mem>>) src(%dma_wait3A_340 : memref<8x128xi32, #tpu.memory_space<hbm>>) dst(%arg25 : memref<8x128xi32, #tpu.memory_space<vmem>>)
            tpu.yield
          }) : () -> ()
        } else {
        }
      } else {
      }
      %eq3A_212 = arith.constant 4 : i32
      %eq3A_213 = arith.cmpi eq, %scan3A_90, %eq3A_212 : i32
      %scan3A_214 = arith.constant 0 : i32
      %scan3A_215 = arith.constant 0 : i32
      %scan3A_216 = arith.constant 3 : i32
      %scan3A_217 = arith.addi %scan3A_215, %scan3A_216 : i32
      %scan3A_218 = arith.constant 1 : i32
      scf.for %scan3A_311 = %scan3A_215 to %scan3A_217 step %scan3A_218  : i32 {
        %mul3A_312 = arith.constant 2 : i32
        %mul3A_313 = arith.muli %mul3A_312, %scan3A_311 : i32
        %add3A_314 = arith.constant 1 : i32
        %add3A_315 = arith.addi %mul3A_313, %add3A_314 : i32
        %dma_start3A_316 = arith.constant 0 : i32
        %dma_start3A_317 = tpu.memref_slice %arg26[%add3A_315, %dma_start3A_316] : memref<8x128xi32, #tpu.memory_space<vmem>> -> memref<1x128xi32, #tpu.memory_space<vmem>>
        %dma_start3A_318 = tpu.memref_squeeze %dma_start3A_317 : memref<1x128xi32, #tpu.memory_space<vmem>> -> memref<128xi32, #tpu.memory_space<vmem>>
        %dma_start3A_319 = arith.constant 0 : i32
        %dma_start3A_320 = arith.constant 0 : i32
        %dma_start3A_321 = tpu.memref_slice %arg2[%dma_start3A_319, %dma_start3A_320] : memref<10000x128xf32, #tpu.memory_space<hbm>> -> memref<10000x128xf32, #tpu.memory_space<hbm>>
        tpu.enqueue_indirect_dma source(%dma_start3A_321 : memref<10000x128xf32, #tpu.memory_space<hbm>>) target(%arg29 : memref<128x128xf32, #tpu.memory_space<vmem>>) offsets(%dma_start3A_318 : memref<128xi32, #tpu.memory_space<vmem>>) semaphore(%arg31 : memref<!tpu.dma_semaphore, #tpu.memory_space<semaphore_mem>>)
        %get3A_322 = arith.index_cast %mul3A_313 : i32 to index
        %get3A_323 = arith.constant 0 : index
        %get3A_324 = tpu.vector_load %arg27[%get3A_322, %get3A_323] {strides = array<i32>} : memref<8x128xi32, #tpu.memory_space<vmem>>, vector<16xi32>,
        tpu.vector_store_idx %arg23[%get3A_324], %broadcast_in_dim3A_6 {add = true} : memref<10112xf32, #tpu.memory_space<vmem>>[vector<16xi32>], vector<16xf32>,
        %get3A_325 = arith.index_cast %mul3A_313 : i32 to index
        %get3A_326 = arith.constant 16 : index
        %get3A_327 = tpu.vector_load %arg27[%get3A_325, %get3A_326] {strides = array<i32>} : memref<8x128xi32, #tpu.memory_space<vmem>>, vector<16xi32>,
        tpu.vector_store_idx %arg23[%get3A_327], %broadcast_in_dim3A_6 {add = true} : memref<10112xf32, #tpu.memory_space<vmem>>[vector<16xi32>], vector<16xf32>,
        %get3A_328 = arith.index_cast %mul3A_313 : i32 to index
        %get3A_329 = arith.constant 32 : index
        %get3A_330 = tpu.vector_load %arg27[%get3A_328, %get3A_329] {strides = array<i32>} : memref<8x128xi32, #tpu.memory_space<vmem>>, vector<16xi32>,
        tpu.vector_store_idx %arg23[%get3A_330], %broadcast_in_dim3A_6 {add = true} : memref<10112xf32, #tpu.memory_space<vmem>>[vector<16xi32>], vector<16xf32>,
        %get3A_331 = arith.index_cast %mul3A_313 : i32 to index
        %get3A_332 = arith.constant 48 : index
        %get3A_333 = tpu.vector_load %arg27[%get3A_331, %get3A_332] {strides = array<i32>} : memref<8x128xi32, #tpu.memory_space<vmem>>, vector<16xi32>,
        tpu.vector_store_idx %arg23[%get3A_333], %broadcast_in_dim3A_6 {add = true} : memref<10112xf32, #tpu.memory_space<vmem>>[vector<16xi32>], vector<16xf32>,
        %get3A_334 = arith.index_cast %mul3A_313 : i32 to index
        %get3A_335 = arith.constant 64 : index
        %get3A_336 = tpu.vector_load %arg27[%get3A_334, %get3A_335] {strides = array<i32>} : memref<8x128xi32, #tpu.memory_space<vmem>>, vector<16xi32>,
        tpu.vector_store_idx %arg23[%get3A_336], %broadcast_in_dim3A_6 {add = true} : memref<10112xf32, #tpu.memory_space<vmem>>[vector<16xi32>], vector<16xf32>,
        %get3A_337 = arith.index_cast %mul3A_313 : i32 to index
        %get3A_338 = arith.constant 80 : index
        %get3A_339 = tpu.vector_load %arg27[%get3A_337, %get3A_338] {strides = array<i32>} : memref<8x128xi32, #tpu.memory_space<vmem>>, vector<16xi32>,
        tpu.vector_store_idx %arg23[%get3A_339], %broadcast_in_dim3A_6 {add = true} : memref<10112xf32, #tpu.memory_space<vmem>>[vector<16xi32>], vector<16xf32>,
        %get3A_340 = arith.index_cast %mul3A_313 : i32 to index
        %get3A_341 = arith.constant 96 : index
        %get3A_342 = tpu.vector_load %arg27[%get3A_340, %get3A_341] {strides = array<i32>} : memref<8x128xi32, #tpu.memory_space<vmem>>, vector<16xi32>,
        tpu.vector_store_idx %arg23[%get3A_342], %broadcast_in_dim3A_6 {add = true} : memref<10112xf32, #tpu.memory_space<vmem>>[vector<16xi32>], vector<16xf32>,
        %get3A_343 = arith.index_cast %mul3A_313 : i32 to index
        %get3A_344 = arith.constant 112 : index
        %get3A_345 = tpu.vector_load %arg27[%get3A_343, %get3A_344] {strides = array<i32>} : memref<8x128xi32, #tpu.memory_space<vmem>>, vector<16xi32>,
        tpu.vector_store_idx %arg23[%get3A_345], %broadcast_in_dim3A_6 {add = true} : memref<10112xf32, #tpu.memory_space<vmem>>[vector<16xi32>], vector<16xf32>,
        %dma_wait3A_346 = arith.constant 0 : i32
        %dma_wait3A_347 = tpu.memref_slice %arg26[%mul3A_313, %dma_wait3A_346] : memref<8x128xi32, #tpu.memory_space<vmem>> -> memref<1x128xi32, #tpu.memory_space<vmem>>
        %dma_wait3A_348 = tpu.memref_squeeze %dma_wait3A_347 : memref<1x128xi32, #tpu.memory_space<vmem>> -> memref<128xi32, #tpu.memory_space<vmem>>
        %dma_wait3A_349 = arith.constant 0 : i32
        %dma_wait3A_350 = arith.constant 0 : i32
        %dma_wait3A_351 = tpu.memref_slice %arg2[%dma_wait3A_349, %dma_wait3A_350] : memref<10000x128xf32, #tpu.memory_space<hbm>> -> memref<10000x128xf32, #tpu.memory_space<hbm>>
        tpu.wait_indirect_dma semaphore(%arg30 : memref<!tpu.dma_semaphore, #tpu.memory_space<semaphore_mem>>) src(%dma_wait3A_351 : memref<10000x128xf32, #tpu.memory_space<hbm>>) dst(%arg28 : memref<128x128xf32, #tpu.memory_space<vmem>>)
        "tpu.region"() ({
          %run_scoped3A_394 = tpu.sem_alloc : memref<!tpu.dma_semaphore, #tpu.memory_space<semaphore_mem>>
          %dma_start3A_395 = arith.constant 0 : i32
          %dma_start3A_396 = tpu.memref_slice %arg27[%mul3A_313, %dma_start3A_395] : memref<8x128xi32, #tpu.memory_space<vmem>> -> memref<1x128xi32, #tpu.memory_space<vmem>>
          %dma_start3A_397 = tpu.memref_squeeze %dma_start3A_396 : memref<1x128xi32, #tpu.memory_space<vmem>> -> memref<128xi32, #tpu.memory_space<vmem>>
          %dma_start3A_398 = arith.constant 0 : i32
          %dma_start3A_399 = arith.constant 0 : i32
          %dma_start3A_400 = tpu.memref_slice %arg22[%dma_start3A_398, %dma_start3A_399] : memref<10112x128xf32, #tpu.memory_space<vmem_shared>> -> memref<10112x128xf32, #tpu.memory_space<vmem_shared>>
          tpu.enqueue_indirect_dma source(%arg28 : memref<128x128xf32, #tpu.memory_space<vmem>>) target(%dma_start3A_400 : memref<10112x128xf32, #tpu.memory_space<vmem_shared>>) offsets(%dma_start3A_397 : memref<128xi32, #tpu.memory_space<vmem>>) semaphore(%run_scoped3A_394 : memref<!tpu.dma_semaphore, #tpu.memory_space<semaphore_mem>>) {add = true}
          %dma_wait3A_401 = arith.constant 0 : i32
          %dma_wait3A_402 = tpu.memref_slice %arg27[%mul3A_313, %dma_wait3A_401] : memref<8x128xi32, #tpu.memory_space<vmem>> -> memref<1x128xi32, #tpu.memory_space<vmem>>
          %dma_wait3A_403 = tpu.memref_squeeze %dma_wait3A_402 : memref<1x128xi32, #tpu.memory_space<vmem>> -> memref<128xi32, #tpu.memory_space<vmem>>
          %dma_wait3A_404 = arith.constant 0 : i32
          %dma_wait3A_405 = arith.constant 0 : i32
          %dma_wait3A_406 = tpu.memref_slice %arg22[%dma_wait3A_404, %dma_wait3A_405] : memref<10112x128xf32, #tpu.memory_space<vmem_shared>> -> memref<10112x128xf32, #tpu.memory_space<vmem_shared>>
          tpu.wait_indirect_dma semaphore(%run_scoped3A_394 : memref<!tpu.dma_semaphore, #tpu.memory_space<semaphore_mem>>) src(%arg28 : memref<128x128xf32, #tpu.memory_space<vmem>>) dst(%dma_wait3A_406 : memref<10112x128xf32, #tpu.memory_space<vmem_shared>>)
          tpu.yield
        }) : () -> ()
        %add3A_352 = arith.constant 2 : i32
        %add3A_353 = arith.addi %mul3A_313, %add3A_352 : i32
        %dma_start3A_354 = arith.constant 0 : i32
        %dma_start3A_355 = tpu.memref_slice %arg26[%add3A_353, %dma_start3A_354] : memref<8x128xi32, #tpu.memory_space<vmem>> -> memref<1x128xi32, #tpu.memory_space<vmem>>
        %dma_start3A_356 = tpu.memref_squeeze %dma_start3A_355 : memref<1x128xi32, #tpu.memory_space<vmem>> -> memref<128xi32, #tpu.memory_space<vmem>>
        %dma_start3A_357 = arith.constant 0 : i32
        %dma_start3A_358 = arith.constant 0 : i32
        %dma_start3A_359 = tpu.memref_slice %arg2[%dma_start3A_357, %dma_start3A_358] : memref<10000x128xf32, #tpu.memory_space<hbm>> -> memref<10000x128xf32, #tpu.memory_space<hbm>>
        tpu.enqueue_indirect_dma source(%dma_start3A_359 : memref<10000x128xf32, #tpu.memory_space<hbm>>) target(%arg28 : memref<128x128xf32, #tpu.memory_space<vmem>>) offsets(%dma_start3A_356 : memref<128xi32, #tpu.memory_space<vmem>>) semaphore(%arg30 : memref<!tpu.dma_semaphore, #tpu.memory_space<semaphore_mem>>)
        %add3A_360 = arith.constant 1 : i32
        %add3A_361 = arith.addi %mul3A_313, %add3A_360 : i32
        %get3A_362 = arith.index_cast %add3A_361 : i32 to index
        %get3A_363 = arith.constant 0 : index
        %get3A_364 = tpu.vector_load %arg27[%get3A_362, %get3A_363] {strides = array<i32>} : memref<8x128xi32, #tpu.memory_space<vmem>>, vector<16xi32>,
        tpu.vector_store_idx %arg23[%get3A_364], %broadcast_in_dim3A_6 {add = true} : memref<10112xf32, #tpu.memory_space<vmem>>[vector<16xi32>], vector<16xf32>,
        %get3A_365 = arith.index_cast %add3A_361 : i32 to index
        %get3A_366 = arith.constant 16 : index
        %get3A_367 = tpu.vector_load %arg27[%get3A_365, %get3A_366] {strides = array<i32>} : memref<8x128xi32, #tpu.memory_space<vmem>>, vector<16xi32>,
        tpu.vector_store_idx %arg23[%get3A_367], %broadcast_in_dim3A_6 {add = true} : memref<10112xf32, #tpu.memory_space<vmem>>[vector<16xi32>], vector<16xf32>,
        %get3A_368 = arith.index_cast %add3A_361 : i32 to index
        %get3A_369 = arith.constant 32 : index
        %get3A_370 = tpu.vector_load %arg27[%get3A_368, %get3A_369] {strides = array<i32>} : memref<8x128xi32, #tpu.memory_space<vmem>>, vector<16xi32>,
        tpu.vector_store_idx %arg23[%get3A_370], %broadcast_in_dim3A_6 {add = true} : memref<10112xf32, #tpu.memory_space<vmem>>[vector<16xi32>], vector<16xf32>,
        %get3A_371 = arith.index_cast %add3A_361 : i32 to index
        %get3A_372 = arith.constant 48 : index
        %get3A_373 = tpu.vector_load %arg27[%get3A_371, %get3A_372] {strides = array<i32>} : memref<8x128xi32, #tpu.memory_space<vmem>>, vector<16xi32>,
        tpu.vector_store_idx %arg23[%get3A_373], %broadcast_in_dim3A_6 {add = true} : memref<10112xf32, #tpu.memory_space<vmem>>[vector<16xi32>], vector<16xf32>,
        %get3A_374 = arith.index_cast %add3A_361 : i32 to index
        %get3A_375 = arith.constant 64 : index
        %get3A_376 = tpu.vector_load %arg27[%get3A_374, %get3A_375] {strides = array<i32>} : memref<8x128xi32, #tpu.memory_space<vmem>>, vector<16xi32>,
        tpu.vector_store_idx %arg23[%get3A_376], %broadcast_in_dim3A_6 {add = true} : memref<10112xf32, #tpu.memory_space<vmem>>[vector<16xi32>], vector<16xf32>,
        %get3A_377 = arith.index_cast %add3A_361 : i32 to index
        %get3A_378 = arith.constant 80 : index
        %get3A_379 = tpu.vector_load %arg27[%get3A_377, %get3A_378] {strides = array<i32>} : memref<8x128xi32, #tpu.memory_space<vmem>>, vector<16xi32>,
        tpu.vector_store_idx %arg23[%get3A_379], %broadcast_in_dim3A_6 {add = true} : memref<10112xf32, #tpu.memory_space<vmem>>[vector<16xi32>], vector<16xf32>,
        %get3A_380 = arith.index_cast %add3A_361 : i32 to index
        %get3A_381 = arith.constant 96 : index
        %get3A_382 = tpu.vector_load %arg27[%get3A_380, %get3A_381] {strides = array<i32>} : memref<8x128xi32, #tpu.memory_space<vmem>>, vector<16xi32>,
        tpu.vector_store_idx %arg23[%get3A_382], %broadcast_in_dim3A_6 {add = true} : memref<10112xf32, #tpu.memory_space<vmem>>[vector<16xi32>], vector<16xf32>,
        %get3A_383 = arith.index_cast %add3A_361 : i32 to index
        %get3A_384 = arith.constant 112 : index
        %get3A_385 = tpu.vector_load %arg27[%get3A_383, %get3A_384] {strides = array<i32>} : memref<8x128xi32, #tpu.memory_space<vmem>>, vector<16xi32>,
        tpu.vector_store_idx %arg23[%get3A_385], %broadcast_in_dim3A_6 {add = true} : memref<10112xf32, #tpu.memory_space<vmem>>[vector<16xi32>], vector<16xf32>,
        %add3A_386 = arith.constant 1 : i32
        %add3A_387 = arith.addi %mul3A_313, %add3A_386 : i32
        %dma_wait3A_388 = arith.constant 0 : i32
        %dma_wait3A_389 = tpu.memref_slice %arg26[%add3A_387, %dma_wait3A_388] : memref<8x128xi32, #tpu.memory_space<vmem>> -> memref<1x128xi32, #tpu.memory_space<vmem>>
        %dma_wait3A_390 = tpu.memref_squeeze %dma_wait3A_389 : memref<1x128xi32, #tpu.memory_space<vmem>> -> memref<128xi32, #tpu.memory_space<vmem>>
        %dma_wait3A_391 = arith.constant 0 : i32
        %dma_wait3A_392 = arith.constant 0 : i32
        %dma_wait3A_393 = tpu.memref_slice %arg2[%dma_wait3A_391, %dma_wait3A_392] : memref<10000x128xf32, #tpu.memory_space<hbm>> -> memref<10000x128xf32, #tpu.memory_space<hbm>>
        tpu.wait_indirect_dma semaphore(%arg31 : memref<!tpu.dma_semaphore, #tpu.memory_space<semaphore_mem>>) src(%dma_wait3A_393 : memref<10000x128xf32, #tpu.memory_space<hbm>>) dst(%arg29 : memref<128x128xf32, #tpu.memory_space<vmem>>)
        "tpu.region"() ({
          %run_scoped3A_394 = tpu.sem_alloc : memref<!tpu.dma_semaphore, #tpu.memory_space<semaphore_mem>>
          %dma_start3A_395 = arith.constant 0 : i32
          %dma_start3A_396 = tpu.memref_slice %arg27[%add3A_387, %dma_start3A_395] : memref<8x128xi32, #tpu.memory_space<vmem>> -> memref<1x128xi32, #tpu.memory_space<vmem>>
          %dma_start3A_397 = tpu.memref_squeeze %dma_start3A_396 : memref<1x128xi32, #tpu.memory_space<vmem>> -> memref<128xi32, #tpu.memory_space<vmem>>
          %dma_start3A_398 = arith.constant 0 : i32
          %dma_start3A_399 = arith.constant 0 : i32
          %dma_start3A_400 = tpu.memref_slice %arg22[%dma_start3A_398, %dma_start3A_399] : memref<10112x128xf32, #tpu.memory_space<vmem_shared>> -> memref<10112x128xf32, #tpu.memory_space<vmem_shared>>
          tpu.enqueue_indirect_dma source(%arg29 : memref<128x128xf32, #tpu.memory_space<vmem>>) target(%dma_start3A_400 : memref<10112x128xf32, #tpu.memory_space<vmem_shared>>) offsets(%dma_start3A_397 : memref<128xi32, #tpu.memory_space<vmem>>) semaphore(%run_scoped3A_394 : memref<!tpu.dma_semaphore, #tpu.memory_space<semaphore_mem>>) {add = true}
          %dma_wait3A_401 = arith.constant 0 : i32
          %dma_wait3A_402 = tpu.memref_slice %arg27[%add3A_387, %dma_wait3A_401] : memref<8x128xi32, #tpu.memory_space<vmem>> -> memref<1x128xi32, #tpu.memory_space<vmem>>
          %dma_wait3A_403 = tpu.memref_squeeze %dma_wait3A_402 : memref<1x128xi32, #tpu.memory_space<vmem>> -> memref<128xi32, #tpu.memory_space<vmem>>
          %dma_wait3A_404 = arith.constant 0 : i32
          %dma_wait3A_405 = arith.constant 0 : i32
          %dma_wait3A_406 = tpu.memref_slice %arg22[%dma_wait3A_404, %dma_wait3A_405] : memref<10112x128xf32, #tpu.memory_space<vmem_shared>> -> memref<10112x128xf32, #tpu.memory_space<vmem_shared>>
          tpu.wait_indirect_dma semaphore(%run_scoped3A_394 : memref<!tpu.dma_semaphore, #tpu.memory_space<semaphore_mem>>) src(%arg29 : memref<128x128xf32, #tpu.memory_space<vmem>>) dst(%dma_wait3A_406 : memref<10112x128xf32, #tpu.memory_space<vmem_shared>>)
          tpu.yield
        }) : () -> ()
      }
      %scan3A_219 = arith.constant 3 : i32
      %dma_start3A_220 = arith.constant 7 : i32
      %dma_start3A_221 = arith.constant 0 : i32
      %dma_start3A_222 = tpu.memref_slice %arg26[%dma_start3A_220, %dma_start3A_221] : memref<8x128xi32, #tpu.memory_space<vmem>> -> memref<1x128xi32, #tpu.memory_space<vmem>>
      %dma_start3A_223 = tpu.memref_squeeze %dma_start3A_222 : memref<1x128xi32, #tpu.memory_space<vmem>> -> memref<128xi32, #tpu.memory_space<vmem>>
      %dma_start3A_224 = arith.constant 0 : i32
      %dma_start3A_225 = arith.constant 0 : i32
      %dma_start3A_226 = tpu.memref_slice %arg2[%dma_start3A_224, %dma_start3A_225] : memref<10000x128xf32, #tpu.memory_space<hbm>> -> memref<10000x128xf32, #tpu.memory_space<hbm>>
      tpu.enqueue_indirect_dma source(%dma_start3A_226 : memref<10000x128xf32, #tpu.memory_space<hbm>>) target(%arg29 : memref<128x128xf32, #tpu.memory_space<vmem>>) offsets(%dma_start3A_223 : memref<128xi32, #tpu.memory_space<vmem>>) semaphore(%arg31 : memref<!tpu.dma_semaphore, #tpu.memory_space<semaphore_mem>>)
      %get3A_227 = arith.constant 6 : i32
      %get3A_228 = arith.index_cast %get3A_227 : i32 to index
      %get3A_229 = arith.constant 0 : index
      %get3A_230 = tpu.vector_load %arg27[%get3A_228, %get3A_229] {strides = array<i32>} : memref<8x128xi32, #tpu.memory_space<vmem>>, vector<16xi32>,
      tpu.vector_store_idx %arg23[%get3A_230], %broadcast_in_dim3A_6 {add = true} : memref<10112xf32, #tpu.memory_space<vmem>>[vector<16xi32>], vector<16xf32>,
      %get3A_231 = arith.constant 6 : i32
      %get3A_232 = arith.index_cast %get3A_231 : i32 to index
      %get3A_233 = arith.constant 16 : index
      %get3A_234 = tpu.vector_load %arg27[%get3A_232, %get3A_233] {strides = array<i32>} : memref<8x128xi32, #tpu.memory_space<vmem>>, vector<16xi32>,
      tpu.vector_store_idx %arg23[%get3A_234], %broadcast_in_dim3A_6 {add = true} : memref<10112xf32, #tpu.memory_space<vmem>>[vector<16xi32>], vector<16xf32>,
      %get3A_235 = arith.constant 6 : i32
      %get3A_236 = arith.index_cast %get3A_235 : i32 to index
      %get3A_237 = arith.constant 32 : index
      %get3A_238 = tpu.vector_load %arg27[%get3A_236, %get3A_237] {strides = array<i32>} : memref<8x128xi32, #tpu.memory_space<vmem>>, vector<16xi32>,
      tpu.vector_store_idx %arg23[%get3A_238], %broadcast_in_dim3A_6 {add = true} : memref<10112xf32, #tpu.memory_space<vmem>>[vector<16xi32>], vector<16xf32>,
      %get3A_239 = arith.constant 6 : i32
      %get3A_240 = arith.index_cast %get3A_239 : i32 to index
      %get3A_241 = arith.constant 48 : index
      %get3A_242 = tpu.vector_load %arg27[%get3A_240, %get3A_241] {strides = array<i32>} : memref<8x128xi32, #tpu.memory_space<vmem>>, vector<16xi32>,
      tpu.vector_store_idx %arg23[%get3A_242], %broadcast_in_dim3A_6 {add = true} : memref<10112xf32, #tpu.memory_space<vmem>>[vector<16xi32>], vector<16xf32>,
      %get3A_243 = arith.constant 6 : i32
      %get3A_244 = arith.index_cast %get3A_243 : i32 to index
      %get3A_245 = arith.constant 64 : index
      %get3A_246 = tpu.vector_load %arg27[%get3A_244, %get3A_245] {strides = array<i32>} : memref<8x128xi32, #tpu.memory_space<vmem>>, vector<16xi32>,
      tpu.vector_store_idx %arg23[%get3A_246], %broadcast_in_dim3A_6 {add = true} : memref<10112xf32, #tpu.memory_space<vmem>>[vector<16xi32>], vector<16xf32>,
      %get3A_247 = arith.constant 6 : i32
      %get3A_248 = arith.index_cast %get3A_247 : i32 to index
      %get3A_249 = arith.constant 80 : index
      %get3A_250 = tpu.vector_load %arg27[%get3A_248, %get3A_249] {strides = array<i32>} : memref<8x128xi32, #tpu.memory_space<vmem>>, vector<16xi32>,
      tpu.vector_store_idx %arg23[%get3A_250], %broadcast_in_dim3A_6 {add = true} : memref<10112xf32, #tpu.memory_space<vmem>>[vector<16xi32>], vector<16xf32>,
      %get3A_251 = arith.constant 6 : i32
      %get3A_252 = arith.index_cast %get3A_251 : i32 to index
      %get3A_253 = arith.constant 96 : index
      %get3A_254 = tpu.vector_load %arg27[%get3A_252, %get3A_253] {strides = array<i32>} : memref<8x128xi32, #tpu.memory_space<vmem>>, vector<16xi32>,
      tpu.vector_store_idx %arg23[%get3A_254], %broadcast_in_dim3A_6 {add = true} : memref<10112xf32, #tpu.memory_space<vmem>>[vector<16xi32>], vector<16xf32>,
      %get3A_255 = arith.constant 6 : i32
      %get3A_256 = arith.index_cast %get3A_255 : i32 to index
      %get3A_257 = arith.constant 112 : index
      %get3A_258 = tpu.vector_load %arg27[%get3A_256, %get3A_257] {strides = array<i32>} : memref<8x128xi32, #tpu.memory_space<vmem>>, vector<16xi32>,
      tpu.vector_store_idx %arg23[%get3A_258], %broadcast_in_dim3A_6 {add = true} : memref<10112xf32, #tpu.memory_space<vmem>>[vector<16xi32>], vector<16xf32>,
      %dma_wait3A_259 = arith.constant 6 : i32
      %dma_wait3A_260 = arith.constant 0 : i32
      %dma_wait3A_261 = tpu.memref_slice %arg26[%dma_wait3A_259, %dma_wait3A_260] : memref<8x128xi32, #tpu.memory_space<vmem>> -> memref<1x128xi32, #tpu.memory_space<vmem>>
      %dma_wait3A_262 = tpu.memref_squeeze %dma_wait3A_261 : memref<1x128xi32, #tpu.memory_space<vmem>> -> memref<128xi32, #tpu.memory_space<vmem>>
      %dma_wait3A_263 = arith.constant 0 : i32
      %dma_wait3A_264 = arith.constant 0 : i32
      %dma_wait3A_265 = tpu.memref_slice %arg2[%dma_wait3A_263, %dma_wait3A_264] : memref<10000x128xf32, #tpu.memory_space<hbm>> -> memref<10000x128xf32, #tpu.memory_space<hbm>>
      tpu.wait_indirect_dma semaphore(%arg30 : memref<!tpu.dma_semaphore, #tpu.memory_space<semaphore_mem>>) src(%dma_wait3A_265 : memref<10000x128xf32, #tpu.memory_space<hbm>>) dst(%arg28 : memref<128x128xf32, #tpu.memory_space<vmem>>)
      %run_scoped3A_266 = arith.constant 6 : i32
      "tpu.region"() ({
        %run_scoped3A_311 = tpu.sem_alloc : memref<!tpu.dma_semaphore, #tpu.memory_space<semaphore_mem>>
        %dma_start3A_312 = arith.constant 0 : i32
        %dma_start3A_313 = tpu.memref_slice %arg27[%run_scoped3A_266, %dma_start3A_312] : memref<8x128xi32, #tpu.memory_space<vmem>> -> memref<1x128xi32, #tpu.memory_space<vmem>>
        %dma_start3A_314 = tpu.memref_squeeze %dma_start3A_313 : memref<1x128xi32, #tpu.memory_space<vmem>> -> memref<128xi32, #tpu.memory_space<vmem>>
        %dma_start3A_315 = arith.constant 0 : i32
        %dma_start3A_316 = arith.constant 0 : i32
        %dma_start3A_317 = tpu.memref_slice %arg22[%dma_start3A_315, %dma_start3A_316] : memref<10112x128xf32, #tpu.memory_space<vmem_shared>> -> memref<10112x128xf32, #tpu.memory_space<vmem_shared>>
        tpu.enqueue_indirect_dma source(%arg28 : memref<128x128xf32, #tpu.memory_space<vmem>>) target(%dma_start3A_317 : memref<10112x128xf32, #tpu.memory_space<vmem_shared>>) offsets(%dma_start3A_314 : memref<128xi32, #tpu.memory_space<vmem>>) semaphore(%run_scoped3A_311 : memref<!tpu.dma_semaphore, #tpu.memory_space<semaphore_mem>>) {add = true}
        %dma_wait3A_318 = arith.constant 0 : i32
        %dma_wait3A_319 = tpu.memref_slice %arg27[%run_scoped3A_266, %dma_wait3A_318] : memref<8x128xi32, #tpu.memory_space<vmem>> -> memref<1x128xi32, #tpu.memory_space<vmem>>
        %dma_wait3A_320 = tpu.memref_squeeze %dma_wait3A_319 : memref<1x128xi32, #tpu.memory_space<vmem>> -> memref<128xi32, #tpu.memory_space<vmem>>
        %dma_wait3A_321 = arith.constant 0 : i32
        %dma_wait3A_322 = arith.constant 0 : i32
        %dma_wait3A_323 = tpu.memref_slice %arg22[%dma_wait3A_321, %dma_wait3A_322] : memref<10112x128xf32, #tpu.memory_space<vmem_shared>> -> memref<10112x128xf32, #tpu.memory_space<vmem_shared>>
        tpu.wait_indirect_dma semaphore(%run_scoped3A_311 : memref<!tpu.dma_semaphore, #tpu.memory_space<semaphore_mem>>) src(%arg28 : memref<128x128xf32, #tpu.memory_space<vmem>>) dst(%dma_wait3A_323 : memref<10112x128xf32, #tpu.memory_space<vmem_shared>>)
        tpu.yield
      }) : () -> ()
      %not3A = arith.constant true
      %not3A_267 = arith.xori %eq3A_213, %not3A : i1
      %convert_element_type3A_268 = arith.extui %not3A_267 : i1 to i32
      %cond3A_269 = arith.constant 0 : i32
      %cond3A_270 = arith.cmpi ne, %convert_element_type3A_268, %cond3A_269 : i32
      scf.if %cond3A_270 {
        %dma_start3A_311 = arith.constant 0 : i32
        %dma_start3A_312 = arith.constant 0 : i32
        %dma_start3A_313 = tpu.memref_slice %arg24[%dma_start3A_311, %dma_start3A_312] : memref<8x128xi32, #tpu.memory_space<vmem>> -> memref<1x128xi32, #tpu.memory_space<vmem>>
        %dma_start3A_314 = tpu.memref_squeeze %dma_start3A_313 : memref<1x128xi32, #tpu.memory_space<vmem>> -> memref<128xi32, #tpu.memory_space<vmem>>
        %dma_start3A_315 = arith.constant 0 : i32
        %dma_start3A_316 = arith.constant 0 : i32
        %dma_start3A_317 = tpu.memref_slice %arg2[%dma_start3A_315, %dma_start3A_316] : memref<10000x128xf32, #tpu.memory_space<hbm>> -> memref<10000x128xf32, #tpu.memory_space<hbm>>
        tpu.enqueue_indirect_dma source(%dma_start3A_317 : memref<10000x128xf32, #tpu.memory_space<hbm>>) target(%arg28 : memref<128x128xf32, #tpu.memory_space<vmem>>) offsets(%dma_start3A_314 : memref<128xi32, #tpu.memory_space<vmem>>) semaphore(%arg30 : memref<!tpu.dma_semaphore, #tpu.memory_space<semaphore_mem>>)
      } else {
      }
      %get3A_271 = arith.constant 7 : i32
      %get3A_272 = arith.index_cast %get3A_271 : i32 to index
      %get3A_273 = arith.constant 0 : index
      %get3A_274 = tpu.vector_load %arg27[%get3A_272, %get3A_273] {strides = array<i32>} : memref<8x128xi32, #tpu.memory_space<vmem>>, vector<16xi32>,
      tpu.vector_store_idx %arg23[%get3A_274], %broadcast_in_dim3A_6 {add = true} : memref<10112xf32, #tpu.memory_space<vmem>>[vector<16xi32>], vector<16xf32>,
      %get3A_275 = arith.constant 7 : i32
      %get3A_276 = arith.index_cast %get3A_275 : i32 to index
      %get3A_277 = arith.constant 16 : index
      %get3A_278 = tpu.vector_load %arg27[%get3A_276, %get3A_277] {strides = array<i32>} : memref<8x128xi32, #tpu.memory_space<vmem>>, vector<16xi32>,
      tpu.vector_store_idx %arg23[%get3A_278], %broadcast_in_dim3A_6 {add = true} : memref<10112xf32, #tpu.memory_space<vmem>>[vector<16xi32>], vector<16xf32>,
      %get3A_279 = arith.constant 7 : i32
      %get3A_280 = arith.index_cast %get3A_279 : i32 to index
      %get3A_281 = arith.constant 32 : index
      %get3A_282 = tpu.vector_load %arg27[%get3A_280, %get3A_281] {strides = array<i32>} : memref<8x128xi32, #tpu.memory_space<vmem>>, vector<16xi32>,
      tpu.vector_store_idx %arg23[%get3A_282], %broadcast_in_dim3A_6 {add = true} : memref<10112xf32, #tpu.memory_space<vmem>>[vector<16xi32>], vector<16xf32>,
      %get3A_283 = arith.constant 7 : i32
      %get3A_284 = arith.index_cast %get3A_283 : i32 to index
      %get3A_285 = arith.constant 48 : index
      %get3A_286 = tpu.vector_load %arg27[%get3A_284, %get3A_285] {strides = array<i32>} : memref<8x128xi32, #tpu.memory_space<vmem>>, vector<16xi32>,
      tpu.vector_store_idx %arg23[%get3A_286], %broadcast_in_dim3A_6 {add = true} : memref<10112xf32, #tpu.memory_space<vmem>>[vector<16xi32>], vector<16xf32>,
      %get3A_287 = arith.constant 7 : i32
      %get3A_288 = arith.index_cast %get3A_287 : i32 to index
      %get3A_289 = arith.constant 64 : index
      %get3A_290 = tpu.vector_load %arg27[%get3A_288, %get3A_289] {strides = array<i32>} : memref<8x128xi32, #tpu.memory_space<vmem>>, vector<16xi32>,
      tpu.vector_store_idx %arg23[%get3A_290], %broadcast_in_dim3A_6 {add = true} : memref<10112xf32, #tpu.memory_space<vmem>>[vector<16xi32>], vector<16xf32>,
      %get3A_291 = arith.constant 7 : i32
      %get3A_292 = arith.index_cast %get3A_291 : i32 to index
      %get3A_293 = arith.constant 80 : index
      %get3A_294 = tpu.vector_load %arg27[%get3A_292, %get3A_293] {strides = array<i32>} : memref<8x128xi32, #tpu.memory_space<vmem>>, vector<16xi32>,
      tpu.vector_store_idx %arg23[%get3A_294], %broadcast_in_dim3A_6 {add = true} : memref<10112xf32, #tpu.memory_space<vmem>>[vector<16xi32>], vector<16xf32>,
      %get3A_295 = arith.constant 7 : i32
      %get3A_296 = arith.index_cast %get3A_295 : i32 to index
      %get3A_297 = arith.constant 96 : index
      %get3A_298 = tpu.vector_load %arg27[%get3A_296, %get3A_297] {strides = array<i32>} : memref<8x128xi32, #tpu.memory_space<vmem>>, vector<16xi32>,
      tpu.vector_store_idx %arg23[%get3A_298], %broadcast_in_dim3A_6 {add = true} : memref<10112xf32, #tpu.memory_space<vmem>>[vector<16xi32>], vector<16xf32>,
      %get3A_299 = arith.constant 7 : i32
      %get3A_300 = arith.index_cast %get3A_299 : i32 to index
      %get3A_301 = arith.constant 112 : index
      %get3A_302 = tpu.vector_load %arg27[%get3A_300, %get3A_301] {strides = array<i32>} : memref<8x128xi32, #tpu.memory_space<vmem>>, vector<16xi32>,
      tpu.vector_store_idx %arg23[%get3A_302], %broadcast_in_dim3A_6 {add = true} : memref<10112xf32, #tpu.memory_space<vmem>>[vector<16xi32>], vector<16xf32>,
      %dma_wait3A_303 = arith.constant 7 : i32
      %dma_wait3A_304 = arith.constant 0 : i32
      %dma_wait3A_305 = tpu.memref_slice %arg26[%dma_wait3A_303, %dma_wait3A_304] : memref<8x128xi32, #tpu.memory_space<vmem>> -> memref<1x128xi32, #tpu.memory_space<vmem>>
      %dma_wait3A_306 = tpu.memref_squeeze %dma_wait3A_305 : memref<1x128xi32, #tpu.memory_space<vmem>> -> memref<128xi32, #tpu.memory_space<vmem>>
      %dma_wait3A_307 = arith.constant 0 : i32
      %dma_wait3A_308 = arith.constant 0 : i32
      %dma_wait3A_309 = tpu.memref_slice %arg2[%dma_wait3A_307, %dma_wait3A_308] : memref<10000x128xf32, #tpu.memory_space<hbm>> -> memref<10000x128xf32, #tpu.memory_space<hbm>>
      tpu.wait_indirect_dma semaphore(%arg31 : memref<!tpu.dma_semaphore, #tpu.memory_space<semaphore_mem>>) src(%dma_wait3A_309 : memref<10000x128xf32, #tpu.memory_space<hbm>>) dst(%arg29 : memref<128x128xf32, #tpu.memory_space<vmem>>)
      %run_scoped3A_310 = arith.constant 7 : i32
      "tpu.region"() ({
        %run_scoped3A_311 = tpu.sem_alloc : memref<!tpu.dma_semaphore, #tpu.memory_space<semaphore_mem>>
        %dma_start3A_312 = arith.constant 0 : i32
        %dma_start3A_313 = tpu.memref_slice %arg27[%run_scoped3A_310, %dma_start3A_312] : memref<8x128xi32, #tpu.memory_space<vmem>> -> memref<1x128xi32, #tpu.memory_space<vmem>>
        %dma_start3A_314 = tpu.memref_squeeze %dma_start3A_313 : memref<1x128xi32, #tpu.memory_space<vmem>> -> memref<128xi32, #tpu.memory_space<vmem>>
        %dma_start3A_315 = arith.constant 0 : i32
        %dma_start3A_316 = arith.constant 0 : i32
        %dma_start3A_317 = tpu.memref_slice %arg22[%dma_start3A_315, %dma_start3A_316] : memref<10112x128xf32, #tpu.memory_space<vmem_shared>> -> memref<10112x128xf32, #tpu.memory_space<vmem_shared>>
        tpu.enqueue_indirect_dma source(%arg29 : memref<128x128xf32, #tpu.memory_space<vmem>>) target(%dma_start3A_317 : memref<10112x128xf32, #tpu.memory_space<vmem_shared>>) offsets(%dma_start3A_314 : memref<128xi32, #tpu.memory_space<vmem>>) semaphore(%run_scoped3A_311 : memref<!tpu.dma_semaphore, #tpu.memory_space<semaphore_mem>>) {add = true}
        %dma_wait3A_318 = arith.constant 0 : i32
        %dma_wait3A_319 = tpu.memref_slice %arg27[%run_scoped3A_310, %dma_wait3A_318] : memref<8x128xi32, #tpu.memory_space<vmem>> -> memref<1x128xi32, #tpu.memory_space<vmem>>
        %dma_wait3A_320 = tpu.memref_squeeze %dma_wait3A_319 : memref<1x128xi32, #tpu.memory_space<vmem>> -> memref<128xi32, #tpu.memory_space<vmem>>
        %dma_wait3A_321 = arith.constant 0 : i32
        %dma_wait3A_322 = arith.constant 0 : i32
        %dma_wait3A_323 = tpu.memref_slice %arg22[%dma_wait3A_321, %dma_wait3A_322] : memref<10112x128xf32, #tpu.memory_space<vmem_shared>> -> memref<10112x128xf32, #tpu.memory_space<vmem_shared>>
        tpu.wait_indirect_dma semaphore(%run_scoped3A_311 : memref<!tpu.dma_semaphore, #tpu.memory_space<semaphore_mem>>) src(%arg29 : memref<128x128xf32, #tpu.memory_space<vmem>>) dst(%dma_wait3A_323 : memref<10112x128xf32, #tpu.memory_space<vmem_shared>>)
        tpu.yield
      }) : () -> ()
    }
    %scan3A_27 = arith.constant 5 : i32
    %barrier3A_28 = arith.constant 0 : index
    tpu.barrier barrier_id(%barrier3A_28)
    "tpu.region"() ({
      %run_scoped3A = tpu.sem_alloc : memref<!tpu.dma_semaphore, #tpu.memory_space<semaphore_mem>>
      %dma_start3A_90 = arith.constant 0 : i32
      %dma_start3A_91 = tpu.memref_slice %arg16[%add3A_5, %dma_start3A_90] : memref<20224x128xf32, #tpu.memory_space<hbm>> -> memref<632x128xf32, #tpu.memory_space<hbm>>
      %dma_start3A_92 = arith.constant 0 : i32
      %dma_start3A_93 = tpu.memref_slice %arg22[%mul3A_2, %dma_start3A_92] : memref<10112x128xf32, #tpu.memory_space<vmem_shared>> -> memref<632x128xf32, #tpu.memory_space<vmem_shared>>
      tpu.enqueue_dma source(%dma_start3A_93 : memref<632x128xf32, #tpu.memory_space<vmem_shared>>) target(%dma_start3A_91 : memref<632x128xf32, #tpu.memory_space<hbm>>) target_semaphore(%run_scoped3A : memref<!tpu.dma_semaphore, #tpu.memory_space<semaphore_mem>>)
      %dma_wait3A = arith.constant 0 : i32
      %dma_wait3A_94 = tpu.memref_slice %arg16[%add3A_5, %dma_wait3A] : memref<20224x128xf32, #tpu.memory_space<hbm>> -> memref<632x128xf32, #tpu.memory_space<hbm>>
      %dma_wait3A_95 = arith.constant 0 : i32
      %dma_wait3A_96 = tpu.memref_slice %arg22[%mul3A_2, %dma_wait3A_95] : memref<10112x128xf32, #tpu.memory_space<vmem_shared>> -> memref<632x128xf32, #tpu.memory_space<vmem_shared>>
      tpu.wait_dma2 semaphore(%run_scoped3A : memref<!tpu.dma_semaphore, #tpu.memory_space<semaphore_mem>>) src(%dma_wait3A_96 : memref<632x128xf32, #tpu.memory_space<vmem_shared>>) dst(%dma_wait3A_94 : memref<632x128xf32, #tpu.memory_space<hbm>>)
      tpu.yield
    }) : () -> ()
    "tpu.region"() ({
      %run_scoped3A = tpu.sem_alloc : memref<!tpu.dma_semaphore, #tpu.memory_space<semaphore_mem>>
      %dma_start3A_90 = arith.constant 0 : i32
      %dma_start3A_91 = tpu.memref_slice %arg19[%add3A, %dma_start3A_90] : memref<32x10112xf32, #tpu.memory_space<hbm>> -> memref<1x10112xf32, #tpu.memory_space<hbm>>
      %dma_start3A_92 = tpu.memref_squeeze %dma_start3A_91 : memref<1x10112xf32, #tpu.memory_space<hbm>> -> memref<10112xf32, #tpu.memory_space<hbm>>
      %dma_start3A_93 = arith.constant 0 : i32
      %dma_start3A_94 = tpu.memref_slice %arg19[%add3A, %dma_start3A_93] : memref<32x10112xf32, #tpu.memory_space<hbm>> -> memref<1x10112xf32, #tpu.memory_space<hbm>>
      %dma_start3A_95 = tpu.memref_squeeze %dma_start3A_94 : memref<1x10112xf32, #tpu.memory_space<hbm>> -> memref<10112xf32, #tpu.memory_space<hbm>>
      tpu.enqueue_dma source(%arg23 : memref<10112xf32, #tpu.memory_space<vmem>>) target(%dma_start3A_95 : memref<10112xf32, #tpu.memory_space<hbm>>) target_semaphore(%run_scoped3A : memref<!tpu.dma_semaphore, #tpu.memory_space<semaphore_mem>>)
      %dma_wait3A = arith.constant 0 : i32
      %dma_wait3A_96 = tpu.memref_slice %arg19[%add3A, %dma_wait3A] : memref<32x10112xf32, #tpu.memory_space<hbm>> -> memref<1x10112xf32, #tpu.memory_space<hbm>>
      %dma_wait3A_97 = tpu.memref_squeeze %dma_wait3A_96 : memref<1x10112xf32, #tpu.memory_space<hbm>> -> memref<10112xf32, #tpu.memory_space<hbm>>
      %dma_wait3A_98 = arith.constant 0 : i32
      %dma_wait3A_99 = tpu.memref_slice %arg19[%add3A, %dma_wait3A_98] : memref<32x10112xf32, #tpu.memory_space<hbm>> -> memref<1x10112xf32, #tpu.memory_space<hbm>>
      %dma_wait3A_100 = tpu.memref_squeeze %dma_wait3A_99 : memref<1x10112xf32, #tpu.memory_space<hbm>> -> memref<10112xf32, #tpu.memory_space<hbm>>
      tpu.wait_dma2 semaphore(%run_scoped3A : memref<!tpu.dma_semaphore, #tpu.memory_space<semaphore_mem>>) src(%arg23 : memref<10112xf32, #tpu.memory_space<vmem>>) dst(%dma_wait3A_100 : memref<10112xf32, #tpu.memory_space<hbm>>)
      tpu.yield
    }) : () -> ()
    %barrier3A_29 = arith.constant 0 : index
    tpu.barrier barrier_id(%barrier3A_29)
    "tpu.region"() ({
      %run_scoped3A = tpu.sem_alloc : memref<!tpu.dma_semaphore, #tpu.memory_space<semaphore_mem>>
      %dma_start3A_90 = arith.constant 0 : i32
      %dma_start3A_91 = tpu.memref_slice %arg22[%mul3A_2, %dma_start3A_90] : memref<10112x128xf32, #tpu.memory_space<vmem_shared>> -> memref<632x128xf32, #tpu.memory_space<vmem_shared>>
      tpu.enqueue_dma source(%arg14 : memref<632x128xf32, #tpu.memory_space<hbm>>) target(%dma_start3A_91 : memref<632x128xf32, #tpu.memory_space<vmem_shared>>) target_semaphore(%run_scoped3A : memref<!tpu.dma_semaphore, #tpu.memory_space<semaphore_mem>>)
      %dma_wait3A = arith.constant 0 : i32
      %dma_wait3A_92 = tpu.memref_slice %arg22[%mul3A_2, %dma_wait3A] : memref<10112x128xf32, #tpu.memory_space<vmem_shared>> -> memref<632x128xf32, #tpu.memory_space<vmem_shared>>
      tpu.wait_dma2 semaphore(%run_scoped3A : memref<!tpu.dma_semaphore, #tpu.memory_space<semaphore_mem>>) src(%arg14 : memref<632x128xf32, #tpu.memory_space<hbm>>) dst(%dma_wait3A_92 : memref<632x128xf32, #tpu.memory_space<vmem_shared>>)
      tpu.yield
    }) : () -> ()
    "tpu.region"() ({
      %run_scoped3A = tpu.sem_alloc : memref<!tpu.dma_semaphore, #tpu.memory_space<semaphore_mem>>
      tpu.enqueue_dma source(%arg15 : memref<10112xf32, #tpu.memory_space<hbm>>) target(%arg23 : memref<10112xf32, #tpu.memory_space<vmem>>) target_semaphore(%run_scoped3A : memref<!tpu.dma_semaphore, #tpu.memory_space<semaphore_mem>>)
      tpu.wait_dma2 semaphore(%run_scoped3A : memref<!tpu.dma_semaphore, #tpu.memory_space<semaphore_mem>>) src(%arg15 : memref<10112xf32, #tpu.memory_space<hbm>>) dst(%arg23 : memref<10112xf32, #tpu.memory_space<vmem>>)
      tpu.yield
    }) : () -> ()
    %barrier3A_30 = arith.constant 0 : index
    tpu.barrier barrier_id(%barrier3A_30)
    %mul3A_31 = arith.constant 80 : i32
    %mul3A_32 = arith.muli %add3A, %mul3A_31 : i32
    %add3A_33 = arith.constant 0 : i32
    %add3A_34 = arith.addi %mul3A_32, %add3A_33 : i32
    %lt3A_35 = arith.constant 31 : i32
    %lt3A_36 = arith.cmpi slt, %add3A, %lt3A_35 : i32
    %convert_element_type3A_37 = arith.extui %lt3A_36 : i1 to i32
    %cond3A_38 = arith.constant 0 : i32
    %cond3A_39 = arith.cmpi ne, %convert_element_type3A_37, %cond3A_38 : i32
    scf.if %cond3A_39 {
      "tpu.region"() ({
        %run_scoped3A = tpu.sem_alloc : memref<!tpu.dma_semaphore, #tpu.memory_space<semaphore_mem>>
        %dma_start3A_90 = arith.constant 0 : i32
        %dma_start3A_91 = tpu.memref_slice %arg6[%add3A_34, %dma_start3A_90] : memref<2500x128xi32, #tpu.memory_space<hbm>> -> memref<8x128xi32, #tpu.memory_space<hbm>>
        %dma_start3A_92 = arith.constant 0 : i32
        %dma_start3A_93 = tpu.memref_slice %arg6[%add3A_34, %dma_start3A_92] : memref<2500x128xi32, #tpu.memory_space<hbm>> -> memref<8x128xi32, #tpu.memory_space<hbm>>
        tpu.enqueue_dma source(%dma_start3A_93 : memref<8x128xi32, #tpu.memory_space<hbm>>) target(%arg24 : memref<8x128xi32, #tpu.memory_space<vmem>>) target_semaphore(%run_scoped3A : memref<!tpu.dma_semaphore, #tpu.memory_space<semaphore_mem>>)
        %dma_wait3A = arith.constant 0 : i32
        %dma_wait3A_94 = tpu.memref_slice %arg6[%add3A_34, %dma_wait3A] : memref<2500x128xi32, #tpu.memory_space<hbm>> -> memref<8x128xi32, #tpu.memory_space<hbm>>
        %dma_wait3A_95 = arith.constant 0 : i32
        %dma_wait3A_96 = tpu.memref_slice %arg6[%add3A_34, %dma_wait3A_95] : memref<2500x128xi32, #tpu.memory_space<hbm>> -> memref<8x128xi32, #tpu.memory_space<hbm>>
        tpu.wait_dma2 semaphore(%run_scoped3A : memref<!tpu.dma_semaphore, #tpu.memory_space<semaphore_mem>>) src(%dma_wait3A_96 : memref<8x128xi32, #tpu.memory_space<hbm>>) dst(%arg24 : memref<8x128xi32, #tpu.memory_space<vmem>>)
        tpu.yield
      }) : () -> ()
      "tpu.region"() ({
        %run_scoped3A = tpu.sem_alloc : memref<!tpu.dma_semaphore, #tpu.memory_space<semaphore_mem>>
        %dma_start3A_90 = arith.constant 0 : i32
        %dma_start3A_91 = tpu.memref_slice %arg7[%add3A_34, %dma_start3A_90] : memref<2500x128xi32, #tpu.memory_space<hbm>> -> memref<8x128xi32, #tpu.memory_space<hbm>>
        %dma_start3A_92 = arith.constant 0 : i32
        %dma_start3A_93 = tpu.memref_slice %arg7[%add3A_34, %dma_start3A_92] : memref<2500x128xi32, #tpu.memory_space<hbm>> -> memref<8x128xi32, #tpu.memory_space<hbm>>
        tpu.enqueue_dma source(%dma_start3A_93 : memref<8x128xi32, #tpu.memory_space<hbm>>) target(%arg25 : memref<8x128xi32, #tpu.memory_space<vmem>>) target_semaphore(%run_scoped3A : memref<!tpu.dma_semaphore, #tpu.memory_space<semaphore_mem>>)
        %dma_wait3A = arith.constant 0 : i32
        %dma_wait3A_94 = tpu.memref_slice %arg7[%add3A_34, %dma_wait3A] : memref<2500x128xi32, #tpu.memory_space<hbm>> -> memref<8x128xi32, #tpu.memory_space<hbm>>
        %dma_wait3A_95 = arith.constant 0 : i32
        %dma_wait3A_96 = tpu.memref_slice %arg7[%add3A_34, %dma_wait3A_95] : memref<2500x128xi32, #tpu.memory_space<hbm>> -> memref<8x128xi32, #tpu.memory_space<hbm>>
        tpu.wait_dma2 semaphore(%run_scoped3A : memref<!tpu.dma_semaphore, #tpu.memory_space<semaphore_mem>>) src(%dma_wait3A_96 : memref<8x128xi32, #tpu.memory_space<hbm>>) dst(%arg25 : memref<8x128xi32, #tpu.memory_space<vmem>>)
        tpu.yield
      }) : () -> ()
    } else {
    }
    %eq3A_40 = arith.constant 31 : i32
    %eq3A_41 = arith.cmpi eq, %add3A, %eq3A_40 : i32
    %convert_element_type3A_42 = arith.extui %eq3A_41 : i1 to i32
    %cond3A_43 = arith.constant 0 : i32
    %cond3A_44 = arith.cmpi ne, %convert_element_type3A_42, %cond3A_43 : i32
    scf.if %cond3A_44 {
      "tpu.region"() ({
        %run_scoped3A = tpu.sem_alloc : memref<!tpu.dma_semaphore, #tpu.memory_space<semaphore_mem>>
        %dma_start3A_90 = arith.constant 0 : i32
        %dma_start3A_91 = arith.constant 0 : i32
        %dma_start3A_92 = tpu.memref_slice %arg10[%dma_start3A_90, %dma_start3A_91] : memref<80x128xi32, #tpu.memory_space<hbm>> -> memref<8x128xi32, #tpu.memory_space<hbm>>
        %dma_start3A_93 = arith.constant 0 : i32
        %dma_start3A_94 = arith.constant 0 : i32
        %dma_start3A_95 = tpu.memref_slice %arg10[%dma_start3A_93, %dma_start3A_94] : memref<80x128xi32, #tpu.memory_space<hbm>> -> memref<8x128xi32, #tpu.memory_space<hbm>>
        tpu.enqueue_dma source(%dma_start3A_95 : memref<8x128xi32, #tpu.memory_space<hbm>>) target(%arg24 : memref<8x128xi32, #tpu.memory_space<vmem>>) target_semaphore(%run_scoped3A : memref<!tpu.dma_semaphore, #tpu.memory_space<semaphore_mem>>)
        %dma_wait3A = arith.constant 0 : i32
        %dma_wait3A_96 = arith.constant 0 : i32
        %dma_wait3A_97 = tpu.memref_slice %arg10[%dma_wait3A, %dma_wait3A_96] : memref<80x128xi32, #tpu.memory_space<hbm>> -> memref<8x128xi32, #tpu.memory_space<hbm>>
        %dma_wait3A_98 = arith.constant 0 : i32
        %dma_wait3A_99 = arith.constant 0 : i32
        %dma_wait3A_100 = tpu.memref_slice %arg10[%dma_wait3A_98, %dma_wait3A_99] : memref<80x128xi32, #tpu.memory_space<hbm>> -> memref<8x128xi32, #tpu.memory_space<hbm>>
        tpu.wait_dma2 semaphore(%run_scoped3A : memref<!tpu.dma_semaphore, #tpu.memory_space<semaphore_mem>>) src(%dma_wait3A_100 : memref<8x128xi32, #tpu.memory_space<hbm>>) dst(%arg24 : memref<8x128xi32, #tpu.memory_space<vmem>>)
        tpu.yield
      }) : () -> ()
      "tpu.region"() ({
        %run_scoped3A = tpu.sem_alloc : memref<!tpu.dma_semaphore, #tpu.memory_space<semaphore_mem>>
        %dma_start3A_90 = arith.constant 0 : i32
        %dma_start3A_91 = arith.constant 0 : i32
        %dma_start3A_92 = tpu.memref_slice %arg11[%dma_start3A_90, %dma_start3A_91] : memref<80x128xi32, #tpu.memory_space<hbm>> -> memref<8x128xi32, #tpu.memory_space<hbm>>
        %dma_start3A_93 = arith.constant 0 : i32
        %dma_start3A_94 = arith.constant 0 : i32
        %dma_start3A_95 = tpu.memref_slice %arg11[%dma_start3A_93, %dma_start3A_94] : memref<80x128xi32, #tpu.memory_space<hbm>> -> memref<8x128xi32, #tpu.memory_space<hbm>>
        tpu.enqueue_dma source(%dma_start3A_95 : memref<8x128xi32, #tpu.memory_space<hbm>>) target(%arg25 : memref<8x128xi32, #tpu.memory_space<vmem>>) target_semaphore(%run_scoped3A : memref<!tpu.dma_semaphore, #tpu.memory_space<semaphore_mem>>)
        %dma_wait3A = arith.constant 0 : i32
        %dma_wait3A_96 = arith.constant 0 : i32
        %dma_wait3A_97 = tpu.memref_slice %arg11[%dma_wait3A, %dma_wait3A_96] : memref<80x128xi32, #tpu.memory_space<hbm>> -> memref<8x128xi32, #tpu.memory_space<hbm>>
        %dma_wait3A_98 = arith.constant 0 : i32
        %dma_wait3A_99 = arith.constant 0 : i32
        %dma_wait3A_100 = tpu.memref_slice %arg11[%dma_wait3A_98, %dma_wait3A_99] : memref<80x128xi32, #tpu.memory_space<hbm>> -> memref<8x128xi32, #tpu.memory_space<hbm>>
        tpu.wait_dma2 semaphore(%run_scoped3A : memref<!tpu.dma_semaphore, #tpu.memory_space<semaphore_mem>>) src(%dma_wait3A_100 : memref<8x128xi32, #tpu.memory_space<hbm>>) dst(%arg25 : memref<8x128xi32, #tpu.memory_space<vmem>>)
        tpu.yield
      }) : () -> ()
    } else {
    }
    %dma_start3A_45 = arith.constant 0 : i32
    %dma_start3A_46 = arith.constant 0 : i32
    %dma_start3A_47 = tpu.memref_slice %arg24[%dma_start3A_45, %dma_start3A_46] : memref<8x128xi32, #tpu.memory_space<vmem>> -> memref<1x128xi32, #tpu.memory_space<vmem>>
    %dma_start3A_48 = tpu.memref_squeeze %dma_start3A_47 : memref<1x128xi32, #tpu.memory_space<vmem>> -> memref<128xi32, #tpu.memory_space<vmem>>
    %dma_start3A_49 = arith.constant 0 : i32
    %dma_start3A_50 = arith.constant 0 : i32
    %dma_start3A_51 = tpu.memref_slice %arg2[%dma_start3A_49, %dma_start3A_50] : memref<10000x128xf32, #tpu.memory_space<hbm>> -> memref<10000x128xf32, #tpu.memory_space<hbm>>
    tpu.enqueue_indirect_dma source(%dma_start3A_51 : memref<10000x128xf32, #tpu.memory_space<hbm>>) target(%arg28 : memref<128x128xf32, #tpu.memory_space<vmem>>) offsets(%dma_start3A_48 : memref<128xi32, #tpu.memory_space<vmem>>) semaphore(%arg30 : memref<!tpu.dma_semaphore, #tpu.memory_space<semaphore_mem>>)
    %scan3A_52 = arith.constant 0 : i32
    %scan3A_53 = arith.constant 0 : i32
    %scan3A_54 = arith.constant 5 : i32
    %scan3A_55 = arith.addi %scan3A_53, %scan3A_54 : i32
    %scan3A_56 = arith.constant 1 : i32
    scf.for %scan3A_90 = %scan3A_53 to %scan3A_55 step %scan3A_56  : i32 {
      %mul3A_91 = arith.constant 2 : i32
      %mul3A_92 = arith.muli %mul3A_91, %scan3A_90 : i32
      %add3A_93 = arith.constant 1 : i32
      %add3A_94 = arith.addi %mul3A_92, %add3A_93 : i32
      %mul3A_95 = arith.constant 80 : i32
      %mul3A_96 = arith.muli %add3A, %mul3A_95 : i32
      %mul3A_97 = arith.constant 8 : i32
      %mul3A_98 = arith.muli %add3A_94, %mul3A_97 : i32
      %add3A_99 = arith.addi %mul3A_96, %mul3A_98 : i32
      %lt3A_100 = arith.constant 31 : i32
      %lt3A_101 = arith.cmpi slt, %add3A, %lt3A_100 : i32
      %convert_element_type3A_102 = arith.extui %lt3A_101 : i1 to i32
      %cond3A_103 = arith.constant 0 : i32
      %cond3A_104 = arith.cmpi ne, %convert_element_type3A_102, %cond3A_103 : i32
      scf.if %cond3A_104 {
        "tpu.region"() ({
          %run_scoped3A_311 = tpu.sem_alloc : memref<!tpu.dma_semaphore, #tpu.memory_space<semaphore_mem>>
          %dma_start3A_312 = arith.constant 0 : i32
          %dma_start3A_313 = tpu.memref_slice %arg6[%add3A_99, %dma_start3A_312] : memref<2500x128xi32, #tpu.memory_space<hbm>> -> memref<8x128xi32, #tpu.memory_space<hbm>>
          %dma_start3A_314 = arith.constant 0 : i32
          %dma_start3A_315 = tpu.memref_slice %arg6[%add3A_99, %dma_start3A_314] : memref<2500x128xi32, #tpu.memory_space<hbm>> -> memref<8x128xi32, #tpu.memory_space<hbm>>
          tpu.enqueue_dma source(%dma_start3A_315 : memref<8x128xi32, #tpu.memory_space<hbm>>) target(%arg26 : memref<8x128xi32, #tpu.memory_space<vmem>>) target_semaphore(%run_scoped3A_311 : memref<!tpu.dma_semaphore, #tpu.memory_space<semaphore_mem>>)
          %dma_wait3A_316 = arith.constant 0 : i32
          %dma_wait3A_317 = tpu.memref_slice %arg6[%add3A_99, %dma_wait3A_316] : memref<2500x128xi32, #tpu.memory_space<hbm>> -> memref<8x128xi32, #tpu.memory_space<hbm>>
          %dma_wait3A_318 = arith.constant 0 : i32
          %dma_wait3A_319 = tpu.memref_slice %arg6[%add3A_99, %dma_wait3A_318] : memref<2500x128xi32, #tpu.memory_space<hbm>> -> memref<8x128xi32, #tpu.memory_space<hbm>>
          tpu.wait_dma2 semaphore(%run_scoped3A_311 : memref<!tpu.dma_semaphore, #tpu.memory_space<semaphore_mem>>) src(%dma_wait3A_319 : memref<8x128xi32, #tpu.memory_space<hbm>>) dst(%arg26 : memref<8x128xi32, #tpu.memory_space<vmem>>)
          tpu.yield
        }) : () -> ()
        "tpu.region"() ({
          %run_scoped3A_311 = tpu.sem_alloc : memref<!tpu.dma_semaphore, #tpu.memory_space<semaphore_mem>>
          %dma_start3A_312 = arith.constant 0 : i32
          %dma_start3A_313 = tpu.memref_slice %arg7[%add3A_99, %dma_start3A_312] : memref<2500x128xi32, #tpu.memory_space<hbm>> -> memref<8x128xi32, #tpu.memory_space<hbm>>
          %dma_start3A_314 = arith.constant 0 : i32
          %dma_start3A_315 = tpu.memref_slice %arg7[%add3A_99, %dma_start3A_314] : memref<2500x128xi32, #tpu.memory_space<hbm>> -> memref<8x128xi32, #tpu.memory_space<hbm>>
          tpu.enqueue_dma source(%dma_start3A_315 : memref<8x128xi32, #tpu.memory_space<hbm>>) target(%arg27 : memref<8x128xi32, #tpu.memory_space<vmem>>) target_semaphore(%run_scoped3A_311 : memref<!tpu.dma_semaphore, #tpu.memory_space<semaphore_mem>>)
          %dma_wait3A_316 = arith.constant 0 : i32
          %dma_wait3A_317 = tpu.memref_slice %arg7[%add3A_99, %dma_wait3A_316] : memref<2500x128xi32, #tpu.memory_space<hbm>> -> memref<8x128xi32, #tpu.memory_space<hbm>>
          %dma_wait3A_318 = arith.constant 0 : i32
          %dma_wait3A_319 = tpu.memref_slice %arg7[%add3A_99, %dma_wait3A_318] : memref<2500x128xi32, #tpu.memory_space<hbm>> -> memref<8x128xi32, #tpu.memory_space<hbm>>
          tpu.wait_dma2 semaphore(%run_scoped3A_311 : memref<!tpu.dma_semaphore, #tpu.memory_space<semaphore_mem>>) src(%dma_wait3A_319 : memref<8x128xi32, #tpu.memory_space<hbm>>) dst(%arg27 : memref<8x128xi32, #tpu.memory_space<vmem>>)
          tpu.yield
        }) : () -> ()
      } else {
      }
      %eq3A_105 = arith.constant 31 : i32
      %eq3A_106 = arith.cmpi eq, %add3A, %eq3A_105 : i32
      %convert_element_type3A_107 = arith.extui %eq3A_106 : i1 to i32
      %cond3A_108 = arith.constant 0 : i32
      %cond3A_109 = arith.cmpi ne, %convert_element_type3A_107, %cond3A_108 : i32
      scf.if %cond3A_109 {
        %mul3A_311 = arith.constant 8 : i32
        %mul3A_312 = arith.muli %add3A_94, %mul3A_311 : i32
        "tpu.region"() ({
          %run_scoped3A_315 = tpu.sem_alloc : memref<!tpu.dma_semaphore, #tpu.memory_space<semaphore_mem>>
          %dma_start3A_316 = arith.constant 0 : i32
          %dma_start3A_317 = tpu.memref_slice %arg10[%mul3A_312, %dma_start3A_316] : memref<80x128xi32, #tpu.memory_space<hbm>> -> memref<8x128xi32, #tpu.memory_space<hbm>>
          %dma_start3A_318 = arith.constant 0 : i32
          %dma_start3A_319 = tpu.memref_slice %arg10[%mul3A_312, %dma_start3A_318] : memref<80x128xi32, #tpu.memory_space<hbm>> -> memref<8x128xi32, #tpu.memory_space<hbm>>
          tpu.enqueue_dma source(%dma_start3A_319 : memref<8x128xi32, #tpu.memory_space<hbm>>) target(%arg26 : memref<8x128xi32, #tpu.memory_space<vmem>>) target_semaphore(%run_scoped3A_315 : memref<!tpu.dma_semaphore, #tpu.memory_space<semaphore_mem>>)
          %dma_wait3A_320 = arith.constant 0 : i32
          %dma_wait3A_321 = tpu.memref_slice %arg10[%mul3A_312, %dma_wait3A_320] : memref<80x128xi32, #tpu.memory_space<hbm>> -> memref<8x128xi32, #tpu.memory_space<hbm>>
          %dma_wait3A_322 = arith.constant 0 : i32
          %dma_wait3A_323 = tpu.memref_slice %arg10[%mul3A_312, %dma_wait3A_322] : memref<80x128xi32, #tpu.memory_space<hbm>> -> memref<8x128xi32, #tpu.memory_space<hbm>>
          tpu.wait_dma2 semaphore(%run_scoped3A_315 : memref<!tpu.dma_semaphore, #tpu.memory_space<semaphore_mem>>) src(%dma_wait3A_323 : memref<8x128xi32, #tpu.memory_space<hbm>>) dst(%arg26 : memref<8x128xi32, #tpu.memory_space<vmem>>)
          tpu.yield
        }) : () -> ()
        %mul3A_313 = arith.constant 8 : i32
        %mul3A_314 = arith.muli %add3A_94, %mul3A_313 : i32
        "tpu.region"() ({
          %run_scoped3A_315 = tpu.sem_alloc : memref<!tpu.dma_semaphore, #tpu.memory_space<semaphore_mem>>
          %dma_start3A_316 = arith.constant 0 : i32
          %dma_start3A_317 = tpu.memref_slice %arg11[%mul3A_314, %dma_start3A_316] : memref<80x128xi32, #tpu.memory_space<hbm>> -> memref<8x128xi32, #tpu.memory_space<hbm>>
          %dma_start3A_318 = arith.constant 0 : i32
          %dma_start3A_319 = tpu.memref_slice %arg11[%mul3A_314, %dma_start3A_318] : memref<80x128xi32, #tpu.memory_space<hbm>> -> memref<8x128xi32, #tpu.memory_space<hbm>>
          tpu.enqueue_dma source(%dma_start3A_319 : memref<8x128xi32, #tpu.memory_space<hbm>>) target(%arg27 : memref<8x128xi32, #tpu.memory_space<vmem>>) target_semaphore(%run_scoped3A_315 : memref<!tpu.dma_semaphore, #tpu.memory_space<semaphore_mem>>)
          %dma_wait3A_320 = arith.constant 0 : i32
          %dma_wait3A_321 = tpu.memref_slice %arg11[%mul3A_314, %dma_wait3A_320] : memref<80x128xi32, #tpu.memory_space<hbm>> -> memref<8x128xi32, #tpu.memory_space<hbm>>
          %dma_wait3A_322 = arith.constant 0 : i32
          %dma_wait3A_323 = tpu.memref_slice %arg11[%mul3A_314, %dma_wait3A_322] : memref<80x128xi32, #tpu.memory_space<hbm>> -> memref<8x128xi32, #tpu.memory_space<hbm>>
          tpu.wait_dma2 semaphore(%run_scoped3A_315 : memref<!tpu.dma_semaphore, #tpu.memory_space<semaphore_mem>>) src(%dma_wait3A_323 : memref<8x128xi32, #tpu.memory_space<hbm>>) dst(%arg27 : memref<8x128xi32, #tpu.memory_space<vmem>>)
          tpu.yield
        }) : () -> ()
      } else {
      }
      %scan3A_110 = arith.constant 0 : i32
      %scan3A_111 = arith.constant 0 : i32
      %scan3A_112 = arith.constant 3 : i32
      %scan3A_113 = arith.addi %scan3A_111, %scan3A_112 : i32
      %scan3A_114 = arith.constant 1 : i32
      scf.for %scan3A_311 = %scan3A_111 to %scan3A_113 step %scan3A_114  : i32 {
        %mul3A_312 = arith.constant 2 : i32
        %mul3A_313 = arith.muli %mul3A_312, %scan3A_311 : i32
        %add3A_314 = arith.constant 1 : i32
        %add3A_315 = arith.addi %mul3A_313, %add3A_314 : i32
        %dma_start3A_316 = arith.constant 0 : i32
        %dma_start3A_317 = tpu.memref_slice %arg24[%add3A_315, %dma_start3A_316] : memref<8x128xi32, #tpu.memory_space<vmem>> -> memref<1x128xi32, #tpu.memory_space<vmem>>
        %dma_start3A_318 = tpu.memref_squeeze %dma_start3A_317 : memref<1x128xi32, #tpu.memory_space<vmem>> -> memref<128xi32, #tpu.memory_space<vmem>>
        %dma_start3A_319 = arith.constant 0 : i32
        %dma_start3A_320 = arith.constant 0 : i32
        %dma_start3A_321 = tpu.memref_slice %arg2[%dma_start3A_319, %dma_start3A_320] : memref<10000x128xf32, #tpu.memory_space<hbm>> -> memref<10000x128xf32, #tpu.memory_space<hbm>>
        tpu.enqueue_indirect_dma source(%dma_start3A_321 : memref<10000x128xf32, #tpu.memory_space<hbm>>) target(%arg29 : memref<128x128xf32, #tpu.memory_space<vmem>>) offsets(%dma_start3A_318 : memref<128xi32, #tpu.memory_space<vmem>>) semaphore(%arg31 : memref<!tpu.dma_semaphore, #tpu.memory_space<semaphore_mem>>)
        %get3A_322 = arith.index_cast %mul3A_313 : i32 to index
        %get3A_323 = arith.constant 0 : index
        %get3A_324 = tpu.vector_load %arg25[%get3A_322, %get3A_323] {strides = array<i32>} : memref<8x128xi32, #tpu.memory_space<vmem>>, vector<16xi32>,
        tpu.vector_store_idx %arg23[%get3A_324], %broadcast_in_dim3A_6 {add = true} : memref<10112xf32, #tpu.memory_space<vmem>>[vector<16xi32>], vector<16xf32>,
        %get3A_325 = arith.index_cast %mul3A_313 : i32 to index
        %get3A_326 = arith.constant 16 : index
        %get3A_327 = tpu.vector_load %arg25[%get3A_325, %get3A_326] {strides = array<i32>} : memref<8x128xi32, #tpu.memory_space<vmem>>, vector<16xi32>,
        tpu.vector_store_idx %arg23[%get3A_327], %broadcast_in_dim3A_6 {add = true} : memref<10112xf32, #tpu.memory_space<vmem>>[vector<16xi32>], vector<16xf32>,
        %get3A_328 = arith.index_cast %mul3A_313 : i32 to index
        %get3A_329 = arith.constant 32 : index
        %get3A_330 = tpu.vector_load %arg25[%get3A_328, %get3A_329] {strides = array<i32>} : memref<8x128xi32, #tpu.memory_space<vmem>>, vector<16xi32>,
        tpu.vector_store_idx %arg23[%get3A_330], %broadcast_in_dim3A_6 {add = true} : memref<10112xf32, #tpu.memory_space<vmem>>[vector<16xi32>], vector<16xf32>,
        %get3A_331 = arith.index_cast %mul3A_313 : i32 to index
        %get3A_332 = arith.constant 48 : index
        %get3A_333 = tpu.vector_load %arg25[%get3A_331, %get3A_332] {strides = array<i32>} : memref<8x128xi32, #tpu.memory_space<vmem>>, vector<16xi32>,
        tpu.vector_store_idx %arg23[%get3A_333], %broadcast_in_dim3A_6 {add = true} : memref<10112xf32, #tpu.memory_space<vmem>>[vector<16xi32>], vector<16xf32>,
        %get3A_334 = arith.index_cast %mul3A_313 : i32 to index
        %get3A_335 = arith.constant 64 : index
        %get3A_336 = tpu.vector_load %arg25[%get3A_334, %get3A_335] {strides = array<i32>} : memref<8x128xi32, #tpu.memory_space<vmem>>, vector<16xi32>,
        tpu.vector_store_idx %arg23[%get3A_336], %broadcast_in_dim3A_6 {add = true} : memref<10112xf32, #tpu.memory_space<vmem>>[vector<16xi32>], vector<16xf32>,
        %get3A_337 = arith.index_cast %mul3A_313 : i32 to index
        %get3A_338 = arith.constant 80 : index
        %get3A_339 = tpu.vector_load %arg25[%get3A_337, %get3A_338] {strides = array<i32>} : memref<8x128xi32, #tpu.memory_space<vmem>>, vector<16xi32>,
        tpu.vector_store_idx %arg23[%get3A_339], %broadcast_in_dim3A_6 {add = true} : memref<10112xf32, #tpu.memory_space<vmem>>[vector<16xi32>], vector<16xf32>,
        %get3A_340 = arith.index_cast %mul3A_313 : i32 to index
        %get3A_341 = arith.constant 96 : index
        %get3A_342 = tpu.vector_load %arg25[%get3A_340, %get3A_341] {strides = array<i32>} : memref<8x128xi32, #tpu.memory_space<vmem>>, vector<16xi32>,
        tpu.vector_store_idx %arg23[%get3A_342], %broadcast_in_dim3A_6 {add = true} : memref<10112xf32, #tpu.memory_space<vmem>>[vector<16xi32>], vector<16xf32>,
        %get3A_343 = arith.index_cast %mul3A_313 : i32 to index
        %get3A_344 = arith.constant 112 : index
        %get3A_345 = tpu.vector_load %arg25[%get3A_343, %get3A_344] {strides = array<i32>} : memref<8x128xi32, #tpu.memory_space<vmem>>, vector<16xi32>,
        tpu.vector_store_idx %arg23[%get3A_345], %broadcast_in_dim3A_6 {add = true} : memref<10112xf32, #tpu.memory_space<vmem>>[vector<16xi32>], vector<16xf32>,
        %dma_wait3A_346 = arith.constant 0 : i32
        %dma_wait3A_347 = tpu.memref_slice %arg24[%mul3A_313, %dma_wait3A_346] : memref<8x128xi32, #tpu.memory_space<vmem>> -> memref<1x128xi32, #tpu.memory_space<vmem>>
        %dma_wait3A_348 = tpu.memref_squeeze %dma_wait3A_347 : memref<1x128xi32, #tpu.memory_space<vmem>> -> memref<128xi32, #tpu.memory_space<vmem>>
        %dma_wait3A_349 = arith.constant 0 : i32
        %dma_wait3A_350 = arith.constant 0 : i32
        %dma_wait3A_351 = tpu.memref_slice %arg2[%dma_wait3A_349, %dma_wait3A_350] : memref<10000x128xf32, #tpu.memory_space<hbm>> -> memref<10000x128xf32, #tpu.memory_space<hbm>>
        tpu.wait_indirect_dma semaphore(%arg30 : memref<!tpu.dma_semaphore, #tpu.memory_space<semaphore_mem>>) src(%dma_wait3A_351 : memref<10000x128xf32, #tpu.memory_space<hbm>>) dst(%arg28 : memref<128x128xf32, #tpu.memory_space<vmem>>)
        "tpu.region"() ({
          %run_scoped3A_394 = tpu.sem_alloc : memref<!tpu.dma_semaphore, #tpu.memory_space<semaphore_mem>>
          %dma_start3A_395 = arith.constant 0 : i32
          %dma_start3A_396 = tpu.memref_slice %arg25[%mul3A_313, %dma_start3A_395] : memref<8x128xi32, #tpu.memory_space<vmem>> -> memref<1x128xi32, #tpu.memory_space<vmem>>
          %dma_start3A_397 = tpu.memref_squeeze %dma_start3A_396 : memref<1x128xi32, #tpu.memory_space<vmem>> -> memref<128xi32, #tpu.memory_space<vmem>>
          %dma_start3A_398 = arith.constant 0 : i32
          %dma_start3A_399 = arith.constant 0 : i32
          %dma_start3A_400 = tpu.memref_slice %arg22[%dma_start3A_398, %dma_start3A_399] : memref<10112x128xf32, #tpu.memory_space<vmem_shared>> -> memref<10112x128xf32, #tpu.memory_space<vmem_shared>>
          tpu.enqueue_indirect_dma source(%arg28 : memref<128x128xf32, #tpu.memory_space<vmem>>) target(%dma_start3A_400 : memref<10112x128xf32, #tpu.memory_space<vmem_shared>>) offsets(%dma_start3A_397 : memref<128xi32, #tpu.memory_space<vmem>>) semaphore(%run_scoped3A_394 : memref<!tpu.dma_semaphore, #tpu.memory_space<semaphore_mem>>) {add = true}
          %dma_wait3A_401 = arith.constant 0 : i32
          %dma_wait3A_402 = tpu.memref_slice %arg25[%mul3A_313, %dma_wait3A_401] : memref<8x128xi32, #tpu.memory_space<vmem>> -> memref<1x128xi32, #tpu.memory_space<vmem>>
          %dma_wait3A_403 = tpu.memref_squeeze %dma_wait3A_402 : memref<1x128xi32, #tpu.memory_space<vmem>> -> memref<128xi32, #tpu.memory_space<vmem>>
          %dma_wait3A_404 = arith.constant 0 : i32
          %dma_wait3A_405 = arith.constant 0 : i32
          %dma_wait3A_406 = tpu.memref_slice %arg22[%dma_wait3A_404, %dma_wait3A_405] : memref<10112x128xf32, #tpu.memory_space<vmem_shared>> -> memref<10112x128xf32, #tpu.memory_space<vmem_shared>>
          tpu.wait_indirect_dma semaphore(%run_scoped3A_394 : memref<!tpu.dma_semaphore, #tpu.memory_space<semaphore_mem>>) src(%arg28 : memref<128x128xf32, #tpu.memory_space<vmem>>) dst(%dma_wait3A_406 : memref<10112x128xf32, #tpu.memory_space<vmem_shared>>)
          tpu.yield
        }) : () -> ()
        %add3A_352 = arith.constant 2 : i32
        %add3A_353 = arith.addi %mul3A_313, %add3A_352 : i32
        %dma_start3A_354 = arith.constant 0 : i32
        %dma_start3A_355 = tpu.memref_slice %arg24[%add3A_353, %dma_start3A_354] : memref<8x128xi32, #tpu.memory_space<vmem>> -> memref<1x128xi32, #tpu.memory_space<vmem>>
        %dma_start3A_356 = tpu.memref_squeeze %dma_start3A_355 : memref<1x128xi32, #tpu.memory_space<vmem>> -> memref<128xi32, #tpu.memory_space<vmem>>
        %dma_start3A_357 = arith.constant 0 : i32
        %dma_start3A_358 = arith.constant 0 : i32
        %dma_start3A_359 = tpu.memref_slice %arg2[%dma_start3A_357, %dma_start3A_358] : memref<10000x128xf32, #tpu.memory_space<hbm>> -> memref<10000x128xf32, #tpu.memory_space<hbm>>
        tpu.enqueue_indirect_dma source(%dma_start3A_359 : memref<10000x128xf32, #tpu.memory_space<hbm>>) target(%arg28 : memref<128x128xf32, #tpu.memory_space<vmem>>) offsets(%dma_start3A_356 : memref<128xi32, #tpu.memory_space<vmem>>) semaphore(%arg30 : memref<!tpu.dma_semaphore, #tpu.memory_space<semaphore_mem>>)
        %add3A_360 = arith.constant 1 : i32
        %add3A_361 = arith.addi %mul3A_313, %add3A_360 : i32
        %get3A_362 = arith.index_cast %add3A_361 : i32 to index
        %get3A_363 = arith.constant 0 : index
        %get3A_364 = tpu.vector_load %arg25[%get3A_362, %get3A_363] {strides = array<i32>} : memref<8x128xi32, #tpu.memory_space<vmem>>, vector<16xi32>,
        tpu.vector_store_idx %arg23[%get3A_364], %broadcast_in_dim3A_6 {add = true} : memref<10112xf32, #tpu.memory_space<vmem>>[vector<16xi32>], vector<16xf32>,
        %get3A_365 = arith.index_cast %add3A_361 : i32 to index
        %get3A_366 = arith.constant 16 : index
        %get3A_367 = tpu.vector_load %arg25[%get3A_365, %get3A_366] {strides = array<i32>} : memref<8x128xi32, #tpu.memory_space<vmem>>, vector<16xi32>,
        tpu.vector_store_idx %arg23[%get3A_367], %broadcast_in_dim3A_6 {add = true} : memref<10112xf32, #tpu.memory_space<vmem>>[vector<16xi32>], vector<16xf32>,
        %get3A_368 = arith.index_cast %add3A_361 : i32 to index
        %get3A_369 = arith.constant 32 : index
        %get3A_370 = tpu.vector_load %arg25[%get3A_368, %get3A_369] {strides = array<i32>} : memref<8x128xi32, #tpu.memory_space<vmem>>, vector<16xi32>,
        tpu.vector_store_idx %arg23[%get3A_370], %broadcast_in_dim3A_6 {add = true} : memref<10112xf32, #tpu.memory_space<vmem>>[vector<16xi32>], vector<16xf32>,
        %get3A_371 = arith.index_cast %add3A_361 : i32 to index
        %get3A_372 = arith.constant 48 : index
        %get3A_373 = tpu.vector_load %arg25[%get3A_371, %get3A_372] {strides = array<i32>} : memref<8x128xi32, #tpu.memory_space<vmem>>, vector<16xi32>,
        tpu.vector_store_idx %arg23[%get3A_373], %broadcast_in_dim3A_6 {add = true} : memref<10112xf32, #tpu.memory_space<vmem>>[vector<16xi32>], vector<16xf32>,
        %get3A_374 = arith.index_cast %add3A_361 : i32 to index
        %get3A_375 = arith.constant 64 : index
        %get3A_376 = tpu.vector_load %arg25[%get3A_374, %get3A_375] {strides = array<i32>} : memref<8x128xi32, #tpu.memory_space<vmem>>, vector<16xi32>,
        tpu.vector_store_idx %arg23[%get3A_376], %broadcast_in_dim3A_6 {add = true} : memref<10112xf32, #tpu.memory_space<vmem>>[vector<16xi32>], vector<16xf32>,
        %get3A_377 = arith.index_cast %add3A_361 : i32 to index
        %get3A_378 = arith.constant 80 : index
        %get3A_379 = tpu.vector_load %arg25[%get3A_377, %get3A_378] {strides = array<i32>} : memref<8x128xi32, #tpu.memory_space<vmem>>, vector<16xi32>,
        tpu.vector_store_idx %arg23[%get3A_379], %broadcast_in_dim3A_6 {add = true} : memref<10112xf32, #tpu.memory_space<vmem>>[vector<16xi32>], vector<16xf32>,
        %get3A_380 = arith.index_cast %add3A_361 : i32 to index
        %get3A_381 = arith.constant 96 : index
        %get3A_382 = tpu.vector_load %arg25[%get3A_380, %get3A_381] {strides = array<i32>} : memref<8x128xi32, #tpu.memory_space<vmem>>, vector<16xi32>,
        tpu.vector_store_idx %arg23[%get3A_382], %broadcast_in_dim3A_6 {add = true} : memref<10112xf32, #tpu.memory_space<vmem>>[vector<16xi32>], vector<16xf32>,
        %get3A_383 = arith.index_cast %add3A_361 : i32 to index
        %get3A_384 = arith.constant 112 : index
        %get3A_385 = tpu.vector_load %arg25[%get3A_383, %get3A_384] {strides = array<i32>} : memref<8x128xi32, #tpu.memory_space<vmem>>, vector<16xi32>,
        tpu.vector_store_idx %arg23[%get3A_385], %broadcast_in_dim3A_6 {add = true} : memref<10112xf32, #tpu.memory_space<vmem>>[vector<16xi32>], vector<16xf32>,
        %add3A_386 = arith.constant 1 : i32
        %add3A_387 = arith.addi %mul3A_313, %add3A_386 : i32
        %dma_wait3A_388 = arith.constant 0 : i32
        %dma_wait3A_389 = tpu.memref_slice %arg24[%add3A_387, %dma_wait3A_388] : memref<8x128xi32, #tpu.memory_space<vmem>> -> memref<1x128xi32, #tpu.memory_space<vmem>>
        %dma_wait3A_390 = tpu.memref_squeeze %dma_wait3A_389 : memref<1x128xi32, #tpu.memory_space<vmem>> -> memref<128xi32, #tpu.memory_space<vmem>>
        %dma_wait3A_391 = arith.constant 0 : i32
        %dma_wait3A_392 = arith.constant 0 : i32
        %dma_wait3A_393 = tpu.memref_slice %arg2[%dma_wait3A_391, %dma_wait3A_392] : memref<10000x128xf32, #tpu.memory_space<hbm>> -> memref<10000x128xf32, #tpu.memory_space<hbm>>
        tpu.wait_indirect_dma semaphore(%arg31 : memref<!tpu.dma_semaphore, #tpu.memory_space<semaphore_mem>>) src(%dma_wait3A_393 : memref<10000x128xf32, #tpu.memory_space<hbm>>) dst(%arg29 : memref<128x128xf32, #tpu.memory_space<vmem>>)
        "tpu.region"() ({
          %run_scoped3A_394 = tpu.sem_alloc : memref<!tpu.dma_semaphore, #tpu.memory_space<semaphore_mem>>
          %dma_start3A_395 = arith.constant 0 : i32
          %dma_start3A_396 = tpu.memref_slice %arg25[%add3A_387, %dma_start3A_395] : memref<8x128xi32, #tpu.memory_space<vmem>> -> memref<1x128xi32, #tpu.memory_space<vmem>>
          %dma_start3A_397 = tpu.memref_squeeze %dma_start3A_396 : memref<1x128xi32, #tpu.memory_space<vmem>> -> memref<128xi32, #tpu.memory_space<vmem>>
          %dma_start3A_398 = arith.constant 0 : i32
          %dma_start3A_399 = arith.constant 0 : i32
          %dma_start3A_400 = tpu.memref_slice %arg22[%dma_start3A_398, %dma_start3A_399] : memref<10112x128xf32, #tpu.memory_space<vmem_shared>> -> memref<10112x128xf32, #tpu.memory_space<vmem_shared>>
          tpu.enqueue_indirect_dma source(%arg29 : memref<128x128xf32, #tpu.memory_space<vmem>>) target(%dma_start3A_400 : memref<10112x128xf32, #tpu.memory_space<vmem_shared>>) offsets(%dma_start3A_397 : memref<128xi32, #tpu.memory_space<vmem>>) semaphore(%run_scoped3A_394 : memref<!tpu.dma_semaphore, #tpu.memory_space<semaphore_mem>>) {add = true}
          %dma_wait3A_401 = arith.constant 0 : i32
          %dma_wait3A_402 = tpu.memref_slice %arg25[%add3A_387, %dma_wait3A_401] : memref<8x128xi32, #tpu.memory_space<vmem>> -> memref<1x128xi32, #tpu.memory_space<vmem>>
          %dma_wait3A_403 = tpu.memref_squeeze %dma_wait3A_402 : memref<1x128xi32, #tpu.memory_space<vmem>> -> memref<128xi32, #tpu.memory_space<vmem>>
          %dma_wait3A_404 = arith.constant 0 : i32
          %dma_wait3A_405 = arith.constant 0 : i32
          %dma_wait3A_406 = tpu.memref_slice %arg22[%dma_wait3A_404, %dma_wait3A_405] : memref<10112x128xf32, #tpu.memory_space<vmem_shared>> -> memref<10112x128xf32, #tpu.memory_space<vmem_shared>>
          tpu.wait_indirect_dma semaphore(%run_scoped3A_394 : memref<!tpu.dma_semaphore, #tpu.memory_space<semaphore_mem>>) src(%arg29 : memref<128x128xf32, #tpu.memory_space<vmem>>) dst(%dma_wait3A_406 : memref<10112x128xf32, #tpu.memory_space<vmem_shared>>)
          tpu.yield
        }) : () -> ()
      }
      %scan3A_115 = arith.constant 3 : i32
      %dma_start3A_116 = arith.constant 7 : i32
      %dma_start3A_117 = arith.constant 0 : i32
      %dma_start3A_118 = tpu.memref_slice %arg24[%dma_start3A_116, %dma_start3A_117] : memref<8x128xi32, #tpu.memory_space<vmem>> -> memref<1x128xi32, #tpu.memory_space<vmem>>
      %dma_start3A_119 = tpu.memref_squeeze %dma_start3A_118 : memref<1x128xi32, #tpu.memory_space<vmem>> -> memref<128xi32, #tpu.memory_space<vmem>>
      %dma_start3A_120 = arith.constant 0 : i32
      %dma_start3A_121 = arith.constant 0 : i32
      %dma_start3A_122 = tpu.memref_slice %arg2[%dma_start3A_120, %dma_start3A_121] : memref<10000x128xf32, #tpu.memory_space<hbm>> -> memref<10000x128xf32, #tpu.memory_space<hbm>>
      tpu.enqueue_indirect_dma source(%dma_start3A_122 : memref<10000x128xf32, #tpu.memory_space<hbm>>) target(%arg29 : memref<128x128xf32, #tpu.memory_space<vmem>>) offsets(%dma_start3A_119 : memref<128xi32, #tpu.memory_space<vmem>>) semaphore(%arg31 : memref<!tpu.dma_semaphore, #tpu.memory_space<semaphore_mem>>)
      %get3A = arith.constant 6 : i32
      %get3A_123 = arith.index_cast %get3A : i32 to index
      %get3A_124 = arith.constant 0 : index
      %get3A_125 = tpu.vector_load %arg25[%get3A_123, %get3A_124] {strides = array<i32>} : memref<8x128xi32, #tpu.memory_space<vmem>>, vector<16xi32>,
      tpu.vector_store_idx %arg23[%get3A_125], %broadcast_in_dim3A_6 {add = true} : memref<10112xf32, #tpu.memory_space<vmem>>[vector<16xi32>], vector<16xf32>,
      %get3A_126 = arith.constant 6 : i32
      %get3A_127 = arith.index_cast %get3A_126 : i32 to index
      %get3A_128 = arith.constant 16 : index
      %get3A_129 = tpu.vector_load %arg25[%get3A_127, %get3A_128] {strides = array<i32>} : memref<8x128xi32, #tpu.memory_space<vmem>>, vector<16xi32>,
      tpu.vector_store_idx %arg23[%get3A_129], %broadcast_in_dim3A_6 {add = true} : memref<10112xf32, #tpu.memory_space<vmem>>[vector<16xi32>], vector<16xf32>,
      %get3A_130 = arith.constant 6 : i32
      %get3A_131 = arith.index_cast %get3A_130 : i32 to index
      %get3A_132 = arith.constant 32 : index
      %get3A_133 = tpu.vector_load %arg25[%get3A_131, %get3A_132] {strides = array<i32>} : memref<8x128xi32, #tpu.memory_space<vmem>>, vector<16xi32>,
      tpu.vector_store_idx %arg23[%get3A_133], %broadcast_in_dim3A_6 {add = true} : memref<10112xf32, #tpu.memory_space<vmem>>[vector<16xi32>], vector<16xf32>,
      %get3A_134 = arith.constant 6 : i32
      %get3A_135 = arith.index_cast %get3A_134 : i32 to index
      %get3A_136 = arith.constant 48 : index
      %get3A_137 = tpu.vector_load %arg25[%get3A_135, %get3A_136] {strides = array<i32>} : memref<8x128xi32, #tpu.memory_space<vmem>>, vector<16xi32>,
      tpu.vector_store_idx %arg23[%get3A_137], %broadcast_in_dim3A_6 {add = true} : memref<10112xf32, #tpu.memory_space<vmem>>[vector<16xi32>], vector<16xf32>,
      %get3A_138 = arith.constant 6 : i32
      %get3A_139 = arith.index_cast %get3A_138 : i32 to index
      %get3A_140 = arith.constant 64 : index
      %get3A_141 = tpu.vector_load %arg25[%get3A_139, %get3A_140] {strides = array<i32>} : memref<8x128xi32, #tpu.memory_space<vmem>>, vector<16xi32>,
      tpu.vector_store_idx %arg23[%get3A_141], %broadcast_in_dim3A_6 {add = true} : memref<10112xf32, #tpu.memory_space<vmem>>[vector<16xi32>], vector<16xf32>,
      %get3A_142 = arith.constant 6 : i32
      %get3A_143 = arith.index_cast %get3A_142 : i32 to index
      %get3A_144 = arith.constant 80 : index
      %get3A_145 = tpu.vector_load %arg25[%get3A_143, %get3A_144] {strides = array<i32>} : memref<8x128xi32, #tpu.memory_space<vmem>>, vector<16xi32>,
      tpu.vector_store_idx %arg23[%get3A_145], %broadcast_in_dim3A_6 {add = true} : memref<10112xf32, #tpu.memory_space<vmem>>[vector<16xi32>], vector<16xf32>,
      %get3A_146 = arith.constant 6 : i32
      %get3A_147 = arith.index_cast %get3A_146 : i32 to index
      %get3A_148 = arith.constant 96 : index
      %get3A_149 = tpu.vector_load %arg25[%get3A_147, %get3A_148] {strides = array<i32>} : memref<8x128xi32, #tpu.memory_space<vmem>>, vector<16xi32>,
      tpu.vector_store_idx %arg23[%get3A_149], %broadcast_in_dim3A_6 {add = true} : memref<10112xf32, #tpu.memory_space<vmem>>[vector<16xi32>], vector<16xf32>,
      %get3A_150 = arith.constant 6 : i32
      %get3A_151 = arith.index_cast %get3A_150 : i32 to index
      %get3A_152 = arith.constant 112 : index
      %get3A_153 = tpu.vector_load %arg25[%get3A_151, %get3A_152] {strides = array<i32>} : memref<8x128xi32, #tpu.memory_space<vmem>>, vector<16xi32>,
      tpu.vector_store_idx %arg23[%get3A_153], %broadcast_in_dim3A_6 {add = true} : memref<10112xf32, #tpu.memory_space<vmem>>[vector<16xi32>], vector<16xf32>,
      %dma_wait3A = arith.constant 6 : i32
      %dma_wait3A_154 = arith.constant 0 : i32
      %dma_wait3A_155 = tpu.memref_slice %arg24[%dma_wait3A, %dma_wait3A_154] : memref<8x128xi32, #tpu.memory_space<vmem>> -> memref<1x128xi32, #tpu.memory_space<vmem>>
      %dma_wait3A_156 = tpu.memref_squeeze %dma_wait3A_155 : memref<1x128xi32, #tpu.memory_space<vmem>> -> memref<128xi32, #tpu.memory_space<vmem>>
      %dma_wait3A_157 = arith.constant 0 : i32
      %dma_wait3A_158 = arith.constant 0 : i32
      %dma_wait3A_159 = tpu.memref_slice %arg2[%dma_wait3A_157, %dma_wait3A_158] : memref<10000x128xf32, #tpu.memory_space<hbm>> -> memref<10000x128xf32, #tpu.memory_space<hbm>>
      tpu.wait_indirect_dma semaphore(%arg30 : memref<!tpu.dma_semaphore, #tpu.memory_space<semaphore_mem>>) src(%dma_wait3A_159 : memref<10000x128xf32, #tpu.memory_space<hbm>>) dst(%arg28 : memref<128x128xf32, #tpu.memory_space<vmem>>)
      %run_scoped3A = arith.constant 6 : i32
      "tpu.region"() ({
        %run_scoped3A_311 = tpu.sem_alloc : memref<!tpu.dma_semaphore, #tpu.memory_space<semaphore_mem>>
        %dma_start3A_312 = arith.constant 0 : i32
        %dma_start3A_313 = tpu.memref_slice %arg25[%run_scoped3A, %dma_start3A_312] : memref<8x128xi32, #tpu.memory_space<vmem>> -> memref<1x128xi32, #tpu.memory_space<vmem>>
        %dma_start3A_314 = tpu.memref_squeeze %dma_start3A_313 : memref<1x128xi32, #tpu.memory_space<vmem>> -> memref<128xi32, #tpu.memory_space<vmem>>
        %dma_start3A_315 = arith.constant 0 : i32
        %dma_start3A_316 = arith.constant 0 : i32
        %dma_start3A_317 = tpu.memref_slice %arg22[%dma_start3A_315, %dma_start3A_316] : memref<10112x128xf32, #tpu.memory_space<vmem_shared>> -> memref<10112x128xf32, #tpu.memory_space<vmem_shared>>
        tpu.enqueue_indirect_dma source(%arg28 : memref<128x128xf32, #tpu.memory_space<vmem>>) target(%dma_start3A_317 : memref<10112x128xf32, #tpu.memory_space<vmem_shared>>) offsets(%dma_start3A_314 : memref<128xi32, #tpu.memory_space<vmem>>) semaphore(%run_scoped3A_311 : memref<!tpu.dma_semaphore, #tpu.memory_space<semaphore_mem>>) {add = true}
        %dma_wait3A_318 = arith.constant 0 : i32
        %dma_wait3A_319 = tpu.memref_slice %arg25[%run_scoped3A, %dma_wait3A_318] : memref<8x128xi32, #tpu.memory_space<vmem>> -> memref<1x128xi32, #tpu.memory_space<vmem>>
        %dma_wait3A_320 = tpu.memref_squeeze %dma_wait3A_319 : memref<1x128xi32, #tpu.memory_space<vmem>> -> memref<128xi32, #tpu.memory_space<vmem>>
        %dma_wait3A_321 = arith.constant 0 : i32
        %dma_wait3A_322 = arith.constant 0 : i32
        %dma_wait3A_323 = tpu.memref_slice %arg22[%dma_wait3A_321, %dma_wait3A_322] : memref<10112x128xf32, #tpu.memory_space<vmem_shared>> -> memref<10112x128xf32, #tpu.memory_space<vmem_shared>>
        tpu.wait_indirect_dma semaphore(%run_scoped3A_311 : memref<!tpu.dma_semaphore, #tpu.memory_space<semaphore_mem>>) src(%arg28 : memref<128x128xf32, #tpu.memory_space<vmem>>) dst(%dma_wait3A_323 : memref<10112x128xf32, #tpu.memory_space<vmem_shared>>)
        tpu.yield
      }) : () -> ()
      %dma_start3A_160 = arith.constant 0 : i32
      %dma_start3A_161 = arith.constant 0 : i32
      %dma_start3A_162 = tpu.memref_slice %arg26[%dma_start3A_160, %dma_start3A_161] : memref<8x128xi32, #tpu.memory_space<vmem>> -> memref<1x128xi32, #tpu.memory_space<vmem>>
      %dma_start3A_163 = tpu.memref_squeeze %dma_start3A_162 : memref<1x128xi32, #tpu.memory_space<vmem>> -> memref<128xi32, #tpu.memory_space<vmem>>
      %dma_start3A_164 = arith.constant 0 : i32
      %dma_start3A_165 = arith.constant 0 : i32
      %dma_start3A_166 = tpu.memref_slice %arg2[%dma_start3A_164, %dma_start3A_165] : memref<10000x128xf32, #tpu.memory_space<hbm>> -> memref<10000x128xf32, #tpu.memory_space<hbm>>
      tpu.enqueue_indirect_dma source(%dma_start3A_166 : memref<10000x128xf32, #tpu.memory_space<hbm>>) target(%arg28 : memref<128x128xf32, #tpu.memory_space<vmem>>) offsets(%dma_start3A_163 : memref<128xi32, #tpu.memory_space<vmem>>) semaphore(%arg30 : memref<!tpu.dma_semaphore, #tpu.memory_space<semaphore_mem>>)
      %get3A_167 = arith.constant 7 : i32
      %get3A_168 = arith.index_cast %get3A_167 : i32 to index
      %get3A_169 = arith.constant 0 : index
      %get3A_170 = tpu.vector_load %arg25[%get3A_168, %get3A_169] {strides = array<i32>} : memref<8x128xi32, #tpu.memory_space<vmem>>, vector<16xi32>,
      tpu.vector_store_idx %arg23[%get3A_170], %broadcast_in_dim3A_6 {add = true} : memref<10112xf32, #tpu.memory_space<vmem>>[vector<16xi32>], vector<16xf32>,
      %get3A_171 = arith.constant 7 : i32
      %get3A_172 = arith.index_cast %get3A_171 : i32 to index
      %get3A_173 = arith.constant 16 : index
      %get3A_174 = tpu.vector_load %arg25[%get3A_172, %get3A_173] {strides = array<i32>} : memref<8x128xi32, #tpu.memory_space<vmem>>, vector<16xi32>,
      tpu.vector_store_idx %arg23[%get3A_174], %broadcast_in_dim3A_6 {add = true} : memref<10112xf32, #tpu.memory_space<vmem>>[vector<16xi32>], vector<16xf32>,
      %get3A_175 = arith.constant 7 : i32
      %get3A_176 = arith.index_cast %get3A_175 : i32 to index
      %get3A_177 = arith.constant 32 : index
      %get3A_178 = tpu.vector_load %arg25[%get3A_176, %get3A_177] {strides = array<i32>} : memref<8x128xi32, #tpu.memory_space<vmem>>, vector<16xi32>,
      tpu.vector_store_idx %arg23[%get3A_178], %broadcast_in_dim3A_6 {add = true} : memref<10112xf32, #tpu.memory_space<vmem>>[vector<16xi32>], vector<16xf32>,
      %get3A_179 = arith.constant 7 : i32
      %get3A_180 = arith.index_cast %get3A_179 : i32 to index
      %get3A_181 = arith.constant 48 : index
      %get3A_182 = tpu.vector_load %arg25[%get3A_180, %get3A_181] {strides = array<i32>} : memref<8x128xi32, #tpu.memory_space<vmem>>, vector<16xi32>,
      tpu.vector_store_idx %arg23[%get3A_182], %broadcast_in_dim3A_6 {add = true} : memref<10112xf32, #tpu.memory_space<vmem>>[vector<16xi32>], vector<16xf32>,
      %get3A_183 = arith.constant 7 : i32
      %get3A_184 = arith.index_cast %get3A_183 : i32 to index
      %get3A_185 = arith.constant 64 : index
      %get3A_186 = tpu.vector_load %arg25[%get3A_184, %get3A_185] {strides = array<i32>} : memref<8x128xi32, #tpu.memory_space<vmem>>, vector<16xi32>,
      tpu.vector_store_idx %arg23[%get3A_186], %broadcast_in_dim3A_6 {add = true} : memref<10112xf32, #tpu.memory_space<vmem>>[vector<16xi32>], vector<16xf32>,
      %get3A_187 = arith.constant 7 : i32
      %get3A_188 = arith.index_cast %get3A_187 : i32 to index
      %get3A_189 = arith.constant 80 : index
      %get3A_190 = tpu.vector_load %arg25[%get3A_188, %get3A_189] {strides = array<i32>} : memref<8x128xi32, #tpu.memory_space<vmem>>, vector<16xi32>,
      tpu.vector_store_idx %arg23[%get3A_190], %broadcast_in_dim3A_6 {add = true} : memref<10112xf32, #tpu.memory_space<vmem>>[vector<16xi32>], vector<16xf32>,
      %get3A_191 = arith.constant 7 : i32
      %get3A_192 = arith.index_cast %get3A_191 : i32 to index
      %get3A_193 = arith.constant 96 : index
      %get3A_194 = tpu.vector_load %arg25[%get3A_192, %get3A_193] {strides = array<i32>} : memref<8x128xi32, #tpu.memory_space<vmem>>, vector<16xi32>,
      tpu.vector_store_idx %arg23[%get3A_194], %broadcast_in_dim3A_6 {add = true} : memref<10112xf32, #tpu.memory_space<vmem>>[vector<16xi32>], vector<16xf32>,
      %get3A_195 = arith.constant 7 : i32
      %get3A_196 = arith.index_cast %get3A_195 : i32 to index
      %get3A_197 = arith.constant 112 : index
      %get3A_198 = tpu.vector_load %arg25[%get3A_196, %get3A_197] {strides = array<i32>} : memref<8x128xi32, #tpu.memory_space<vmem>>, vector<16xi32>,
      tpu.vector_store_idx %arg23[%get3A_198], %broadcast_in_dim3A_6 {add = true} : memref<10112xf32, #tpu.memory_space<vmem>>[vector<16xi32>], vector<16xf32>,
      %dma_wait3A_199 = arith.constant 7 : i32
      %dma_wait3A_200 = arith.constant 0 : i32
      %dma_wait3A_201 = tpu.memref_slice %arg24[%dma_wait3A_199, %dma_wait3A_200] : memref<8x128xi32, #tpu.memory_space<vmem>> -> memref<1x128xi32, #tpu.memory_space<vmem>>
      %dma_wait3A_202 = tpu.memref_squeeze %dma_wait3A_201 : memref<1x128xi32, #tpu.memory_space<vmem>> -> memref<128xi32, #tpu.memory_space<vmem>>
      %dma_wait3A_203 = arith.constant 0 : i32
      %dma_wait3A_204 = arith.constant 0 : i32
      %dma_wait3A_205 = tpu.memref_slice %arg2[%dma_wait3A_203, %dma_wait3A_204] : memref<10000x128xf32, #tpu.memory_space<hbm>> -> memref<10000x128xf32, #tpu.memory_space<hbm>>
      tpu.wait_indirect_dma semaphore(%arg31 : memref<!tpu.dma_semaphore, #tpu.memory_space<semaphore_mem>>) src(%dma_wait3A_205 : memref<10000x128xf32, #tpu.memory_space<hbm>>) dst(%arg29 : memref<128x128xf32, #tpu.memory_space<vmem>>)
      %run_scoped3A_206 = arith.constant 7 : i32
      "tpu.region"() ({
        %run_scoped3A_311 = tpu.sem_alloc : memref<!tpu.dma_semaphore, #tpu.memory_space<semaphore_mem>>
        %dma_start3A_312 = arith.constant 0 : i32
        %dma_start3A_313 = tpu.memref_slice %arg25[%run_scoped3A_206, %dma_start3A_312] : memref<8x128xi32, #tpu.memory_space<vmem>> -> memref<1x128xi32, #tpu.memory_space<vmem>>
        %dma_start3A_314 = tpu.memref_squeeze %dma_start3A_313 : memref<1x128xi32, #tpu.memory_space<vmem>> -> memref<128xi32, #tpu.memory_space<vmem>>
        %dma_start3A_315 = arith.constant 0 : i32
        %dma_start3A_316 = arith.constant 0 : i32
        %dma_start3A_317 = tpu.memref_slice %arg22[%dma_start3A_315, %dma_start3A_316] : memref<10112x128xf32, #tpu.memory_space<vmem_shared>> -> memref<10112x128xf32, #tpu.memory_space<vmem_shared>>
        tpu.enqueue_indirect_dma source(%arg29 : memref<128x128xf32, #tpu.memory_space<vmem>>) target(%dma_start3A_317 : memref<10112x128xf32, #tpu.memory_space<vmem_shared>>) offsets(%dma_start3A_314 : memref<128xi32, #tpu.memory_space<vmem>>) semaphore(%run_scoped3A_311 : memref<!tpu.dma_semaphore, #tpu.memory_space<semaphore_mem>>) {add = true}
        %dma_wait3A_318 = arith.constant 0 : i32
        %dma_wait3A_319 = tpu.memref_slice %arg25[%run_scoped3A_206, %dma_wait3A_318] : memref<8x128xi32, #tpu.memory_space<vmem>> -> memref<1x128xi32, #tpu.memory_space<vmem>>
        %dma_wait3A_320 = tpu.memref_squeeze %dma_wait3A_319 : memref<1x128xi32, #tpu.memory_space<vmem>> -> memref<128xi32, #tpu.memory_space<vmem>>
        %dma_wait3A_321 = arith.constant 0 : i32
        %dma_wait3A_322 = arith.constant 0 : i32
        %dma_wait3A_323 = tpu.memref_slice %arg22[%dma_wait3A_321, %dma_wait3A_322] : memref<10112x128xf32, #tpu.memory_space<vmem_shared>> -> memref<10112x128xf32, #tpu.memory_space<vmem_shared>>
        tpu.wait_indirect_dma semaphore(%run_scoped3A_311 : memref<!tpu.dma_semaphore, #tpu.memory_space<semaphore_mem>>) src(%arg29 : memref<128x128xf32, #tpu.memory_space<vmem>>) dst(%dma_wait3A_323 : memref<10112x128xf32, #tpu.memory_space<vmem_shared>>)
        tpu.yield
      }) : () -> ()
      %lt3A_207 = arith.constant 4 : i32
      %lt3A_208 = arith.cmpi slt, %scan3A_90, %lt3A_207 : i32
      %convert_element_type3A_209 = arith.extui %lt3A_208 : i1 to i32
      %cond3A_210 = arith.constant 0 : i32
      %cond3A_211 = arith.cmpi ne, %convert_element_type3A_209, %cond3A_210 : i32
      scf.if %cond3A_211 {
        %add3A_311 = arith.constant 2 : i32
        %add3A_312 = arith.addi %mul3A_92, %add3A_311 : i32
        %mul3A_313 = arith.constant 80 : i32
        %mul3A_314 = arith.muli %add3A, %mul3A_313 : i32
        %mul3A_315 = arith.constant 8 : i32
        %mul3A_316 = arith.muli %add3A_312, %mul3A_315 : i32
        %add3A_317 = arith.addi %mul3A_314, %mul3A_316 : i32
        %lt3A_318 = arith.constant 31 : i32
        %lt3A_319 = arith.cmpi slt, %add3A, %lt3A_318 : i32
        %convert_element_type3A_320 = arith.extui %lt3A_319 : i1 to i32
        %cond3A_321 = arith.constant 0 : i32
        %cond3A_322 = arith.cmpi ne, %convert_element_type3A_320, %cond3A_321 : i32
        scf.if %cond3A_322 {
          "tpu.region"() ({
            %run_scoped3A_328 = tpu.sem_alloc : memref<!tpu.dma_semaphore, #tpu.memory_space<semaphore_mem>>
            %dma_start3A_329 = arith.constant 0 : i32
            %dma_start3A_330 = tpu.memref_slice %arg6[%add3A_317, %dma_start3A_329] : memref<2500x128xi32, #tpu.memory_space<hbm>> -> memref<8x128xi32, #tpu.memory_space<hbm>>
            %dma_start3A_331 = arith.constant 0 : i32
            %dma_start3A_332 = tpu.memref_slice %arg6[%add3A_317, %dma_start3A_331] : memref<2500x128xi32, #tpu.memory_space<hbm>> -> memref<8x128xi32, #tpu.memory_space<hbm>>
            tpu.enqueue_dma source(%dma_start3A_332 : memref<8x128xi32, #tpu.memory_space<hbm>>) target(%arg24 : memref<8x128xi32, #tpu.memory_space<vmem>>) target_semaphore(%run_scoped3A_328 : memref<!tpu.dma_semaphore, #tpu.memory_space<semaphore_mem>>)
            %dma_wait3A_333 = arith.constant 0 : i32
            %dma_wait3A_334 = tpu.memref_slice %arg6[%add3A_317, %dma_wait3A_333] : memref<2500x128xi32, #tpu.memory_space<hbm>> -> memref<8x128xi32, #tpu.memory_space<hbm>>
            %dma_wait3A_335 = arith.constant 0 : i32
            %dma_wait3A_336 = tpu.memref_slice %arg6[%add3A_317, %dma_wait3A_335] : memref<2500x128xi32, #tpu.memory_space<hbm>> -> memref<8x128xi32, #tpu.memory_space<hbm>>
            tpu.wait_dma2 semaphore(%run_scoped3A_328 : memref<!tpu.dma_semaphore, #tpu.memory_space<semaphore_mem>>) src(%dma_wait3A_336 : memref<8x128xi32, #tpu.memory_space<hbm>>) dst(%arg24 : memref<8x128xi32, #tpu.memory_space<vmem>>)
            tpu.yield
          }) : () -> ()
          "tpu.region"() ({
            %run_scoped3A_328 = tpu.sem_alloc : memref<!tpu.dma_semaphore, #tpu.memory_space<semaphore_mem>>
            %dma_start3A_329 = arith.constant 0 : i32
            %dma_start3A_330 = tpu.memref_slice %arg7[%add3A_317, %dma_start3A_329] : memref<2500x128xi32, #tpu.memory_space<hbm>> -> memref<8x128xi32, #tpu.memory_space<hbm>>
            %dma_start3A_331 = arith.constant 0 : i32
            %dma_start3A_332 = tpu.memref_slice %arg7[%add3A_317, %dma_start3A_331] : memref<2500x128xi32, #tpu.memory_space<hbm>> -> memref<8x128xi32, #tpu.memory_space<hbm>>
            tpu.enqueue_dma source(%dma_start3A_332 : memref<8x128xi32, #tpu.memory_space<hbm>>) target(%arg25 : memref<8x128xi32, #tpu.memory_space<vmem>>) target_semaphore(%run_scoped3A_328 : memref<!tpu.dma_semaphore, #tpu.memory_space<semaphore_mem>>)
            %dma_wait3A_333 = arith.constant 0 : i32
            %dma_wait3A_334 = tpu.memref_slice %arg7[%add3A_317, %dma_wait3A_333] : memref<2500x128xi32, #tpu.memory_space<hbm>> -> memref<8x128xi32, #tpu.memory_space<hbm>>
            %dma_wait3A_335 = arith.constant 0 : i32
            %dma_wait3A_336 = tpu.memref_slice %arg7[%add3A_317, %dma_wait3A_335] : memref<2500x128xi32, #tpu.memory_space<hbm>> -> memref<8x128xi32, #tpu.memory_space<hbm>>
            tpu.wait_dma2 semaphore(%run_scoped3A_328 : memref<!tpu.dma_semaphore, #tpu.memory_space<semaphore_mem>>) src(%dma_wait3A_336 : memref<8x128xi32, #tpu.memory_space<hbm>>) dst(%arg25 : memref<8x128xi32, #tpu.memory_space<vmem>>)
            tpu.yield
          }) : () -> ()
        } else {
        }
        %eq3A_323 = arith.constant 31 : i32
        %eq3A_324 = arith.cmpi eq, %add3A, %eq3A_323 : i32
        %convert_element_type3A_325 = arith.extui %eq3A_324 : i1 to i32
        %cond3A_326 = arith.constant 0 : i32
        %cond3A_327 = arith.cmpi ne, %convert_element_type3A_325, %cond3A_326 : i32
        scf.if %cond3A_327 {
          %mul3A_328 = arith.constant 8 : i32
          %mul3A_329 = arith.muli %add3A_312, %mul3A_328 : i32
          "tpu.region"() ({
            %run_scoped3A_332 = tpu.sem_alloc : memref<!tpu.dma_semaphore, #tpu.memory_space<semaphore_mem>>
            %dma_start3A_333 = arith.constant 0 : i32
            %dma_start3A_334 = tpu.memref_slice %arg10[%mul3A_329, %dma_start3A_333] : memref<80x128xi32, #tpu.memory_space<hbm>> -> memref<8x128xi32, #tpu.memory_space<hbm>>
            %dma_start3A_335 = arith.constant 0 : i32
            %dma_start3A_336 = tpu.memref_slice %arg10[%mul3A_329, %dma_start3A_335] : memref<80x128xi32, #tpu.memory_space<hbm>> -> memref<8x128xi32, #tpu.memory_space<hbm>>
            tpu.enqueue_dma source(%dma_start3A_336 : memref<8x128xi32, #tpu.memory_space<hbm>>) target(%arg24 : memref<8x128xi32, #tpu.memory_space<vmem>>) target_semaphore(%run_scoped3A_332 : memref<!tpu.dma_semaphore, #tpu.memory_space<semaphore_mem>>)
            %dma_wait3A_337 = arith.constant 0 : i32
            %dma_wait3A_338 = tpu.memref_slice %arg10[%mul3A_329, %dma_wait3A_337] : memref<80x128xi32, #tpu.memory_space<hbm>> -> memref<8x128xi32, #tpu.memory_space<hbm>>
            %dma_wait3A_339 = arith.constant 0 : i32
            %dma_wait3A_340 = tpu.memref_slice %arg10[%mul3A_329, %dma_wait3A_339] : memref<80x128xi32, #tpu.memory_space<hbm>> -> memref<8x128xi32, #tpu.memory_space<hbm>>
            tpu.wait_dma2 semaphore(%run_scoped3A_332 : memref<!tpu.dma_semaphore, #tpu.memory_space<semaphore_mem>>) src(%dma_wait3A_340 : memref<8x128xi32, #tpu.memory_space<hbm>>) dst(%arg24 : memref<8x128xi32, #tpu.memory_space<vmem>>)
            tpu.yield
          }) : () -> ()
          %mul3A_330 = arith.constant 8 : i32
          %mul3A_331 = arith.muli %add3A_312, %mul3A_330 : i32
          "tpu.region"() ({
            %run_scoped3A_332 = tpu.sem_alloc : memref<!tpu.dma_semaphore, #tpu.memory_space<semaphore_mem>>
            %dma_start3A_333 = arith.constant 0 : i32
            %dma_start3A_334 = tpu.memref_slice %arg11[%mul3A_331, %dma_start3A_333] : memref<80x128xi32, #tpu.memory_space<hbm>> -> memref<8x128xi32, #tpu.memory_space<hbm>>
            %dma_start3A_335 = arith.constant 0 : i32
            %dma_start3A_336 = tpu.memref_slice %arg11[%mul3A_331, %dma_start3A_335] : memref<80x128xi32, #tpu.memory_space<hbm>> -> memref<8x128xi32, #tpu.memory_space<hbm>>
            tpu.enqueue_dma source(%dma_start3A_336 : memref<8x128xi32, #tpu.memory_space<hbm>>) target(%arg25 : memref<8x128xi32, #tpu.memory_space<vmem>>) target_semaphore(%run_scoped3A_332 : memref<!tpu.dma_semaphore, #tpu.memory_space<semaphore_mem>>)
            %dma_wait3A_337 = arith.constant 0 : i32
            %dma_wait3A_338 = tpu.memref_slice %arg11[%mul3A_331, %dma_wait3A_337] : memref<80x128xi32, #tpu.memory_space<hbm>> -> memref<8x128xi32, #tpu.memory_space<hbm>>
            %dma_wait3A_339 = arith.constant 0 : i32
            %dma_wait3A_340 = tpu.memref_slice %arg11[%mul3A_331, %dma_wait3A_339] : memref<80x128xi32, #tpu.memory_space<hbm>> -> memref<8x128xi32, #tpu.memory_space<hbm>>
            tpu.wait_dma2 semaphore(%run_scoped3A_332 : memref<!tpu.dma_semaphore, #tpu.memory_space<semaphore_mem>>) src(%dma_wait3A_340 : memref<8x128xi32, #tpu.memory_space<hbm>>) dst(%arg25 : memref<8x128xi32, #tpu.memory_space<vmem>>)
            tpu.yield
          }) : () -> ()
        } else {
        }
      } else {
      }
      %eq3A_212 = arith.constant 4 : i32
      %eq3A_213 = arith.cmpi eq, %scan3A_90, %eq3A_212 : i32
      %scan3A_214 = arith.constant 0 : i32
      %scan3A_215 = arith.constant 0 : i32
      %scan3A_216 = arith.constant 3 : i32
      %scan3A_217 = arith.addi %scan3A_215, %scan3A_216 : i32
      %scan3A_218 = arith.constant 1 : i32
      scf.for %scan3A_311 = %scan3A_215 to %scan3A_217 step %scan3A_218  : i32 {
        %mul3A_312 = arith.constant 2 : i32
        %mul3A_313 = arith.muli %mul3A_312, %scan3A_311 : i32
        %add3A_314 = arith.constant 1 : i32
        %add3A_315 = arith.addi %mul3A_313, %add3A_314 : i32
        %dma_start3A_316 = arith.constant 0 : i32
        %dma_start3A_317 = tpu.memref_slice %arg26[%add3A_315, %dma_start3A_316] : memref<8x128xi32, #tpu.memory_space<vmem>> -> memref<1x128xi32, #tpu.memory_space<vmem>>
        %dma_start3A_318 = tpu.memref_squeeze %dma_start3A_317 : memref<1x128xi32, #tpu.memory_space<vmem>> -> memref<128xi32, #tpu.memory_space<vmem>>
        %dma_start3A_319 = arith.constant 0 : i32
        %dma_start3A_320 = arith.constant 0 : i32
        %dma_start3A_321 = tpu.memref_slice %arg2[%dma_start3A_319, %dma_start3A_320] : memref<10000x128xf32, #tpu.memory_space<hbm>> -> memref<10000x128xf32, #tpu.memory_space<hbm>>
        tpu.enqueue_indirect_dma source(%dma_start3A_321 : memref<10000x128xf32, #tpu.memory_space<hbm>>) target(%arg29 : memref<128x128xf32, #tpu.memory_space<vmem>>) offsets(%dma_start3A_318 : memref<128xi32, #tpu.memory_space<vmem>>) semaphore(%arg31 : memref<!tpu.dma_semaphore, #tpu.memory_space<semaphore_mem>>)
        %get3A_322 = arith.index_cast %mul3A_313 : i32 to index
        %get3A_323 = arith.constant 0 : index
        %get3A_324 = tpu.vector_load %arg27[%get3A_322, %get3A_323] {strides = array<i32>} : memref<8x128xi32, #tpu.memory_space<vmem>>, vector<16xi32>,
        tpu.vector_store_idx %arg23[%get3A_324], %broadcast_in_dim3A_6 {add = true} : memref<10112xf32, #tpu.memory_space<vmem>>[vector<16xi32>], vector<16xf32>,
        %get3A_325 = arith.index_cast %mul3A_313 : i32 to index
        %get3A_326 = arith.constant 16 : index
        %get3A_327 = tpu.vector_load %arg27[%get3A_325, %get3A_326] {strides = array<i32>} : memref<8x128xi32, #tpu.memory_space<vmem>>, vector<16xi32>,
        tpu.vector_store_idx %arg23[%get3A_327], %broadcast_in_dim3A_6 {add = true} : memref<10112xf32, #tpu.memory_space<vmem>>[vector<16xi32>], vector<16xf32>,
        %get3A_328 = arith.index_cast %mul3A_313 : i32 to index
        %get3A_329 = arith.constant 32 : index
        %get3A_330 = tpu.vector_load %arg27[%get3A_328, %get3A_329] {strides = array<i32>} : memref<8x128xi32, #tpu.memory_space<vmem>>, vector<16xi32>,
        tpu.vector_store_idx %arg23[%get3A_330], %broadcast_in_dim3A_6 {add = true} : memref<10112xf32, #tpu.memory_space<vmem>>[vector<16xi32>], vector<16xf32>,
        %get3A_331 = arith.index_cast %mul3A_313 : i32 to index
        %get3A_332 = arith.constant 48 : index
        %get3A_333 = tpu.vector_load %arg27[%get3A_331, %get3A_332] {strides = array<i32>} : memref<8x128xi32, #tpu.memory_space<vmem>>, vector<16xi32>,
        tpu.vector_store_idx %arg23[%get3A_333], %broadcast_in_dim3A_6 {add = true} : memref<10112xf32, #tpu.memory_space<vmem>>[vector<16xi32>], vector<16xf32>,
        %get3A_334 = arith.index_cast %mul3A_313 : i32 to index
        %get3A_335 = arith.constant 64 : index
        %get3A_336 = tpu.vector_load %arg27[%get3A_334, %get3A_335] {strides = array<i32>} : memref<8x128xi32, #tpu.memory_space<vmem>>, vector<16xi32>,
        tpu.vector_store_idx %arg23[%get3A_336], %broadcast_in_dim3A_6 {add = true} : memref<10112xf32, #tpu.memory_space<vmem>>[vector<16xi32>], vector<16xf32>,
        %get3A_337 = arith.index_cast %mul3A_313 : i32 to index
        %get3A_338 = arith.constant 80 : index
        %get3A_339 = tpu.vector_load %arg27[%get3A_337, %get3A_338] {strides = array<i32>} : memref<8x128xi32, #tpu.memory_space<vmem>>, vector<16xi32>,
        tpu.vector_store_idx %arg23[%get3A_339], %broadcast_in_dim3A_6 {add = true} : memref<10112xf32, #tpu.memory_space<vmem>>[vector<16xi32>], vector<16xf32>,
        %get3A_340 = arith.index_cast %mul3A_313 : i32 to index
        %get3A_341 = arith.constant 96 : index
        %get3A_342 = tpu.vector_load %arg27[%get3A_340, %get3A_341] {strides = array<i32>} : memref<8x128xi32, #tpu.memory_space<vmem>>, vector<16xi32>,
        tpu.vector_store_idx %arg23[%get3A_342], %broadcast_in_dim3A_6 {add = true} : memref<10112xf32, #tpu.memory_space<vmem>>[vector<16xi32>], vector<16xf32>,
        %get3A_343 = arith.index_cast %mul3A_313 : i32 to index
        %get3A_344 = arith.constant 112 : index
        %get3A_345 = tpu.vector_load %arg27[%get3A_343, %get3A_344] {strides = array<i32>} : memref<8x128xi32, #tpu.memory_space<vmem>>, vector<16xi32>,
        tpu.vector_store_idx %arg23[%get3A_345], %broadcast_in_dim3A_6 {add = true} : memref<10112xf32, #tpu.memory_space<vmem>>[vector<16xi32>], vector<16xf32>,
        %dma_wait3A_346 = arith.constant 0 : i32
        %dma_wait3A_347 = tpu.memref_slice %arg26[%mul3A_313, %dma_wait3A_346] : memref<8x128xi32, #tpu.memory_space<vmem>> -> memref<1x128xi32, #tpu.memory_space<vmem>>
        %dma_wait3A_348 = tpu.memref_squeeze %dma_wait3A_347 : memref<1x128xi32, #tpu.memory_space<vmem>> -> memref<128xi32, #tpu.memory_space<vmem>>
        %dma_wait3A_349 = arith.constant 0 : i32
        %dma_wait3A_350 = arith.constant 0 : i32
        %dma_wait3A_351 = tpu.memref_slice %arg2[%dma_wait3A_349, %dma_wait3A_350] : memref<10000x128xf32, #tpu.memory_space<hbm>> -> memref<10000x128xf32, #tpu.memory_space<hbm>>
        tpu.wait_indirect_dma semaphore(%arg30 : memref<!tpu.dma_semaphore, #tpu.memory_space<semaphore_mem>>) src(%dma_wait3A_351 : memref<10000x128xf32, #tpu.memory_space<hbm>>) dst(%arg28 : memref<128x128xf32, #tpu.memory_space<vmem>>)
        "tpu.region"() ({
          %run_scoped3A_394 = tpu.sem_alloc : memref<!tpu.dma_semaphore, #tpu.memory_space<semaphore_mem>>
          %dma_start3A_395 = arith.constant 0 : i32
          %dma_start3A_396 = tpu.memref_slice %arg27[%mul3A_313, %dma_start3A_395] : memref<8x128xi32, #tpu.memory_space<vmem>> -> memref<1x128xi32, #tpu.memory_space<vmem>>
          %dma_start3A_397 = tpu.memref_squeeze %dma_start3A_396 : memref<1x128xi32, #tpu.memory_space<vmem>> -> memref<128xi32, #tpu.memory_space<vmem>>
          %dma_start3A_398 = arith.constant 0 : i32
          %dma_start3A_399 = arith.constant 0 : i32
          %dma_start3A_400 = tpu.memref_slice %arg22[%dma_start3A_398, %dma_start3A_399] : memref<10112x128xf32, #tpu.memory_space<vmem_shared>> -> memref<10112x128xf32, #tpu.memory_space<vmem_shared>>
          tpu.enqueue_indirect_dma source(%arg28 : memref<128x128xf32, #tpu.memory_space<vmem>>) target(%dma_start3A_400 : memref<10112x128xf32, #tpu.memory_space<vmem_shared>>) offsets(%dma_start3A_397 : memref<128xi32, #tpu.memory_space<vmem>>) semaphore(%run_scoped3A_394 : memref<!tpu.dma_semaphore, #tpu.memory_space<semaphore_mem>>) {add = true}
          %dma_wait3A_401 = arith.constant 0 : i32
          %dma_wait3A_402 = tpu.memref_slice %arg27[%mul3A_313, %dma_wait3A_401] : memref<8x128xi32, #tpu.memory_space<vmem>> -> memref<1x128xi32, #tpu.memory_space<vmem>>
          %dma_wait3A_403 = tpu.memref_squeeze %dma_wait3A_402 : memref<1x128xi32, #tpu.memory_space<vmem>> -> memref<128xi32, #tpu.memory_space<vmem>>
          %dma_wait3A_404 = arith.constant 0 : i32
          %dma_wait3A_405 = arith.constant 0 : i32
          %dma_wait3A_406 = tpu.memref_slice %arg22[%dma_wait3A_404, %dma_wait3A_405] : memref<10112x128xf32, #tpu.memory_space<vmem_shared>> -> memref<10112x128xf32, #tpu.memory_space<vmem_shared>>
          tpu.wait_indirect_dma semaphore(%run_scoped3A_394 : memref<!tpu.dma_semaphore, #tpu.memory_space<semaphore_mem>>) src(%arg28 : memref<128x128xf32, #tpu.memory_space<vmem>>) dst(%dma_wait3A_406 : memref<10112x128xf32, #tpu.memory_space<vmem_shared>>)
          tpu.yield
        }) : () -> ()
        %add3A_352 = arith.constant 2 : i32
        %add3A_353 = arith.addi %mul3A_313, %add3A_352 : i32
        %dma_start3A_354 = arith.constant 0 : i32
        %dma_start3A_355 = tpu.memref_slice %arg26[%add3A_353, %dma_start3A_354] : memref<8x128xi32, #tpu.memory_space<vmem>> -> memref<1x128xi32, #tpu.memory_space<vmem>>
        %dma_start3A_356 = tpu.memref_squeeze %dma_start3A_355 : memref<1x128xi32, #tpu.memory_space<vmem>> -> memref<128xi32, #tpu.memory_space<vmem>>
        %dma_start3A_357 = arith.constant 0 : i32
        %dma_start3A_358 = arith.constant 0 : i32
        %dma_start3A_359 = tpu.memref_slice %arg2[%dma_start3A_357, %dma_start3A_358] : memref<10000x128xf32, #tpu.memory_space<hbm>> -> memref<10000x128xf32, #tpu.memory_space<hbm>>
        tpu.enqueue_indirect_dma source(%dma_start3A_359 : memref<10000x128xf32, #tpu.memory_space<hbm>>) target(%arg28 : memref<128x128xf32, #tpu.memory_space<vmem>>) offsets(%dma_start3A_356 : memref<128xi32, #tpu.memory_space<vmem>>) semaphore(%arg30 : memref<!tpu.dma_semaphore, #tpu.memory_space<semaphore_mem>>)
        %add3A_360 = arith.constant 1 : i32
        %add3A_361 = arith.addi %mul3A_313, %add3A_360 : i32
        %get3A_362 = arith.index_cast %add3A_361 : i32 to index
        %get3A_363 = arith.constant 0 : index
        %get3A_364 = tpu.vector_load %arg27[%get3A_362, %get3A_363] {strides = array<i32>} : memref<8x128xi32, #tpu.memory_space<vmem>>, vector<16xi32>,
        tpu.vector_store_idx %arg23[%get3A_364], %broadcast_in_dim3A_6 {add = true} : memref<10112xf32, #tpu.memory_space<vmem>>[vector<16xi32>], vector<16xf32>,
        %get3A_365 = arith.index_cast %add3A_361 : i32 to index
        %get3A_366 = arith.constant 16 : index
        %get3A_367 = tpu.vector_load %arg27[%get3A_365, %get3A_366] {strides = array<i32>} : memref<8x128xi32, #tpu.memory_space<vmem>>, vector<16xi32>,
        tpu.vector_store_idx %arg23[%get3A_367], %broadcast_in_dim3A_6 {add = true} : memref<10112xf32, #tpu.memory_space<vmem>>[vector<16xi32>], vector<16xf32>,
        %get3A_368 = arith.index_cast %add3A_361 : i32 to index
        %get3A_369 = arith.constant 32 : index
        %get3A_370 = tpu.vector_load %arg27[%get3A_368, %get3A_369] {strides = array<i32>} : memref<8x128xi32, #tpu.memory_space<vmem>>, vector<16xi32>,
        tpu.vector_store_idx %arg23[%get3A_370], %broadcast_in_dim3A_6 {add = true} : memref<10112xf32, #tpu.memory_space<vmem>>[vector<16xi32>], vector<16xf32>,
        %get3A_371 = arith.index_cast %add3A_361 : i32 to index
        %get3A_372 = arith.constant 48 : index
        %get3A_373 = tpu.vector_load %arg27[%get3A_371, %get3A_372] {strides = array<i32>} : memref<8x128xi32, #tpu.memory_space<vmem>>, vector<16xi32>,
        tpu.vector_store_idx %arg23[%get3A_373], %broadcast_in_dim3A_6 {add = true} : memref<10112xf32, #tpu.memory_space<vmem>>[vector<16xi32>], vector<16xf32>,
        %get3A_374 = arith.index_cast %add3A_361 : i32 to index
        %get3A_375 = arith.constant 64 : index
        %get3A_376 = tpu.vector_load %arg27[%get3A_374, %get3A_375] {strides = array<i32>} : memref<8x128xi32, #tpu.memory_space<vmem>>, vector<16xi32>,
        tpu.vector_store_idx %arg23[%get3A_376], %broadcast_in_dim3A_6 {add = true} : memref<10112xf32, #tpu.memory_space<vmem>>[vector<16xi32>], vector<16xf32>,
        %get3A_377 = arith.index_cast %add3A_361 : i32 to index
        %get3A_378 = arith.constant 80 : index
        %get3A_379 = tpu.vector_load %arg27[%get3A_377, %get3A_378] {strides = array<i32>} : memref<8x128xi32, #tpu.memory_space<vmem>>, vector<16xi32>,
        tpu.vector_store_idx %arg23[%get3A_379], %broadcast_in_dim3A_6 {add = true} : memref<10112xf32, #tpu.memory_space<vmem>>[vector<16xi32>], vector<16xf32>,
        %get3A_380 = arith.index_cast %add3A_361 : i32 to index
        %get3A_381 = arith.constant 96 : index
        %get3A_382 = tpu.vector_load %arg27[%get3A_380, %get3A_381] {strides = array<i32>} : memref<8x128xi32, #tpu.memory_space<vmem>>, vector<16xi32>,
        tpu.vector_store_idx %arg23[%get3A_382], %broadcast_in_dim3A_6 {add = true} : memref<10112xf32, #tpu.memory_space<vmem>>[vector<16xi32>], vector<16xf32>,
        %get3A_383 = arith.index_cast %add3A_361 : i32 to index
        %get3A_384 = arith.constant 112 : index
        %get3A_385 = tpu.vector_load %arg27[%get3A_383, %get3A_384] {strides = array<i32>} : memref<8x128xi32, #tpu.memory_space<vmem>>, vector<16xi32>,
        tpu.vector_store_idx %arg23[%get3A_385], %broadcast_in_dim3A_6 {add = true} : memref<10112xf32, #tpu.memory_space<vmem>>[vector<16xi32>], vector<16xf32>,
        %add3A_386 = arith.constant 1 : i32
        %add3A_387 = arith.addi %mul3A_313, %add3A_386 : i32
        %dma_wait3A_388 = arith.constant 0 : i32
        %dma_wait3A_389 = tpu.memref_slice %arg26[%add3A_387, %dma_wait3A_388] : memref<8x128xi32, #tpu.memory_space<vmem>> -> memref<1x128xi32, #tpu.memory_space<vmem>>
        %dma_wait3A_390 = tpu.memref_squeeze %dma_wait3A_389 : memref<1x128xi32, #tpu.memory_space<vmem>> -> memref<128xi32, #tpu.memory_space<vmem>>
        %dma_wait3A_391 = arith.constant 0 : i32
        %dma_wait3A_392 = arith.constant 0 : i32
        %dma_wait3A_393 = tpu.memref_slice %arg2[%dma_wait3A_391, %dma_wait3A_392] : memref<10000x128xf32, #tpu.memory_space<hbm>> -> memref<10000x128xf32, #tpu.memory_space<hbm>>
        tpu.wait_indirect_dma semaphore(%arg31 : memref<!tpu.dma_semaphore, #tpu.memory_space<semaphore_mem>>) src(%dma_wait3A_393 : memref<10000x128xf32, #tpu.memory_space<hbm>>) dst(%arg29 : memref<128x128xf32, #tpu.memory_space<vmem>>)
        "tpu.region"() ({
          %run_scoped3A_394 = tpu.sem_alloc : memref<!tpu.dma_semaphore, #tpu.memory_space<semaphore_mem>>
          %dma_start3A_395 = arith.constant 0 : i32
          %dma_start3A_396 = tpu.memref_slice %arg27[%add3A_387, %dma_start3A_395] : memref<8x128xi32, #tpu.memory_space<vmem>> -> memref<1x128xi32, #tpu.memory_space<vmem>>
          %dma_start3A_397 = tpu.memref_squeeze %dma_start3A_396 : memref<1x128xi32, #tpu.memory_space<vmem>> -> memref<128xi32, #tpu.memory_space<vmem>>
          %dma_start3A_398 = arith.constant 0 : i32
          %dma_start3A_399 = arith.constant 0 : i32
          %dma_start3A_400 = tpu.memref_slice %arg22[%dma_start3A_398, %dma_start3A_399] : memref<10112x128xf32, #tpu.memory_space<vmem_shared>> -> memref<10112x128xf32, #tpu.memory_space<vmem_shared>>
          tpu.enqueue_indirect_dma source(%arg29 : memref<128x128xf32, #tpu.memory_space<vmem>>) target(%dma_start3A_400 : memref<10112x128xf32, #tpu.memory_space<vmem_shared>>) offsets(%dma_start3A_397 : memref<128xi32, #tpu.memory_space<vmem>>) semaphore(%run_scoped3A_394 : memref<!tpu.dma_semaphore, #tpu.memory_space<semaphore_mem>>) {add = true}
          %dma_wait3A_401 = arith.constant 0 : i32
          %dma_wait3A_402 = tpu.memref_slice %arg27[%add3A_387, %dma_wait3A_401] : memref<8x128xi32, #tpu.memory_space<vmem>> -> memref<1x128xi32, #tpu.memory_space<vmem>>
          %dma_wait3A_403 = tpu.memref_squeeze %dma_wait3A_402 : memref<1x128xi32, #tpu.memory_space<vmem>> -> memref<128xi32, #tpu.memory_space<vmem>>
          %dma_wait3A_404 = arith.constant 0 : i32
          %dma_wait3A_405 = arith.constant 0 : i32
          %dma_wait3A_406 = tpu.memref_slice %arg22[%dma_wait3A_404, %dma_wait3A_405] : memref<10112x128xf32, #tpu.memory_space<vmem_shared>> -> memref<10112x128xf32, #tpu.memory_space<vmem_shared>>
          tpu.wait_indirect_dma semaphore(%run_scoped3A_394 : memref<!tpu.dma_semaphore, #tpu.memory_space<semaphore_mem>>) src(%arg29 : memref<128x128xf32, #tpu.memory_space<vmem>>) dst(%dma_wait3A_406 : memref<10112x128xf32, #tpu.memory_space<vmem_shared>>)
          tpu.yield
        }) : () -> ()
      }
      %scan3A_219 = arith.constant 3 : i32
      %dma_start3A_220 = arith.constant 7 : i32
      %dma_start3A_221 = arith.constant 0 : i32
      %dma_start3A_222 = tpu.memref_slice %arg26[%dma_start3A_220, %dma_start3A_221] : memref<8x128xi32, #tpu.memory_space<vmem>> -> memref<1x128xi32, #tpu.memory_space<vmem>>
      %dma_start3A_223 = tpu.memref_squeeze %dma_start3A_222 : memref<1x128xi32, #tpu.memory_space<vmem>> -> memref<128xi32, #tpu.memory_space<vmem>>
      %dma_start3A_224 = arith.constant 0 : i32
      %dma_start3A_225 = arith.constant 0 : i32
      %dma_start3A_226 = tpu.memref_slice %arg2[%dma_start3A_224, %dma_start3A_225] : memref<10000x128xf32, #tpu.memory_space<hbm>> -> memref<10000x128xf32, #tpu.memory_space<hbm>>
      tpu.enqueue_indirect_dma source(%dma_start3A_226 : memref<10000x128xf32, #tpu.memory_space<hbm>>) target(%arg29 : memref<128x128xf32, #tpu.memory_space<vmem>>) offsets(%dma_start3A_223 : memref<128xi32, #tpu.memory_space<vmem>>) semaphore(%arg31 : memref<!tpu.dma_semaphore, #tpu.memory_space<semaphore_mem>>)
      %get3A_227 = arith.constant 6 : i32
      %get3A_228 = arith.index_cast %get3A_227 : i32 to index
      %get3A_229 = arith.constant 0 : index
      %get3A_230 = tpu.vector_load %arg27[%get3A_228, %get3A_229] {strides = array<i32>} : memref<8x128xi32, #tpu.memory_space<vmem>>, vector<16xi32>,
      tpu.vector_store_idx %arg23[%get3A_230], %broadcast_in_dim3A_6 {add = true} : memref<10112xf32, #tpu.memory_space<vmem>>[vector<16xi32>], vector<16xf32>,
      %get3A_231 = arith.constant 6 : i32
      %get3A_232 = arith.index_cast %get3A_231 : i32 to index
      %get3A_233 = arith.constant 16 : index
      %get3A_234 = tpu.vector_load %arg27[%get3A_232, %get3A_233] {strides = array<i32>} : memref<8x128xi32, #tpu.memory_space<vmem>>, vector<16xi32>,
      tpu.vector_store_idx %arg23[%get3A_234], %broadcast_in_dim3A_6 {add = true} : memref<10112xf32, #tpu.memory_space<vmem>>[vector<16xi32>], vector<16xf32>,
      %get3A_235 = arith.constant 6 : i32
      %get3A_236 = arith.index_cast %get3A_235 : i32 to index
      %get3A_237 = arith.constant 32 : index
      %get3A_238 = tpu.vector_load %arg27[%get3A_236, %get3A_237] {strides = array<i32>} : memref<8x128xi32, #tpu.memory_space<vmem>>, vector<16xi32>,
      tpu.vector_store_idx %arg23[%get3A_238], %broadcast_in_dim3A_6 {add = true} : memref<10112xf32, #tpu.memory_space<vmem>>[vector<16xi32>], vector<16xf32>,
      %get3A_239 = arith.constant 6 : i32
      %get3A_240 = arith.index_cast %get3A_239 : i32 to index
      %get3A_241 = arith.constant 48 : index
      %get3A_242 = tpu.vector_load %arg27[%get3A_240, %get3A_241] {strides = array<i32>} : memref<8x128xi32, #tpu.memory_space<vmem>>, vector<16xi32>,
      tpu.vector_store_idx %arg23[%get3A_242], %broadcast_in_dim3A_6 {add = true} : memref<10112xf32, #tpu.memory_space<vmem>>[vector<16xi32>], vector<16xf32>,
      %get3A_243 = arith.constant 6 : i32
      %get3A_244 = arith.index_cast %get3A_243 : i32 to index
      %get3A_245 = arith.constant 64 : index
      %get3A_246 = tpu.vector_load %arg27[%get3A_244, %get3A_245] {strides = array<i32>} : memref<8x128xi32, #tpu.memory_space<vmem>>, vector<16xi32>,
      tpu.vector_store_idx %arg23[%get3A_246], %broadcast_in_dim3A_6 {add = true} : memref<10112xf32, #tpu.memory_space<vmem>>[vector<16xi32>], vector<16xf32>,
      %get3A_247 = arith.constant 6 : i32
      %get3A_248 = arith.index_cast %get3A_247 : i32 to index
      %get3A_249 = arith.constant 80 : index
      %get3A_250 = tpu.vector_load %arg27[%get3A_248, %get3A_249] {strides = array<i32>} : memref<8x128xi32, #tpu.memory_space<vmem>>, vector<16xi32>,
      tpu.vector_store_idx %arg23[%get3A_250], %broadcast_in_dim3A_6 {add = true} : memref<10112xf32, #tpu.memory_space<vmem>>[vector<16xi32>], vector<16xf32>,
      %get3A_251 = arith.constant 6 : i32
      %get3A_252 = arith.index_cast %get3A_251 : i32 to index
      %get3A_253 = arith.constant 96 : index
      %get3A_254 = tpu.vector_load %arg27[%get3A_252, %get3A_253] {strides = array<i32>} : memref<8x128xi32, #tpu.memory_space<vmem>>, vector<16xi32>,
      tpu.vector_store_idx %arg23[%get3A_254], %broadcast_in_dim3A_6 {add = true} : memref<10112xf32, #tpu.memory_space<vmem>>[vector<16xi32>], vector<16xf32>,
      %get3A_255 = arith.constant 6 : i32
      %get3A_256 = arith.index_cast %get3A_255 : i32 to index
      %get3A_257 = arith.constant 112 : index
      %get3A_258 = tpu.vector_load %arg27[%get3A_256, %get3A_257] {strides = array<i32>} : memref<8x128xi32, #tpu.memory_space<vmem>>, vector<16xi32>,
      tpu.vector_store_idx %arg23[%get3A_258], %broadcast_in_dim3A_6 {add = true} : memref<10112xf32, #tpu.memory_space<vmem>>[vector<16xi32>], vector<16xf32>,
      %dma_wait3A_259 = arith.constant 6 : i32
      %dma_wait3A_260 = arith.constant 0 : i32
      %dma_wait3A_261 = tpu.memref_slice %arg26[%dma_wait3A_259, %dma_wait3A_260] : memref<8x128xi32, #tpu.memory_space<vmem>> -> memref<1x128xi32, #tpu.memory_space<vmem>>
      %dma_wait3A_262 = tpu.memref_squeeze %dma_wait3A_261 : memref<1x128xi32, #tpu.memory_space<vmem>> -> memref<128xi32, #tpu.memory_space<vmem>>
      %dma_wait3A_263 = arith.constant 0 : i32
      %dma_wait3A_264 = arith.constant 0 : i32
      %dma_wait3A_265 = tpu.memref_slice %arg2[%dma_wait3A_263, %dma_wait3A_264] : memref<10000x128xf32, #tpu.memory_space<hbm>> -> memref<10000x128xf32, #tpu.memory_space<hbm>>
      tpu.wait_indirect_dma semaphore(%arg30 : memref<!tpu.dma_semaphore, #tpu.memory_space<semaphore_mem>>) src(%dma_wait3A_265 : memref<10000x128xf32, #tpu.memory_space<hbm>>) dst(%arg28 : memref<128x128xf32, #tpu.memory_space<vmem>>)
      %run_scoped3A_266 = arith.constant 6 : i32
      "tpu.region"() ({
        %run_scoped3A_311 = tpu.sem_alloc : memref<!tpu.dma_semaphore, #tpu.memory_space<semaphore_mem>>
        %dma_start3A_312 = arith.constant 0 : i32
        %dma_start3A_313 = tpu.memref_slice %arg27[%run_scoped3A_266, %dma_start3A_312] : memref<8x128xi32, #tpu.memory_space<vmem>> -> memref<1x128xi32, #tpu.memory_space<vmem>>
        %dma_start3A_314 = tpu.memref_squeeze %dma_start3A_313 : memref<1x128xi32, #tpu.memory_space<vmem>> -> memref<128xi32, #tpu.memory_space<vmem>>
        %dma_start3A_315 = arith.constant 0 : i32
        %dma_start3A_316 = arith.constant 0 : i32
        %dma_start3A_317 = tpu.memref_slice %arg22[%dma_start3A_315, %dma_start3A_316] : memref<10112x128xf32, #tpu.memory_space<vmem_shared>> -> memref<10112x128xf32, #tpu.memory_space<vmem_shared>>
        tpu.enqueue_indirect_dma source(%arg28 : memref<128x128xf32, #tpu.memory_space<vmem>>) target(%dma_start3A_317 : memref<10112x128xf32, #tpu.memory_space<vmem_shared>>) offsets(%dma_start3A_314 : memref<128xi32, #tpu.memory_space<vmem>>) semaphore(%run_scoped3A_311 : memref<!tpu.dma_semaphore, #tpu.memory_space<semaphore_mem>>) {add = true}
        %dma_wait3A_318 = arith.constant 0 : i32
        %dma_wait3A_319 = tpu.memref_slice %arg27[%run_scoped3A_266, %dma_wait3A_318] : memref<8x128xi32, #tpu.memory_space<vmem>> -> memref<1x128xi32, #tpu.memory_space<vmem>>
        %dma_wait3A_320 = tpu.memref_squeeze %dma_wait3A_319 : memref<1x128xi32, #tpu.memory_space<vmem>> -> memref<128xi32, #tpu.memory_space<vmem>>
        %dma_wait3A_321 = arith.constant 0 : i32
        %dma_wait3A_322 = arith.constant 0 : i32
        %dma_wait3A_323 = tpu.memref_slice %arg22[%dma_wait3A_321, %dma_wait3A_322] : memref<10112x128xf32, #tpu.memory_space<vmem_shared>> -> memref<10112x128xf32, #tpu.memory_space<vmem_shared>>
        tpu.wait_indirect_dma semaphore(%run_scoped3A_311 : memref<!tpu.dma_semaphore, #tpu.memory_space<semaphore_mem>>) src(%arg28 : memref<128x128xf32, #tpu.memory_space<vmem>>) dst(%dma_wait3A_323 : memref<10112x128xf32, #tpu.memory_space<vmem_shared>>)
        tpu.yield
      }) : () -> ()
      %not3A = arith.constant true
      %not3A_267 = arith.xori %eq3A_213, %not3A : i1
      %convert_element_type3A_268 = arith.extui %not3A_267 : i1 to i32
      %cond3A_269 = arith.constant 0 : i32
      %cond3A_270 = arith.cmpi ne, %convert_element_type3A_268, %cond3A_269 : i32
      scf.if %cond3A_270 {
        %dma_start3A_311 = arith.constant 0 : i32
        %dma_start3A_312 = arith.constant 0 : i32
        %dma_start3A_313 = tpu.memref_slice %arg24[%dma_start3A_311, %dma_start3A_312] : memref<8x128xi32, #tpu.memory_space<vmem>> -> memref<1x128xi32, #tpu.memory_space<vmem>>
        %dma_start3A_314 = tpu.memref_squeeze %dma_start3A_313 : memref<1x128xi32, #tpu.memory_space<vmem>> -> memref<128xi32, #tpu.memory_space<vmem>>
        %dma_start3A_315 = arith.constant 0 : i32
        %dma_start3A_316 = arith.constant 0 : i32
        %dma_start3A_317 = tpu.memref_slice %arg2[%dma_start3A_315, %dma_start3A_316] : memref<10000x128xf32, #tpu.memory_space<hbm>> -> memref<10000x128xf32, #tpu.memory_space<hbm>>
        tpu.enqueue_indirect_dma source(%dma_start3A_317 : memref<10000x128xf32, #tpu.memory_space<hbm>>) target(%arg28 : memref<128x128xf32, #tpu.memory_space<vmem>>) offsets(%dma_start3A_314 : memref<128xi32, #tpu.memory_space<vmem>>) semaphore(%arg30 : memref<!tpu.dma_semaphore, #tpu.memory_space<semaphore_mem>>)
      } else {
      }
      %get3A_271 = arith.constant 7 : i32
      %get3A_272 = arith.index_cast %get3A_271 : i32 to index
      %get3A_273 = arith.constant 0 : index
      %get3A_274 = tpu.vector_load %arg27[%get3A_272, %get3A_273] {strides = array<i32>} : memref<8x128xi32, #tpu.memory_space<vmem>>, vector<16xi32>,
      tpu.vector_store_idx %arg23[%get3A_274], %broadcast_in_dim3A_6 {add = true} : memref<10112xf32, #tpu.memory_space<vmem>>[vector<16xi32>], vector<16xf32>,
      %get3A_275 = arith.constant 7 : i32
      %get3A_276 = arith.index_cast %get3A_275 : i32 to index
      %get3A_277 = arith.constant 16 : index
      %get3A_278 = tpu.vector_load %arg27[%get3A_276, %get3A_277] {strides = array<i32>} : memref<8x128xi32, #tpu.memory_space<vmem>>, vector<16xi32>,
      tpu.vector_store_idx %arg23[%get3A_278], %broadcast_in_dim3A_6 {add = true} : memref<10112xf32, #tpu.memory_space<vmem>>[vector<16xi32>], vector<16xf32>,
      %get3A_279 = arith.constant 7 : i32
      %get3A_280 = arith.index_cast %get3A_279 : i32 to index
      %get3A_281 = arith.constant 32 : index
      %get3A_282 = tpu.vector_load %arg27[%get3A_280, %get3A_281] {strides = array<i32>} : memref<8x128xi32, #tpu.memory_space<vmem>>, vector<16xi32>,
      tpu.vector_store_idx %arg23[%get3A_282], %broadcast_in_dim3A_6 {add = true} : memref<10112xf32, #tpu.memory_space<vmem>>[vector<16xi32>], vector<16xf32>,
      %get3A_283 = arith.constant 7 : i32
      %get3A_284 = arith.index_cast %get3A_283 : i32 to index
      %get3A_285 = arith.constant 48 : index
      %get3A_286 = tpu.vector_load %arg27[%get3A_284, %get3A_285] {strides = array<i32>} : memref<8x128xi32, #tpu.memory_space<vmem>>, vector<16xi32>,
      tpu.vector_store_idx %arg23[%get3A_286], %broadcast_in_dim3A_6 {add = true} : memref<10112xf32, #tpu.memory_space<vmem>>[vector<16xi32>], vector<16xf32>,
      %get3A_287 = arith.constant 7 : i32
      %get3A_288 = arith.index_cast %get3A_287 : i32 to index
      %get3A_289 = arith.constant 64 : index
      %get3A_290 = tpu.vector_load %arg27[%get3A_288, %get3A_289] {strides = array<i32>} : memref<8x128xi32, #tpu.memory_space<vmem>>, vector<16xi32>,
      tpu.vector_store_idx %arg23[%get3A_290], %broadcast_in_dim3A_6 {add = true} : memref<10112xf32, #tpu.memory_space<vmem>>[vector<16xi32>], vector<16xf32>,
      %get3A_291 = arith.constant 7 : i32
      %get3A_292 = arith.index_cast %get3A_291 : i32 to index
      %get3A_293 = arith.constant 80 : index
      %get3A_294 = tpu.vector_load %arg27[%get3A_292, %get3A_293] {strides = array<i32>} : memref<8x128xi32, #tpu.memory_space<vmem>>, vector<16xi32>,
      tpu.vector_store_idx %arg23[%get3A_294], %broadcast_in_dim3A_6 {add = true} : memref<10112xf32, #tpu.memory_space<vmem>>[vector<16xi32>], vector<16xf32>,
      %get3A_295 = arith.constant 7 : i32
      %get3A_296 = arith.index_cast %get3A_295 : i32 to index
      %get3A_297 = arith.constant 96 : index
      %get3A_298 = tpu.vector_load %arg27[%get3A_296, %get3A_297] {strides = array<i32>} : memref<8x128xi32, #tpu.memory_space<vmem>>, vector<16xi32>,
      tpu.vector_store_idx %arg23[%get3A_298], %broadcast_in_dim3A_6 {add = true} : memref<10112xf32, #tpu.memory_space<vmem>>[vector<16xi32>], vector<16xf32>,
      %get3A_299 = arith.constant 7 : i32
      %get3A_300 = arith.index_cast %get3A_299 : i32 to index
      %get3A_301 = arith.constant 112 : index
      %get3A_302 = tpu.vector_load %arg27[%get3A_300, %get3A_301] {strides = array<i32>} : memref<8x128xi32, #tpu.memory_space<vmem>>, vector<16xi32>,
      tpu.vector_store_idx %arg23[%get3A_302], %broadcast_in_dim3A_6 {add = true} : memref<10112xf32, #tpu.memory_space<vmem>>[vector<16xi32>], vector<16xf32>,
      %dma_wait3A_303 = arith.constant 7 : i32
      %dma_wait3A_304 = arith.constant 0 : i32
      %dma_wait3A_305 = tpu.memref_slice %arg26[%dma_wait3A_303, %dma_wait3A_304] : memref<8x128xi32, #tpu.memory_space<vmem>> -> memref<1x128xi32, #tpu.memory_space<vmem>>
      %dma_wait3A_306 = tpu.memref_squeeze %dma_wait3A_305 : memref<1x128xi32, #tpu.memory_space<vmem>> -> memref<128xi32, #tpu.memory_space<vmem>>
      %dma_wait3A_307 = arith.constant 0 : i32
      %dma_wait3A_308 = arith.constant 0 : i32
      %dma_wait3A_309 = tpu.memref_slice %arg2[%dma_wait3A_307, %dma_wait3A_308] : memref<10000x128xf32, #tpu.memory_space<hbm>> -> memref<10000x128xf32, #tpu.memory_space<hbm>>
      tpu.wait_indirect_dma semaphore(%arg31 : memref<!tpu.dma_semaphore, #tpu.memory_space<semaphore_mem>>) src(%dma_wait3A_309 : memref<10000x128xf32, #tpu.memory_space<hbm>>) dst(%arg29 : memref<128x128xf32, #tpu.memory_space<vmem>>)
      %run_scoped3A_310 = arith.constant 7 : i32
      "tpu.region"() ({
        %run_scoped3A_311 = tpu.sem_alloc : memref<!tpu.dma_semaphore, #tpu.memory_space<semaphore_mem>>
        %dma_start3A_312 = arith.constant 0 : i32
        %dma_start3A_313 = tpu.memref_slice %arg27[%run_scoped3A_310, %dma_start3A_312] : memref<8x128xi32, #tpu.memory_space<vmem>> -> memref<1x128xi32, #tpu.memory_space<vmem>>
        %dma_start3A_314 = tpu.memref_squeeze %dma_start3A_313 : memref<1x128xi32, #tpu.memory_space<vmem>> -> memref<128xi32, #tpu.memory_space<vmem>>
        %dma_start3A_315 = arith.constant 0 : i32
        %dma_start3A_316 = arith.constant 0 : i32
        %dma_start3A_317 = tpu.memref_slice %arg22[%dma_start3A_315, %dma_start3A_316] : memref<10112x128xf32, #tpu.memory_space<vmem_shared>> -> memref<10112x128xf32, #tpu.memory_space<vmem_shared>>
        tpu.enqueue_indirect_dma source(%arg29 : memref<128x128xf32, #tpu.memory_space<vmem>>) target(%dma_start3A_317 : memref<10112x128xf32, #tpu.memory_space<vmem_shared>>) offsets(%dma_start3A_314 : memref<128xi32, #tpu.memory_space<vmem>>) semaphore(%run_scoped3A_311 : memref<!tpu.dma_semaphore, #tpu.memory_space<semaphore_mem>>) {add = true}
        %dma_wait3A_318 = arith.constant 0 : i32
        %dma_wait3A_319 = tpu.memref_slice %arg27[%run_scoped3A_310, %dma_wait3A_318] : memref<8x128xi32, #tpu.memory_space<vmem>> -> memref<1x128xi32, #tpu.memory_space<vmem>>
        %dma_wait3A_320 = tpu.memref_squeeze %dma_wait3A_319 : memref<1x128xi32, #tpu.memory_space<vmem>> -> memref<128xi32, #tpu.memory_space<vmem>>
        %dma_wait3A_321 = arith.constant 0 : i32
        %dma_wait3A_322 = arith.constant 0 : i32
        %dma_wait3A_323 = tpu.memref_slice %arg22[%dma_wait3A_321, %dma_wait3A_322] : memref<10112x128xf32, #tpu.memory_space<vmem_shared>> -> memref<10112x128xf32, #tpu.memory_space<vmem_shared>>
        tpu.wait_indirect_dma semaphore(%run_scoped3A_311 : memref<!tpu.dma_semaphore, #tpu.memory_space<semaphore_mem>>) src(%arg29 : memref<128x128xf32, #tpu.memory_space<vmem>>) dst(%dma_wait3A_323 : memref<10112x128xf32, #tpu.memory_space<vmem_shared>>)
        tpu.yield
      }) : () -> ()
    }
    %scan3A_57 = arith.constant 5 : i32
    %barrier3A_58 = arith.constant 0 : index
    tpu.barrier barrier_id(%barrier3A_58)
    "tpu.region"() ({
      %run_scoped3A = tpu.sem_alloc : memref<!tpu.dma_semaphore, #tpu.memory_space<semaphore_mem>>
      %dma_start3A_90 = arith.constant 0 : i32
      %dma_start3A_91 = tpu.memref_slice %arg17[%add3A_5, %dma_start3A_90] : memref<20224x128xf32, #tpu.memory_space<hbm>> -> memref<632x128xf32, #tpu.memory_space<hbm>>
      %dma_start3A_92 = arith.constant 0 : i32
      %dma_start3A_93 = tpu.memref_slice %arg22[%mul3A_2, %dma_start3A_92] : memref<10112x128xf32, #tpu.memory_space<vmem_shared>> -> memref<632x128xf32, #tpu.memory_space<vmem_shared>>
      tpu.enqueue_dma source(%dma_start3A_93 : memref<632x128xf32, #tpu.memory_space<vmem_shared>>) target(%dma_start3A_91 : memref<632x128xf32, #tpu.memory_space<hbm>>) target_semaphore(%run_scoped3A : memref<!tpu.dma_semaphore, #tpu.memory_space<semaphore_mem>>)
      %dma_wait3A = arith.constant 0 : i32
      %dma_wait3A_94 = tpu.memref_slice %arg17[%add3A_5, %dma_wait3A] : memref<20224x128xf32, #tpu.memory_space<hbm>> -> memref<632x128xf32, #tpu.memory_space<hbm>>
      %dma_wait3A_95 = arith.constant 0 : i32
      %dma_wait3A_96 = tpu.memref_slice %arg22[%mul3A_2, %dma_wait3A_95] : memref<10112x128xf32, #tpu.memory_space<vmem_shared>> -> memref<632x128xf32, #tpu.memory_space<vmem_shared>>
      tpu.wait_dma2 semaphore(%run_scoped3A : memref<!tpu.dma_semaphore, #tpu.memory_space<semaphore_mem>>) src(%dma_wait3A_96 : memref<632x128xf32, #tpu.memory_space<vmem_shared>>) dst(%dma_wait3A_94 : memref<632x128xf32, #tpu.memory_space<hbm>>)
      tpu.yield
    }) : () -> ()
    "tpu.region"() ({
      %run_scoped3A = tpu.sem_alloc : memref<!tpu.dma_semaphore, #tpu.memory_space<semaphore_mem>>
      %dma_start3A_90 = arith.constant 0 : i32
      %dma_start3A_91 = tpu.memref_slice %arg20[%add3A, %dma_start3A_90] : memref<32x10112xf32, #tpu.memory_space<hbm>> -> memref<1x10112xf32, #tpu.memory_space<hbm>>
      %dma_start3A_92 = tpu.memref_squeeze %dma_start3A_91 : memref<1x10112xf32, #tpu.memory_space<hbm>> -> memref<10112xf32, #tpu.memory_space<hbm>>
      %dma_start3A_93 = arith.constant 0 : i32
      %dma_start3A_94 = tpu.memref_slice %arg20[%add3A, %dma_start3A_93] : memref<32x10112xf32, #tpu.memory_space<hbm>> -> memref<1x10112xf32, #tpu.memory_space<hbm>>
      %dma_start3A_95 = tpu.memref_squeeze %dma_start3A_94 : memref<1x10112xf32, #tpu.memory_space<hbm>> -> memref<10112xf32, #tpu.memory_space<hbm>>
      tpu.enqueue_dma source(%arg23 : memref<10112xf32, #tpu.memory_space<vmem>>) target(%dma_start3A_95 : memref<10112xf32, #tpu.memory_space<hbm>>) target_semaphore(%run_scoped3A : memref<!tpu.dma_semaphore, #tpu.memory_space<semaphore_mem>>)
      %dma_wait3A = arith.constant 0 : i32
      %dma_wait3A_96 = tpu.memref_slice %arg20[%add3A, %dma_wait3A] : memref<32x10112xf32, #tpu.memory_space<hbm>> -> memref<1x10112xf32, #tpu.memory_space<hbm>>
      %dma_wait3A_97 = tpu.memref_squeeze %dma_wait3A_96 : memref<1x10112xf32, #tpu.memory_space<hbm>> -> memref<10112xf32, #tpu.memory_space<hbm>>
      %dma_wait3A_98 = arith.constant 0 : i32
      %dma_wait3A_99 = tpu.memref_slice %arg20[%add3A, %dma_wait3A_98] : memref<32x10112xf32, #tpu.memory_space<hbm>> -> memref<1x10112xf32, #tpu.memory_space<hbm>>
      %dma_wait3A_100 = tpu.memref_squeeze %dma_wait3A_99 : memref<1x10112xf32, #tpu.memory_space<hbm>> -> memref<10112xf32, #tpu.memory_space<hbm>>
      tpu.wait_dma2 semaphore(%run_scoped3A : memref<!tpu.dma_semaphore, #tpu.memory_space<semaphore_mem>>) src(%arg23 : memref<10112xf32, #tpu.memory_space<vmem>>) dst(%dma_wait3A_100 : memref<10112xf32, #tpu.memory_space<hbm>>)
      tpu.yield
    }) : () -> ()
    %barrier3A_59 = arith.constant 0 : index
    tpu.barrier barrier_id(%barrier3A_59)
    "tpu.region"() ({
      %run_scoped3A = tpu.sem_alloc : memref<!tpu.dma_semaphore, #tpu.memory_space<semaphore_mem>>
      %dma_start3A_90 = arith.constant 0 : i32
      %dma_start3A_91 = tpu.memref_slice %arg22[%mul3A_2, %dma_start3A_90] : memref<10112x128xf32, #tpu.memory_space<vmem_shared>> -> memref<632x128xf32, #tpu.memory_space<vmem_shared>>
      tpu.enqueue_dma source(%arg14 : memref<632x128xf32, #tpu.memory_space<hbm>>) target(%dma_start3A_91 : memref<632x128xf32, #tpu.memory_space<vmem_shared>>) target_semaphore(%run_scoped3A : memref<!tpu.dma_semaphore, #tpu.memory_space<semaphore_mem>>)
      %dma_wait3A = arith.constant 0 : i32
      %dma_wait3A_92 = tpu.memref_slice %arg22[%mul3A_2, %dma_wait3A] : memref<10112x128xf32, #tpu.memory_space<vmem_shared>> -> memref<632x128xf32, #tpu.memory_space<vmem_shared>>
      tpu.wait_dma2 semaphore(%run_scoped3A : memref<!tpu.dma_semaphore, #tpu.memory_space<semaphore_mem>>) src(%arg14 : memref<632x128xf32, #tpu.memory_space<hbm>>) dst(%dma_wait3A_92 : memref<632x128xf32, #tpu.memory_space<vmem_shared>>)
      tpu.yield
    }) : () -> ()
    "tpu.region"() ({
      %run_scoped3A = tpu.sem_alloc : memref<!tpu.dma_semaphore, #tpu.memory_space<semaphore_mem>>
      tpu.enqueue_dma source(%arg15 : memref<10112xf32, #tpu.memory_space<hbm>>) target(%arg23 : memref<10112xf32, #tpu.memory_space<vmem>>) target_semaphore(%run_scoped3A : memref<!tpu.dma_semaphore, #tpu.memory_space<semaphore_mem>>)
      tpu.wait_dma2 semaphore(%run_scoped3A : memref<!tpu.dma_semaphore, #tpu.memory_space<semaphore_mem>>) src(%arg15 : memref<10112xf32, #tpu.memory_space<hbm>>) dst(%arg23 : memref<10112xf32, #tpu.memory_space<vmem>>)
      tpu.yield
    }) : () -> ()
    %barrier3A_60 = arith.constant 0 : index
    tpu.barrier barrier_id(%barrier3A_60)
    %mul3A_61 = arith.constant 80 : i32
    %mul3A_62 = arith.muli %add3A, %mul3A_61 : i32
    %add3A_63 = arith.constant 0 : i32
    %add3A_64 = arith.addi %mul3A_62, %add3A_63 : i32
    %lt3A_65 = arith.constant 31 : i32
    %lt3A_66 = arith.cmpi slt, %add3A, %lt3A_65 : i32
    %convert_element_type3A_67 = arith.extui %lt3A_66 : i1 to i32
    %cond3A_68 = arith.constant 0 : i32
    %cond3A_69 = arith.cmpi ne, %convert_element_type3A_67, %cond3A_68 : i32
    scf.if %cond3A_69 {
      "tpu.region"() ({
        %run_scoped3A = tpu.sem_alloc : memref<!tpu.dma_semaphore, #tpu.memory_space<semaphore_mem>>
        %dma_start3A_90 = arith.constant 0 : i32
        %dma_start3A_91 = tpu.memref_slice %arg7[%add3A_64, %dma_start3A_90] : memref<2500x128xi32, #tpu.memory_space<hbm>> -> memref<8x128xi32, #tpu.memory_space<hbm>>
        %dma_start3A_92 = arith.constant 0 : i32
        %dma_start3A_93 = tpu.memref_slice %arg7[%add3A_64, %dma_start3A_92] : memref<2500x128xi32, #tpu.memory_space<hbm>> -> memref<8x128xi32, #tpu.memory_space<hbm>>
        tpu.enqueue_dma source(%dma_start3A_93 : memref<8x128xi32, #tpu.memory_space<hbm>>) target(%arg24 : memref<8x128xi32, #tpu.memory_space<vmem>>) target_semaphore(%run_scoped3A : memref<!tpu.dma_semaphore, #tpu.memory_space<semaphore_mem>>)
        %dma_wait3A = arith.constant 0 : i32
        %dma_wait3A_94 = tpu.memref_slice %arg7[%add3A_64, %dma_wait3A] : memref<2500x128xi32, #tpu.memory_space<hbm>> -> memref<8x128xi32, #tpu.memory_space<hbm>>
        %dma_wait3A_95 = arith.constant 0 : i32
        %dma_wait3A_96 = tpu.memref_slice %arg7[%add3A_64, %dma_wait3A_95] : memref<2500x128xi32, #tpu.memory_space<hbm>> -> memref<8x128xi32, #tpu.memory_space<hbm>>
        tpu.wait_dma2 semaphore(%run_scoped3A : memref<!tpu.dma_semaphore, #tpu.memory_space<semaphore_mem>>) src(%dma_wait3A_96 : memref<8x128xi32, #tpu.memory_space<hbm>>) dst(%arg24 : memref<8x128xi32, #tpu.memory_space<vmem>>)
        tpu.yield
      }) : () -> ()
      "tpu.region"() ({
        %run_scoped3A = tpu.sem_alloc : memref<!tpu.dma_semaphore, #tpu.memory_space<semaphore_mem>>
        %dma_start3A_90 = arith.constant 0 : i32
        %dma_start3A_91 = tpu.memref_slice %arg6[%add3A_64, %dma_start3A_90] : memref<2500x128xi32, #tpu.memory_space<hbm>> -> memref<8x128xi32, #tpu.memory_space<hbm>>
        %dma_start3A_92 = arith.constant 0 : i32
        %dma_start3A_93 = tpu.memref_slice %arg6[%add3A_64, %dma_start3A_92] : memref<2500x128xi32, #tpu.memory_space<hbm>> -> memref<8x128xi32, #tpu.memory_space<hbm>>
        tpu.enqueue_dma source(%dma_start3A_93 : memref<8x128xi32, #tpu.memory_space<hbm>>) target(%arg25 : memref<8x128xi32, #tpu.memory_space<vmem>>) target_semaphore(%run_scoped3A : memref<!tpu.dma_semaphore, #tpu.memory_space<semaphore_mem>>)
        %dma_wait3A = arith.constant 0 : i32
        %dma_wait3A_94 = tpu.memref_slice %arg6[%add3A_64, %dma_wait3A] : memref<2500x128xi32, #tpu.memory_space<hbm>> -> memref<8x128xi32, #tpu.memory_space<hbm>>
        %dma_wait3A_95 = arith.constant 0 : i32
        %dma_wait3A_96 = tpu.memref_slice %arg6[%add3A_64, %dma_wait3A_95] : memref<2500x128xi32, #tpu.memory_space<hbm>> -> memref<8x128xi32, #tpu.memory_space<hbm>>
        tpu.wait_dma2 semaphore(%run_scoped3A : memref<!tpu.dma_semaphore, #tpu.memory_space<semaphore_mem>>) src(%dma_wait3A_96 : memref<8x128xi32, #tpu.memory_space<hbm>>) dst(%arg25 : memref<8x128xi32, #tpu.memory_space<vmem>>)
        tpu.yield
      }) : () -> ()
    } else {
    }
    %eq3A_70 = arith.constant 31 : i32
    %eq3A_71 = arith.cmpi eq, %add3A, %eq3A_70 : i32
    %convert_element_type3A_72 = arith.extui %eq3A_71 : i1 to i32
    %cond3A_73 = arith.constant 0 : i32
    %cond3A_74 = arith.cmpi ne, %convert_element_type3A_72, %cond3A_73 : i32
    scf.if %cond3A_74 {
      "tpu.region"() ({
        %run_scoped3A = tpu.sem_alloc : memref<!tpu.dma_semaphore, #tpu.memory_space<semaphore_mem>>
        %dma_start3A_90 = arith.constant 0 : i32
        %dma_start3A_91 = arith.constant 0 : i32
        %dma_start3A_92 = tpu.memref_slice %arg12[%dma_start3A_90, %dma_start3A_91] : memref<80x128xi32, #tpu.memory_space<hbm>> -> memref<8x128xi32, #tpu.memory_space<hbm>>
        %dma_start3A_93 = arith.constant 0 : i32
        %dma_start3A_94 = arith.constant 0 : i32
        %dma_start3A_95 = tpu.memref_slice %arg12[%dma_start3A_93, %dma_start3A_94] : memref<80x128xi32, #tpu.memory_space<hbm>> -> memref<8x128xi32, #tpu.memory_space<hbm>>
        tpu.enqueue_dma source(%dma_start3A_95 : memref<8x128xi32, #tpu.memory_space<hbm>>) target(%arg24 : memref<8x128xi32, #tpu.memory_space<vmem>>) target_semaphore(%run_scoped3A : memref<!tpu.dma_semaphore, #tpu.memory_space<semaphore_mem>>)
        %dma_wait3A = arith.constant 0 : i32
        %dma_wait3A_96 = arith.constant 0 : i32
        %dma_wait3A_97 = tpu.memref_slice %arg12[%dma_wait3A, %dma_wait3A_96] : memref<80x128xi32, #tpu.memory_space<hbm>> -> memref<8x128xi32, #tpu.memory_space<hbm>>
        %dma_wait3A_98 = arith.constant 0 : i32
        %dma_wait3A_99 = arith.constant 0 : i32
        %dma_wait3A_100 = tpu.memref_slice %arg12[%dma_wait3A_98, %dma_wait3A_99] : memref<80x128xi32, #tpu.memory_space<hbm>> -> memref<8x128xi32, #tpu.memory_space<hbm>>
        tpu.wait_dma2 semaphore(%run_scoped3A : memref<!tpu.dma_semaphore, #tpu.memory_space<semaphore_mem>>) src(%dma_wait3A_100 : memref<8x128xi32, #tpu.memory_space<hbm>>) dst(%arg24 : memref<8x128xi32, #tpu.memory_space<vmem>>)
        tpu.yield
      }) : () -> ()
      "tpu.region"() ({
        %run_scoped3A = tpu.sem_alloc : memref<!tpu.dma_semaphore, #tpu.memory_space<semaphore_mem>>
        %dma_start3A_90 = arith.constant 0 : i32
        %dma_start3A_91 = arith.constant 0 : i32
        %dma_start3A_92 = tpu.memref_slice %arg13[%dma_start3A_90, %dma_start3A_91] : memref<80x128xi32, #tpu.memory_space<hbm>> -> memref<8x128xi32, #tpu.memory_space<hbm>>
        %dma_start3A_93 = arith.constant 0 : i32
        %dma_start3A_94 = arith.constant 0 : i32
        %dma_start3A_95 = tpu.memref_slice %arg13[%dma_start3A_93, %dma_start3A_94] : memref<80x128xi32, #tpu.memory_space<hbm>> -> memref<8x128xi32, #tpu.memory_space<hbm>>
        tpu.enqueue_dma source(%dma_start3A_95 : memref<8x128xi32, #tpu.memory_space<hbm>>) target(%arg25 : memref<8x128xi32, #tpu.memory_space<vmem>>) target_semaphore(%run_scoped3A : memref<!tpu.dma_semaphore, #tpu.memory_space<semaphore_mem>>)
        %dma_wait3A = arith.constant 0 : i32
        %dma_wait3A_96 = arith.constant 0 : i32
        %dma_wait3A_97 = tpu.memref_slice %arg13[%dma_wait3A, %dma_wait3A_96] : memref<80x128xi32, #tpu.memory_space<hbm>> -> memref<8x128xi32, #tpu.memory_space<hbm>>
        %dma_wait3A_98 = arith.constant 0 : i32
        %dma_wait3A_99 = arith.constant 0 : i32
        %dma_wait3A_100 = tpu.memref_slice %arg13[%dma_wait3A_98, %dma_wait3A_99] : memref<80x128xi32, #tpu.memory_space<hbm>> -> memref<8x128xi32, #tpu.memory_space<hbm>>
        tpu.wait_dma2 semaphore(%run_scoped3A : memref<!tpu.dma_semaphore, #tpu.memory_space<semaphore_mem>>) src(%dma_wait3A_100 : memref<8x128xi32, #tpu.memory_space<hbm>>) dst(%arg25 : memref<8x128xi32, #tpu.memory_space<vmem>>)
        tpu.yield
      }) : () -> ()
    } else {
    }
    %dma_start3A_75 = arith.constant 0 : i32
    %dma_start3A_76 = arith.constant 0 : i32
    %dma_start3A_77 = tpu.memref_slice %arg24[%dma_start3A_75, %dma_start3A_76] : memref<8x128xi32, #tpu.memory_space<vmem>> -> memref<1x128xi32, #tpu.memory_space<vmem>>
    %dma_start3A_78 = tpu.memref_squeeze %dma_start3A_77 : memref<1x128xi32, #tpu.memory_space<vmem>> -> memref<128xi32, #tpu.memory_space<vmem>>
    %dma_start3A_79 = arith.constant 0 : i32
    %dma_start3A_80 = arith.constant 0 : i32
    %dma_start3A_81 = tpu.memref_slice %arg3[%dma_start3A_79, %dma_start3A_80] : memref<10000x128xf32, #tpu.memory_space<hbm>> -> memref<10000x128xf32, #tpu.memory_space<hbm>>
    tpu.enqueue_indirect_dma source(%dma_start3A_81 : memref<10000x128xf32, #tpu.memory_space<hbm>>) target(%arg28 : memref<128x128xf32, #tpu.memory_space<vmem>>) offsets(%dma_start3A_78 : memref<128xi32, #tpu.memory_space<vmem>>) semaphore(%arg30 : memref<!tpu.dma_semaphore, #tpu.memory_space<semaphore_mem>>)
    %scan3A_82 = arith.constant 0 : i32
    %scan3A_83 = arith.constant 0 : i32
    %scan3A_84 = arith.constant 5 : i32
    %scan3A_85 = arith.addi %scan3A_83, %scan3A_84 : i32
    %scan3A_86 = arith.constant 1 : i32
    scf.for %scan3A_90 = %scan3A_83 to %scan3A_85 step %scan3A_86  : i32 {
      %mul3A_91 = arith.constant 2 : i32
      %mul3A_92 = arith.muli %mul3A_91, %scan3A_90 : i32
      %add3A_93 = arith.constant 1 : i32
      %add3A_94 = arith.addi %mul3A_92, %add3A_93 : i32
      %mul3A_95 = arith.constant 80 : i32
      %mul3A_96 = arith.muli %add3A, %mul3A_95 : i32
      %mul3A_97 = arith.constant 8 : i32
      %mul3A_98 = arith.muli %add3A_94, %mul3A_97 : i32
      %add3A_99 = arith.addi %mul3A_96, %mul3A_98 : i32
      %lt3A_100 = arith.constant 31 : i32
      %lt3A_101 = arith.cmpi slt, %add3A, %lt3A_100 : i32
      %convert_element_type3A_102 = arith.extui %lt3A_101 : i1 to i32
      %cond3A_103 = arith.constant 0 : i32
      %cond3A_104 = arith.cmpi ne, %convert_element_type3A_102, %cond3A_103 : i32
      scf.if %cond3A_104 {
        "tpu.region"() ({
          %run_scoped3A_311 = tpu.sem_alloc : memref<!tpu.dma_semaphore, #tpu.memory_space<semaphore_mem>>
          %dma_start3A_312 = arith.constant 0 : i32
          %dma_start3A_313 = tpu.memref_slice %arg7[%add3A_99, %dma_start3A_312] : memref<2500x128xi32, #tpu.memory_space<hbm>> -> memref<8x128xi32, #tpu.memory_space<hbm>>
          %dma_start3A_314 = arith.constant 0 : i32
          %dma_start3A_315 = tpu.memref_slice %arg7[%add3A_99, %dma_start3A_314] : memref<2500x128xi32, #tpu.memory_space<hbm>> -> memref<8x128xi32, #tpu.memory_space<hbm>>
          tpu.enqueue_dma source(%dma_start3A_315 : memref<8x128xi32, #tpu.memory_space<hbm>>) target(%arg26 : memref<8x128xi32, #tpu.memory_space<vmem>>) target_semaphore(%run_scoped3A_311 : memref<!tpu.dma_semaphore, #tpu.memory_space<semaphore_mem>>)
          %dma_wait3A_316 = arith.constant 0 : i32
          %dma_wait3A_317 = tpu.memref_slice %arg7[%add3A_99, %dma_wait3A_316] : memref<2500x128xi32, #tpu.memory_space<hbm>> -> memref<8x128xi32, #tpu.memory_space<hbm>>
          %dma_wait3A_318 = arith.constant 0 : i32
          %dma_wait3A_319 = tpu.memref_slice %arg7[%add3A_99, %dma_wait3A_318] : memref<2500x128xi32, #tpu.memory_space<hbm>> -> memref<8x128xi32, #tpu.memory_space<hbm>>
          tpu.wait_dma2 semaphore(%run_scoped3A_311 : memref<!tpu.dma_semaphore, #tpu.memory_space<semaphore_mem>>) src(%dma_wait3A_319 : memref<8x128xi32, #tpu.memory_space<hbm>>) dst(%arg26 : memref<8x128xi32, #tpu.memory_space<vmem>>)
          tpu.yield
        }) : () -> ()
        "tpu.region"() ({
          %run_scoped3A_311 = tpu.sem_alloc : memref<!tpu.dma_semaphore, #tpu.memory_space<semaphore_mem>>
          %dma_start3A_312 = arith.constant 0 : i32
          %dma_start3A_313 = tpu.memref_slice %arg6[%add3A_99, %dma_start3A_312] : memref<2500x128xi32, #tpu.memory_space<hbm>> -> memref<8x128xi32, #tpu.memory_space<hbm>>
          %dma_start3A_314 = arith.constant 0 : i32
          %dma_start3A_315 = tpu.memref_slice %arg6[%add3A_99, %dma_start3A_314] : memref<2500x128xi32, #tpu.memory_space<hbm>> -> memref<8x128xi32, #tpu.memory_space<hbm>>
          tpu.enqueue_dma source(%dma_start3A_315 : memref<8x128xi32, #tpu.memory_space<hbm>>) target(%arg27 : memref<8x128xi32, #tpu.memory_space<vmem>>) target_semaphore(%run_scoped3A_311 : memref<!tpu.dma_semaphore, #tpu.memory_space<semaphore_mem>>)
          %dma_wait3A_316 = arith.constant 0 : i32
          %dma_wait3A_317 = tpu.memref_slice %arg6[%add3A_99, %dma_wait3A_316] : memref<2500x128xi32, #tpu.memory_space<hbm>> -> memref<8x128xi32, #tpu.memory_space<hbm>>
          %dma_wait3A_318 = arith.constant 0 : i32
          %dma_wait3A_319 = tpu.memref_slice %arg6[%add3A_99, %dma_wait3A_318] : memref<2500x128xi32, #tpu.memory_space<hbm>> -> memref<8x128xi32, #tpu.memory_space<hbm>>
          tpu.wait_dma2 semaphore(%run_scoped3A_311 : memref<!tpu.dma_semaphore, #tpu.memory_space<semaphore_mem>>) src(%dma_wait3A_319 : memref<8x128xi32, #tpu.memory_space<hbm>>) dst(%arg27 : memref<8x128xi32, #tpu.memory_space<vmem>>)
          tpu.yield
        }) : () -> ()
      } else {
      }
      %eq3A_105 = arith.constant 31 : i32
      %eq3A_106 = arith.cmpi eq, %add3A, %eq3A_105 : i32
      %convert_element_type3A_107 = arith.extui %eq3A_106 : i1 to i32
      %cond3A_108 = arith.constant 0 : i32
      %cond3A_109 = arith.cmpi ne, %convert_element_type3A_107, %cond3A_108 : i32
      scf.if %cond3A_109 {
        %mul3A_311 = arith.constant 8 : i32
        %mul3A_312 = arith.muli %add3A_94, %mul3A_311 : i32
        "tpu.region"() ({
          %run_scoped3A_315 = tpu.sem_alloc : memref<!tpu.dma_semaphore, #tpu.memory_space<semaphore_mem>>
          %dma_start3A_316 = arith.constant 0 : i32
          %dma_start3A_317 = tpu.memref_slice %arg12[%mul3A_312, %dma_start3A_316] : memref<80x128xi32, #tpu.memory_space<hbm>> -> memref<8x128xi32, #tpu.memory_space<hbm>>
          %dma_start3A_318 = arith.constant 0 : i32
          %dma_start3A_319 = tpu.memref_slice %arg12[%mul3A_312, %dma_start3A_318] : memref<80x128xi32, #tpu.memory_space<hbm>> -> memref<8x128xi32, #tpu.memory_space<hbm>>
          tpu.enqueue_dma source(%dma_start3A_319 : memref<8x128xi32, #tpu.memory_space<hbm>>) target(%arg26 : memref<8x128xi32, #tpu.memory_space<vmem>>) target_semaphore(%run_scoped3A_315 : memref<!tpu.dma_semaphore, #tpu.memory_space<semaphore_mem>>)
          %dma_wait3A_320 = arith.constant 0 : i32
          %dma_wait3A_321 = tpu.memref_slice %arg12[%mul3A_312, %dma_wait3A_320] : memref<80x128xi32, #tpu.memory_space<hbm>> -> memref<8x128xi32, #tpu.memory_space<hbm>>
          %dma_wait3A_322 = arith.constant 0 : i32
          %dma_wait3A_323 = tpu.memref_slice %arg12[%mul3A_312, %dma_wait3A_322] : memref<80x128xi32, #tpu.memory_space<hbm>> -> memref<8x128xi32, #tpu.memory_space<hbm>>
          tpu.wait_dma2 semaphore(%run_scoped3A_315 : memref<!tpu.dma_semaphore, #tpu.memory_space<semaphore_mem>>) src(%dma_wait3A_323 : memref<8x128xi32, #tpu.memory_space<hbm>>) dst(%arg26 : memref<8x128xi32, #tpu.memory_space<vmem>>)
          tpu.yield
        }) : () -> ()
        %mul3A_313 = arith.constant 8 : i32
        %mul3A_314 = arith.muli %add3A_94, %mul3A_313 : i32
        "tpu.region"() ({
          %run_scoped3A_315 = tpu.sem_alloc : memref<!tpu.dma_semaphore, #tpu.memory_space<semaphore_mem>>
          %dma_start3A_316 = arith.constant 0 : i32
          %dma_start3A_317 = tpu.memref_slice %arg13[%mul3A_314, %dma_start3A_316] : memref<80x128xi32, #tpu.memory_space<hbm>> -> memref<8x128xi32, #tpu.memory_space<hbm>>
          %dma_start3A_318 = arith.constant 0 : i32
          %dma_start3A_319 = tpu.memref_slice %arg13[%mul3A_314, %dma_start3A_318] : memref<80x128xi32, #tpu.memory_space<hbm>> -> memref<8x128xi32, #tpu.memory_space<hbm>>
          tpu.enqueue_dma source(%dma_start3A_319 : memref<8x128xi32, #tpu.memory_space<hbm>>) target(%arg27 : memref<8x128xi32, #tpu.memory_space<vmem>>) target_semaphore(%run_scoped3A_315 : memref<!tpu.dma_semaphore, #tpu.memory_space<semaphore_mem>>)
          %dma_wait3A_320 = arith.constant 0 : i32
          %dma_wait3A_321 = tpu.memref_slice %arg13[%mul3A_314, %dma_wait3A_320] : memref<80x128xi32, #tpu.memory_space<hbm>> -> memref<8x128xi32, #tpu.memory_space<hbm>>
          %dma_wait3A_322 = arith.constant 0 : i32
          %dma_wait3A_323 = tpu.memref_slice %arg13[%mul3A_314, %dma_wait3A_322] : memref<80x128xi32, #tpu.memory_space<hbm>> -> memref<8x128xi32, #tpu.memory_space<hbm>>
          tpu.wait_dma2 semaphore(%run_scoped3A_315 : memref<!tpu.dma_semaphore, #tpu.memory_space<semaphore_mem>>) src(%dma_wait3A_323 : memref<8x128xi32, #tpu.memory_space<hbm>>) dst(%arg27 : memref<8x128xi32, #tpu.memory_space<vmem>>)
          tpu.yield
        }) : () -> ()
      } else {
      }
      %scan3A_110 = arith.constant 0 : i32
      %scan3A_111 = arith.constant 0 : i32
      %scan3A_112 = arith.constant 3 : i32
      %scan3A_113 = arith.addi %scan3A_111, %scan3A_112 : i32
      %scan3A_114 = arith.constant 1 : i32
      scf.for %scan3A_311 = %scan3A_111 to %scan3A_113 step %scan3A_114  : i32 {
        %mul3A_312 = arith.constant 2 : i32
        %mul3A_313 = arith.muli %mul3A_312, %scan3A_311 : i32
        %add3A_314 = arith.constant 1 : i32
        %add3A_315 = arith.addi %mul3A_313, %add3A_314 : i32
        %dma_start3A_316 = arith.constant 0 : i32
        %dma_start3A_317 = tpu.memref_slice %arg24[%add3A_315, %dma_start3A_316] : memref<8x128xi32, #tpu.memory_space<vmem>> -> memref<1x128xi32, #tpu.memory_space<vmem>>
        %dma_start3A_318 = tpu.memref_squeeze %dma_start3A_317 : memref<1x128xi32, #tpu.memory_space<vmem>> -> memref<128xi32, #tpu.memory_space<vmem>>
        %dma_start3A_319 = arith.constant 0 : i32
        %dma_start3A_320 = arith.constant 0 : i32
        %dma_start3A_321 = tpu.memref_slice %arg3[%dma_start3A_319, %dma_start3A_320] : memref<10000x128xf32, #tpu.memory_space<hbm>> -> memref<10000x128xf32, #tpu.memory_space<hbm>>
        tpu.enqueue_indirect_dma source(%dma_start3A_321 : memref<10000x128xf32, #tpu.memory_space<hbm>>) target(%arg29 : memref<128x128xf32, #tpu.memory_space<vmem>>) offsets(%dma_start3A_318 : memref<128xi32, #tpu.memory_space<vmem>>) semaphore(%arg31 : memref<!tpu.dma_semaphore, #tpu.memory_space<semaphore_mem>>)
        %get3A_322 = arith.index_cast %mul3A_313 : i32 to index
        %get3A_323 = arith.constant 0 : index
        %get3A_324 = tpu.vector_load %arg25[%get3A_322, %get3A_323] {strides = array<i32>} : memref<8x128xi32, #tpu.memory_space<vmem>>, vector<16xi32>,
        tpu.vector_store_idx %arg23[%get3A_324], %broadcast_in_dim3A_6 {add = true} : memref<10112xf32, #tpu.memory_space<vmem>>[vector<16xi32>], vector<16xf32>,
        %get3A_325 = arith.index_cast %mul3A_313 : i32 to index
        %get3A_326 = arith.constant 16 : index
        %get3A_327 = tpu.vector_load %arg25[%get3A_325, %get3A_326] {strides = array<i32>} : memref<8x128xi32, #tpu.memory_space<vmem>>, vector<16xi32>,
        tpu.vector_store_idx %arg23[%get3A_327], %broadcast_in_dim3A_6 {add = true} : memref<10112xf32, #tpu.memory_space<vmem>>[vector<16xi32>], vector<16xf32>,
        %get3A_328 = arith.index_cast %mul3A_313 : i32 to index
        %get3A_329 = arith.constant 32 : index
        %get3A_330 = tpu.vector_load %arg25[%get3A_328, %get3A_329] {strides = array<i32>} : memref<8x128xi32, #tpu.memory_space<vmem>>, vector<16xi32>,
        tpu.vector_store_idx %arg23[%get3A_330], %broadcast_in_dim3A_6 {add = true} : memref<10112xf32, #tpu.memory_space<vmem>>[vector<16xi32>], vector<16xf32>,
        %get3A_331 = arith.index_cast %mul3A_313 : i32 to index
        %get3A_332 = arith.constant 48 : index
        %get3A_333 = tpu.vector_load %arg25[%get3A_331, %get3A_332] {strides = array<i32>} : memref<8x128xi32, #tpu.memory_space<vmem>>, vector<16xi32>,
        tpu.vector_store_idx %arg23[%get3A_333], %broadcast_in_dim3A_6 {add = true} : memref<10112xf32, #tpu.memory_space<vmem>>[vector<16xi32>], vector<16xf32>,
        %get3A_334 = arith.index_cast %mul3A_313 : i32 to index
        %get3A_335 = arith.constant 64 : index
        %get3A_336 = tpu.vector_load %arg25[%get3A_334, %get3A_335] {strides = array<i32>} : memref<8x128xi32, #tpu.memory_space<vmem>>, vector<16xi32>,
        tpu.vector_store_idx %arg23[%get3A_336], %broadcast_in_dim3A_6 {add = true} : memref<10112xf32, #tpu.memory_space<vmem>>[vector<16xi32>], vector<16xf32>,
        %get3A_337 = arith.index_cast %mul3A_313 : i32 to index
        %get3A_338 = arith.constant 80 : index
        %get3A_339 = tpu.vector_load %arg25[%get3A_337, %get3A_338] {strides = array<i32>} : memref<8x128xi32, #tpu.memory_space<vmem>>, vector<16xi32>,
        tpu.vector_store_idx %arg23[%get3A_339], %broadcast_in_dim3A_6 {add = true} : memref<10112xf32, #tpu.memory_space<vmem>>[vector<16xi32>], vector<16xf32>,
        %get3A_340 = arith.index_cast %mul3A_313 : i32 to index
        %get3A_341 = arith.constant 96 : index
        %get3A_342 = tpu.vector_load %arg25[%get3A_340, %get3A_341] {strides = array<i32>} : memref<8x128xi32, #tpu.memory_space<vmem>>, vector<16xi32>,
        tpu.vector_store_idx %arg23[%get3A_342], %broadcast_in_dim3A_6 {add = true} : memref<10112xf32, #tpu.memory_space<vmem>>[vector<16xi32>], vector<16xf32>,
        %get3A_343 = arith.index_cast %mul3A_313 : i32 to index
        %get3A_344 = arith.constant 112 : index
        %get3A_345 = tpu.vector_load %arg25[%get3A_343, %get3A_344] {strides = array<i32>} : memref<8x128xi32, #tpu.memory_space<vmem>>, vector<16xi32>,
        tpu.vector_store_idx %arg23[%get3A_345], %broadcast_in_dim3A_6 {add = true} : memref<10112xf32, #tpu.memory_space<vmem>>[vector<16xi32>], vector<16xf32>,
        %dma_wait3A_346 = arith.constant 0 : i32
        %dma_wait3A_347 = tpu.memref_slice %arg24[%mul3A_313, %dma_wait3A_346] : memref<8x128xi32, #tpu.memory_space<vmem>> -> memref<1x128xi32, #tpu.memory_space<vmem>>
        %dma_wait3A_348 = tpu.memref_squeeze %dma_wait3A_347 : memref<1x128xi32, #tpu.memory_space<vmem>> -> memref<128xi32, #tpu.memory_space<vmem>>
        %dma_wait3A_349 = arith.constant 0 : i32
        %dma_wait3A_350 = arith.constant 0 : i32
        %dma_wait3A_351 = tpu.memref_slice %arg3[%dma_wait3A_349, %dma_wait3A_350] : memref<10000x128xf32, #tpu.memory_space<hbm>> -> memref<10000x128xf32, #tpu.memory_space<hbm>>
        tpu.wait_indirect_dma semaphore(%arg30 : memref<!tpu.dma_semaphore, #tpu.memory_space<semaphore_mem>>) src(%dma_wait3A_351 : memref<10000x128xf32, #tpu.memory_space<hbm>>) dst(%arg28 : memref<128x128xf32, #tpu.memory_space<vmem>>)
        "tpu.region"() ({
          %run_scoped3A_394 = tpu.sem_alloc : memref<!tpu.dma_semaphore, #tpu.memory_space<semaphore_mem>>
          %dma_start3A_395 = arith.constant 0 : i32
          %dma_start3A_396 = tpu.memref_slice %arg25[%mul3A_313, %dma_start3A_395] : memref<8x128xi32, #tpu.memory_space<vmem>> -> memref<1x128xi32, #tpu.memory_space<vmem>>
          %dma_start3A_397 = tpu.memref_squeeze %dma_start3A_396 : memref<1x128xi32, #tpu.memory_space<vmem>> -> memref<128xi32, #tpu.memory_space<vmem>>
          %dma_start3A_398 = arith.constant 0 : i32
          %dma_start3A_399 = arith.constant 0 : i32
          %dma_start3A_400 = tpu.memref_slice %arg22[%dma_start3A_398, %dma_start3A_399] : memref<10112x128xf32, #tpu.memory_space<vmem_shared>> -> memref<10112x128xf32, #tpu.memory_space<vmem_shared>>
          tpu.enqueue_indirect_dma source(%arg28 : memref<128x128xf32, #tpu.memory_space<vmem>>) target(%dma_start3A_400 : memref<10112x128xf32, #tpu.memory_space<vmem_shared>>) offsets(%dma_start3A_397 : memref<128xi32, #tpu.memory_space<vmem>>) semaphore(%run_scoped3A_394 : memref<!tpu.dma_semaphore, #tpu.memory_space<semaphore_mem>>) {add = true}
          %dma_wait3A_401 = arith.constant 0 : i32
          %dma_wait3A_402 = tpu.memref_slice %arg25[%mul3A_313, %dma_wait3A_401] : memref<8x128xi32, #tpu.memory_space<vmem>> -> memref<1x128xi32, #tpu.memory_space<vmem>>
          %dma_wait3A_403 = tpu.memref_squeeze %dma_wait3A_402 : memref<1x128xi32, #tpu.memory_space<vmem>> -> memref<128xi32, #tpu.memory_space<vmem>>
          %dma_wait3A_404 = arith.constant 0 : i32
          %dma_wait3A_405 = arith.constant 0 : i32
          %dma_wait3A_406 = tpu.memref_slice %arg22[%dma_wait3A_404, %dma_wait3A_405] : memref<10112x128xf32, #tpu.memory_space<vmem_shared>> -> memref<10112x128xf32, #tpu.memory_space<vmem_shared>>
          tpu.wait_indirect_dma semaphore(%run_scoped3A_394 : memref<!tpu.dma_semaphore, #tpu.memory_space<semaphore_mem>>) src(%arg28 : memref<128x128xf32, #tpu.memory_space<vmem>>) dst(%dma_wait3A_406 : memref<10112x128xf32, #tpu.memory_space<vmem_shared>>)
          tpu.yield
        }) : () -> ()
        %add3A_352 = arith.constant 2 : i32
        %add3A_353 = arith.addi %mul3A_313, %add3A_352 : i32
        %dma_start3A_354 = arith.constant 0 : i32
        %dma_start3A_355 = tpu.memref_slice %arg24[%add3A_353, %dma_start3A_354] : memref<8x128xi32, #tpu.memory_space<vmem>> -> memref<1x128xi32, #tpu.memory_space<vmem>>
        %dma_start3A_356 = tpu.memref_squeeze %dma_start3A_355 : memref<1x128xi32, #tpu.memory_space<vmem>> -> memref<128xi32, #tpu.memory_space<vmem>>
        %dma_start3A_357 = arith.constant 0 : i32
        %dma_start3A_358 = arith.constant 0 : i32
        %dma_start3A_359 = tpu.memref_slice %arg3[%dma_start3A_357, %dma_start3A_358] : memref<10000x128xf32, #tpu.memory_space<hbm>> -> memref<10000x128xf32, #tpu.memory_space<hbm>>
        tpu.enqueue_indirect_dma source(%dma_start3A_359 : memref<10000x128xf32, #tpu.memory_space<hbm>>) target(%arg28 : memref<128x128xf32, #tpu.memory_space<vmem>>) offsets(%dma_start3A_356 : memref<128xi32, #tpu.memory_space<vmem>>) semaphore(%arg30 : memref<!tpu.dma_semaphore, #tpu.memory_space<semaphore_mem>>)
        %add3A_360 = arith.constant 1 : i32
        %add3A_361 = arith.addi %mul3A_313, %add3A_360 : i32
        %get3A_362 = arith.index_cast %add3A_361 : i32 to index
        %get3A_363 = arith.constant 0 : index
        %get3A_364 = tpu.vector_load %arg25[%get3A_362, %get3A_363] {strides = array<i32>} : memref<8x128xi32, #tpu.memory_space<vmem>>, vector<16xi32>,
        tpu.vector_store_idx %arg23[%get3A_364], %broadcast_in_dim3A_6 {add = true} : memref<10112xf32, #tpu.memory_space<vmem>>[vector<16xi32>], vector<16xf32>,
        %get3A_365 = arith.index_cast %add3A_361 : i32 to index
        %get3A_366 = arith.constant 16 : index
        %get3A_367 = tpu.vector_load %arg25[%get3A_365, %get3A_366] {strides = array<i32>} : memref<8x128xi32, #tpu.memory_space<vmem>>, vector<16xi32>,
        tpu.vector_store_idx %arg23[%get3A_367], %broadcast_in_dim3A_6 {add = true} : memref<10112xf32, #tpu.memory_space<vmem>>[vector<16xi32>], vector<16xf32>,
        %get3A_368 = arith.index_cast %add3A_361 : i32 to index
        %get3A_369 = arith.constant 32 : index
        %get3A_370 = tpu.vector_load %arg25[%get3A_368, %get3A_369] {strides = array<i32>} : memref<8x128xi32, #tpu.memory_space<vmem>>, vector<16xi32>,
        tpu.vector_store_idx %arg23[%get3A_370], %broadcast_in_dim3A_6 {add = true} : memref<10112xf32, #tpu.memory_space<vmem>>[vector<16xi32>], vector<16xf32>,
        %get3A_371 = arith.index_cast %add3A_361 : i32 to index
        %get3A_372 = arith.constant 48 : index
        %get3A_373 = tpu.vector_load %arg25[%get3A_371, %get3A_372] {strides = array<i32>} : memref<8x128xi32, #tpu.memory_space<vmem>>, vector<16xi32>,
        tpu.vector_store_idx %arg23[%get3A_373], %broadcast_in_dim3A_6 {add = true} : memref<10112xf32, #tpu.memory_space<vmem>>[vector<16xi32>], vector<16xf32>,
        %get3A_374 = arith.index_cast %add3A_361 : i32 to index
        %get3A_375 = arith.constant 64 : index
        %get3A_376 = tpu.vector_load %arg25[%get3A_374, %get3A_375] {strides = array<i32>} : memref<8x128xi32, #tpu.memory_space<vmem>>, vector<16xi32>,
        tpu.vector_store_idx %arg23[%get3A_376], %broadcast_in_dim3A_6 {add = true} : memref<10112xf32, #tpu.memory_space<vmem>>[vector<16xi32>], vector<16xf32>,
        %get3A_377 = arith.index_cast %add3A_361 : i32 to index
        %get3A_378 = arith.constant 80 : index
        %get3A_379 = tpu.vector_load %arg25[%get3A_377, %get3A_378] {strides = array<i32>} : memref<8x128xi32, #tpu.memory_space<vmem>>, vector<16xi32>,
        tpu.vector_store_idx %arg23[%get3A_379], %broadcast_in_dim3A_6 {add = true} : memref<10112xf32, #tpu.memory_space<vmem>>[vector<16xi32>], vector<16xf32>,
        %get3A_380 = arith.index_cast %add3A_361 : i32 to index
        %get3A_381 = arith.constant 96 : index
        %get3A_382 = tpu.vector_load %arg25[%get3A_380, %get3A_381] {strides = array<i32>} : memref<8x128xi32, #tpu.memory_space<vmem>>, vector<16xi32>,
        tpu.vector_store_idx %arg23[%get3A_382], %broadcast_in_dim3A_6 {add = true} : memref<10112xf32, #tpu.memory_space<vmem>>[vector<16xi32>], vector<16xf32>,
        %get3A_383 = arith.index_cast %add3A_361 : i32 to index
        %get3A_384 = arith.constant 112 : index
        %get3A_385 = tpu.vector_load %arg25[%get3A_383, %get3A_384] {strides = array<i32>} : memref<8x128xi32, #tpu.memory_space<vmem>>, vector<16xi32>,
        tpu.vector_store_idx %arg23[%get3A_385], %broadcast_in_dim3A_6 {add = true} : memref<10112xf32, #tpu.memory_space<vmem>>[vector<16xi32>], vector<16xf32>,
        %add3A_386 = arith.constant 1 : i32
        %add3A_387 = arith.addi %mul3A_313, %add3A_386 : i32
        %dma_wait3A_388 = arith.constant 0 : i32
        %dma_wait3A_389 = tpu.memref_slice %arg24[%add3A_387, %dma_wait3A_388] : memref<8x128xi32, #tpu.memory_space<vmem>> -> memref<1x128xi32, #tpu.memory_space<vmem>>
        %dma_wait3A_390 = tpu.memref_squeeze %dma_wait3A_389 : memref<1x128xi32, #tpu.memory_space<vmem>> -> memref<128xi32, #tpu.memory_space<vmem>>
        %dma_wait3A_391 = arith.constant 0 : i32
        %dma_wait3A_392 = arith.constant 0 : i32
        %dma_wait3A_393 = tpu.memref_slice %arg3[%dma_wait3A_391, %dma_wait3A_392] : memref<10000x128xf32, #tpu.memory_space<hbm>> -> memref<10000x128xf32, #tpu.memory_space<hbm>>
        tpu.wait_indirect_dma semaphore(%arg31 : memref<!tpu.dma_semaphore, #tpu.memory_space<semaphore_mem>>) src(%dma_wait3A_393 : memref<10000x128xf32, #tpu.memory_space<hbm>>) dst(%arg29 : memref<128x128xf32, #tpu.memory_space<vmem>>)
        "tpu.region"() ({
          %run_scoped3A_394 = tpu.sem_alloc : memref<!tpu.dma_semaphore, #tpu.memory_space<semaphore_mem>>
          %dma_start3A_395 = arith.constant 0 : i32
          %dma_start3A_396 = tpu.memref_slice %arg25[%add3A_387, %dma_start3A_395] : memref<8x128xi32, #tpu.memory_space<vmem>> -> memref<1x128xi32, #tpu.memory_space<vmem>>
          %dma_start3A_397 = tpu.memref_squeeze %dma_start3A_396 : memref<1x128xi32, #tpu.memory_space<vmem>> -> memref<128xi32, #tpu.memory_space<vmem>>
          %dma_start3A_398 = arith.constant 0 : i32
          %dma_start3A_399 = arith.constant 0 : i32
          %dma_start3A_400 = tpu.memref_slice %arg22[%dma_start3A_398, %dma_start3A_399] : memref<10112x128xf32, #tpu.memory_space<vmem_shared>> -> memref<10112x128xf32, #tpu.memory_space<vmem_shared>>
          tpu.enqueue_indirect_dma source(%arg29 : memref<128x128xf32, #tpu.memory_space<vmem>>) target(%dma_start3A_400 : memref<10112x128xf32, #tpu.memory_space<vmem_shared>>) offsets(%dma_start3A_397 : memref<128xi32, #tpu.memory_space<vmem>>) semaphore(%run_scoped3A_394 : memref<!tpu.dma_semaphore, #tpu.memory_space<semaphore_mem>>) {add = true}
          %dma_wait3A_401 = arith.constant 0 : i32
          %dma_wait3A_402 = tpu.memref_slice %arg25[%add3A_387, %dma_wait3A_401] : memref<8x128xi32, #tpu.memory_space<vmem>> -> memref<1x128xi32, #tpu.memory_space<vmem>>
          %dma_wait3A_403 = tpu.memref_squeeze %dma_wait3A_402 : memref<1x128xi32, #tpu.memory_space<vmem>> -> memref<128xi32, #tpu.memory_space<vmem>>
          %dma_wait3A_404 = arith.constant 0 : i32
          %dma_wait3A_405 = arith.constant 0 : i32
          %dma_wait3A_406 = tpu.memref_slice %arg22[%dma_wait3A_404, %dma_wait3A_405] : memref<10112x128xf32, #tpu.memory_space<vmem_shared>> -> memref<10112x128xf32, #tpu.memory_space<vmem_shared>>
          tpu.wait_indirect_dma semaphore(%run_scoped3A_394 : memref<!tpu.dma_semaphore, #tpu.memory_space<semaphore_mem>>) src(%arg29 : memref<128x128xf32, #tpu.memory_space<vmem>>) dst(%dma_wait3A_406 : memref<10112x128xf32, #tpu.memory_space<vmem_shared>>)
          tpu.yield
        }) : () -> ()
      }
      %scan3A_115 = arith.constant 3 : i32
      %dma_start3A_116 = arith.constant 7 : i32
      %dma_start3A_117 = arith.constant 0 : i32
      %dma_start3A_118 = tpu.memref_slice %arg24[%dma_start3A_116, %dma_start3A_117] : memref<8x128xi32, #tpu.memory_space<vmem>> -> memref<1x128xi32, #tpu.memory_space<vmem>>
      %dma_start3A_119 = tpu.memref_squeeze %dma_start3A_118 : memref<1x128xi32, #tpu.memory_space<vmem>> -> memref<128xi32, #tpu.memory_space<vmem>>
      %dma_start3A_120 = arith.constant 0 : i32
      %dma_start3A_121 = arith.constant 0 : i32
      %dma_start3A_122 = tpu.memref_slice %arg3[%dma_start3A_120, %dma_start3A_121] : memref<10000x128xf32, #tpu.memory_space<hbm>> -> memref<10000x128xf32, #tpu.memory_space<hbm>>
      tpu.enqueue_indirect_dma source(%dma_start3A_122 : memref<10000x128xf32, #tpu.memory_space<hbm>>) target(%arg29 : memref<128x128xf32, #tpu.memory_space<vmem>>) offsets(%dma_start3A_119 : memref<128xi32, #tpu.memory_space<vmem>>) semaphore(%arg31 : memref<!tpu.dma_semaphore, #tpu.memory_space<semaphore_mem>>)
      %get3A = arith.constant 6 : i32
      %get3A_123 = arith.index_cast %get3A : i32 to index
      %get3A_124 = arith.constant 0 : index
      %get3A_125 = tpu.vector_load %arg25[%get3A_123, %get3A_124] {strides = array<i32>} : memref<8x128xi32, #tpu.memory_space<vmem>>, vector<16xi32>,
      tpu.vector_store_idx %arg23[%get3A_125], %broadcast_in_dim3A_6 {add = true} : memref<10112xf32, #tpu.memory_space<vmem>>[vector<16xi32>], vector<16xf32>,
      %get3A_126 = arith.constant 6 : i32
      %get3A_127 = arith.index_cast %get3A_126 : i32 to index
      %get3A_128 = arith.constant 16 : index
      %get3A_129 = tpu.vector_load %arg25[%get3A_127, %get3A_128] {strides = array<i32>} : memref<8x128xi32, #tpu.memory_space<vmem>>, vector<16xi32>,
      tpu.vector_store_idx %arg23[%get3A_129], %broadcast_in_dim3A_6 {add = true} : memref<10112xf32, #tpu.memory_space<vmem>>[vector<16xi32>], vector<16xf32>,
      %get3A_130 = arith.constant 6 : i32
      %get3A_131 = arith.index_cast %get3A_130 : i32 to index
      %get3A_132 = arith.constant 32 : index
      %get3A_133 = tpu.vector_load %arg25[%get3A_131, %get3A_132] {strides = array<i32>} : memref<8x128xi32, #tpu.memory_space<vmem>>, vector<16xi32>,
      tpu.vector_store_idx %arg23[%get3A_133], %broadcast_in_dim3A_6 {add = true} : memref<10112xf32, #tpu.memory_space<vmem>>[vector<16xi32>], vector<16xf32>,
      %get3A_134 = arith.constant 6 : i32
      %get3A_135 = arith.index_cast %get3A_134 : i32 to index
      %get3A_136 = arith.constant 48 : index
      %get3A_137 = tpu.vector_load %arg25[%get3A_135, %get3A_136] {strides = array<i32>} : memref<8x128xi32, #tpu.memory_space<vmem>>, vector<16xi32>,
      tpu.vector_store_idx %arg23[%get3A_137], %broadcast_in_dim3A_6 {add = true} : memref<10112xf32, #tpu.memory_space<vmem>>[vector<16xi32>], vector<16xf32>,
      %get3A_138 = arith.constant 6 : i32
      %get3A_139 = arith.index_cast %get3A_138 : i32 to index
      %get3A_140 = arith.constant 64 : index
      %get3A_141 = tpu.vector_load %arg25[%get3A_139, %get3A_140] {strides = array<i32>} : memref<8x128xi32, #tpu.memory_space<vmem>>, vector<16xi32>,
      tpu.vector_store_idx %arg23[%get3A_141], %broadcast_in_dim3A_6 {add = true} : memref<10112xf32, #tpu.memory_space<vmem>>[vector<16xi32>], vector<16xf32>,
      %get3A_142 = arith.constant 6 : i32
      %get3A_143 = arith.index_cast %get3A_142 : i32 to index
      %get3A_144 = arith.constant 80 : index
      %get3A_145 = tpu.vector_load %arg25[%get3A_143, %get3A_144] {strides = array<i32>} : memref<8x128xi32, #tpu.memory_space<vmem>>, vector<16xi32>,
      tpu.vector_store_idx %arg23[%get3A_145], %broadcast_in_dim3A_6 {add = true} : memref<10112xf32, #tpu.memory_space<vmem>>[vector<16xi32>], vector<16xf32>,
      %get3A_146 = arith.constant 6 : i32
      %get3A_147 = arith.index_cast %get3A_146 : i32 to index
      %get3A_148 = arith.constant 96 : index
      %get3A_149 = tpu.vector_load %arg25[%get3A_147, %get3A_148] {strides = array<i32>} : memref<8x128xi32, #tpu.memory_space<vmem>>, vector<16xi32>,
      tpu.vector_store_idx %arg23[%get3A_149], %broadcast_in_dim3A_6 {add = true} : memref<10112xf32, #tpu.memory_space<vmem>>[vector<16xi32>], vector<16xf32>,
      %get3A_150 = arith.constant 6 : i32
      %get3A_151 = arith.index_cast %get3A_150 : i32 to index
      %get3A_152 = arith.constant 112 : index
      %get3A_153 = tpu.vector_load %arg25[%get3A_151, %get3A_152] {strides = array<i32>} : memref<8x128xi32, #tpu.memory_space<vmem>>, vector<16xi32>,
      tpu.vector_store_idx %arg23[%get3A_153], %broadcast_in_dim3A_6 {add = true} : memref<10112xf32, #tpu.memory_space<vmem>>[vector<16xi32>], vector<16xf32>,
      %dma_wait3A = arith.constant 6 : i32
      %dma_wait3A_154 = arith.constant 0 : i32
      %dma_wait3A_155 = tpu.memref_slice %arg24[%dma_wait3A, %dma_wait3A_154] : memref<8x128xi32, #tpu.memory_space<vmem>> -> memref<1x128xi32, #tpu.memory_space<vmem>>
      %dma_wait3A_156 = tpu.memref_squeeze %dma_wait3A_155 : memref<1x128xi32, #tpu.memory_space<vmem>> -> memref<128xi32, #tpu.memory_space<vmem>>
      %dma_wait3A_157 = arith.constant 0 : i32
      %dma_wait3A_158 = arith.constant 0 : i32
      %dma_wait3A_159 = tpu.memref_slice %arg3[%dma_wait3A_157, %dma_wait3A_158] : memref<10000x128xf32, #tpu.memory_space<hbm>> -> memref<10000x128xf32, #tpu.memory_space<hbm>>
      tpu.wait_indirect_dma semaphore(%arg30 : memref<!tpu.dma_semaphore, #tpu.memory_space<semaphore_mem>>) src(%dma_wait3A_159 : memref<10000x128xf32, #tpu.memory_space<hbm>>) dst(%arg28 : memref<128x128xf32, #tpu.memory_space<vmem>>)
      %run_scoped3A = arith.constant 6 : i32
      "tpu.region"() ({
        %run_scoped3A_311 = tpu.sem_alloc : memref<!tpu.dma_semaphore, #tpu.memory_space<semaphore_mem>>
        %dma_start3A_312 = arith.constant 0 : i32
        %dma_start3A_313 = tpu.memref_slice %arg25[%run_scoped3A, %dma_start3A_312] : memref<8x128xi32, #tpu.memory_space<vmem>> -> memref<1x128xi32, #tpu.memory_space<vmem>>
        %dma_start3A_314 = tpu.memref_squeeze %dma_start3A_313 : memref<1x128xi32, #tpu.memory_space<vmem>> -> memref<128xi32, #tpu.memory_space<vmem>>
        %dma_start3A_315 = arith.constant 0 : i32
        %dma_start3A_316 = arith.constant 0 : i32
        %dma_start3A_317 = tpu.memref_slice %arg22[%dma_start3A_315, %dma_start3A_316] : memref<10112x128xf32, #tpu.memory_space<vmem_shared>> -> memref<10112x128xf32, #tpu.memory_space<vmem_shared>>
        tpu.enqueue_indirect_dma source(%arg28 : memref<128x128xf32, #tpu.memory_space<vmem>>) target(%dma_start3A_317 : memref<10112x128xf32, #tpu.memory_space<vmem_shared>>) offsets(%dma_start3A_314 : memref<128xi32, #tpu.memory_space<vmem>>) semaphore(%run_scoped3A_311 : memref<!tpu.dma_semaphore, #tpu.memory_space<semaphore_mem>>) {add = true}
        %dma_wait3A_318 = arith.constant 0 : i32
        %dma_wait3A_319 = tpu.memref_slice %arg25[%run_scoped3A, %dma_wait3A_318] : memref<8x128xi32, #tpu.memory_space<vmem>> -> memref<1x128xi32, #tpu.memory_space<vmem>>
        %dma_wait3A_320 = tpu.memref_squeeze %dma_wait3A_319 : memref<1x128xi32, #tpu.memory_space<vmem>> -> memref<128xi32, #tpu.memory_space<vmem>>
        %dma_wait3A_321 = arith.constant 0 : i32
        %dma_wait3A_322 = arith.constant 0 : i32
        %dma_wait3A_323 = tpu.memref_slice %arg22[%dma_wait3A_321, %dma_wait3A_322] : memref<10112x128xf32, #tpu.memory_space<vmem_shared>> -> memref<10112x128xf32, #tpu.memory_space<vmem_shared>>
        tpu.wait_indirect_dma semaphore(%run_scoped3A_311 : memref<!tpu.dma_semaphore, #tpu.memory_space<semaphore_mem>>) src(%arg28 : memref<128x128xf32, #tpu.memory_space<vmem>>) dst(%dma_wait3A_323 : memref<10112x128xf32, #tpu.memory_space<vmem_shared>>)
        tpu.yield
      }) : () -> ()
      %dma_start3A_160 = arith.constant 0 : i32
      %dma_start3A_161 = arith.constant 0 : i32
      %dma_start3A_162 = tpu.memref_slice %arg26[%dma_start3A_160, %dma_start3A_161] : memref<8x128xi32, #tpu.memory_space<vmem>> -> memref<1x128xi32, #tpu.memory_space<vmem>>
      %dma_start3A_163 = tpu.memref_squeeze %dma_start3A_162 : memref<1x128xi32, #tpu.memory_space<vmem>> -> memref<128xi32, #tpu.memory_space<vmem>>
      %dma_start3A_164 = arith.constant 0 : i32
      %dma_start3A_165 = arith.constant 0 : i32
      %dma_start3A_166 = tpu.memref_slice %arg3[%dma_start3A_164, %dma_start3A_165] : memref<10000x128xf32, #tpu.memory_space<hbm>> -> memref<10000x128xf32, #tpu.memory_space<hbm>>
      tpu.enqueue_indirect_dma source(%dma_start3A_166 : memref<10000x128xf32, #tpu.memory_space<hbm>>) target(%arg28 : memref<128x128xf32, #tpu.memory_space<vmem>>) offsets(%dma_start3A_163 : memref<128xi32, #tpu.memory_space<vmem>>) semaphore(%arg30 : memref<!tpu.dma_semaphore, #tpu.memory_space<semaphore_mem>>)
      %get3A_167 = arith.constant 7 : i32
      %get3A_168 = arith.index_cast %get3A_167 : i32 to index
      %get3A_169 = arith.constant 0 : index
      %get3A_170 = tpu.vector_load %arg25[%get3A_168, %get3A_169] {strides = array<i32>} : memref<8x128xi32, #tpu.memory_space<vmem>>, vector<16xi32>,
      tpu.vector_store_idx %arg23[%get3A_170], %broadcast_in_dim3A_6 {add = true} : memref<10112xf32, #tpu.memory_space<vmem>>[vector<16xi32>], vector<16xf32>,
      %get3A_171 = arith.constant 7 : i32
      %get3A_172 = arith.index_cast %get3A_171 : i32 to index
      %get3A_173 = arith.constant 16 : index
      %get3A_174 = tpu.vector_load %arg25[%get3A_172, %get3A_173] {strides = array<i32>} : memref<8x128xi32, #tpu.memory_space<vmem>>, vector<16xi32>,
      tpu.vector_store_idx %arg23[%get3A_174], %broadcast_in_dim3A_6 {add = true} : memref<10112xf32, #tpu.memory_space<vmem>>[vector<16xi32>], vector<16xf32>,
      %get3A_175 = arith.constant 7 : i32
      %get3A_176 = arith.index_cast %get3A_175 : i32 to index
      %get3A_177 = arith.constant 32 : index
      %get3A_178 = tpu.vector_load %arg25[%get3A_176, %get3A_177] {strides = array<i32>} : memref<8x128xi32, #tpu.memory_space<vmem>>, vector<16xi32>,
      tpu.vector_store_idx %arg23[%get3A_178], %broadcast_in_dim3A_6 {add = true} : memref<10112xf32, #tpu.memory_space<vmem>>[vector<16xi32>], vector<16xf32>,
      %get3A_179 = arith.constant 7 : i32
      %get3A_180 = arith.index_cast %get3A_179 : i32 to index
      %get3A_181 = arith.constant 48 : index
      %get3A_182 = tpu.vector_load %arg25[%get3A_180, %get3A_181] {strides = array<i32>} : memref<8x128xi32, #tpu.memory_space<vmem>>, vector<16xi32>,
      tpu.vector_store_idx %arg23[%get3A_182], %broadcast_in_dim3A_6 {add = true} : memref<10112xf32, #tpu.memory_space<vmem>>[vector<16xi32>], vector<16xf32>,
      %get3A_183 = arith.constant 7 : i32
      %get3A_184 = arith.index_cast %get3A_183 : i32 to index
      %get3A_185 = arith.constant 64 : index
      %get3A_186 = tpu.vector_load %arg25[%get3A_184, %get3A_185] {strides = array<i32>} : memref<8x128xi32, #tpu.memory_space<vmem>>, vector<16xi32>,
      tpu.vector_store_idx %arg23[%get3A_186], %broadcast_in_dim3A_6 {add = true} : memref<10112xf32, #tpu.memory_space<vmem>>[vector<16xi32>], vector<16xf32>,
      %get3A_187 = arith.constant 7 : i32
      %get3A_188 = arith.index_cast %get3A_187 : i32 to index
      %get3A_189 = arith.constant 80 : index
      %get3A_190 = tpu.vector_load %arg25[%get3A_188, %get3A_189] {strides = array<i32>} : memref<8x128xi32, #tpu.memory_space<vmem>>, vector<16xi32>,
      tpu.vector_store_idx %arg23[%get3A_190], %broadcast_in_dim3A_6 {add = true} : memref<10112xf32, #tpu.memory_space<vmem>>[vector<16xi32>], vector<16xf32>,
      %get3A_191 = arith.constant 7 : i32
      %get3A_192 = arith.index_cast %get3A_191 : i32 to index
      %get3A_193 = arith.constant 96 : index
      %get3A_194 = tpu.vector_load %arg25[%get3A_192, %get3A_193] {strides = array<i32>} : memref<8x128xi32, #tpu.memory_space<vmem>>, vector<16xi32>,
      tpu.vector_store_idx %arg23[%get3A_194], %broadcast_in_dim3A_6 {add = true} : memref<10112xf32, #tpu.memory_space<vmem>>[vector<16xi32>], vector<16xf32>,
      %get3A_195 = arith.constant 7 : i32
      %get3A_196 = arith.index_cast %get3A_195 : i32 to index
      %get3A_197 = arith.constant 112 : index
      %get3A_198 = tpu.vector_load %arg25[%get3A_196, %get3A_197] {strides = array<i32>} : memref<8x128xi32, #tpu.memory_space<vmem>>, vector<16xi32>,
      tpu.vector_store_idx %arg23[%get3A_198], %broadcast_in_dim3A_6 {add = true} : memref<10112xf32, #tpu.memory_space<vmem>>[vector<16xi32>], vector<16xf32>,
      %dma_wait3A_199 = arith.constant 7 : i32
      %dma_wait3A_200 = arith.constant 0 : i32
      %dma_wait3A_201 = tpu.memref_slice %arg24[%dma_wait3A_199, %dma_wait3A_200] : memref<8x128xi32, #tpu.memory_space<vmem>> -> memref<1x128xi32, #tpu.memory_space<vmem>>
      %dma_wait3A_202 = tpu.memref_squeeze %dma_wait3A_201 : memref<1x128xi32, #tpu.memory_space<vmem>> -> memref<128xi32, #tpu.memory_space<vmem>>
      %dma_wait3A_203 = arith.constant 0 : i32
      %dma_wait3A_204 = arith.constant 0 : i32
      %dma_wait3A_205 = tpu.memref_slice %arg3[%dma_wait3A_203, %dma_wait3A_204] : memref<10000x128xf32, #tpu.memory_space<hbm>> -> memref<10000x128xf32, #tpu.memory_space<hbm>>
      tpu.wait_indirect_dma semaphore(%arg31 : memref<!tpu.dma_semaphore, #tpu.memory_space<semaphore_mem>>) src(%dma_wait3A_205 : memref<10000x128xf32, #tpu.memory_space<hbm>>) dst(%arg29 : memref<128x128xf32, #tpu.memory_space<vmem>>)
      %run_scoped3A_206 = arith.constant 7 : i32
      "tpu.region"() ({
        %run_scoped3A_311 = tpu.sem_alloc : memref<!tpu.dma_semaphore, #tpu.memory_space<semaphore_mem>>
        %dma_start3A_312 = arith.constant 0 : i32
        %dma_start3A_313 = tpu.memref_slice %arg25[%run_scoped3A_206, %dma_start3A_312] : memref<8x128xi32, #tpu.memory_space<vmem>> -> memref<1x128xi32, #tpu.memory_space<vmem>>
        %dma_start3A_314 = tpu.memref_squeeze %dma_start3A_313 : memref<1x128xi32, #tpu.memory_space<vmem>> -> memref<128xi32, #tpu.memory_space<vmem>>
        %dma_start3A_315 = arith.constant 0 : i32
        %dma_start3A_316 = arith.constant 0 : i32
        %dma_start3A_317 = tpu.memref_slice %arg22[%dma_start3A_315, %dma_start3A_316] : memref<10112x128xf32, #tpu.memory_space<vmem_shared>> -> memref<10112x128xf32, #tpu.memory_space<vmem_shared>>
        tpu.enqueue_indirect_dma source(%arg29 : memref<128x128xf32, #tpu.memory_space<vmem>>) target(%dma_start3A_317 : memref<10112x128xf32, #tpu.memory_space<vmem_shared>>) offsets(%dma_start3A_314 : memref<128xi32, #tpu.memory_space<vmem>>) semaphore(%run_scoped3A_311 : memref<!tpu.dma_semaphore, #tpu.memory_space<semaphore_mem>>) {add = true}
        %dma_wait3A_318 = arith.constant 0 : i32
        %dma_wait3A_319 = tpu.memref_slice %arg25[%run_scoped3A_206, %dma_wait3A_318] : memref<8x128xi32, #tpu.memory_space<vmem>> -> memref<1x128xi32, #tpu.memory_space<vmem>>
        %dma_wait3A_320 = tpu.memref_squeeze %dma_wait3A_319 : memref<1x128xi32, #tpu.memory_space<vmem>> -> memref<128xi32, #tpu.memory_space<vmem>>
        %dma_wait3A_321 = arith.constant 0 : i32
        %dma_wait3A_322 = arith.constant 0 : i32
        %dma_wait3A_323 = tpu.memref_slice %arg22[%dma_wait3A_321, %dma_wait3A_322] : memref<10112x128xf32, #tpu.memory_space<vmem_shared>> -> memref<10112x128xf32, #tpu.memory_space<vmem_shared>>
        tpu.wait_indirect_dma semaphore(%run_scoped3A_311 : memref<!tpu.dma_semaphore, #tpu.memory_space<semaphore_mem>>) src(%arg29 : memref<128x128xf32, #tpu.memory_space<vmem>>) dst(%dma_wait3A_323 : memref<10112x128xf32, #tpu.memory_space<vmem_shared>>)
        tpu.yield
      }) : () -> ()
      %lt3A_207 = arith.constant 4 : i32
      %lt3A_208 = arith.cmpi slt, %scan3A_90, %lt3A_207 : i32
      %convert_element_type3A_209 = arith.extui %lt3A_208 : i1 to i32
      %cond3A_210 = arith.constant 0 : i32
      %cond3A_211 = arith.cmpi ne, %convert_element_type3A_209, %cond3A_210 : i32
      scf.if %cond3A_211 {
        %add3A_311 = arith.constant 2 : i32
        %add3A_312 = arith.addi %mul3A_92, %add3A_311 : i32
        %mul3A_313 = arith.constant 80 : i32
        %mul3A_314 = arith.muli %add3A, %mul3A_313 : i32
        %mul3A_315 = arith.constant 8 : i32
        %mul3A_316 = arith.muli %add3A_312, %mul3A_315 : i32
        %add3A_317 = arith.addi %mul3A_314, %mul3A_316 : i32
        %lt3A_318 = arith.constant 31 : i32
        %lt3A_319 = arith.cmpi slt, %add3A, %lt3A_318 : i32
        %convert_element_type3A_320 = arith.extui %lt3A_319 : i1 to i32
        %cond3A_321 = arith.constant 0 : i32
        %cond3A_322 = arith.cmpi ne, %convert_element_type3A_320, %cond3A_321 : i32
        scf.if %cond3A_322 {
          "tpu.region"() ({
            %run_scoped3A_328 = tpu.sem_alloc : memref<!tpu.dma_semaphore, #tpu.memory_space<semaphore_mem>>
            %dma_start3A_329 = arith.constant 0 : i32
            %dma_start3A_330 = tpu.memref_slice %arg7[%add3A_317, %dma_start3A_329] : memref<2500x128xi32, #tpu.memory_space<hbm>> -> memref<8x128xi32, #tpu.memory_space<hbm>>
            %dma_start3A_331 = arith.constant 0 : i32
            %dma_start3A_332 = tpu.memref_slice %arg7[%add3A_317, %dma_start3A_331] : memref<2500x128xi32, #tpu.memory_space<hbm>> -> memref<8x128xi32, #tpu.memory_space<hbm>>
            tpu.enqueue_dma source(%dma_start3A_332 : memref<8x128xi32, #tpu.memory_space<hbm>>) target(%arg24 : memref<8x128xi32, #tpu.memory_space<vmem>>) target_semaphore(%run_scoped3A_328 : memref<!tpu.dma_semaphore, #tpu.memory_space<semaphore_mem>>)
            %dma_wait3A_333 = arith.constant 0 : i32
            %dma_wait3A_334 = tpu.memref_slice %arg7[%add3A_317, %dma_wait3A_333] : memref<2500x128xi32, #tpu.memory_space<hbm>> -> memref<8x128xi32, #tpu.memory_space<hbm>>
            %dma_wait3A_335 = arith.constant 0 : i32
            %dma_wait3A_336 = tpu.memref_slice %arg7[%add3A_317, %dma_wait3A_335] : memref<2500x128xi32, #tpu.memory_space<hbm>> -> memref<8x128xi32, #tpu.memory_space<hbm>>
            tpu.wait_dma2 semaphore(%run_scoped3A_328 : memref<!tpu.dma_semaphore, #tpu.memory_space<semaphore_mem>>) src(%dma_wait3A_336 : memref<8x128xi32, #tpu.memory_space<hbm>>) dst(%arg24 : memref<8x128xi32, #tpu.memory_space<vmem>>)
            tpu.yield
          }) : () -> ()
          "tpu.region"() ({
            %run_scoped3A_328 = tpu.sem_alloc : memref<!tpu.dma_semaphore, #tpu.memory_space<semaphore_mem>>
            %dma_start3A_329 = arith.constant 0 : i32
            %dma_start3A_330 = tpu.memref_slice %arg6[%add3A_317, %dma_start3A_329] : memref<2500x128xi32, #tpu.memory_space<hbm>> -> memref<8x128xi32, #tpu.memory_space<hbm>>
            %dma_start3A_331 = arith.constant 0 : i32
            %dma_start3A_332 = tpu.memref_slice %arg6[%add3A_317, %dma_start3A_331] : memref<2500x128xi32, #tpu.memory_space<hbm>> -> memref<8x128xi32, #tpu.memory_space<hbm>>
            tpu.enqueue_dma source(%dma_start3A_332 : memref<8x128xi32, #tpu.memory_space<hbm>>) target(%arg25 : memref<8x128xi32, #tpu.memory_space<vmem>>) target_semaphore(%run_scoped3A_328 : memref<!tpu.dma_semaphore, #tpu.memory_space<semaphore_mem>>)
            %dma_wait3A_333 = arith.constant 0 : i32
            %dma_wait3A_334 = tpu.memref_slice %arg6[%add3A_317, %dma_wait3A_333] : memref<2500x128xi32, #tpu.memory_space<hbm>> -> memref<8x128xi32, #tpu.memory_space<hbm>>
            %dma_wait3A_335 = arith.constant 0 : i32
            %dma_wait3A_336 = tpu.memref_slice %arg6[%add3A_317, %dma_wait3A_335] : memref<2500x128xi32, #tpu.memory_space<hbm>> -> memref<8x128xi32, #tpu.memory_space<hbm>>
            tpu.wait_dma2 semaphore(%run_scoped3A_328 : memref<!tpu.dma_semaphore, #tpu.memory_space<semaphore_mem>>) src(%dma_wait3A_336 : memref<8x128xi32, #tpu.memory_space<hbm>>) dst(%arg25 : memref<8x128xi32, #tpu.memory_space<vmem>>)
            tpu.yield
          }) : () -> ()
        } else {
        }
        %eq3A_323 = arith.constant 31 : i32
        %eq3A_324 = arith.cmpi eq, %add3A, %eq3A_323 : i32
        %convert_element_type3A_325 = arith.extui %eq3A_324 : i1 to i32
        %cond3A_326 = arith.constant 0 : i32
        %cond3A_327 = arith.cmpi ne, %convert_element_type3A_325, %cond3A_326 : i32
        scf.if %cond3A_327 {
          %mul3A_328 = arith.constant 8 : i32
          %mul3A_329 = arith.muli %add3A_312, %mul3A_328 : i32
          "tpu.region"() ({
            %run_scoped3A_332 = tpu.sem_alloc : memref<!tpu.dma_semaphore, #tpu.memory_space<semaphore_mem>>
            %dma_start3A_333 = arith.constant 0 : i32
            %dma_start3A_334 = tpu.memref_slice %arg12[%mul3A_329, %dma_start3A_333] : memref<80x128xi32, #tpu.memory_space<hbm>> -> memref<8x128xi32, #tpu.memory_space<hbm>>
            %dma_start3A_335 = arith.constant 0 : i32
            %dma_start3A_336 = tpu.memref_slice %arg12[%mul3A_329, %dma_start3A_335] : memref<80x128xi32, #tpu.memory_space<hbm>> -> memref<8x128xi32, #tpu.memory_space<hbm>>
            tpu.enqueue_dma source(%dma_start3A_336 : memref<8x128xi32, #tpu.memory_space<hbm>>) target(%arg24 : memref<8x128xi32, #tpu.memory_space<vmem>>) target_semaphore(%run_scoped3A_332 : memref<!tpu.dma_semaphore, #tpu.memory_space<semaphore_mem>>)
            %dma_wait3A_337 = arith.constant 0 : i32
            %dma_wait3A_338 = tpu.memref_slice %arg12[%mul3A_329, %dma_wait3A_337] : memref<80x128xi32, #tpu.memory_space<hbm>> -> memref<8x128xi32, #tpu.memory_space<hbm>>
            %dma_wait3A_339 = arith.constant 0 : i32
            %dma_wait3A_340 = tpu.memref_slice %arg12[%mul3A_329, %dma_wait3A_339] : memref<80x128xi32, #tpu.memory_space<hbm>> -> memref<8x128xi32, #tpu.memory_space<hbm>>
            tpu.wait_dma2 semaphore(%run_scoped3A_332 : memref<!tpu.dma_semaphore, #tpu.memory_space<semaphore_mem>>) src(%dma_wait3A_340 : memref<8x128xi32, #tpu.memory_space<hbm>>) dst(%arg24 : memref<8x128xi32, #tpu.memory_space<vmem>>)
            tpu.yield
          }) : () -> ()
          %mul3A_330 = arith.constant 8 : i32
          %mul3A_331 = arith.muli %add3A_312, %mul3A_330 : i32
          "tpu.region"() ({
            %run_scoped3A_332 = tpu.sem_alloc : memref<!tpu.dma_semaphore, #tpu.memory_space<semaphore_mem>>
            %dma_start3A_333 = arith.constant 0 : i32
            %dma_start3A_334 = tpu.memref_slice %arg13[%mul3A_331, %dma_start3A_333] : memref<80x128xi32, #tpu.memory_space<hbm>> -> memref<8x128xi32, #tpu.memory_space<hbm>>
            %dma_start3A_335 = arith.constant 0 : i32
            %dma_start3A_336 = tpu.memref_slice %arg13[%mul3A_331, %dma_start3A_335] : memref<80x128xi32, #tpu.memory_space<hbm>> -> memref<8x128xi32, #tpu.memory_space<hbm>>
            tpu.enqueue_dma source(%dma_start3A_336 : memref<8x128xi32, #tpu.memory_space<hbm>>) target(%arg25 : memref<8x128xi32, #tpu.memory_space<vmem>>) target_semaphore(%run_scoped3A_332 : memref<!tpu.dma_semaphore, #tpu.memory_space<semaphore_mem>>)
            %dma_wait3A_337 = arith.constant 0 : i32
            %dma_wait3A_338 = tpu.memref_slice %arg13[%mul3A_331, %dma_wait3A_337] : memref<80x128xi32, #tpu.memory_space<hbm>> -> memref<8x128xi32, #tpu.memory_space<hbm>>
            %dma_wait3A_339 = arith.constant 0 : i32
            %dma_wait3A_340 = tpu.memref_slice %arg13[%mul3A_331, %dma_wait3A_339] : memref<80x128xi32, #tpu.memory_space<hbm>> -> memref<8x128xi32, #tpu.memory_space<hbm>>
            tpu.wait_dma2 semaphore(%run_scoped3A_332 : memref<!tpu.dma_semaphore, #tpu.memory_space<semaphore_mem>>) src(%dma_wait3A_340 : memref<8x128xi32, #tpu.memory_space<hbm>>) dst(%arg25 : memref<8x128xi32, #tpu.memory_space<vmem>>)
            tpu.yield
          }) : () -> ()
        } else {
        }
      } else {
      }
      %eq3A_212 = arith.constant 4 : i32
      %eq3A_213 = arith.cmpi eq, %scan3A_90, %eq3A_212 : i32
      %scan3A_214 = arith.constant 0 : i32
      %scan3A_215 = arith.constant 0 : i32
      %scan3A_216 = arith.constant 3 : i32
      %scan3A_217 = arith.addi %scan3A_215, %scan3A_216 : i32
      %scan3A_218 = arith.constant 1 : i32
      scf.for %scan3A_311 = %scan3A_215 to %scan3A_217 step %scan3A_218  : i32 {
        %mul3A_312 = arith.constant 2 : i32
        %mul3A_313 = arith.muli %mul3A_312, %scan3A_311 : i32
        %add3A_314 = arith.constant 1 : i32
        %add3A_315 = arith.addi %mul3A_313, %add3A_314 : i32
        %dma_start3A_316 = arith.constant 0 : i32
        %dma_start3A_317 = tpu.memref_slice %arg26[%add3A_315, %dma_start3A_316] : memref<8x128xi32, #tpu.memory_space<vmem>> -> memref<1x128xi32, #tpu.memory_space<vmem>>
        %dma_start3A_318 = tpu.memref_squeeze %dma_start3A_317 : memref<1x128xi32, #tpu.memory_space<vmem>> -> memref<128xi32, #tpu.memory_space<vmem>>
        %dma_start3A_319 = arith.constant 0 : i32
        %dma_start3A_320 = arith.constant 0 : i32
        %dma_start3A_321 = tpu.memref_slice %arg3[%dma_start3A_319, %dma_start3A_320] : memref<10000x128xf32, #tpu.memory_space<hbm>> -> memref<10000x128xf32, #tpu.memory_space<hbm>>
        tpu.enqueue_indirect_dma source(%dma_start3A_321 : memref<10000x128xf32, #tpu.memory_space<hbm>>) target(%arg29 : memref<128x128xf32, #tpu.memory_space<vmem>>) offsets(%dma_start3A_318 : memref<128xi32, #tpu.memory_space<vmem>>) semaphore(%arg31 : memref<!tpu.dma_semaphore, #tpu.memory_space<semaphore_mem>>)
        %get3A_322 = arith.index_cast %mul3A_313 : i32 to index
        %get3A_323 = arith.constant 0 : index
        %get3A_324 = tpu.vector_load %arg27[%get3A_322, %get3A_323] {strides = array<i32>} : memref<8x128xi32, #tpu.memory_space<vmem>>, vector<16xi32>,
        tpu.vector_store_idx %arg23[%get3A_324], %broadcast_in_dim3A_6 {add = true} : memref<10112xf32, #tpu.memory_space<vmem>>[vector<16xi32>], vector<16xf32>,
        %get3A_325 = arith.index_cast %mul3A_313 : i32 to index
        %get3A_326 = arith.constant 16 : index
        %get3A_327 = tpu.vector_load %arg27[%get3A_325, %get3A_326] {strides = array<i32>} : memref<8x128xi32, #tpu.memory_space<vmem>>, vector<16xi32>,
        tpu.vector_store_idx %arg23[%get3A_327], %broadcast_in_dim3A_6 {add = true} : memref<10112xf32, #tpu.memory_space<vmem>>[vector<16xi32>], vector<16xf32>,
        %get3A_328 = arith.index_cast %mul3A_313 : i32 to index
        %get3A_329 = arith.constant 32 : index
        %get3A_330 = tpu.vector_load %arg27[%get3A_328, %get3A_329] {strides = array<i32>} : memref<8x128xi32, #tpu.memory_space<vmem>>, vector<16xi32>,
        tpu.vector_store_idx %arg23[%get3A_330], %broadcast_in_dim3A_6 {add = true} : memref<10112xf32, #tpu.memory_space<vmem>>[vector<16xi32>], vector<16xf32>,
        %get3A_331 = arith.index_cast %mul3A_313 : i32 to index
        %get3A_332 = arith.constant 48 : index
        %get3A_333 = tpu.vector_load %arg27[%get3A_331, %get3A_332] {strides = array<i32>} : memref<8x128xi32, #tpu.memory_space<vmem>>, vector<16xi32>,
        tpu.vector_store_idx %arg23[%get3A_333], %broadcast_in_dim3A_6 {add = true} : memref<10112xf32, #tpu.memory_space<vmem>>[vector<16xi32>], vector<16xf32>,
        %get3A_334 = arith.index_cast %mul3A_313 : i32 to index
        %get3A_335 = arith.constant 64 : index
        %get3A_336 = tpu.vector_load %arg27[%get3A_334, %get3A_335] {strides = array<i32>} : memref<8x128xi32, #tpu.memory_space<vmem>>, vector<16xi32>,
        tpu.vector_store_idx %arg23[%get3A_336], %broadcast_in_dim3A_6 {add = true} : memref<10112xf32, #tpu.memory_space<vmem>>[vector<16xi32>], vector<16xf32>,
        %get3A_337 = arith.index_cast %mul3A_313 : i32 to index
        %get3A_338 = arith.constant 80 : index
        %get3A_339 = tpu.vector_load %arg27[%get3A_337, %get3A_338] {strides = array<i32>} : memref<8x128xi32, #tpu.memory_space<vmem>>, vector<16xi32>,
        tpu.vector_store_idx %arg23[%get3A_339], %broadcast_in_dim3A_6 {add = true} : memref<10112xf32, #tpu.memory_space<vmem>>[vector<16xi32>], vector<16xf32>,
        %get3A_340 = arith.index_cast %mul3A_313 : i32 to index
        %get3A_341 = arith.constant 96 : index
        %get3A_342 = tpu.vector_load %arg27[%get3A_340, %get3A_341] {strides = array<i32>} : memref<8x128xi32, #tpu.memory_space<vmem>>, vector<16xi32>,
        tpu.vector_store_idx %arg23[%get3A_342], %broadcast_in_dim3A_6 {add = true} : memref<10112xf32, #tpu.memory_space<vmem>>[vector<16xi32>], vector<16xf32>,
        %get3A_343 = arith.index_cast %mul3A_313 : i32 to index
        %get3A_344 = arith.constant 112 : index
        %get3A_345 = tpu.vector_load %arg27[%get3A_343, %get3A_344] {strides = array<i32>} : memref<8x128xi32, #tpu.memory_space<vmem>>, vector<16xi32>,
        tpu.vector_store_idx %arg23[%get3A_345], %broadcast_in_dim3A_6 {add = true} : memref<10112xf32, #tpu.memory_space<vmem>>[vector<16xi32>], vector<16xf32>,
        %dma_wait3A_346 = arith.constant 0 : i32
        %dma_wait3A_347 = tpu.memref_slice %arg26[%mul3A_313, %dma_wait3A_346] : memref<8x128xi32, #tpu.memory_space<vmem>> -> memref<1x128xi32, #tpu.memory_space<vmem>>
        %dma_wait3A_348 = tpu.memref_squeeze %dma_wait3A_347 : memref<1x128xi32, #tpu.memory_space<vmem>> -> memref<128xi32, #tpu.memory_space<vmem>>
        %dma_wait3A_349 = arith.constant 0 : i32
        %dma_wait3A_350 = arith.constant 0 : i32
        %dma_wait3A_351 = tpu.memref_slice %arg3[%dma_wait3A_349, %dma_wait3A_350] : memref<10000x128xf32, #tpu.memory_space<hbm>> -> memref<10000x128xf32, #tpu.memory_space<hbm>>
        tpu.wait_indirect_dma semaphore(%arg30 : memref<!tpu.dma_semaphore, #tpu.memory_space<semaphore_mem>>) src(%dma_wait3A_351 : memref<10000x128xf32, #tpu.memory_space<hbm>>) dst(%arg28 : memref<128x128xf32, #tpu.memory_space<vmem>>)
        "tpu.region"() ({
          %run_scoped3A_394 = tpu.sem_alloc : memref<!tpu.dma_semaphore, #tpu.memory_space<semaphore_mem>>
          %dma_start3A_395 = arith.constant 0 : i32
          %dma_start3A_396 = tpu.memref_slice %arg27[%mul3A_313, %dma_start3A_395] : memref<8x128xi32, #tpu.memory_space<vmem>> -> memref<1x128xi32, #tpu.memory_space<vmem>>
          %dma_start3A_397 = tpu.memref_squeeze %dma_start3A_396 : memref<1x128xi32, #tpu.memory_space<vmem>> -> memref<128xi32, #tpu.memory_space<vmem>>
          %dma_start3A_398 = arith.constant 0 : i32
          %dma_start3A_399 = arith.constant 0 : i32
          %dma_start3A_400 = tpu.memref_slice %arg22[%dma_start3A_398, %dma_start3A_399] : memref<10112x128xf32, #tpu.memory_space<vmem_shared>> -> memref<10112x128xf32, #tpu.memory_space<vmem_shared>>
          tpu.enqueue_indirect_dma source(%arg28 : memref<128x128xf32, #tpu.memory_space<vmem>>) target(%dma_start3A_400 : memref<10112x128xf32, #tpu.memory_space<vmem_shared>>) offsets(%dma_start3A_397 : memref<128xi32, #tpu.memory_space<vmem>>) semaphore(%run_scoped3A_394 : memref<!tpu.dma_semaphore, #tpu.memory_space<semaphore_mem>>) {add = true}
          %dma_wait3A_401 = arith.constant 0 : i32
          %dma_wait3A_402 = tpu.memref_slice %arg27[%mul3A_313, %dma_wait3A_401] : memref<8x128xi32, #tpu.memory_space<vmem>> -> memref<1x128xi32, #tpu.memory_space<vmem>>
          %dma_wait3A_403 = tpu.memref_squeeze %dma_wait3A_402 : memref<1x128xi32, #tpu.memory_space<vmem>> -> memref<128xi32, #tpu.memory_space<vmem>>
          %dma_wait3A_404 = arith.constant 0 : i32
          %dma_wait3A_405 = arith.constant 0 : i32
          %dma_wait3A_406 = tpu.memref_slice %arg22[%dma_wait3A_404, %dma_wait3A_405] : memref<10112x128xf32, #tpu.memory_space<vmem_shared>> -> memref<10112x128xf32, #tpu.memory_space<vmem_shared>>
          tpu.wait_indirect_dma semaphore(%run_scoped3A_394 : memref<!tpu.dma_semaphore, #tpu.memory_space<semaphore_mem>>) src(%arg28 : memref<128x128xf32, #tpu.memory_space<vmem>>) dst(%dma_wait3A_406 : memref<10112x128xf32, #tpu.memory_space<vmem_shared>>)
          tpu.yield
        }) : () -> ()
        %add3A_352 = arith.constant 2 : i32
        %add3A_353 = arith.addi %mul3A_313, %add3A_352 : i32
        %dma_start3A_354 = arith.constant 0 : i32
        %dma_start3A_355 = tpu.memref_slice %arg26[%add3A_353, %dma_start3A_354] : memref<8x128xi32, #tpu.memory_space<vmem>> -> memref<1x128xi32, #tpu.memory_space<vmem>>
        %dma_start3A_356 = tpu.memref_squeeze %dma_start3A_355 : memref<1x128xi32, #tpu.memory_space<vmem>> -> memref<128xi32, #tpu.memory_space<vmem>>
        %dma_start3A_357 = arith.constant 0 : i32
        %dma_start3A_358 = arith.constant 0 : i32
        %dma_start3A_359 = tpu.memref_slice %arg3[%dma_start3A_357, %dma_start3A_358] : memref<10000x128xf32, #tpu.memory_space<hbm>> -> memref<10000x128xf32, #tpu.memory_space<hbm>>
        tpu.enqueue_indirect_dma source(%dma_start3A_359 : memref<10000x128xf32, #tpu.memory_space<hbm>>) target(%arg28 : memref<128x128xf32, #tpu.memory_space<vmem>>) offsets(%dma_start3A_356 : memref<128xi32, #tpu.memory_space<vmem>>) semaphore(%arg30 : memref<!tpu.dma_semaphore, #tpu.memory_space<semaphore_mem>>)
        %add3A_360 = arith.constant 1 : i32
        %add3A_361 = arith.addi %mul3A_313, %add3A_360 : i32
        %get3A_362 = arith.index_cast %add3A_361 : i32 to index
        %get3A_363 = arith.constant 0 : index
        %get3A_364 = tpu.vector_load %arg27[%get3A_362, %get3A_363] {strides = array<i32>} : memref<8x128xi32, #tpu.memory_space<vmem>>, vector<16xi32>,
        tpu.vector_store_idx %arg23[%get3A_364], %broadcast_in_dim3A_6 {add = true} : memref<10112xf32, #tpu.memory_space<vmem>>[vector<16xi32>], vector<16xf32>,
        %get3A_365 = arith.index_cast %add3A_361 : i32 to index
        %get3A_366 = arith.constant 16 : index
        %get3A_367 = tpu.vector_load %arg27[%get3A_365, %get3A_366] {strides = array<i32>} : memref<8x128xi32, #tpu.memory_space<vmem>>, vector<16xi32>,
        tpu.vector_store_idx %arg23[%get3A_367], %broadcast_in_dim3A_6 {add = true} : memref<10112xf32, #tpu.memory_space<vmem>>[vector<16xi32>], vector<16xf32>,
        %get3A_368 = arith.index_cast %add3A_361 : i32 to index
        %get3A_369 = arith.constant 32 : index
        %get3A_370 = tpu.vector_load %arg27[%get3A_368, %get3A_369] {strides = array<i32>} : memref<8x128xi32, #tpu.memory_space<vmem>>, vector<16xi32>,
        tpu.vector_store_idx %arg23[%get3A_370], %broadcast_in_dim3A_6 {add = true} : memref<10112xf32, #tpu.memory_space<vmem>>[vector<16xi32>], vector<16xf32>,
        %get3A_371 = arith.index_cast %add3A_361 : i32 to index
        %get3A_372 = arith.constant 48 : index
        %get3A_373 = tpu.vector_load %arg27[%get3A_371, %get3A_372] {strides = array<i32>} : memref<8x128xi32, #tpu.memory_space<vmem>>, vector<16xi32>,
        tpu.vector_store_idx %arg23[%get3A_373], %broadcast_in_dim3A_6 {add = true} : memref<10112xf32, #tpu.memory_space<vmem>>[vector<16xi32>], vector<16xf32>,
        %get3A_374 = arith.index_cast %add3A_361 : i32 to index
        %get3A_375 = arith.constant 64 : index
        %get3A_376 = tpu.vector_load %arg27[%get3A_374, %get3A_375] {strides = array<i32>} : memref<8x128xi32, #tpu.memory_space<vmem>>, vector<16xi32>,
        tpu.vector_store_idx %arg23[%get3A_376], %broadcast_in_dim3A_6 {add = true} : memref<10112xf32, #tpu.memory_space<vmem>>[vector<16xi32>], vector<16xf32>,
        %get3A_377 = arith.index_cast %add3A_361 : i32 to index
        %get3A_378 = arith.constant 80 : index
        %get3A_379 = tpu.vector_load %arg27[%get3A_377, %get3A_378] {strides = array<i32>} : memref<8x128xi32, #tpu.memory_space<vmem>>, vector<16xi32>,
        tpu.vector_store_idx %arg23[%get3A_379], %broadcast_in_dim3A_6 {add = true} : memref<10112xf32, #tpu.memory_space<vmem>>[vector<16xi32>], vector<16xf32>,
        %get3A_380 = arith.index_cast %add3A_361 : i32 to index
        %get3A_381 = arith.constant 96 : index
        %get3A_382 = tpu.vector_load %arg27[%get3A_380, %get3A_381] {strides = array<i32>} : memref<8x128xi32, #tpu.memory_space<vmem>>, vector<16xi32>,
        tpu.vector_store_idx %arg23[%get3A_382], %broadcast_in_dim3A_6 {add = true} : memref<10112xf32, #tpu.memory_space<vmem>>[vector<16xi32>], vector<16xf32>,
        %get3A_383 = arith.index_cast %add3A_361 : i32 to index
        %get3A_384 = arith.constant 112 : index
        %get3A_385 = tpu.vector_load %arg27[%get3A_383, %get3A_384] {strides = array<i32>} : memref<8x128xi32, #tpu.memory_space<vmem>>, vector<16xi32>,
        tpu.vector_store_idx %arg23[%get3A_385], %broadcast_in_dim3A_6 {add = true} : memref<10112xf32, #tpu.memory_space<vmem>>[vector<16xi32>], vector<16xf32>,
        %add3A_386 = arith.constant 1 : i32
        %add3A_387 = arith.addi %mul3A_313, %add3A_386 : i32
        %dma_wait3A_388 = arith.constant 0 : i32
        %dma_wait3A_389 = tpu.memref_slice %arg26[%add3A_387, %dma_wait3A_388] : memref<8x128xi32, #tpu.memory_space<vmem>> -> memref<1x128xi32, #tpu.memory_space<vmem>>
        %dma_wait3A_390 = tpu.memref_squeeze %dma_wait3A_389 : memref<1x128xi32, #tpu.memory_space<vmem>> -> memref<128xi32, #tpu.memory_space<vmem>>
        %dma_wait3A_391 = arith.constant 0 : i32
        %dma_wait3A_392 = arith.constant 0 : i32
        %dma_wait3A_393 = tpu.memref_slice %arg3[%dma_wait3A_391, %dma_wait3A_392] : memref<10000x128xf32, #tpu.memory_space<hbm>> -> memref<10000x128xf32, #tpu.memory_space<hbm>>
        tpu.wait_indirect_dma semaphore(%arg31 : memref<!tpu.dma_semaphore, #tpu.memory_space<semaphore_mem>>) src(%dma_wait3A_393 : memref<10000x128xf32, #tpu.memory_space<hbm>>) dst(%arg29 : memref<128x128xf32, #tpu.memory_space<vmem>>)
        "tpu.region"() ({
          %run_scoped3A_394 = tpu.sem_alloc : memref<!tpu.dma_semaphore, #tpu.memory_space<semaphore_mem>>
          %dma_start3A_395 = arith.constant 0 : i32
          %dma_start3A_396 = tpu.memref_slice %arg27[%add3A_387, %dma_start3A_395] : memref<8x128xi32, #tpu.memory_space<vmem>> -> memref<1x128xi32, #tpu.memory_space<vmem>>
          %dma_start3A_397 = tpu.memref_squeeze %dma_start3A_396 : memref<1x128xi32, #tpu.memory_space<vmem>> -> memref<128xi32, #tpu.memory_space<vmem>>
          %dma_start3A_398 = arith.constant 0 : i32
          %dma_start3A_399 = arith.constant 0 : i32
          %dma_start3A_400 = tpu.memref_slice %arg22[%dma_start3A_398, %dma_start3A_399] : memref<10112x128xf32, #tpu.memory_space<vmem_shared>> -> memref<10112x128xf32, #tpu.memory_space<vmem_shared>>
          tpu.enqueue_indirect_dma source(%arg29 : memref<128x128xf32, #tpu.memory_space<vmem>>) target(%dma_start3A_400 : memref<10112x128xf32, #tpu.memory_space<vmem_shared>>) offsets(%dma_start3A_397 : memref<128xi32, #tpu.memory_space<vmem>>) semaphore(%run_scoped3A_394 : memref<!tpu.dma_semaphore, #tpu.memory_space<semaphore_mem>>) {add = true}
          %dma_wait3A_401 = arith.constant 0 : i32
          %dma_wait3A_402 = tpu.memref_slice %arg27[%add3A_387, %dma_wait3A_401] : memref<8x128xi32, #tpu.memory_space<vmem>> -> memref<1x128xi32, #tpu.memory_space<vmem>>
          %dma_wait3A_403 = tpu.memref_squeeze %dma_wait3A_402 : memref<1x128xi32, #tpu.memory_space<vmem>> -> memref<128xi32, #tpu.memory_space<vmem>>
          %dma_wait3A_404 = arith.constant 0 : i32
          %dma_wait3A_405 = arith.constant 0 : i32
          %dma_wait3A_406 = tpu.memref_slice %arg22[%dma_wait3A_404, %dma_wait3A_405] : memref<10112x128xf32, #tpu.memory_space<vmem_shared>> -> memref<10112x128xf32, #tpu.memory_space<vmem_shared>>
          tpu.wait_indirect_dma semaphore(%run_scoped3A_394 : memref<!tpu.dma_semaphore, #tpu.memory_space<semaphore_mem>>) src(%arg29 : memref<128x128xf32, #tpu.memory_space<vmem>>) dst(%dma_wait3A_406 : memref<10112x128xf32, #tpu.memory_space<vmem_shared>>)
          tpu.yield
        }) : () -> ()
      }
      %scan3A_219 = arith.constant 3 : i32
      %dma_start3A_220 = arith.constant 7 : i32
      %dma_start3A_221 = arith.constant 0 : i32
      %dma_start3A_222 = tpu.memref_slice %arg26[%dma_start3A_220, %dma_start3A_221] : memref<8x128xi32, #tpu.memory_space<vmem>> -> memref<1x128xi32, #tpu.memory_space<vmem>>
      %dma_start3A_223 = tpu.memref_squeeze %dma_start3A_222 : memref<1x128xi32, #tpu.memory_space<vmem>> -> memref<128xi32, #tpu.memory_space<vmem>>
      %dma_start3A_224 = arith.constant 0 : i32
      %dma_start3A_225 = arith.constant 0 : i32
      %dma_start3A_226 = tpu.memref_slice %arg3[%dma_start3A_224, %dma_start3A_225] : memref<10000x128xf32, #tpu.memory_space<hbm>> -> memref<10000x128xf32, #tpu.memory_space<hbm>>
      tpu.enqueue_indirect_dma source(%dma_start3A_226 : memref<10000x128xf32, #tpu.memory_space<hbm>>) target(%arg29 : memref<128x128xf32, #tpu.memory_space<vmem>>) offsets(%dma_start3A_223 : memref<128xi32, #tpu.memory_space<vmem>>) semaphore(%arg31 : memref<!tpu.dma_semaphore, #tpu.memory_space<semaphore_mem>>)
      %get3A_227 = arith.constant 6 : i32
      %get3A_228 = arith.index_cast %get3A_227 : i32 to index
      %get3A_229 = arith.constant 0 : index
      %get3A_230 = tpu.vector_load %arg27[%get3A_228, %get3A_229] {strides = array<i32>} : memref<8x128xi32, #tpu.memory_space<vmem>>, vector<16xi32>,
      tpu.vector_store_idx %arg23[%get3A_230], %broadcast_in_dim3A_6 {add = true} : memref<10112xf32, #tpu.memory_space<vmem>>[vector<16xi32>], vector<16xf32>,
      %get3A_231 = arith.constant 6 : i32
      %get3A_232 = arith.index_cast %get3A_231 : i32 to index
      %get3A_233 = arith.constant 16 : index
      %get3A_234 = tpu.vector_load %arg27[%get3A_232, %get3A_233] {strides = array<i32>} : memref<8x128xi32, #tpu.memory_space<vmem>>, vector<16xi32>,
      tpu.vector_store_idx %arg23[%get3A_234], %broadcast_in_dim3A_6 {add = true} : memref<10112xf32, #tpu.memory_space<vmem>>[vector<16xi32>], vector<16xf32>,
      %get3A_235 = arith.constant 6 : i32
      %get3A_236 = arith.index_cast %get3A_235 : i32 to index
      %get3A_237 = arith.constant 32 : index
      %get3A_238 = tpu.vector_load %arg27[%get3A_236, %get3A_237] {strides = array<i32>} : memref<8x128xi32, #tpu.memory_space<vmem>>, vector<16xi32>,
      tpu.vector_store_idx %arg23[%get3A_238], %broadcast_in_dim3A_6 {add = true} : memref<10112xf32, #tpu.memory_space<vmem>>[vector<16xi32>], vector<16xf32>,
      %get3A_239 = arith.constant 6 : i32
      %get3A_240 = arith.index_cast %get3A_239 : i32 to index
      %get3A_241 = arith.constant 48 : index
      %get3A_242 = tpu.vector_load %arg27[%get3A_240, %get3A_241] {strides = array<i32>} : memref<8x128xi32, #tpu.memory_space<vmem>>, vector<16xi32>,
      tpu.vector_store_idx %arg23[%get3A_242], %broadcast_in_dim3A_6 {add = true} : memref<10112xf32, #tpu.memory_space<vmem>>[vector<16xi32>], vector<16xf32>,
      %get3A_243 = arith.constant 6 : i32
      %get3A_244 = arith.index_cast %get3A_243 : i32 to index
      %get3A_245 = arith.constant 64 : index
      %get3A_246 = tpu.vector_load %arg27[%get3A_244, %get3A_245] {strides = array<i32>} : memref<8x128xi32, #tpu.memory_space<vmem>>, vector<16xi32>,
      tpu.vector_store_idx %arg23[%get3A_246], %broadcast_in_dim3A_6 {add = true} : memref<10112xf32, #tpu.memory_space<vmem>>[vector<16xi32>], vector<16xf32>,
      %get3A_247 = arith.constant 6 : i32
      %get3A_248 = arith.index_cast %get3A_247 : i32 to index
      %get3A_249 = arith.constant 80 : index
      %get3A_250 = tpu.vector_load %arg27[%get3A_248, %get3A_249] {strides = array<i32>} : memref<8x128xi32, #tpu.memory_space<vmem>>, vector<16xi32>,
      tpu.vector_store_idx %arg23[%get3A_250], %broadcast_in_dim3A_6 {add = true} : memref<10112xf32, #tpu.memory_space<vmem>>[vector<16xi32>], vector<16xf32>,
      %get3A_251 = arith.constant 6 : i32
      %get3A_252 = arith.index_cast %get3A_251 : i32 to index
      %get3A_253 = arith.constant 96 : index
      %get3A_254 = tpu.vector_load %arg27[%get3A_252, %get3A_253] {strides = array<i32>} : memref<8x128xi32, #tpu.memory_space<vmem>>, vector<16xi32>,
      tpu.vector_store_idx %arg23[%get3A_254], %broadcast_in_dim3A_6 {add = true} : memref<10112xf32, #tpu.memory_space<vmem>>[vector<16xi32>], vector<16xf32>,
      %get3A_255 = arith.constant 6 : i32
      %get3A_256 = arith.index_cast %get3A_255 : i32 to index
      %get3A_257 = arith.constant 112 : index
      %get3A_258 = tpu.vector_load %arg27[%get3A_256, %get3A_257] {strides = array<i32>} : memref<8x128xi32, #tpu.memory_space<vmem>>, vector<16xi32>,
      tpu.vector_store_idx %arg23[%get3A_258], %broadcast_in_dim3A_6 {add = true} : memref<10112xf32, #tpu.memory_space<vmem>>[vector<16xi32>], vector<16xf32>,
      %dma_wait3A_259 = arith.constant 6 : i32
      %dma_wait3A_260 = arith.constant 0 : i32
      %dma_wait3A_261 = tpu.memref_slice %arg26[%dma_wait3A_259, %dma_wait3A_260] : memref<8x128xi32, #tpu.memory_space<vmem>> -> memref<1x128xi32, #tpu.memory_space<vmem>>
      %dma_wait3A_262 = tpu.memref_squeeze %dma_wait3A_261 : memref<1x128xi32, #tpu.memory_space<vmem>> -> memref<128xi32, #tpu.memory_space<vmem>>
      %dma_wait3A_263 = arith.constant 0 : i32
      %dma_wait3A_264 = arith.constant 0 : i32
      %dma_wait3A_265 = tpu.memref_slice %arg3[%dma_wait3A_263, %dma_wait3A_264] : memref<10000x128xf32, #tpu.memory_space<hbm>> -> memref<10000x128xf32, #tpu.memory_space<hbm>>
      tpu.wait_indirect_dma semaphore(%arg30 : memref<!tpu.dma_semaphore, #tpu.memory_space<semaphore_mem>>) src(%dma_wait3A_265 : memref<10000x128xf32, #tpu.memory_space<hbm>>) dst(%arg28 : memref<128x128xf32, #tpu.memory_space<vmem>>)
      %run_scoped3A_266 = arith.constant 6 : i32
      "tpu.region"() ({
        %run_scoped3A_311 = tpu.sem_alloc : memref<!tpu.dma_semaphore, #tpu.memory_space<semaphore_mem>>
        %dma_start3A_312 = arith.constant 0 : i32
        %dma_start3A_313 = tpu.memref_slice %arg27[%run_scoped3A_266, %dma_start3A_312] : memref<8x128xi32, #tpu.memory_space<vmem>> -> memref<1x128xi32, #tpu.memory_space<vmem>>
        %dma_start3A_314 = tpu.memref_squeeze %dma_start3A_313 : memref<1x128xi32, #tpu.memory_space<vmem>> -> memref<128xi32, #tpu.memory_space<vmem>>
        %dma_start3A_315 = arith.constant 0 : i32
        %dma_start3A_316 = arith.constant 0 : i32
        %dma_start3A_317 = tpu.memref_slice %arg22[%dma_start3A_315, %dma_start3A_316] : memref<10112x128xf32, #tpu.memory_space<vmem_shared>> -> memref<10112x128xf32, #tpu.memory_space<vmem_shared>>
        tpu.enqueue_indirect_dma source(%arg28 : memref<128x128xf32, #tpu.memory_space<vmem>>) target(%dma_start3A_317 : memref<10112x128xf32, #tpu.memory_space<vmem_shared>>) offsets(%dma_start3A_314 : memref<128xi32, #tpu.memory_space<vmem>>) semaphore(%run_scoped3A_311 : memref<!tpu.dma_semaphore, #tpu.memory_space<semaphore_mem>>) {add = true}
        %dma_wait3A_318 = arith.constant 0 : i32
        %dma_wait3A_319 = tpu.memref_slice %arg27[%run_scoped3A_266, %dma_wait3A_318] : memref<8x128xi32, #tpu.memory_space<vmem>> -> memref<1x128xi32, #tpu.memory_space<vmem>>
        %dma_wait3A_320 = tpu.memref_squeeze %dma_wait3A_319 : memref<1x128xi32, #tpu.memory_space<vmem>> -> memref<128xi32, #tpu.memory_space<vmem>>
        %dma_wait3A_321 = arith.constant 0 : i32
        %dma_wait3A_322 = arith.constant 0 : i32
        %dma_wait3A_323 = tpu.memref_slice %arg22[%dma_wait3A_321, %dma_wait3A_322] : memref<10112x128xf32, #tpu.memory_space<vmem_shared>> -> memref<10112x128xf32, #tpu.memory_space<vmem_shared>>
        tpu.wait_indirect_dma semaphore(%run_scoped3A_311 : memref<!tpu.dma_semaphore, #tpu.memory_space<semaphore_mem>>) src(%arg28 : memref<128x128xf32, #tpu.memory_space<vmem>>) dst(%dma_wait3A_323 : memref<10112x128xf32, #tpu.memory_space<vmem_shared>>)
        tpu.yield
      }) : () -> ()
      %not3A = arith.constant true
      %not3A_267 = arith.xori %eq3A_213, %not3A : i1
      %convert_element_type3A_268 = arith.extui %not3A_267 : i1 to i32
      %cond3A_269 = arith.constant 0 : i32
      %cond3A_270 = arith.cmpi ne, %convert_element_type3A_268, %cond3A_269 : i32
      scf.if %cond3A_270 {
        %dma_start3A_311 = arith.constant 0 : i32
        %dma_start3A_312 = arith.constant 0 : i32
        %dma_start3A_313 = tpu.memref_slice %arg24[%dma_start3A_311, %dma_start3A_312] : memref<8x128xi32, #tpu.memory_space<vmem>> -> memref<1x128xi32, #tpu.memory_space<vmem>>
        %dma_start3A_314 = tpu.memref_squeeze %dma_start3A_313 : memref<1x128xi32, #tpu.memory_space<vmem>> -> memref<128xi32, #tpu.memory_space<vmem>>
        %dma_start3A_315 = arith.constant 0 : i32
        %dma_start3A_316 = arith.constant 0 : i32
        %dma_start3A_317 = tpu.memref_slice %arg3[%dma_start3A_315, %dma_start3A_316] : memref<10000x128xf32, #tpu.memory_space<hbm>> -> memref<10000x128xf32, #tpu.memory_space<hbm>>
        tpu.enqueue_indirect_dma source(%dma_start3A_317 : memref<10000x128xf32, #tpu.memory_space<hbm>>) target(%arg28 : memref<128x128xf32, #tpu.memory_space<vmem>>) offsets(%dma_start3A_314 : memref<128xi32, #tpu.memory_space<vmem>>) semaphore(%arg30 : memref<!tpu.dma_semaphore, #tpu.memory_space<semaphore_mem>>)
      } else {
      }
      %get3A_271 = arith.constant 7 : i32
      %get3A_272 = arith.index_cast %get3A_271 : i32 to index
      %get3A_273 = arith.constant 0 : index
      %get3A_274 = tpu.vector_load %arg27[%get3A_272, %get3A_273] {strides = array<i32>} : memref<8x128xi32, #tpu.memory_space<vmem>>, vector<16xi32>,
      tpu.vector_store_idx %arg23[%get3A_274], %broadcast_in_dim3A_6 {add = true} : memref<10112xf32, #tpu.memory_space<vmem>>[vector<16xi32>], vector<16xf32>,
      %get3A_275 = arith.constant 7 : i32
      %get3A_276 = arith.index_cast %get3A_275 : i32 to index
      %get3A_277 = arith.constant 16 : index
      %get3A_278 = tpu.vector_load %arg27[%get3A_276, %get3A_277] {strides = array<i32>} : memref<8x128xi32, #tpu.memory_space<vmem>>, vector<16xi32>,
      tpu.vector_store_idx %arg23[%get3A_278], %broadcast_in_dim3A_6 {add = true} : memref<10112xf32, #tpu.memory_space<vmem>>[vector<16xi32>], vector<16xf32>,
      %get3A_279 = arith.constant 7 : i32
      %get3A_280 = arith.index_cast %get3A_279 : i32 to index
      %get3A_281 = arith.constant 32 : index
      %get3A_282 = tpu.vector_load %arg27[%get3A_280, %get3A_281] {strides = array<i32>} : memref<8x128xi32, #tpu.memory_space<vmem>>, vector<16xi32>,
      tpu.vector_store_idx %arg23[%get3A_282], %broadcast_in_dim3A_6 {add = true} : memref<10112xf32, #tpu.memory_space<vmem>>[vector<16xi32>], vector<16xf32>,
      %get3A_283 = arith.constant 7 : i32
      %get3A_284 = arith.index_cast %get3A_283 : i32 to index
      %get3A_285 = arith.constant 48 : index
      %get3A_286 = tpu.vector_load %arg27[%get3A_284, %get3A_285] {strides = array<i32>} : memref<8x128xi32, #tpu.memory_space<vmem>>, vector<16xi32>,
      tpu.vector_store_idx %arg23[%get3A_286], %broadcast_in_dim3A_6 {add = true} : memref<10112xf32, #tpu.memory_space<vmem>>[vector<16xi32>], vector<16xf32>,
      %get3A_287 = arith.constant 7 : i32
      %get3A_288 = arith.index_cast %get3A_287 : i32 to index
      %get3A_289 = arith.constant 64 : index
      %get3A_290 = tpu.vector_load %arg27[%get3A_288, %get3A_289] {strides = array<i32>} : memref<8x128xi32, #tpu.memory_space<vmem>>, vector<16xi32>,
      tpu.vector_store_idx %arg23[%get3A_290], %broadcast_in_dim3A_6 {add = true} : memref<10112xf32, #tpu.memory_space<vmem>>[vector<16xi32>], vector<16xf32>,
      %get3A_291 = arith.constant 7 : i32
      %get3A_292 = arith.index_cast %get3A_291 : i32 to index
      %get3A_293 = arith.constant 80 : index
      %get3A_294 = tpu.vector_load %arg27[%get3A_292, %get3A_293] {strides = array<i32>} : memref<8x128xi32, #tpu.memory_space<vmem>>, vector<16xi32>,
      tpu.vector_store_idx %arg23[%get3A_294], %broadcast_in_dim3A_6 {add = true} : memref<10112xf32, #tpu.memory_space<vmem>>[vector<16xi32>], vector<16xf32>,
      %get3A_295 = arith.constant 7 : i32
      %get3A_296 = arith.index_cast %get3A_295 : i32 to index
      %get3A_297 = arith.constant 96 : index
      %get3A_298 = tpu.vector_load %arg27[%get3A_296, %get3A_297] {strides = array<i32>} : memref<8x128xi32, #tpu.memory_space<vmem>>, vector<16xi32>,
      tpu.vector_store_idx %arg23[%get3A_298], %broadcast_in_dim3A_6 {add = true} : memref<10112xf32, #tpu.memory_space<vmem>>[vector<16xi32>], vector<16xf32>,
      %get3A_299 = arith.constant 7 : i32
      %get3A_300 = arith.index_cast %get3A_299 : i32 to index
      %get3A_301 = arith.constant 112 : index
      %get3A_302 = tpu.vector_load %arg27[%get3A_300, %get3A_301] {strides = array<i32>} : memref<8x128xi32, #tpu.memory_space<vmem>>, vector<16xi32>,
      tpu.vector_store_idx %arg23[%get3A_302], %broadcast_in_dim3A_6 {add = true} : memref<10112xf32, #tpu.memory_space<vmem>>[vector<16xi32>], vector<16xf32>,
      %dma_wait3A_303 = arith.constant 7 : i32
      %dma_wait3A_304 = arith.constant 0 : i32
      %dma_wait3A_305 = tpu.memref_slice %arg26[%dma_wait3A_303, %dma_wait3A_304] : memref<8x128xi32, #tpu.memory_space<vmem>> -> memref<1x128xi32, #tpu.memory_space<vmem>>
      %dma_wait3A_306 = tpu.memref_squeeze %dma_wait3A_305 : memref<1x128xi32, #tpu.memory_space<vmem>> -> memref<128xi32, #tpu.memory_space<vmem>>
      %dma_wait3A_307 = arith.constant 0 : i32
      %dma_wait3A_308 = arith.constant 0 : i32
      %dma_wait3A_309 = tpu.memref_slice %arg3[%dma_wait3A_307, %dma_wait3A_308] : memref<10000x128xf32, #tpu.memory_space<hbm>> -> memref<10000x128xf32, #tpu.memory_space<hbm>>
      tpu.wait_indirect_dma semaphore(%arg31 : memref<!tpu.dma_semaphore, #tpu.memory_space<semaphore_mem>>) src(%dma_wait3A_309 : memref<10000x128xf32, #tpu.memory_space<hbm>>) dst(%arg29 : memref<128x128xf32, #tpu.memory_space<vmem>>)
      %run_scoped3A_310 = arith.constant 7 : i32
      "tpu.region"() ({
        %run_scoped3A_311 = tpu.sem_alloc : memref<!tpu.dma_semaphore, #tpu.memory_space<semaphore_mem>>
        %dma_start3A_312 = arith.constant 0 : i32
        %dma_start3A_313 = tpu.memref_slice %arg27[%run_scoped3A_310, %dma_start3A_312] : memref<8x128xi32, #tpu.memory_space<vmem>> -> memref<1x128xi32, #tpu.memory_space<vmem>>
        %dma_start3A_314 = tpu.memref_squeeze %dma_start3A_313 : memref<1x128xi32, #tpu.memory_space<vmem>> -> memref<128xi32, #tpu.memory_space<vmem>>
        %dma_start3A_315 = arith.constant 0 : i32
        %dma_start3A_316 = arith.constant 0 : i32
        %dma_start3A_317 = tpu.memref_slice %arg22[%dma_start3A_315, %dma_start3A_316] : memref<10112x128xf32, #tpu.memory_space<vmem_shared>> -> memref<10112x128xf32, #tpu.memory_space<vmem_shared>>
        tpu.enqueue_indirect_dma source(%arg29 : memref<128x128xf32, #tpu.memory_space<vmem>>) target(%dma_start3A_317 : memref<10112x128xf32, #tpu.memory_space<vmem_shared>>) offsets(%dma_start3A_314 : memref<128xi32, #tpu.memory_space<vmem>>) semaphore(%run_scoped3A_311 : memref<!tpu.dma_semaphore, #tpu.memory_space<semaphore_mem>>) {add = true}
        %dma_wait3A_318 = arith.constant 0 : i32
        %dma_wait3A_319 = tpu.memref_slice %arg27[%run_scoped3A_310, %dma_wait3A_318] : memref<8x128xi32, #tpu.memory_space<vmem>> -> memref<1x128xi32, #tpu.memory_space<vmem>>
        %dma_wait3A_320 = tpu.memref_squeeze %dma_wait3A_319 : memref<1x128xi32, #tpu.memory_space<vmem>> -> memref<128xi32, #tpu.memory_space<vmem>>
        %dma_wait3A_321 = arith.constant 0 : i32
        %dma_wait3A_322 = arith.constant 0 : i32
        %dma_wait3A_323 = tpu.memref_slice %arg22[%dma_wait3A_321, %dma_wait3A_322] : memref<10112x128xf32, #tpu.memory_space<vmem_shared>> -> memref<10112x128xf32, #tpu.memory_space<vmem_shared>>
        tpu.wait_indirect_dma semaphore(%run_scoped3A_311 : memref<!tpu.dma_semaphore, #tpu.memory_space<semaphore_mem>>) src(%arg29 : memref<128x128xf32, #tpu.memory_space<vmem>>) dst(%dma_wait3A_323 : memref<10112x128xf32, #tpu.memory_space<vmem_shared>>)
        tpu.yield
      }) : () -> ()
    }
    %scan3A_87 = arith.constant 5 : i32
    %barrier3A_88 = arith.constant 0 : index
    tpu.barrier barrier_id(%barrier3A_88)
    "tpu.region"() ({
      %run_scoped3A = tpu.sem_alloc : memref<!tpu.dma_semaphore, #tpu.memory_space<semaphore_mem>>
      %dma_start3A_90 = arith.constant 0 : i32
      %dma_start3A_91 = tpu.memref_slice %arg18[%add3A_5, %dma_start3A_90] : memref<20224x128xf32, #tpu.memory_space<hbm>> -> memref<632x128xf32, #tpu.memory_space<hbm>>
      %dma_start3A_92 = arith.constant 0 : i32
      %dma_start3A_93 = tpu.memref_slice %arg22[%mul3A_2, %dma_start3A_92] : memref<10112x128xf32, #tpu.memory_space<vmem_shared>> -> memref<632x128xf32, #tpu.memory_space<vmem_shared>>
      tpu.enqueue_dma source(%dma_start3A_93 : memref<632x128xf32, #tpu.memory_space<vmem_shared>>) target(%dma_start3A_91 : memref<632x128xf32, #tpu.memory_space<hbm>>) target_semaphore(%run_scoped3A : memref<!tpu.dma_semaphore, #tpu.memory_space<semaphore_mem>>)
      %dma_wait3A = arith.constant 0 : i32
      %dma_wait3A_94 = tpu.memref_slice %arg18[%add3A_5, %dma_wait3A] : memref<20224x128xf32, #tpu.memory_space<hbm>> -> memref<632x128xf32, #tpu.memory_space<hbm>>
      %dma_wait3A_95 = arith.constant 0 : i32
      %dma_wait3A_96 = tpu.memref_slice %arg22[%mul3A_2, %dma_wait3A_95] : memref<10112x128xf32, #tpu.memory_space<vmem_shared>> -> memref<632x128xf32, #tpu.memory_space<vmem_shared>>
      tpu.wait_dma2 semaphore(%run_scoped3A : memref<!tpu.dma_semaphore, #tpu.memory_space<semaphore_mem>>) src(%dma_wait3A_96 : memref<632x128xf32, #tpu.memory_space<vmem_shared>>) dst(%dma_wait3A_94 : memref<632x128xf32, #tpu.memory_space<hbm>>)
      tpu.yield
    }) : () -> ()
    "tpu.region"() ({
      %run_scoped3A = tpu.sem_alloc : memref<!tpu.dma_semaphore, #tpu.memory_space<semaphore_mem>>
      %dma_start3A_90 = arith.constant 0 : i32
      %dma_start3A_91 = tpu.memref_slice %arg21[%add3A, %dma_start3A_90] : memref<32x10112xf32, #tpu.memory_space<hbm>> -> memref<1x10112xf32, #tpu.memory_space<hbm>>
      %dma_start3A_92 = tpu.memref_squeeze %dma_start3A_91 : memref<1x10112xf32, #tpu.memory_space<hbm>> -> memref<10112xf32, #tpu.memory_space<hbm>>
      %dma_start3A_93 = arith.constant 0 : i32
      %dma_start3A_94 = tpu.memref_slice %arg21[%add3A, %dma_start3A_93] : memref<32x10112xf32, #tpu.memory_space<hbm>> -> memref<1x10112xf32, #tpu.memory_space<hbm>>
      %dma_start3A_95 = tpu.memref_squeeze %dma_start3A_94 : memref<1x10112xf32, #tpu.memory_space<hbm>> -> memref<10112xf32, #tpu.memory_space<hbm>>
      tpu.enqueue_dma source(%arg23 : memref<10112xf32, #tpu.memory_space<vmem>>) target(%dma_start3A_95 : memref<10112xf32, #tpu.memory_space<hbm>>) target_semaphore(%run_scoped3A : memref<!tpu.dma_semaphore, #tpu.memory_space<semaphore_mem>>)
      %dma_wait3A = arith.constant 0 : i32
      %dma_wait3A_96 = tpu.memref_slice %arg21[%add3A, %dma_wait3A] : memref<32x10112xf32, #tpu.memory_space<hbm>> -> memref<1x10112xf32, #tpu.memory_space<hbm>>
      %dma_wait3A_97 = tpu.memref_squeeze %dma_wait3A_96 : memref<1x10112xf32, #tpu.memory_space<hbm>> -> memref<10112xf32, #tpu.memory_space<hbm>>
      %dma_wait3A_98 = arith.constant 0 : i32
      %dma_wait3A_99 = tpu.memref_slice %arg21[%add3A, %dma_wait3A_98] : memref<32x10112xf32, #tpu.memory_space<hbm>> -> memref<1x10112xf32, #tpu.memory_space<hbm>>
      %dma_wait3A_100 = tpu.memref_squeeze %dma_wait3A_99 : memref<1x10112xf32, #tpu.memory_space<hbm>> -> memref<10112xf32, #tpu.memory_space<hbm>>
      tpu.wait_dma2 semaphore(%run_scoped3A : memref<!tpu.dma_semaphore, #tpu.memory_space<semaphore_mem>>) src(%arg23 : memref<10112xf32, #tpu.memory_space<vmem>>) dst(%dma_wait3A_100 : memref<10112xf32, #tpu.memory_space<hbm>>)
      tpu.yield
    }) : () -> ()
    %barrier3A_89 = arith.constant 0 : index
    tpu.barrier barrier_id(%barrier3A_89)
    return
  }
}

module attributes {stable_mosaic.version = 14 : i64} {
  func.func @_proj_body(%arg0: i32, %arg1: memref<2000x128xf32, #tpu.memory_space<vmem>>, %arg2: memref<128x128xf32, #tpu.memory_space<vmem>>, %arg3: memref<1x128xf32, #tpu.memory_space<vmem>>, %arg4: memref<2000x128xf32, #tpu.memory_space<vmem>>, %arg5: memref<128x128xf32, #tpu.memory_space<vmem>>, %arg6: memref<1x128xf32, #tpu.memory_space<vmem>>, %arg7: memref<2000x128xf32, #tpu.memory_space<vmem>>, %arg8: memref<2000x128xf32, #tpu.memory_space<vmem>>) attributes {dimension_semantics = [#tpu.dimension_semantics<arbitrary>], iteration_bounds = array<i64: 5>, scalar_prefetch = 0 : i64, scratch_operands = 0 : i64, tpu.core_type = #tpu.core_type<tc>, window_params = [{transform_indices = @transform_0, window_bounds = array<i64: 2000, 128>}, {pipeline_mode = #tpu.pipeline_mode<synchronous>, transform_indices = @transform_1, window_bounds = array<i64: 128, 128>}, {pipeline_mode = #tpu.pipeline_mode<synchronous>, transform_indices = @transform_2, window_bounds = array<i64: 1, 128>}, {transform_indices = @transform_3, window_bounds = array<i64: 2000, 128>}, {pipeline_mode = #tpu.pipeline_mode<synchronous>, transform_indices = @transform_4, window_bounds = array<i64: 128, 128>}, {pipeline_mode = #tpu.pipeline_mode<synchronous>, transform_indices = @transform_5, window_bounds = array<i64: 1, 128>}, {transform_indices = @transform_6, window_bounds = array<i64: 2000, 128>}, {transform_indices = @transform_7, window_bounds = array<i64: 2000, 128>}]} {
    %get3A = arith.constant 0 : index
    %get3A_0 = arith.constant 0 : index
    %get3A_1 = vector.load %arg1[%get3A, %get3A_0] : memref<2000x128xf32, #tpu.memory_space<vmem>>, vector<2000x128xf32>
    %get3A_2 = arith.constant 0 : index
    %get3A_3 = arith.constant 0 : index
    %get3A_4 = vector.load %arg2[%get3A_2, %get3A_3] : memref<128x128xf32, #tpu.memory_space<vmem>>, vector<128x128xf32>
    %dot_general3A = arith.constant dense<0.000000e+00> : vector<2000x128xf32>
    %dot_general3A_5 = tpu.matmul %get3A_1, %get3A_4, %dot_general3A {dimension_numbers = #tpu.dot_dimension_numbers<[1], [0], [0], [1], [0, 0, 1, 1], [], []>, transpose_lhs_hint = false} : vector<2000x128xf32>, vector<128x128xf32>, vector<2000x128xf32> -> vector<2000x128xf32>
    %get3A_6 = arith.constant 0 : index
    %get3A_7 = arith.constant 0 : index
    %get3A_8 = vector.load %arg3[%get3A_6, %get3A_7] : memref<1x128xf32, #tpu.memory_space<vmem>>, vector<1x128xf32>
    %add3A = vector.broadcast %get3A_8 : vector<1x128xf32> to vector<2000x128xf32>
    %add3A_9 = arith.addf %dot_general3A_5, %add3A : vector<2000x128xf32>
    %swap3A = arith.constant 0 : index
    %swap3A_10 = arith.constant 0 : index
    %swap3A_11 = vector.load %arg7[%swap3A, %swap3A_10] : memref<2000x128xf32, #tpu.memory_space<vmem>>, vector<2000x128xf32>
    tpu.vector_store %arg7[%swap3A, %swap3A_10], %add3A_9 {strides = array<i32>} : memref<2000x128xf32, #tpu.memory_space<vmem>>, vector<2000x128xf32>,
    %get3A_12 = arith.constant 0 : index
    %get3A_13 = arith.constant 0 : index
    %get3A_14 = vector.load %arg4[%get3A_12, %get3A_13] : memref<2000x128xf32, #tpu.memory_space<vmem>>, vector<2000x128xf32>
    %get3A_15 = arith.constant 0 : index
    %get3A_16 = arith.constant 0 : index
    %get3A_17 = vector.load %arg5[%get3A_15, %get3A_16] : memref<128x128xf32, #tpu.memory_space<vmem>>, vector<128x128xf32>
    %dot_general3A_18 = arith.constant dense<0.000000e+00> : vector<2000x128xf32>
    %dot_general3A_19 = tpu.matmul %get3A_14, %get3A_17, %dot_general3A_18 {dimension_numbers = #tpu.dot_dimension_numbers<[1], [0], [0], [1], [0, 0, 1, 1], [], []>, transpose_lhs_hint = false} : vector<2000x128xf32>, vector<128x128xf32>, vector<2000x128xf32> -> vector<2000x128xf32>
    %get3A_20 = arith.constant 0 : index
    %get3A_21 = arith.constant 0 : index
    %get3A_22 = vector.load %arg6[%get3A_20, %get3A_21] : memref<1x128xf32, #tpu.memory_space<vmem>>, vector<1x128xf32>
    %add3A_23 = vector.broadcast %get3A_22 : vector<1x128xf32> to vector<2000x128xf32>
    %add3A_24 = arith.addf %dot_general3A_19, %add3A_23 : vector<2000x128xf32>
    %swap3A_25 = arith.constant 0 : index
    %swap3A_26 = arith.constant 0 : index
    %swap3A_27 = vector.load %arg8[%swap3A_25, %swap3A_26] : memref<2000x128xf32, #tpu.memory_space<vmem>>, vector<2000x128xf32>
    tpu.vector_store %arg8[%swap3A_25, %swap3A_26], %add3A_24 {strides = array<i32>} : memref<2000x128xf32, #tpu.memory_space<vmem>>, vector<2000x128xf32>,
    return
  }
  func.func @transform_0(%arg0: i32) -> (i32, i32) {
    %c0_i32 = arith.constant 0 : i32
    %c0_i32_0 = arith.constant 0 : i32
    return %arg0, %c0_i32 : i32, i32
  }
  func.func @transform_1(%arg0: i32) -> (i32, i32) {
    %c0_i32 = arith.constant 0 : i32
    %c0_i32_0 = arith.constant 0 : i32
    %c0_i32_1 = arith.constant 0 : i32
    return %c0_i32, %c0_i32_0 : i32, i32
  }
  func.func @transform_2(%arg0: i32) -> (i32, i32) {
    %c0_i32 = arith.constant 0 : i32
    %c0_i32_0 = arith.constant 0 : i32
    %c0_i32_1 = arith.constant 0 : i32
    return %c0_i32, %c0_i32_0 : i32, i32
  }
  func.func @transform_3(%arg0: i32) -> (i32, i32) {
    %c0_i32 = arith.constant 0 : i32
    %c0_i32_0 = arith.constant 0 : i32
    return %arg0, %c0_i32 : i32, i32
  }
  func.func @transform_4(%arg0: i32) -> (i32, i32) {
    %c0_i32 = arith.constant 0 : i32
    %c0_i32_0 = arith.constant 0 : i32
    %c0_i32_1 = arith.constant 0 : i32
    return %c0_i32, %c0_i32_0 : i32, i32
  }
  func.func @transform_5(%arg0: i32) -> (i32, i32) {
    %c0_i32 = arith.constant 0 : i32
    %c0_i32_0 = arith.constant 0 : i32
    %c0_i32_1 = arith.constant 0 : i32
    return %c0_i32, %c0_i32_0 : i32, i32
  }
  func.func @transform_6(%arg0: i32) -> (i32, i32) {
    %c0_i32 = arith.constant 0 : i32
    %c0_i32_0 = arith.constant 0 : i32
    return %arg0, %c0_i32 : i32, i32
  }
  func.func @transform_7(%arg0: i32) -> (i32, i32) {
    %c0_i32 = arith.constant 0 : i32
    %c0_i32_0 = arith.constant 0 : i32
    return %arg0, %c0_i32 : i32, i32
  }
}

module attributes {stable_mosaic.version = 14 : i64} {
  func.func @_comb_body(%arg0: i32, %arg1: memref<2048x128xf32, #tpu.memory_space<vmem>>, %arg2: memref<2x2048x128xf32, #tpu.memory_space<vmem>>, %arg3: memref<32x2048xf32, #tpu.memory_space<vmem>>, %arg4: memref<2x2048x128xf32, #tpu.memory_space<vmem>>, %arg5: memref<32x2048xf32, #tpu.memory_space<vmem>>, %arg6: memref<2048x128xf32, #tpu.memory_space<vmem>>, %arg7: memref<2x2048x128xf32, #tpu.memory_space<vmem>>, %arg8: memref<32x2048xf32, #tpu.memory_space<vmem>>, %arg9: memref<2048x128xf32, #tpu.memory_space<vmem>>, %arg10: memref<2048x128xf32, #tpu.memory_space<vmem>>) attributes {dimension_semantics = [#tpu.dimension_semantics<arbitrary>], iteration_bounds = array<i64: 5>, scalar_prefetch = 0 : i64, scratch_operands = 0 : i64, tpu.core_type = #tpu.core_type<tc>, window_params = [{transform_indices = @transform_0, window_bounds = array<i64: 2048, 128>}, {transform_indices = @transform_1, window_bounds = array<i64: 2, 2048, 128>}, {transform_indices = @transform_2, window_bounds = array<i64: 32, 2048>}, {transform_indices = @transform_3, window_bounds = array<i64: 2, 2048, 128>}, {transform_indices = @transform_4, window_bounds = array<i64: 32, 2048>}, {transform_indices = @transform_5, window_bounds = array<i64: 2048, 128>}, {transform_indices = @transform_6, window_bounds = array<i64: 2, 2048, 128>}, {transform_indices = @transform_7, window_bounds = array<i64: 32, 2048>}, {transform_indices = @transform_8, window_bounds = array<i64: 2048, 128>}, {transform_indices = @transform_9, window_bounds = array<i64: 2048, 128>}]} {
    %get3A = arith.constant 0 : index
    %get3A_0 = arith.constant 0 : index
    %get3A_1 = vector.load %arg1[%get3A, %get3A_0] : memref<2048x128xf32, #tpu.memory_space<vmem>>, vector<2048x128xf32>
    %get3A_2 = arith.constant 0 : index
    %get3A_3 = arith.constant 0 : index
    %get3A_4 = vector.load %arg3[%get3A_2, %get3A_3] : memref<32x2048xf32, #tpu.memory_space<vmem>>, vector<32x2048xf32>
    %reduce_sum3A = arith.constant dense<0.000000e+00> : vector<2048xf32>
    %reduce_sum3A_5 = vector.multi_reduction <add>, %get3A_4, %reduce_sum3A [0] : vector<32x2048xf32> to vector<2048xf32>
    %max3A = arith.constant 1.000000e+00 : f32
    %max3A_6 = vector.broadcast %max3A : f32 to vector<2048xf32>
    %max3A_7 = arith.maximumf %reduce_sum3A_5, %max3A_6 : vector<2048xf32>
    %broadcast_in_dim3A = vector.shape_cast %max3A_7 : vector<2048xf32> to vector<2048x1xf32>
    %get3A_8 = arith.constant 0 : index
    %get3A_9 = arith.constant 0 : index
    %get3A_10 = arith.constant 0 : index
    %get3A_11 = vector.load %arg2[%get3A_8, %get3A_9, %get3A_10] : memref<2x2048x128xf32, #tpu.memory_space<vmem>>, vector<1x2048x128xf32>
    %get3A_12 = vector.shape_cast %get3A_11 : vector<1x2048x128xf32> to vector<2048x128xf32>
    %get3A_13 = arith.constant 1 : index
    %get3A_14 = arith.constant 0 : index
    %get3A_15 = arith.constant 0 : index
    %get3A_16 = vector.load %arg2[%get3A_13, %get3A_14, %get3A_15] : memref<2x2048x128xf32, #tpu.memory_space<vmem>>, vector<1x2048x128xf32>
    %get3A_17 = vector.shape_cast %get3A_16 : vector<1x2048x128xf32> to vector<2048x128xf32>
    %add3A = arith.addf %get3A_12, %get3A_17 : vector<2048x128xf32>
    %div3A = vector.broadcast %broadcast_in_dim3A : vector<2048x1xf32> to vector<2048x128xf32>
    %div3A_18 = arith.divf %add3A, %div3A : vector<2048x128xf32>
    %add3A_19 = arith.addf %get3A_1, %div3A_18 : vector<2048x128xf32>
    %get3A_20 = arith.constant 0 : index
    %get3A_21 = arith.constant 0 : index
    %get3A_22 = vector.load %arg5[%get3A_20, %get3A_21] : memref<32x2048xf32, #tpu.memory_space<vmem>>, vector<32x2048xf32>
    %reduce_sum3A_23 = arith.constant dense<0.000000e+00> : vector<2048xf32>
    %reduce_sum3A_24 = vector.multi_reduction <add>, %get3A_22, %reduce_sum3A_23 [0] : vector<32x2048xf32> to vector<2048xf32>
    %max3A_25 = arith.constant 1.000000e+00 : f32
    %max3A_26 = vector.broadcast %max3A_25 : f32 to vector<2048xf32>
    %max3A_27 = arith.maximumf %reduce_sum3A_24, %max3A_26 : vector<2048xf32>
    %broadcast_in_dim3A_28 = vector.shape_cast %max3A_27 : vector<2048xf32> to vector<2048x1xf32>
    %get3A_29 = arith.constant 0 : index
    %get3A_30 = arith.constant 0 : index
    %get3A_31 = arith.constant 0 : index
    %get3A_32 = vector.load %arg4[%get3A_29, %get3A_30, %get3A_31] : memref<2x2048x128xf32, #tpu.memory_space<vmem>>, vector<1x2048x128xf32>
    %get3A_33 = vector.shape_cast %get3A_32 : vector<1x2048x128xf32> to vector<2048x128xf32>
    %get3A_34 = arith.constant 1 : index
    %get3A_35 = arith.constant 0 : index
    %get3A_36 = arith.constant 0 : index
    %get3A_37 = vector.load %arg4[%get3A_34, %get3A_35, %get3A_36] : memref<2x2048x128xf32, #tpu.memory_space<vmem>>, vector<1x2048x128xf32>
    %get3A_38 = vector.shape_cast %get3A_37 : vector<1x2048x128xf32> to vector<2048x128xf32>
    %add3A_39 = arith.addf %get3A_33, %get3A_38 : vector<2048x128xf32>
    %div3A_40 = vector.broadcast %broadcast_in_dim3A_28 : vector<2048x1xf32> to vector<2048x128xf32>
    %div3A_41 = arith.divf %add3A_39, %div3A_40 : vector<2048x128xf32>
    %add3A_42 = arith.addf %add3A_19, %div3A_41 : vector<2048x128xf32>
    %max3A_43 = arith.constant 0.000000e+00 : f32
    %max3A_44 = vector.broadcast %max3A_43 : f32 to vector<2048x128xf32>
    %max3A_45 = arith.maximumf %add3A_42, %max3A_44 : vector<2048x128xf32>
    %swap3A = arith.constant 0 : index
    %swap3A_46 = arith.constant 0 : index
    %swap3A_47 = vector.load %arg9[%swap3A, %swap3A_46] : memref<2048x128xf32, #tpu.memory_space<vmem>>, vector<2048x128xf32>
    tpu.vector_store %arg9[%swap3A, %swap3A_46], %max3A_45 {strides = array<i32>} : memref<2048x128xf32, #tpu.memory_space<vmem>>, vector<2048x128xf32>,
    %get3A_48 = arith.constant 0 : index
    %get3A_49 = arith.constant 0 : index
    %get3A_50 = vector.load %arg6[%get3A_48, %get3A_49] : memref<2048x128xf32, #tpu.memory_space<vmem>>, vector<2048x128xf32>
    %get3A_51 = arith.constant 0 : index
    %get3A_52 = arith.constant 0 : index
    %get3A_53 = vector.load %arg8[%get3A_51, %get3A_52] : memref<32x2048xf32, #tpu.memory_space<vmem>>, vector<32x2048xf32>
    %reduce_sum3A_54 = arith.constant dense<0.000000e+00> : vector<2048xf32>
    %reduce_sum3A_55 = vector.multi_reduction <add>, %get3A_53, %reduce_sum3A_54 [0] : vector<32x2048xf32> to vector<2048xf32>
    %max3A_56 = arith.constant 1.000000e+00 : f32
    %max3A_57 = vector.broadcast %max3A_56 : f32 to vector<2048xf32>
    %max3A_58 = arith.maximumf %reduce_sum3A_55, %max3A_57 : vector<2048xf32>
    %broadcast_in_dim3A_59 = vector.shape_cast %max3A_58 : vector<2048xf32> to vector<2048x1xf32>
    %get3A_60 = arith.constant 0 : index
    %get3A_61 = arith.constant 0 : index
    %get3A_62 = arith.constant 0 : index
    %get3A_63 = vector.load %arg7[%get3A_60, %get3A_61, %get3A_62] : memref<2x2048x128xf32, #tpu.memory_space<vmem>>, vector<1x2048x128xf32>
    %get3A_64 = vector.shape_cast %get3A_63 : vector<1x2048x128xf32> to vector<2048x128xf32>
    %get3A_65 = arith.constant 1 : index
    %get3A_66 = arith.constant 0 : index
    %get3A_67 = arith.constant 0 : index
    %get3A_68 = vector.load %arg7[%get3A_65, %get3A_66, %get3A_67] : memref<2x2048x128xf32, #tpu.memory_space<vmem>>, vector<1x2048x128xf32>
    %get3A_69 = vector.shape_cast %get3A_68 : vector<1x2048x128xf32> to vector<2048x128xf32>
    %add3A_70 = arith.addf %get3A_64, %get3A_69 : vector<2048x128xf32>
    %div3A_71 = vector.broadcast %broadcast_in_dim3A_59 : vector<2048x1xf32> to vector<2048x128xf32>
    %div3A_72 = arith.divf %add3A_70, %div3A_71 : vector<2048x128xf32>
    %add3A_73 = arith.addf %get3A_50, %div3A_72 : vector<2048x128xf32>
    %max3A_74 = arith.constant 0.000000e+00 : f32
    %max3A_75 = vector.broadcast %max3A_74 : f32 to vector<2048x128xf32>
    %max3A_76 = arith.maximumf %add3A_73, %max3A_75 : vector<2048x128xf32>
    %swap3A_77 = arith.constant 0 : index
    %swap3A_78 = arith.constant 0 : index
    %swap3A_79 = vector.load %arg10[%swap3A_77, %swap3A_78] : memref<2048x128xf32, #tpu.memory_space<vmem>>, vector<2048x128xf32>
    tpu.vector_store %arg10[%swap3A_77, %swap3A_78], %max3A_76 {strides = array<i32>} : memref<2048x128xf32, #tpu.memory_space<vmem>>, vector<2048x128xf32>,
    return
  }
  func.func @transform_0(%arg0: i32) -> (i32, i32) {
    %c0_i32 = arith.constant 0 : i32
    %c0_i32_0 = arith.constant 0 : i32
    return %arg0, %c0_i32 : i32, i32
  }
  func.func @transform_1(%arg0: i32) -> (i32, i32, i32) {
    %c0_i32 = arith.constant 0 : i32
    %c0_i32_0 = arith.constant 0 : i32
    %c0_i32_1 = arith.constant 0 : i32
    return %c0_i32, %arg0, %c0_i32_0 : i32, i32, i32
  }
  func.func @transform_2(%arg0: i32) -> (i32, i32) {
    %c0_i32 = arith.constant 0 : i32
    %c0_i32_0 = arith.constant 0 : i32
    return %c0_i32, %arg0 : i32, i32
  }
  func.func @transform_3(%arg0: i32) -> (i32, i32, i32) {
    %c0_i32 = arith.constant 0 : i32
    %c0_i32_0 = arith.constant 0 : i32
    %c0_i32_1 = arith.constant 0 : i32
    return %c0_i32, %arg0, %c0_i32_0 : i32, i32, i32
  }
  func.func @transform_4(%arg0: i32) -> (i32, i32) {
    %c0_i32 = arith.constant 0 : i32
    %c0_i32_0 = arith.constant 0 : i32
    return %c0_i32, %arg0 : i32, i32
  }
  func.func @transform_5(%arg0: i32) -> (i32, i32) {
    %c0_i32 = arith.constant 0 : i32
    %c0_i32_0 = arith.constant 0 : i32
    return %arg0, %c0_i32 : i32, i32
  }
  func.func @transform_6(%arg0: i32) -> (i32, i32, i32) {
    %c0_i32 = arith.constant 0 : i32
    %c0_i32_0 = arith.constant 0 : i32
    %c0_i32_1 = arith.constant 0 : i32
    return %c0_i32, %arg0, %c0_i32_0 : i32, i32, i32
  }
  func.func @transform_7(%arg0: i32) -> (i32, i32) {
    %c0_i32 = arith.constant 0 : i32
    %c0_i32_0 = arith.constant 0 : i32
    return %c0_i32, %arg0 : i32, i32
  }
  func.func @transform_8(%arg0: i32) -> (i32, i32) {
    %c0_i32 = arith.constant 0 : i32
    %c0_i32_0 = arith.constant 0 : i32
    return %arg0, %c0_i32 : i32, i32
  }
  func.func @transform_9(%arg0: i32) -> (i32, i32) {
    %c0_i32 = arith.constant 0 : i32
    %c0_i32_0 = arith.constant 0 : i32
    return %arg0, %c0_i32 : i32, i32
  }
}

</mosaic_0001>

<sc_bundles>
// kernel: kernel.5.cloned.1.call-start
scs
__scs_entry_jumppad:
0x0: {  	(pc) =	sbr.rel $0x88, $3  }
0x1: {  	(tag) =	ssettag $0x0;
	lr =	simm.s32 $0x1  }
0x2: {  	[smem:$0x3F99] =	sst lr;
	_ =	strace $0xD0000000  }
0x3: {  	_ = 	snop  }
0x4: {  	_ = 	snop  }
0x5: {  	_ = 	snop  }
0x6: {  	_ = 	snop  }
0x7: {  	_ = 	snop  }
__scs_overlays_trampoline_lowered:
0x8: {  	[smem:$0x3FA8] =	sst s0  }
0x9: {  	[smem:$0x3FA9] =	sst s1  }
0xa: {  	[smem:$0x3FAA] =	sst s2  }
0xb: {  	[smem:$0x3FAB] =	sst s3  }
0xc: {  	[smem:$0x3FAC] =	sst s4  }
0xd: {  	[smem:$0x3FAD] =	sst s5  }
0xe: {  	[smem:$0x3FAE] =	sst s6  }
0xf: {  	[smem:$0x3FAF] =	sst s7  }
0x10: {  	[smem:$0x3FB0] =	sst s8  }
0x11: {  	[smem:$0x3FB1] =	sst s9;
	s0 =	simm.s32 @!p0 $0x0  }
0x12: {  	s1 =	sld [smem:$0x3F97];
	s0 =	simm.s32 @p0 $0x1  }
0x13: {  	[smem:$0x3FB2] =	sst s0;
	s0 =	simm.s32 @!p1 $0x0  }
0x14: {  	s2 =	sld [smem:$0x3F96];
	s0 =	simm.s32 @p1 $0x1  }
0x15: {  	[smem:$0x3FB3] =	sst s0;
	s0 =	simm.s32 @!p2 $0x0  }
0x16: {  	s3 =	sld [smem:$0x3FDB];
	s0 =	simm.s32 @p2 $0x1  }
0x17: {  	s4 =	simm.s32 $0x1BF5;
	[smem:$0x3FB5] =	sst s0  }
0x18: {  	s0 =	sld [smem:$0x3F98];
	_ =	swait.ge [sflag:s4], $0x0  }
0x19: {  	s7 =	sld [smem:$0x3F99]  }
0x1a: {  	s8 =	sadd.s32 $0xFFFFE003, lr  }
0x1b: {  	s9 =	sadd.s32 $0xFFFFFEF7, lr;
	s5 =	simm.s32 $0xFFFFFFFF;
	p2 =	slt.u32 s8, $0xFFFFF086  }
0x1c: {  	p1 =	slt.u32 s9, $0xF7A;
	s5 =	simm.s32 @!p2 $0x0  }
0x1d: {  	s5 =	simm.s32 @p1 $0x1;
	p0 =	seq.s32 s7, s2  }
0x1e: {  	s7 =	smul.u32 @!p0 $0xF7A, s2;
	p2 =	seq.s32 @!p0 s5, $0x0  }
0x1f: {  	s9 =	smul.u32 $0xF7A, s1;
	s8 =	simm.s32 @!p0 $0x1BF5;
	p2 =	por !p2, p0  }
0x20: {  	[sflag:s8] =	ssyncset.s32 @!p0 $0xFFFFF086;
	s6 =	sadd.s32 @!p0 s3, s7;
	s7 =	simm.s32 @!p0 $0x108  }
0x21: {  	s3 =	sadd.s32 s3, s9;
	s6 =	sadd.s32 @!p0 $0x88, s6;
	s7 =	simm.s32 @p2 $0x1082  }
0x22: {  	[simem:s7], [sflag:s8] =	dma.local @!p0 [hbm:s6], $0xF7A  }
0x23: {  	s9 =	sor.u32 $0xD0000000, s2;
	s6 =	simm.s32 $0x108;
	_ =	swait.ge @!p0 [sflag:s8], $0x0  }
0x24: {  	s3 =	sadd.s32 $0x88, s3;
	s6 =	simm.s32 @!p1 $0x1082;
	[sflag:s4] =	ssyncset.s32 $0xFFFFF086  }
0x25: {  	[simem:s6], [sflag:s4] =	dma.local [hbm:s3], $0xF7A  }
0x26: {  	[smem:$0x3F99] =	sst s1;
	(tag) =	ssettag s2;
	_ =	strace s9  }
0x27: {  	s1 =	sld [smem:$0x3FA9]  }
0x28: {  	s2 =	sld [smem:$0x3FAA]  }
0x29: {  	s4 =	sld [smem:$0x3FAC]  }
0x2a: {  	p0 =	seq.s32 s5, $0x0;
	s5 =	sld [smem:$0x3FAD]  }
0x2b: {  	s6 =	sld [smem:$0x3FAE]  }
0x2c: {  	s7 =	sld [smem:$0x3FAF]  }
0x2d: {  	s3 =	simm.s32 $0x108;
	s8 =	sld [smem:$0x3FB0]  }
0x2e: {  	s3 =	simm.s32 @!p0 $0x1082;
	s9 =	sld [smem:$0x3FB1]  }
0x2f: {  	lr =	sadd.s32 s0, s3;
	s0 =	sld [smem:$0x3FA8]  }
0x30: {  	s3 =	sld [smem:$0x3FAB]  }
0x31: {  	[smem:$0x3FB4] =	sst s10  }
0x32: {  	s10 =	sld [smem:$0x3FB2];
	_ =	sdelay $0x3  }
0x33: {  	p0 =	seq.s32 s10, $0x1;
	s10 =	sld [smem:$0x3FB4];
	_ =	sdelay $0x3  }
0x34: {  	[smem:$0x3FB4] =	sst s10  }
0x35: {  	s10 =	sld [smem:$0x3FB3];
	_ =	sdelay $0x3  }
0x36: {  	p1 =	seq.s32 s10, $0x1;
	s10 =	sld [smem:$0x3FB4];
	_ =	sdelay $0x3  }
0x37: {  	[smem:$0x3FB4] =	sst s10  }
0x38: {  	s10 =	sld [smem:$0x3FB5]  }
0x39: {  	_ = 	snop;
	(pc) =	sbr.ind lr, $3  }
0x3a: {  	_ = 	snop  }
0x3b: {  	_ = 	snop  }
0x3c: {  	p2 =	seq.s32 s10, $0x1;
	s10 =	sld [smem:$0x3FB4]  }
0x3d: {  	_ =	shalt  }
0x3e: {  	_ =	shalt  }
0x3f: {  	_ =	shalt  }
0x40: {  	_ =	shalt  }
0x41: {  	_ =	shalt  }
0x42: {  	_ =	shalt  }
0x43: {  	_ =	shalt  }
0x44: {  	_ =	shalt  }
0x45: {  	_ =	shalt  }
0x46: {  	_ =	shalt  }
0x47: {  	_ =	shalt  }
0x48: {  	_ =	shalt  }
0x49: {  	_ =	shalt  }
0x4a: {  	_ =	shalt  }
0x4b: {  	_ =	shalt  }
0x4c: {  	_ =	shalt  }
0x4d: {  	_ =	shalt  }
0x4e: {  	_ =	shalt  }
0x4f: {  	_ =	shalt  }
0x50: {  	_ =	shalt  }
0x51: {  	_ =	shalt  }
0x52: {  	_ =	shalt  }
0x53: {  	_ =	shalt  }
0x54: {  	_ =	shalt  }
0x55: {  	_ =	shalt  }
0x56: {  	_ =	shalt  }
0x57: {  	_ =	shalt  }
0x58: {  	_ =	shalt  }
0x59: {  	_ =	shalt  }
0x5a: {  	_ =	shalt  }
0x5b: {  	_ =	shalt  }
0x5c: {  	_ =	shalt  }
0x5d: {  	_ =	shalt  }
0x5e: {  	_ =	shalt  }
0x5f: {  	_ =	shalt  }
0x60: {  	_ =	shalt  }
0x61: {  	_ =	shalt  }
0x62: {  	_ =	shalt  }
0x63: {  	_ =	shalt  }
0x64: {  	_ =	shalt  }
0x65: {  	_ =	shalt  }
0x66: {  	_ =	shalt  }
0x67: {  	_ =	shalt  }
0x68: {  	_ =	shalt  }
0x69: {  	_ =	shalt  }
0x6a: {  	_ =	shalt  }
0x6b: {  	_ =	shalt  }
0x6c: {  	_ =	shalt  }
0x6d: {  	_ =	shalt  }
0x6e: {  	_ =	shalt  }
0x6f: {  	_ =	shalt  }
0x70: {  	_ =	shalt  }
0x71: {  	_ =	shalt  }
0x72: {  	_ =	shalt  }
0x73: {  	_ =	shalt  }
0x74: {  	_ =	shalt  }
0x75: {  	_ =	shalt  }
0x76: {  	_ =	shalt  }
0x77: {  	_ =	shalt  }
0x78: {  	_ =	shalt  }
0x79: {  	_ =	shalt  }
0x7a: {  	_ =	shalt  }
0x7b: {  	_ =	shalt  }
0x7c: {  	_ =	shalt  }
0x7d: {  	_ =	shalt  }
0x7e: {  	_ =	shalt  }
0x7f: {  	_ =	shalt  }
0x80: {  	_ =	shalt  }
0x81: {  	_ =	shalt  }
0x82: {  	_ =	shalt  }
0x83: {  	_ =	shalt  }
0x84: {  	_ =	shalt  }
0x85: {  	_ =	shalt  }
0x86: {  	_ =	shalt  }
0x87: {  	_ =	shalt  }
.Lfunc_end0:
.L_simem_size_0:
called_computation_lowered:
.L_overlay_start_0:
0x88: {  	s2 =	sld [smem:$0x3FD9]  }
0x89: {  	s3 =	sld [smem:$0x3FFE];
	_ =	sdelay $0x1  }
0x8a: {  	s1 =	srdreg.scid  }
0x8b: {  	s0 =	sand.u32 $0x1, s1  }
0x8c: {  	s14 =	sshll.u32 s0, $0xA;
	s2 =	sadd.s32 s3, s2  }
0x8d: {  	s2 =	sadd.s32 s2, s14  }
0x8e: {  	[smem:$0x3FC0] =	sst s2  }
0x8f: {  	_ = 	snop  }
0x90: {  	s2 =	sld [smem:$0x3FD0];
	_ =	sdelay $0x2  }
0x91: {  	s15 =	simm.s32 $0xA;
	s4 =	simm.s32 $0x10  }
0x92: {  	[smem:s4], [sflag:s15] =	dma.local [hbm:s2], $0x1  }
0x93: {  	_ =	swait.eq [sflag:s15], $0x1  }
0x94: {  	[sflag:s15] =	ssyncset.done $0x0  }
0x95: {  	s16 =	sld [smem:$0x10];
	[sflag:s15] =	ssyncadd.s32 $0xFFFFFFFF  }
0x96: {  	s17 =	sld [smem:$0x11];
	(tm) =	ssettm $0x1  }
0x97: {  	s18 =	sld [smem:$0x3FFB];
	_ =	sdelay $0x3  }
0x98: {  	_ =	strace s18  }
0x99: {  	s4 =	sld [smem:$0x3FFC];
	_ =	sdelay $0x3  }
0x9a: {  	_ =	strace s4  }
0x9b: {  	s4 =	sld [smem:$0x3FFD];
	_ =	sdelay $0x3  }
0x9c: {  	_ =	strace s4  }
0x9d: {  	_ =	strace $0x8FFFFFFF  }
0x9e: {  	s19 =	sld [smem:$0x3FDB];
	_ =	sdelay $0x1  }
0x9f: {  	s5 =	simm.s32 $_scs_section_size  }
0xa0: {  	s6 =	simm.s32 $_size__tile_overlayer_lowered;
	s7 =	simm.s32 $_tile_overlayer_lowered  }
0xa1: {  	s22 =	simm.s32 $0x1BFF;
	s21 =	sshll.u32 s7, $0x1;
	s4 =	sadd.s32 s5, s19  }
0xa2: {  	s8 =	simm.s32 $0x0;
	s20 =	sshll.u32 s6, $0x1;
	s6 =	sadd.s32 s21, s4  }
0xa3: {  	[timem:s8], [sflag:s22] =	dma.local [hbm:s6], s20  }
0xa4: {  	_ =	swait.ge [sflag:s22], s20  }
0xa5: {  	s5 =	ssub.s32 $0x0, s20;
	[sflag:s22] =	ssyncset.done $0x0  }
0xa6: {  	[sflag:s22] =	ssyncadd.s32 s5;
	_ =	sdelay $0x1  }
0xa7: {  	s23 =	simm.s32 $0x1B8B  }
0xa8: {  	_ =	swait.ge [sflag:s23], $0x1  }
0xa9: {  	[sflag:s23] =	ssyncset.done $0x0  }
0xaa: {  	s25 =	simm.s32 $0x1B8E;
	s24 =	sld [smem:$0x3FFE];
	[sflag:s23] =	ssyncadd.s32 $0xFFFFFFFF  }
0xab: {  	s26 =	simm.s32 $execute0_lowered;
	[smem:$0x3FD2] =	sst s25  }
0xac: {  	s6 =	sshll.u32 s26, $0x1;
	_ =	strace $0x80000046;
	[dreg:$0x1] =	wrdreg $0xFFFFFFFF  }
0xad: {  	s28 =	simm.s32 $_size_execute0_lowered;
	s4 =	sadd.s32 s4, s6;
	[dreg:$0x0] =	wrdreg $0x0  }
0xae: {  	s6 =	sshll.u32 s28, $0x1;
	[dreg:$0x2] =	wrdreg s4  }
0xaf: {  	[dreg:$0x3] =	wrdreg s6  }
0xb0: {  	[dreg:$0x4] =	wrdreg $0xC0  }
0xb1: {  	_ =	task [dreg:s8], $0x5FFFF  }
0xb2: {  	[dreg:$0x1] =	wrdreg $0xFFFFFFFF  }
0xb3: {  	[dreg:$0x0] =	wrdreg $0x60  }
0xb4: {  	[dreg:$0x2] =	wrdreg s17  }
0xb5: {  	[dreg:$0x3] =	wrdreg s16  }
0xb6: {  	[dreg:$0x4] =	wrdreg s24  }
0xb7: {  	[dreg:$0x5] =	wrdreg $0x0  }
0xb8: {  	[dreg:$0x6] =	wrdreg $0x9  }
0xb9: {  	_ =	task.clear_ibuf [dreg:s8], $0x7FFFF;
	_ =	strace $0x90000046  }
0xba: {  	s29 =	simm.s32 $0x9;
	_ =	strace $0x80000048  }
0xbb: {  	_ =	swait.ge [sflag:s29], $0x1  }
0xbc: {  	[sflag:s29] =	ssyncadd.s32 $0xFFFFFFFF  }
0xbd: {  	_ =	strace $0x90000048  }
0xbe: {  	_ =	sfence  }
0xbf: {  	s30 =	sld [smem:$0x0];
	_ =	sdelay $0x2  }
0xc0: {  	s31 =	sshll.u32 s1, $0xD;
	s1 =	sshrl.u32 s1, $0x2  }
0xc1: {  	s3 =	sand.u32 $0x4000, s31;
	s1 =	sadd.s32 s1, s30  }
0xc2: {  	s0 =	sor.u32 s3, s0;
	s1 =	sshll.u32 s1, $0x11  }
0xc3: {  	s0 =	sor.u32 s1, s0  }
0xc4: {  	s0 =	sadd.s32 $0x8F2B, s0  }
0xc5: {  	[sflag:s0] =	ssyncadd.remote.s32 $0x1  }
0xc6: {  	_ =	sfence.sel $0xFFFF  }
0xc7: {  	[dreg:$0x0] =	wrdreg $0xFFFFFFFF;
	(pc) =	sbr.abs _section_cstart, $3  }
0xc8: {  	[dreg:$0x1] =	wrdreg $0xFFFFFFFF  }
0xc9: {  	_ =	task.clear_ibuf [dreg:s8], $0x2FFFF;
	_ =	strace $0x9FFFFFFF  }
0xca: {  	(tm) =	ssettm $0x7FFFFFFF  }
0xcb: {  	_ =	shalt  }
tec
execute0_lowered:
.L_overlay_start_1:
0x0: {  	(tag) =	ssettag $0x1  }
0x1: {  	s1 =	rddreg [dreg:$0x0]  }
0x2: {  	s2 =	rddreg [dreg:$0x1]  }
0x3: {  	s0 =	rddreg [dreg:$0x2]  }
0x4: {  	s3 =	rddreg [dreg:$0x3];
	s8 =	srdreg.scid  }
0x5: {  	s21 =	stileid.u32;
	s28 =	simm.s32 $0x1;
	s30 =	simm.s32 $0x2  }
0x6: {  	s29 =	simm.s32 $0x16780;
	s31 =	simm.s32 $0x17200;
	s4 =	sadd.s32 $0xC400, s0  }
0x7: {  	s5 =	sadd.s32 $0x2600, s0;
	s6 =	sadd.s32 $0x20000, s0;
	s7 =	sadd.s32 $0x16200, s0  }
0x8: {  	s17 =	sadd.s32 $0x2AA00, s0;
	s8 =	sand.u32 $0x1, s8;
	s9 =	sadd.s32 $0x2B000, s0  }
0x9: {  	s10 =	smul.u32 $0x278, s21;
	s18 =	sadd.s32 $0x2A400, s0;
	[dreg:$0x5] =	wrdreg s17  }
0xa: {  	s19 =	sadd.s32 $0x2B600, s0;
	s20 =	sadd.s32 $0x29E00, s0;
	[dreg:$0x6] =	wrdreg s18  }
0xb: {  	s22 =	sadd.s32 $0x2BC00, s0;
	s16 =	sshll.u32 s21, $0x7;
	[dreg:$0x7] =	wrdreg s19  }
0xc: {  	s11 =	sshll.u32 s8, $0x4;
	s12 =	smul.u32 $0x2780, s8;
	[dreg:$0x8] =	wrdreg s20  }
0xd: {  	s8 =	ssub.s32 $0x2, s8;
	[dreg:$0x9] =	wrdreg s22;
	s11 =	sor.u32 s21, s11  }
0xe: {  	s15 =	sshrl.u32 s8, $0x1;
	s13 =	sshrl.u32 s11, $0x3;
	s14 =	smul.u32 $0x50, s11  }
0xf: {  	s10 =	sadd.s32 s10, s12;
	p0 =	seq.s32 s11, $0x1F;
	s26 =	smul.u32 $0x13C00, s13  }
0x10: {  	s13 =	sand.u32 $0x380, s16;
	s16 =	smul.u32 $0x500, s11;
	s11 =	smov.u32 s6  }
0x11: {  	s8 =	ssub.s32 s8, s15;
	s14 =	simm.s32 @p0 $0x0;
	s11 =	smov.u32 @p0 s18  }
0x12: {  	s12 =	sor.u32 s13, s26;
	s23 =	sadd.s32 s4, s16;
	s24 =	sadd.s32 s6, s16  }
0x13: {  	s4 =	smov.u32 @p0 s17;
	s13 =	smov.u32 s7;
	s25 =	sadd.s32 s7, s16  }
0x14: {  	s7 =	smov.u32 @p0 s20;
	s6 =	smov.u32 @p0 s22;
	[dreg:$0xa] =	wrdreg s23  }
0x15: {  	s26 =	sshll.u32 s14, $0x4;
	s23 =	sadd.s32 s5, s16;
	[dreg:$0xc] =	wrdreg s24  }
0x16: {  	s5 =	smov.u32 @p0 s9;
	[dreg:$0xd] =	wrdreg s25;
	s13 =	smov.u32 @p0 s19  }
0x17: {  	s15 =	sadd.s32 s26, s4;
	s17 =	sadd.s32 s26, s11;
	s18 =	sadd.s32 s26, s6  }
0x18: {  	s19 =	simm.s32 $0x0;
	s20 =	sadd.s32 s26, s7;
	s6 =	sshrl.u32 s12, $0x3  }
0x19: {  	s7 =	smul.u32 $0x4F000, s21;
	s14 =	sadd.s32 s26, s5;
	s16 =	sadd.s32 s26, s13  }
0x1a: {  	[smem:$0x7FF] =	sst s19;
	s5 =	sshll.u32 s10, $0x4;
	s23 =	smov.u32 @p0 s9  }
0x1b: {  	s9 =	sadd.s32 $0x2C800, s0;
	s10 =	sshll.u32 s21, $0x6;
	s26 =	smax.u32 s8, $0x1  }
0x1c: {  	[dreg:$0xb] =	wrdreg s23;
	s4 =	sadd.s32 s5, s0;
	s5 =	sadd.s32 s6, s0  }
0x1d: {  	s0 =	sadd.s32 $0x2C200, s0;
	_ =	strace $0x80000047;
	[dreg:$0xe] =	wrdreg s9  }
0x1e: {  	s8 =	simm.s32 $0x17380;
	s6 =	sshrl.u32 s7, $0x2;
	[dreg:$0xf] =	wrdreg s0  }
0x1f: {  	s13 =	sor.u32 $0x1C03, s10;
	s10 =	simm.s32 $0x13C00;
	[dreg:$0x18] =	wrdreg s26  }
0x20: {  	s7 =	simm.s32 $0x17300;
	s11 =	sadd.s32 s6, s3;
	[dreg:$0x11] =	wrdreg s13  }
0x21: {  	s12 =	sadd.s32 $0x4CA00, s4;
	s21 =	sadd.s32 $0x9BA00, s4;
	[dreg:$0x10] =	wrdreg s11  }
0x22: {  	s22 =	sadd.s32 $0xEAA00, s4;
	s23 =	sadd.s32 $0x2F000, s5;
	[dreg:$0x12] =	wrdreg s12  }
0x23: {  	s24 =	sadd.s32 $0x38E00, s5;
	s25 =	sadd.s32 $0x42C00, s5;
	[dreg:$0x13] =	wrdreg s21  }
0x24: {  	s4 =	simm.s32 $0x3;
	s0 =	simm.s32 $0x16780;
	[dreg:$0x14] =	wrdreg s22  }
0x25: {  	s6 =	simm.s32 $0x80;
	s9 =	simm.s32 $0x16B80;
	[dreg:$0x15] =	wrdreg s23  }
0x26: {  	s26 =	simm.s32 $0x1B380;
	s5 =	simm.s32 $0x0;
	[dreg:$0x16] =	wrdreg s24  }
0x27: {  	[dreg:$0x17] =	wrdreg s25;
	s23 =	simm.s32 $0x16F80;
	s22 =	simm.s32 $0x16400  }
0x28: {  	v0 =	vimm.f32 $1.000000000e+00;
	s24 =	simm.s32 $0x16480;
	s25 =	simm.s32 $0x16800;
	s11 =	simm.s32 $0x17280  }
.LBB2_1:
0x29: {  	[dreg:$0x19] =	wrdreg s5  }
0x2a: {  	s12 =	rddreg [dreg:$0x10]  }
0x2b: {  	s21 =	rddreg [dreg:$0xe];
	s12 =	sshrl.u32 s12, $0x3  }
0x2c: {  	[dreg:$0x1a] =	wrdreg s12  }
0x2d: {  	[spmem:s12], [sflag:s13] =	dma.local [hbm:s21], $0x2780  }
0x2e: {  	_ =	swait.ge [sflag:s4], $0x2780  }
0x2f: {  	[sflag:s4] =	ssyncset.done $0x0  }
0x30: {  	s5 =	rddreg [dreg:$0xf];
	[sflag:s4] =	ssyncadd.s32 $0xFFFFD880  }
0x31: {  	[tilespmem:s10], [sflag:$0x3] =	stream.linear.gather [hbm4b:s5+s19], $0x2780, $0x38;
	[tilespmem:$0x1F380] =	vst v63  }
0x32: {  	_ =	swait.ge [sflag:s4], $0x2780  }
0x33: {  	[sflag:s4] =	ssyncset.done $0x0  }
0x34: {  	[sflag:s4] =	ssyncadd.s32 $0xFFFFD880  }
0x35: {  	[bflag:$0x0] =	sbarrier.arrive $0xFFFF  }
0x36: {  	s12 =	simm.s32 @p0 $0x0;
	s13 =	simm.s32 @p0 $0x16380;
	s21 =	rddreg [dreg:$0x5]  }
0x37: {  	[tilespmem:s13], [sflag:$0x3] =	stream.linear.gather @p0 [hbm4b:s21+s12], $0x400, $0x38;
	[tilespmem:$0x1F380] =	vst v63  }
0x38: {  	s12 =	simm.s32 @p0 $0x3  }
0x39: {  	_ =	swait.ge @p0 [sflag:s12], $0x400  }
0x3a: {  	s13 =	simm.s32 @!p0 $0x16380;
	[sflag:s12] =	ssyncset.done @p0 $0x0  }
0x3b: {  	s21 =	rddreg [dreg:$0xa];
	[sflag:s12] =	ssyncadd.s32 @p0 $0xFFFFFC00;
	s12 =	simm.s32 @!p0 $0x0  }
0x3c: {  	[tilespmem:s13], [sflag:$0x3] =	stream.linear.gather @!p0 [hbm4b:s21+s12], $0x400, $0x38;
	[tilespmem:$0x1F380] =	vst v63  }
0x3d: {  	s12 =	simm.s32 @!p0 $0x3  }
0x3e: {  	_ =	swait.ge @!p0 [sflag:s12], $0x400  }
0x3f: {  	[sflag:s12] =	ssyncset.done @!p0 $0x0  }
0x40: {  	s13 =	rddreg [dreg:$0xb];
	[sflag:s12] =	ssyncadd.s32 @!p0 $0xFFFFFC00  }
0x41: {  	[tilespmem:s0], [sflag:$0x3] =	stream.linear.gather [hbm4b:s13+s19], $0x400, $0x38;
	[tilespmem:$0x1F380] =	vst v63  }
0x42: {  	_ =	swait.ge [sflag:s4], $0x400  }
0x43: {  	s5 =	simm.s32 $0x16500;
	s21 =	simm.s32 $0x16380;
	[sflag:s4] =	ssyncset.done $0x0  }
0x44: {  	s12 =	simm.s32 $0x0;
	s0 =	simm.s32 $0x16F00;
	[sflag:s4] =	ssyncadd.s32 $0xFFFFFC00  }
0x45: {  	[tilespmem:s8], [sflag:$0x1] =	stream.indirect.gather [hbm4b:s1+s6], $0x80, s21, s6, $0xb8;
	[tilespmem:$0x1F380] =	vst v63  }
.LBB2_2:
0x46: {  	s13 =	sadd.s32 s12, s15  }
0x47: {  	s13 =	sadd.s32 $0x80, s13  }
0x48: {  	[tilespmem:s9], [sflag:$0x3] =	stream.linear.gather [hbm4b:s13+s19], $0x400, $0x38;
	[tilespmem:$0x1F380] =	vst v63  }
0x49: {  	_ =	swait.ge [sflag:s4], $0x400  }
0x4a: {  	s21 =	sadd.s32 s12, s14;
	[sflag:s4] =	ssyncset.done $0x0  }
0x4b: {  	s13 =	sadd.s32 $0x80, s21;
	[sflag:s4] =	ssyncadd.s32 $0xFFFFFC00  }
0x4c: {  	[tilespmem:s23], [sflag:$0x3] =	stream.linear.gather [hbm4b:s13+s19], $0x400, $0x38;
	[tilespmem:$0x1F380] =	vst v63  }
0x4d: {  	_ =	swait.ge [sflag:s4], $0x400  }
0x4e: {  	[sflag:s4] =	ssyncset.done $0x0  }
0x4f: {  	[sflag:s4] =	ssyncadd.s32 $0xFFFFFC00  }
0x50: {  	[tilespmem:s26], [sflag:$0x2] =	stream.indirect.gather [hbm4b:s1+s6], $0x80, s22, s6, $0xb8;
	[tilespmem:$0x1F380] =	vst v63  }
0x51: {  	v1 =	vld [tilespmem:$0x16780];
	_ =	sdelay $0x7  }
0x52: {  	[tilespmem:v1+s10+$0x0] =	vst.idx.add.f32.msk $0xffff, v0  }
0x53: {  	v1 =	vld [tilespmem:$0x16790];
	_ =	sdelay $0x7  }
0x54: {  	[tilespmem:v1+s10+$0x0] =	vst.idx.add.f32.msk $0xffff, v0  }
0x55: {  	v1 =	vld [tilespmem:$0x167A0];
	_ =	sdelay $0x7  }
0x56: {  	[tilespmem:v1+s10+$0x0] =	vst.idx.add.f32.msk $0xffff, v0  }
0x57: {  	v1 =	vld [tilespmem:$0x167B0];
	_ =	sdelay $0x7  }
0x58: {  	[tilespmem:v1+s10+$0x0] =	vst.idx.add.f32.msk $0xffff, v0  }
0x59: {  	v1 =	vld [tilespmem:$0x167C0];
	_ =	sdelay $0x7  }
0x5a: {  	[tilespmem:v1+s10+$0x0] =	vst.idx.add.f32.msk $0xffff, v0  }
0x5b: {  	v1 =	vld [tilespmem:$0x167D0];
	_ =	sdelay $0x7  }
0x5c: {  	[tilespmem:v1+s10+$0x0] =	vst.idx.add.f32.msk $0xffff, v0  }
0x5d: {  	v1 =	vld [tilespmem:$0x167E0];
	_ =	sdelay $0x7  }
0x5e: {  	[tilespmem:v1+s10+$0x0] =	vst.idx.add.f32.msk $0xffff, v0  }
0x5f: {  	v1 =	vld [tilespmem:$0x167F0];
	_ =	sdelay $0x7  }
0x60: {  	[tilespmem:v1+s10+$0x0] =	vst.idx.add.f32.msk $0xffff, v0  }
0x61: {  	_ =	swait.ge [sflag:s28], $0x4000  }
0x62: {  	[sflag:s28] =	ssyncset.done $0x0  }
0x63: {  	[sflag:s28] =	ssyncadd.s32 $0xFFFFC000  }
0x64: {  	[spmem:s3] =	stream.indirect.scatter.add.f32 [tilespmem:s8], [sflag:$0x3], $0x80, s29, s6, $0xb8;
	[tilespmem:$0x1F380] =	vst v63  }
0x65: {  	_ =	swait.ge [sflag:s4], $0x4000  }
0x66: {  	[sflag:s4] =	ssyncset.done $0x0  }
0x67: {  	[sflag:s4] =	ssyncadd.s32 $0xFFFFC000  }
0x68: {  	[tilespmem:s8], [sflag:$0x1] =	stream.indirect.gather [hbm4b:s1+s6], $0x80, s24, s6, $0xb8;
	[tilespmem:$0x1F380] =	vst v63  }
0x69: {  	v1 =	vld [tilespmem:$0x16800];
	_ =	sdelay $0x7  }
0x6a: {  	[tilespmem:v1+s10+$0x0] =	vst.idx.add.f32.msk $0xffff, v0  }
0x6b: {  	v1 =	vld [tilespmem:$0x16810];
	_ =	sdelay $0x7  }
0x6c: {  	[tilespmem:v1+s10+$0x0] =	vst.idx.add.f32.msk $0xffff, v0  }
0x6d: {  	v1 =	vld [tilespmem:$0x16820];
	_ =	sdelay $0x7  }
0x6e: {  	[tilespmem:v1+s10+$0x0] =	vst.idx.add.f32.msk $0xffff, v0  }
0x6f: {  	v1 =	vld [tilespmem:$0x16830];
	_ =	sdelay $0x7  }
0x70: {  	[tilespmem:v1+s10+$0x0] =	vst.idx.add.f32.msk $0xffff, v0  }
0x71: {  	v1 =	vld [tilespmem:$0x16840];
	_ =	sdelay $0x7  }
0x72: {  	[tilespmem:v1+s10+$0x0] =	vst.idx.add.f32.msk $0xffff, v0  }
0x73: {  	v1 =	vld [tilespmem:$0x16850];
	_ =	sdelay $0x7  }
0x74: {  	[tilespmem:v1+s10+$0x0] =	vst.idx.add.f32.msk $0xffff, v0  }
0x75: {  	v1 =	vld [tilespmem:$0x16860];
	_ =	sdelay $0x7  }
0x76: {  	[tilespmem:v1+s10+$0x0] =	vst.idx.add.f32.msk $0xffff, v0  }
0x77: {  	v1 =	vld [tilespmem:$0x16870];
	_ =	sdelay $0x7  }
0x78: {  	[tilespmem:v1+s10+$0x0] =	vst.idx.add.f32.msk $0xffff, v0  }
0x79: {  	_ =	swait.ge [sflag:s30], $0x4000  }
0x7a: {  	[sflag:s30] =	ssyncset.done $0x0  }
0x7b: {  	[sflag:s30] =	ssyncadd.s32 $0xFFFFC000  }
0x7c: {  	[spmem:s3] =	stream.indirect.scatter.add.f32 [tilespmem:s26], [sflag:$0x3], $0x80, s25, s6, $0xb8;
	[tilespmem:$0x1F380] =	vst v63  }
0x7d: {  	_ =	swait.ge [sflag:s4], $0x4000  }
0x7e: {  	[sflag:s4] =	ssyncset.done $0x0  }
0x7f: {  	[sflag:s4] =	ssyncadd.s32 $0xFFFFC000  }
0x80: {  	[tilespmem:s26], [sflag:$0x2] =	stream.indirect.gather [hbm4b:s1+s6], $0x80, s5, s6, $0xb8;
	[tilespmem:$0x1F380] =	vst v63  }
0x81: {  	v1 =	vld [tilespmem:$0x16880];
	_ =	sdelay $0x7  }
0x82: {  	[tilespmem:v1+s10+$0x0] =	vst.idx.add.f32.msk $0xffff, v0  }
0x83: {  	v1 =	vld [tilespmem:$0x16890];
	_ =	sdelay $0x7  }
0x84: {  	[tilespmem:v1+s10+$0x0] =	vst.idx.add.f32.msk $0xffff, v0  }
0x85: {  	v1 =	vld [tilespmem:$0x168A0];
	_ =	sdelay $0x7  }
0x86: {  	[tilespmem:v1+s10+$0x0] =	vst.idx.add.f32.msk $0xffff, v0  }
0x87: {  	v1 =	vld [tilespmem:$0x168B0];
	_ =	sdelay $0x7  }
0x88: {  	[tilespmem:v1+s10+$0x0] =	vst.idx.add.f32.msk $0xffff, v0  }
0x89: {  	v1 =	vld [tilespmem:$0x168C0];
	_ =	sdelay $0x7  }
0x8a: {  	[tilespmem:v1+s10+$0x0] =	vst.idx.add.f32.msk $0xffff, v0  }
0x8b: {  	v1 =	vld [tilespmem:$0x168D0];
	_ =	sdelay $0x7  }
0x8c: {  	[tilespmem:v1+s10+$0x0] =	vst.idx.add.f32.msk $0xffff, v0  }
0x8d: {  	v1 =	vld [tilespmem:$0x168E0];
	_ =	sdelay $0x7  }
0x8e: {  	[tilespmem:v1+s10+$0x0] =	vst.idx.add.f32.msk $0xffff, v0  }
0x8f: {  	v1 =	vld [tilespmem:$0x168F0];
	_ =	sdelay $0x7  }
0x90: {  	[tilespmem:v1+s10+$0x0] =	vst.idx.add.f32.msk $0xffff, v0  }
0x91: {  	_ =	swait.ge [sflag:s28], $0x4000  }
0x92: {  	[sflag:s28] =	ssyncset.done $0x0  }
0x93: {  	s25 =	simm.s32 $0x16880;
	[sflag:s28] =	ssyncadd.s32 $0xFFFFC000  }
0x94: {  	[spmem:s3] =	stream.indirect.scatter.add.f32 [tilespmem:s8], [sflag:$0x3], $0x80, s25, s6, $0xb8;
	[tilespmem:$0x1F380] =	vst v63  }
0x95: {  	_ =	swait.ge [sflag:s4], $0x4000  }
0x96: {  	[sflag:s4] =	ssyncset.done $0x0  }
0x97: {  	s21 =	simm.s32 $0x16580;
	[sflag:s4] =	ssyncadd.s32 $0xFFFFC000  }
0x98: {  	[tilespmem:s8], [sflag:$0x1] =	stream.indirect.gather [hbm4b:s1+s6], $0x80, s21, s6, $0xb8;
	[tilespmem:$0x1F380] =	vst v63  }
0x99: {  	v1 =	vld [tilespmem:$0x16900];
	_ =	sdelay $0x7  }
0x9a: {  	[tilespmem:v1+s10+$0x0] =	vst.idx.add.f32.msk $0xffff, v0  }
0x9b: {  	v1 =	vld [tilespmem:$0x16910];
	_ =	sdelay $0x7  }
0x9c: {  	[tilespmem:v1+s10+$0x0] =	vst.idx.add.f32.msk $0xffff, v0  }
0x9d: {  	v1 =	vld [tilespmem:$0x16920];
	_ =	sdelay $0x7  }
0x9e: {  	[tilespmem:v1+s10+$0x0] =	vst.idx.add.f32.msk $0xffff, v0  }
0x9f: {  	v1 =	vld [tilespmem:$0x16930];
	_ =	sdelay $0x7  }
0xa0: {  	[tilespmem:v1+s10+$0x0] =	vst.idx.add.f32.msk $0xffff, v0  }
0xa1: {  	v1 =	vld [tilespmem:$0x16940];
	_ =	sdelay $0x7  }
0xa2: {  	[tilespmem:v1+s10+$0x0] =	vst.idx.add.f32.msk $0xffff, v0  }
0xa3: {  	v1 =	vld [tilespmem:$0x16950];
	_ =	sdelay $0x7  }
0xa4: {  	[tilespmem:v1+s10+$0x0] =	vst.idx.add.f32.msk $0xffff, v0  }
0xa5: {  	v1 =	vld [tilespmem:$0x16960];
	_ =	sdelay $0x7  }
0xa6: {  	[tilespmem:v1+s10+$0x0] =	vst.idx.add.f32.msk $0xffff, v0  }
0xa7: {  	v1 =	vld [tilespmem:$0x16970];
	_ =	sdelay $0x7  }
0xa8: {  	[tilespmem:v1+s10+$0x0] =	vst.idx.add.f32.msk $0xffff, v0  }
0xa9: {  	_ =	swait.ge [sflag:s30], $0x4000  }
0xaa: {  	[sflag:s30] =	ssyncset.done $0x0  }
0xab: {  	s22 =	simm.s32 $0x16900;
	[sflag:s30] =	ssyncadd.s32 $0xFFFFC000  }
0xac: {  	[spmem:s3] =	stream.indirect.scatter.add.f32 [tilespmem:s26], [sflag:$0x3], $0x80, s22, s6, $0xb8;
	[tilespmem:$0x1F380] =	vst v63  }
0xad: {  	_ =	swait.ge [sflag:s4], $0x4000  }
0xae: {  	[sflag:s4] =	ssyncset.done $0x0  }
0xaf: {  	s24 =	simm.s32 $0x16600;
	[sflag:s4] =	ssyncadd.s32 $0xFFFFC000  }
0xb0: {  	[tilespmem:s26], [sflag:$0x2] =	stream.indirect.gather [hbm4b:s1+s6], $0x80, s24, s6, $0xb8;
	[tilespmem:$0x1F380] =	vst v63  }
0xb1: {  	v1 =	vld [tilespmem:$0x16980];
	_ =	sdelay $0x7  }
0xb2: {  	[tilespmem:v1+s10+$0x0] =	vst.idx.add.f32.msk $0xffff, v0  }
0xb3: {  	v1 =	vld [tilespmem:$0x16990];
	_ =	sdelay $0x7  }
0xb4: {  	[tilespmem:v1+s10+$0x0] =	vst.idx.add.f32.msk $0xffff, v0  }
0xb5: {  	v1 =	vld [tilespmem:$0x169A0];
	_ =	sdelay $0x7  }
0xb6: {  	[tilespmem:v1+s10+$0x0] =	vst.idx.add.f32.msk $0xffff, v0  }
0xb7: {  	v1 =	vld [tilespmem:$0x169B0];
	_ =	sdelay $0x7  }
0xb8: {  	[tilespmem:v1+s10+$0x0] =	vst.idx.add.f32.msk $0xffff, v0  }
0xb9: {  	v1 =	vld [tilespmem:$0x169C0];
	_ =	sdelay $0x7  }
0xba: {  	[tilespmem:v1+s10+$0x0] =	vst.idx.add.f32.msk $0xffff, v0  }
0xbb: {  	v1 =	vld [tilespmem:$0x169D0];
	_ =	sdelay $0x7  }
0xbc: {  	[tilespmem:v1+s10+$0x0] =	vst.idx.add.f32.msk $0xffff, v0  }
0xbd: {  	v1 =	vld [tilespmem:$0x169E0];
	_ =	sdelay $0x7  }
0xbe: {  	[tilespmem:v1+s10+$0x0] =	vst.idx.add.f32.msk $0xffff, v0  }
0xbf: {  	v1 =	vld [tilespmem:$0x169F0];
	_ =	sdelay $0x7  }
0xc0: {  	[tilespmem:v1+s10+$0x0] =	vst.idx.add.f32.msk $0xffff, v0  }
0xc1: {  	_ =	swait.ge [sflag:s28], $0x4000  }
0xc2: {  	[sflag:s28] =	ssyncset.done $0x0  }
0xc3: {  	s25 =	simm.s32 $0x16980;
	[sflag:s28] =	ssyncadd.s32 $0xFFFFC000  }
0xc4: {  	[spmem:s3] =	stream.indirect.scatter.add.f32 [tilespmem:s8], [sflag:$0x3], $0x80, s25, s6, $0xb8;
	[tilespmem:$0x1F380] =	vst v63  }
0xc5: {  	_ =	swait.ge [sflag:s4], $0x4000  }
0xc6: {  	[sflag:s4] =	ssyncset.done $0x0  }
0xc7: {  	s21 =	simm.s32 $0x16680;
	[sflag:s4] =	ssyncadd.s32 $0xFFFFC000  }
0xc8: {  	[tilespmem:s8], [sflag:$0x1] =	stream.indirect.gather [hbm4b:s1+s6], $0x80, s21, s6, $0xb8;
	[tilespmem:$0x1F380] =	vst v63  }
0xc9: {  	v1 =	vld [tilespmem:$0x16A00];
	_ =	sdelay $0x7  }
0xca: {  	[tilespmem:v1+s10+$0x0] =	vst.idx.add.f32.msk $0xffff, v0  }
0xcb: {  	v1 =	vld [tilespmem:$0x16A10];
	_ =	sdelay $0x7  }
0xcc: {  	[tilespmem:v1+s10+$0x0] =	vst.idx.add.f32.msk $0xffff, v0  }
0xcd: {  	v1 =	vld [tilespmem:$0x16A20];
	_ =	sdelay $0x7  }
0xce: {  	[tilespmem:v1+s10+$0x0] =	vst.idx.add.f32.msk $0xffff, v0  }
0xcf: {  	v1 =	vld [tilespmem:$0x16A30];
	_ =	sdelay $0x7  }
0xd0: {  	[tilespmem:v1+s10+$0x0] =	vst.idx.add.f32.msk $0xffff, v0  }
0xd1: {  	v1 =	vld [tilespmem:$0x16A40];
	_ =	sdelay $0x7  }
0xd2: {  	[tilespmem:v1+s10+$0x0] =	vst.idx.add.f32.msk $0xffff, v0  }
0xd3: {  	v1 =	vld [tilespmem:$0x16A50];
	_ =	sdelay $0x7  }
0xd4: {  	[tilespmem:v1+s10+$0x0] =	vst.idx.add.f32.msk $0xffff, v0  }
0xd5: {  	v1 =	vld [tilespmem:$0x16A60];
	_ =	sdelay $0x7  }
0xd6: {  	[tilespmem:v1+s10+$0x0] =	vst.idx.add.f32.msk $0xffff, v0  }
0xd7: {  	v1 =	vld [tilespmem:$0x16A70];
	_ =	sdelay $0x7  }
0xd8: {  	[tilespmem:v1+s10+$0x0] =	vst.idx.add.f32.msk $0xffff, v0  }
0xd9: {  	_ =	swait.ge [sflag:s30], $0x4000  }
0xda: {  	[sflag:s30] =	ssyncset.done $0x0  }
0xdb: {  	s22 =	simm.s32 $0x16A00;
	[sflag:s30] =	ssyncadd.s32 $0xFFFFC000  }
0xdc: {  	[spmem:s3] =	stream.indirect.scatter.add.f32 [tilespmem:s26], [sflag:$0x3], $0x80, s22, s6, $0xb8;
	[tilespmem:$0x1F380] =	vst v63  }
0xdd: {  	_ =	swait.ge [sflag:s4], $0x4000  }
0xde: {  	[sflag:s4] =	ssyncset.done $0x0  }
0xdf: {  	s24 =	simm.s32 $0x16700;
	[sflag:s4] =	ssyncadd.s32 $0xFFFFC000  }
0xe0: {  	[tilespmem:s26], [sflag:$0x2] =	stream.indirect.gather [hbm4b:s1+s6], $0x80, s24, s6, $0xb8;
	[tilespmem:$0x1F380] =	vst v63  }
0xe1: {  	v1 =	vld [tilespmem:$0x16A80];
	_ =	sdelay $0x7  }
0xe2: {  	[tilespmem:v1+s10+$0x0] =	vst.idx.add.f32.msk $0xffff, v0  }
0xe3: {  	v1 =	vld [tilespmem:$0x16A90];
	_ =	sdelay $0x7  }
0xe4: {  	[tilespmem:v1+s10+$0x0] =	vst.idx.add.f32.msk $0xffff, v0  }
0xe5: {  	v1 =	vld [tilespmem:$0x16AA0];
	_ =	sdelay $0x7  }
0xe6: {  	[tilespmem:v1+s10+$0x0] =	vst.idx.add.f32.msk $0xffff, v0  }
0xe7: {  	v1 =	vld [tilespmem:$0x16AB0];
	_ =	sdelay $0x7  }
0xe8: {  	[tilespmem:v1+s10+$0x0] =	vst.idx.add.f32.msk $0xffff, v0  }
0xe9: {  	v1 =	vld [tilespmem:$0x16AC0];
	_ =	sdelay $0x7  }
0xea: {  	[tilespmem:v1+s10+$0x0] =	vst.idx.add.f32.msk $0xffff, v0  }
0xeb: {  	v1 =	vld [tilespmem:$0x16AD0];
	_ =	sdelay $0x7  }
0xec: {  	[tilespmem:v1+s10+$0x0] =	vst.idx.add.f32.msk $0xffff, v0  }
0xed: {  	v1 =	vld [tilespmem:$0x16AE0];
	_ =	sdelay $0x7  }
0xee: {  	[tilespmem:v1+s10+$0x0] =	vst.idx.add.f32.msk $0xffff, v0  }
0xef: {  	v1 =	vld [tilespmem:$0x16AF0];
	_ =	sdelay $0x7  }
0xf0: {  	[tilespmem:v1+s10+$0x0] =	vst.idx.add.f32.msk $0xffff, v0  }
0xf1: {  	_ =	swait.ge [sflag:s28], $0x4000  }
0xf2: {  	[sflag:s28] =	ssyncset.done $0x0  }
0xf3: {  	s25 =	simm.s32 $0x16A80;
	[sflag:s28] =	ssyncadd.s32 $0xFFFFC000  }
0xf4: {  	[spmem:s3] =	stream.indirect.scatter.add.f32 [tilespmem:s8], [sflag:$0x3], $0x80, s25, s6, $0xb8;
	[tilespmem:$0x1F380] =	vst v63  }
0xf5: {  	_ =	swait.ge [sflag:s4], $0x4000  }
0xf6: {  	[sflag:s4] =	ssyncset.done $0x0  }
0xf7: {  	[sflag:s4] =	ssyncadd.s32 $0xFFFFC000  }
0xf8: {  	[tilespmem:s8], [sflag:$0x1] =	stream.indirect.gather [hbm4b:s1+s6], $0x80, s9, s6, $0xb8;
	[tilespmem:$0x1F380] =	vst v63  }
0xf9: {  	v1 =	vld [tilespmem:$0x16B00];
	_ =	sdelay $0x7  }
0xfa: {  	[tilespmem:v1+s10+$0x0] =	vst.idx.add.f32.msk $0xffff, v0  }
0xfb: {  	v1 =	vld [tilespmem:$0x16B10];
	_ =	sdelay $0x7  }
0xfc: {  	[tilespmem:v1+s10+$0x0] =	vst.idx.add.f32.msk $0xffff, v0  }
0xfd: {  	v1 =	vld [tilespmem:$0x16B20];
	_ =	sdelay $0x7  }
0xfe: {  	[tilespmem:v1+s10+$0x0] =	vst.idx.add.f32.msk $0xffff, v0  }
0xff: {  	v1 =	vld [tilespmem:$0x16B30];
	_ =	sdelay $0x7  }
0x100: {  	[tilespmem:v1+s10+$0x0] =	vst.idx.add.f32.msk $0xffff, v0  }
0x101: {  	v1 =	vld [tilespmem:$0x16B40];
	_ =	sdelay $0x7  }
0x102: {  	[tilespmem:v1+s10+$0x0] =	vst.idx.add.f32.msk $0xffff, v0  }
0x103: {  	v1 =	vld [tilespmem:$0x16B50];
	_ =	sdelay $0x7  }
0x104: {  	[tilespmem:v1+s10+$0x0] =	vst.idx.add.f32.msk $0xffff, v0  }
0x105: {  	v1 =	vld [tilespmem:$0x16B60];
	_ =	sdelay $0x7  }
0x106: {  	[tilespmem:v1+s10+$0x0] =	vst.idx.add.f32.msk $0xffff, v0  }
0x107: {  	v1 =	vld [tilespmem:$0x16B70];
	_ =	sdelay $0x7  }
0x108: {  	[tilespmem:v1+s10+$0x0] =	vst.idx.add.f32.msk $0xffff, v0  }
0x109: {  	_ =	swait.ge [sflag:s30], $0x4000  }
0x10a: {  	[sflag:s30] =	ssyncset.done $0x0  }
0x10b: {  	s21 =	simm.s32 $0x16B00;
	[sflag:s30] =	ssyncadd.s32 $0xFFFFC000  }
0x10c: {  	[spmem:s3] =	stream.indirect.scatter.add.f32 [tilespmem:s26], [sflag:$0x3], $0x80, s21, s6, $0xb8;
	[tilespmem:$0x1F380] =	vst v63  }
0x10d: {  	p1 =	seq.s32 s12, $0x400;
	_ =	swait.ge [sflag:s4], $0x4000  }
0x10e: {  	s13 =	sadd.s32 @!p1 s12, s15;
	s22 =	simm.s32 @!p1 $0x0;
	[sflag:s4] =	ssyncset.done $0x0  }
0x10f: {  	s21 =	sadd.s32 @!p1 $0x100, s13;
	s13 =	simm.s32 @!p1 $0x16380;
	[sflag:s4] =	ssyncadd.s32 $0xFFFFC000  }
0x110: {  	[tilespmem:s13], [sflag:$0x3] =	stream.linear.gather @!p1 [hbm4b:s21+s22], $0x400, $0x38;
	[tilespmem:$0x1F380] =	vst v63  }
0x111: {  	s21 =	simm.s32 @!p1 $0x3  }
0x112: {  	_ =	swait.ge @!p1 [sflag:s21], $0x400  }
0x113: {  	s24 =	sadd.s32 @!p1 s12, s14;
	[sflag:s21] =	ssyncset.done @!p1 $0x0  }
0x114: {  	s24 =	sadd.s32 @!p1 $0x100, s24;
	s25 =	simm.s32 @!p1 $0x16780;
	[sflag:s21] =	ssyncadd.s32 @!p1 $0xFFFFFC00  }
0x115: {  	[tilespmem:s25], [sflag:$0x3] =	stream.linear.gather @!p1 [hbm4b:s24+s22], $0x400, $0x38;
	[tilespmem:$0x1F380] =	vst v63  }
0x116: {  	_ =	swait.ge @!p1 [sflag:s21], $0x400  }
0x117: {  	[sflag:s21] =	ssyncset.done @!p1 $0x0  }
0x118: {  	s22 =	simm.s32 $0x16C00;
	[sflag:s21] =	ssyncadd.s32 @!p1 $0xFFFFFC00  }
0x119: {  	[tilespmem:s26], [sflag:$0x2] =	stream.indirect.gather [hbm4b:s1+s6], $0x80, s22, s6, $0xb8;
	[tilespmem:$0x1F380] =	vst v63  }
0x11a: {  	v1 =	vld [tilespmem:$0x16F80];
	_ =	sdelay $0x7  }
0x11b: {  	[tilespmem:v1+s10+$0x0] =	vst.idx.add.f32.msk $0xffff, v0  }
0x11c: {  	v1 =	vld [tilespmem:$0x16F90];
	_ =	sdelay $0x7  }
0x11d: {  	[tilespmem:v1+s10+$0x0] =	vst.idx.add.f32.msk $0xffff, v0  }
0x11e: {  	v1 =	vld [tilespmem:$0x16FA0];
	_ =	sdelay $0x7  }
0x11f: {  	[tilespmem:v1+s10+$0x0] =	vst.idx.add.f32.msk $0xffff, v0  }
0x120: {  	v1 =	vld [tilespmem:$0x16FB0];
	_ =	sdelay $0x7  }
0x121: {  	[tilespmem:v1+s10+$0x0] =	vst.idx.add.f32.msk $0xffff, v0  }
0x122: {  	v1 =	vld [tilespmem:$0x16FC0];
	_ =	sdelay $0x7  }
0x123: {  	[tilespmem:v1+s10+$0x0] =	vst.idx.add.f32.msk $0xffff, v0  }
0x124: {  	v1 =	vld [tilespmem:$0x16FD0];
	_ =	sdelay $0x7  }
0x125: {  	[tilespmem:v1+s10+$0x0] =	vst.idx.add.f32.msk $0xffff, v0  }
0x126: {  	v1 =	vld [tilespmem:$0x16FE0];
	_ =	sdelay $0x7  }
0x127: {  	[tilespmem:v1+s10+$0x0] =	vst.idx.add.f32.msk $0xffff, v0  }
0x128: {  	v1 =	vld [tilespmem:$0x16FF0];
	_ =	sdelay $0x7  }
0x129: {  	[tilespmem:v1+s10+$0x0] =	vst.idx.add.f32.msk $0xffff, v0  }
0x12a: {  	_ =	swait.ge [sflag:s28], $0x4000  }
0x12b: {  	[sflag:s28] =	ssyncset.done $0x0  }
0x12c: {  	[sflag:s28] =	ssyncadd.s32 $0xFFFFC000  }
0x12d: {  	[spmem:s3] =	stream.indirect.scatter.add.f32 [tilespmem:s8], [sflag:$0x3], $0x80, s23, s6, $0xb8;
	[tilespmem:$0x1F380] =	vst v63  }
0x12e: {  	_ =	swait.ge [sflag:s4], $0x4000  }
0x12f: {  	[sflag:s4] =	ssyncset.done $0x0  }
0x130: {  	s22 =	simm.s32 $0x16C80;
	[sflag:s4] =	ssyncadd.s32 $0xFFFFC000  }
0x131: {  	[tilespmem:s8], [sflag:$0x1] =	stream.indirect.gather [hbm4b:s1+s6], $0x80, s22, s6, $0xb8;
	[tilespmem:$0x1F380] =	vst v63  }
0x132: {  	v1 =	vld [tilespmem:$0x17000];
	_ =	sdelay $0x7  }
0x133: {  	[tilespmem:v1+s10+$0x0] =	vst.idx.add.f32.msk $0xffff, v0  }
0x134: {  	v1 =	vld [tilespmem:$0x17010];
	_ =	sdelay $0x7  }
0x135: {  	[tilespmem:v1+s10+$0x0] =	vst.idx.add.f32.msk $0xffff, v0  }
0x136: {  	v1 =	vld [tilespmem:$0x17020];
	_ =	sdelay $0x7  }
0x137: {  	[tilespmem:v1+s10+$0x0] =	vst.idx.add.f32.msk $0xffff, v0  }
0x138: {  	v1 =	vld [tilespmem:$0x17030];
	_ =	sdelay $0x7  }
0x139: {  	[tilespmem:v1+s10+$0x0] =	vst.idx.add.f32.msk $0xffff, v0  }
0x13a: {  	v1 =	vld [tilespmem:$0x17040];
	_ =	sdelay $0x7  }
0x13b: {  	[tilespmem:v1+s10+$0x0] =	vst.idx.add.f32.msk $0xffff, v0  }
0x13c: {  	v1 =	vld [tilespmem:$0x17050];
	_ =	sdelay $0x7  }
0x13d: {  	[tilespmem:v1+s10+$0x0] =	vst.idx.add.f32.msk $0xffff, v0  }
0x13e: {  	v1 =	vld [tilespmem:$0x17060];
	_ =	sdelay $0x7  }
0x13f: {  	[tilespmem:v1+s10+$0x0] =	vst.idx.add.f32.msk $0xffff, v0  }
0x140: {  	v1 =	vld [tilespmem:$0x17070];
	_ =	sdelay $0x7  }
0x141: {  	[tilespmem:v1+s10+$0x0] =	vst.idx.add.f32.msk $0xffff, v0  }
0x142: {  	_ =	swait.ge [sflag:s30], $0x4000  }
0x143: {  	[sflag:s30] =	ssyncset.done $0x0  }
0x144: {  	s22 =	simm.s32 $0x17000;
	[sflag:s30] =	ssyncadd.s32 $0xFFFFC000  }
0x145: {  	[spmem:s3] =	stream.indirect.scatter.add.f32 [tilespmem:s26], [sflag:$0x3], $0x80, s22, s6, $0xb8;
	[tilespmem:$0x1F380] =	vst v63  }
0x146: {  	_ =	swait.ge [sflag:s4], $0x4000  }
0x147: {  	[sflag:s4] =	ssyncset.done $0x0  }
0x148: {  	s22 =	simm.s32 $0x16D00;
	[sflag:s4] =	ssyncadd.s32 $0xFFFFC000  }
0x149: {  	[tilespmem:s26], [sflag:$0x2] =	stream.indirect.gather [hbm4b:s1+s6], $0x80, s22, s6, $0xb8;
	[tilespmem:$0x1F380] =	vst v63  }
0x14a: {  	v1 =	vld [tilespmem:$0x17080];
	_ =	sdelay $0x7  }
0x14b: {  	[tilespmem:v1+s10+$0x0] =	vst.idx.add.f32.msk $0xffff, v0  }
0x14c: {  	v1 =	vld [tilespmem:$0x17090];
	_ =	sdelay $0x7  }
0x14d: {  	[tilespmem:v1+s10+$0x0] =	vst.idx.add.f32.msk $0xffff, v0  }
0x14e: {  	v1 =	vld [tilespmem:$0x170A0];
	_ =	sdelay $0x7  }
0x14f: {  	[tilespmem:v1+s10+$0x0] =	vst.idx.add.f32.msk $0xffff, v0  }
0x150: {  	v1 =	vld [tilespmem:$0x170B0];
	_ =	sdelay $0x7  }
0x151: {  	[tilespmem:v1+s10+$0x0] =	vst.idx.add.f32.msk $0xffff, v0  }
0x152: {  	v1 =	vld [tilespmem:$0x170C0];
	_ =	sdelay $0x7  }
0x153: {  	[tilespmem:v1+s10+$0x0] =	vst.idx.add.f32.msk $0xffff, v0  }
0x154: {  	v1 =	vld [tilespmem:$0x170D0];
	_ =	sdelay $0x7  }
0x155: {  	[tilespmem:v1+s10+$0x0] =	vst.idx.add.f32.msk $0xffff, v0  }
0x156: {  	v1 =	vld [tilespmem:$0x170E0];
	_ =	sdelay $0x7  }
0x157: {  	[tilespmem:v1+s10+$0x0] =	vst.idx.add.f32.msk $0xffff, v0  }
0x158: {  	v1 =	vld [tilespmem:$0x170F0];
	_ =	sdelay $0x7  }
0x159: {  	[tilespmem:v1+s10+$0x0] =	vst.idx.add.f32.msk $0xffff, v0  }
0x15a: {  	_ =	swait.ge [sflag:s28], $0x4000  }
0x15b: {  	[sflag:s28] =	ssyncset.done $0x0  }
0x15c: {  	s22 =	simm.s32 $0x17080;
	[sflag:s28] =	ssyncadd.s32 $0xFFFFC000  }
0x15d: {  	[spmem:s3] =	stream.indirect.scatter.add.f32 [tilespmem:s8], [sflag:$0x3], $0x80, s22, s6, $0xb8;
	[tilespmem:$0x1F380] =	vst v63  }
0x15e: {  	_ =	swait.ge [sflag:s4], $0x4000  }
0x15f: {  	[sflag:s4] =	ssyncset.done $0x0  }
0x160: {  	s22 =	simm.s32 $0x16D80;
	[sflag:s4] =	ssyncadd.s32 $0xFFFFC000  }
0x161: {  	[tilespmem:s8], [sflag:$0x1] =	stream.indirect.gather [hbm4b:s1+s6], $0x80, s22, s6, $0xb8;
	[tilespmem:$0x1F380] =	vst v63  }
0x162: {  	v1 =	vld [tilespmem:$0x17100];
	_ =	sdelay $0x7  }
0x163: {  	[tilespmem:v1+s10+$0x0] =	vst.idx.add.f32.msk $0xffff, v0  }
0x164: {  	v1 =	vld [tilespmem:$0x17110];
	_ =	sdelay $0x7  }
0x165: {  	[tilespmem:v1+s10+$0x0] =	vst.idx.add.f32.msk $0xffff, v0  }
0x166: {  	v1 =	vld [tilespmem:$0x17120];
	_ =	sdelay $0x7  }
0x167: {  	[tilespmem:v1+s10+$0x0] =	vst.idx.add.f32.msk $0xffff, v0  }
0x168: {  	v1 =	vld [tilespmem:$0x17130];
	_ =	sdelay $0x7  }
0x169: {  	[tilespmem:v1+s10+$0x0] =	vst.idx.add.f32.msk $0xffff, v0  }
0x16a: {  	v1 =	vld [tilespmem:$0x17140];
	_ =	sdelay $0x7  }
0x16b: {  	[tilespmem:v1+s10+$0x0] =	vst.idx.add.f32.msk $0xffff, v0  }
0x16c: {  	v1 =	vld [tilespmem:$0x17150];
	_ =	sdelay $0x7  }
0x16d: {  	[tilespmem:v1+s10+$0x0] =	vst.idx.add.f32.msk $0xffff, v0  }
0x16e: {  	v1 =	vld [tilespmem:$0x17160];
	_ =	sdelay $0x7  }
0x16f: {  	[tilespmem:v1+s10+$0x0] =	vst.idx.add.f32.msk $0xffff, v0  }
0x170: {  	v1 =	vld [tilespmem:$0x17170];
	_ =	sdelay $0x7  }
0x171: {  	[tilespmem:v1+s10+$0x0] =	vst.idx.add.f32.msk $0xffff, v0  }
0x172: {  	_ =	swait.ge [sflag:s30], $0x4000  }
0x173: {  	[sflag:s30] =	ssyncset.done $0x0  }
0x174: {  	s22 =	simm.s32 $0x17100;
	[sflag:s30] =	ssyncadd.s32 $0xFFFFC000  }
0x175: {  	[spmem:s3] =	stream.indirect.scatter.add.f32 [tilespmem:s26], [sflag:$0x3], $0x80, s22, s6, $0xb8;
	[tilespmem:$0x1F380] =	vst v63  }
0x176: {  	_ =	swait.ge [sflag:s4], $0x4000  }
0x177: {  	[sflag:s4] =	ssyncset.done $0x0  }
0x178: {  	s22 =	simm.s32 $0x16E00;
	[sflag:s4] =	ssyncadd.s32 $0xFFFFC000  }
0x179: {  	[tilespmem:s26], [sflag:$0x2] =	stream.indirect.gather [hbm4b:s1+s6], $0x80, s22, s6, $0xb8;
	[tilespmem:$0x1F380] =	vst v63  }
0x17a: {  	v1 =	vld [tilespmem:$0x17180];
	_ =	sdelay $0x7  }
0x17b: {  	[tilespmem:v1+s10+$0x0] =	vst.idx.add.f32.msk $0xffff, v0  }
0x17c: {  	v1 =	vld [tilespmem:$0x17190];
	_ =	sdelay $0x7  }
0x17d: {  	[tilespmem:v1+s10+$0x0] =	vst.idx.add.f32.msk $0xffff, v0  }
0x17e: {  	v1 =	vld [tilespmem:$0x171A0];
	_ =	sdelay $0x7  }
0x17f: {  	[tilespmem:v1+s10+$0x0] =	vst.idx.add.f32.msk $0xffff, v0  }
0x180: {  	v1 =	vld [tilespmem:$0x171B0];
	_ =	sdelay $0x7  }
0x181: {  	[tilespmem:v1+s10+$0x0] =	vst.idx.add.f32.msk $0xffff, v0  }
0x182: {  	v1 =	vld [tilespmem:$0x171C0];
	_ =	sdelay $0x7  }
0x183: {  	[tilespmem:v1+s10+$0x0] =	vst.idx.add.f32.msk $0xffff, v0  }
0x184: {  	v1 =	vld [tilespmem:$0x171D0];
	_ =	sdelay $0x7  }
0x185: {  	[tilespmem:v1+s10+$0x0] =	vst.idx.add.f32.msk $0xffff, v0  }
0x186: {  	v1 =	vld [tilespmem:$0x171E0];
	_ =	sdelay $0x7  }
0x187: {  	[tilespmem:v1+s10+$0x0] =	vst.idx.add.f32.msk $0xffff, v0  }
0x188: {  	v1 =	vld [tilespmem:$0x171F0];
	_ =	sdelay $0x7  }
0x189: {  	[tilespmem:v1+s10+$0x0] =	vst.idx.add.f32.msk $0xffff, v0  }
0x18a: {  	_ =	swait.ge [sflag:s28], $0x4000  }
0x18b: {  	[sflag:s28] =	ssyncset.done $0x0  }
0x18c: {  	s22 =	simm.s32 $0x17180;
	[sflag:s28] =	ssyncadd.s32 $0xFFFFC000  }
0x18d: {  	[spmem:s3] =	stream.indirect.scatter.add.f32 [tilespmem:s8], [sflag:$0x3], $0x80, s22, s6, $0xb8;
	[tilespmem:$0x1F380] =	vst v63  }
0x18e: {  	_ =	swait.ge [sflag:s4], $0x4000  }
0x18f: {  	[sflag:s4] =	ssyncset.done $0x0  }
0x190: {  	s22 =	simm.s32 $0x16E80;
	[sflag:s4] =	ssyncadd.s32 $0xFFFFC000  }
0x191: {  	[tilespmem:s8], [sflag:$0x1] =	stream.indirect.gather [hbm4b:s1+s6], $0x80, s22, s6, $0xb8;
	[tilespmem:$0x1F380] =	vst v63  }
0x192: {  	v1 =	vld [tilespmem:$0x17200];
	_ =	sdelay $0x7  }
0x193: {  	[tilespmem:v1+s10+$0x0] =	vst.idx.add.f32.msk $0xffff, v0  }
0x194: {  	v1 =	vld [tilespmem:$0x17210];
	_ =	sdelay $0x7  }
0x195: {  	[tilespmem:v1+s10+$0x0] =	vst.idx.add.f32.msk $0xffff, v0  }
0x196: {  	v1 =	vld [tilespmem:$0x17220];
	_ =	sdelay $0x7  }
0x197: {  	[tilespmem:v1+s10+$0x0] =	vst.idx.add.f32.msk $0xffff, v0  }
0x198: {  	v1 =	vld [tilespmem:$0x17230];
	_ =	sdelay $0x7  }
0x199: {  	[tilespmem:v1+s10+$0x0] =	vst.idx.add.f32.msk $0xffff, v0  }
0x19a: {  	v1 =	vld [tilespmem:$0x17240];
	_ =	sdelay $0x7  }
0x19b: {  	[tilespmem:v1+s10+$0x0] =	vst.idx.add.f32.msk $0xffff, v0  }
0x19c: {  	v1 =	vld [tilespmem:$0x17250];
	_ =	sdelay $0x7  }
0x19d: {  	[tilespmem:v1+s10+$0x0] =	vst.idx.add.f32.msk $0xffff, v0  }
0x19e: {  	v1 =	vld [tilespmem:$0x17260];
	_ =	sdelay $0x7  }
0x19f: {  	[tilespmem:v1+s10+$0x0] =	vst.idx.add.f32.msk $0xffff, v0  }
0x1a0: {  	v1 =	vld [tilespmem:$0x17270];
	_ =	sdelay $0x7  }
0x1a1: {  	[tilespmem:v1+s10+$0x0] =	vst.idx.add.f32.msk $0xffff, v0  }
0x1a2: {  	_ =	swait.ge [sflag:s30], $0x4000  }
0x1a3: {  	[sflag:s30] =	ssyncset.done $0x0  }
0x1a4: {  	[sflag:s30] =	ssyncadd.s32 $0xFFFFC000  }
0x1a5: {  	[spmem:s3] =	stream.indirect.scatter.add.f32 [tilespmem:s26], [sflag:$0x3], $0x80, s31, s6, $0xb8;
	[tilespmem:$0x1F380] =	vst v63  }
0x1a6: {  	_ =	swait.ge [sflag:s4], $0x4000  }
0x1a7: {  	[sflag:s4] =	ssyncset.done $0x0  }
0x1a8: {  	[sflag:s4] =	ssyncadd.s32 $0xFFFFC000  }
0x1a9: {  	[tilespmem:s26], [sflag:$0x2] =	stream.indirect.gather [hbm4b:s1+s6], $0x80, s0, s6, $0xb8;
	[tilespmem:$0x1F380] =	vst v63  }
0x1aa: {  	v1 =	vld [tilespmem:$0x17280];
	_ =	sdelay $0x7  }
0x1ab: {  	[tilespmem:v1+s10+$0x0] =	vst.idx.add.f32.msk $0xffff, v0  }
0x1ac: {  	v1 =	vld [tilespmem:$0x17290];
	_ =	sdelay $0x7  }
0x1ad: {  	[tilespmem:v1+s10+$0x0] =	vst.idx.add.f32.msk $0xffff, v0  }
0x1ae: {  	v1 =	vld [tilespmem:$0x172A0];
	_ =	sdelay $0x7  }
0x1af: {  	[tilespmem:v1+s10+$0x0] =	vst.idx.add.f32.msk $0xffff, v0  }
0x1b0: {  	v1 =	vld [tilespmem:$0x172B0];
	_ =	sdelay $0x7  }
0x1b1: {  	[tilespmem:v1+s10+$0x0] =	vst.idx.add.f32.msk $0xffff, v0  }
0x1b2: {  	v1 =	vld [tilespmem:$0x172C0];
	_ =	sdelay $0x7  }
0x1b3: {  	[tilespmem:v1+s10+$0x0] =	vst.idx.add.f32.msk $0xffff, v0  }
0x1b4: {  	v1 =	vld [tilespmem:$0x172D0];
	_ =	sdelay $0x7  }
0x1b5: {  	[tilespmem:v1+s10+$0x0] =	vst.idx.add.f32.msk $0xffff, v0  }
0x1b6: {  	v1 =	vld [tilespmem:$0x172E0];
	_ =	sdelay $0x7  }
0x1b7: {  	[tilespmem:v1+s10+$0x0] =	vst.idx.add.f32.msk $0xffff, v0  }
0x1b8: {  	v1 =	vld [tilespmem:$0x172F0];
	_ =	sdelay $0x7  }
0x1b9: {  	[tilespmem:v1+s10+$0x0] =	vst.idx.add.f32.msk $0xffff, v0  }
0x1ba: {  	_ =	swait.ge [sflag:s28], $0x4000  }
0x1bb: {  	[sflag:s28] =	ssyncset.done $0x0  }
0x1bc: {  	[sflag:s28] =	ssyncadd.s32 $0xFFFFC000  }
0x1bd: {  	[spmem:s3] =	stream.indirect.scatter.add.f32 [tilespmem:s8], [sflag:$0x3], $0x80, s11, s6, $0xb8;
	[tilespmem:$0x1F380] =	vst v63  }
0x1be: {  	_ =	swait.ge [sflag:s4], $0x4000  }
0x1bf: {  	[sflag:s4] =	ssyncset.done $0x0  }
0x1c0: {  	s21 =	simm.s32 @!p1 $0x80;
	s22 =	simm.s32 @!p1 $0x17380;
	[sflag:s4] =	ssyncadd.s32 $0xFFFFC000  }
0x1c1: {  	[tilespmem:s22], [sflag:$0x1] =	stream.indirect.gather @!p1 [hbm4b:s1+s21], $0x80, s13, s21, $0xb8;
	[tilespmem:$0x1F380] =	vst v63  }
0x1c2: {  	v1 =	vld [tilespmem:$0x17300];
	_ =	sdelay $0x7  }
0x1c3: {  	[tilespmem:v1+s10+$0x0] =	vst.idx.add.f32.msk $0xffff, v0  }
0x1c4: {  	v1 =	vld [tilespmem:$0x17310];
	_ =	sdelay $0x7  }
0x1c5: {  	[tilespmem:v1+s10+$0x0] =	vst.idx.add.f32.msk $0xffff, v0  }
0x1c6: {  	v1 =	vld [tilespmem:$0x17320];
	_ =	sdelay $0x7  }
0x1c7: {  	[tilespmem:v1+s10+$0x0] =	vst.idx.add.f32.msk $0xffff, v0  }
0x1c8: {  	v1 =	vld [tilespmem:$0x17330];
	_ =	sdelay $0x7  }
0x1c9: {  	[tilespmem:v1+s10+$0x0] =	vst.idx.add.f32.msk $0xffff, v0  }
0x1ca: {  	v1 =	vld [tilespmem:$0x17340];
	_ =	sdelay $0x7  }
0x1cb: {  	[tilespmem:v1+s10+$0x0] =	vst.idx.add.f32.msk $0xffff, v0  }
0x1cc: {  	v1 =	vld [tilespmem:$0x17350];
	_ =	sdelay $0x7  }
0x1cd: {  	[tilespmem:v1+s10+$0x0] =	vst.idx.add.f32.msk $0xffff, v0  }
0x1ce: {  	v1 =	vld [tilespmem:$0x17360];
	_ =	sdelay $0x7  }
0x1cf: {  	[tilespmem:v1+s10+$0x0] =	vst.idx.add.f32.msk $0xffff, v0  }
0x1d0: {  	v1 =	vld [tilespmem:$0x17370];
	_ =	sdelay $0x7  }
0x1d1: {  	[tilespmem:v1+s10+$0x0] =	vst.idx.add.f32.msk $0xffff, v0  }
0x1d2: {  	s12 =	sadd.s32 $0x100, s12;
	_ =	swait.ge [sflag:s30], $0x4000  }
0x1d3: {  	p1 =	sne.s32 s12, $0x500;
	[sflag:s30] =	ssyncset.done $0x0  }
.Ltmp0:
0x1d4: {  	[sflag:s30] =	ssyncadd.s32 $0xFFFFC000;
	(pc) =	sbr.rel @p1 .LBB2_2-.Ltmp0, $4  }
0x1d5: {  	[spmem:s3] =	stream.indirect.scatter.add.f32 [tilespmem:s26], [sflag:$0x3], $0x80, s7, s6, $0xb8;
	[tilespmem:$0x1F380] =	vst v63  }
0x1d6: {  	_ =	swait.ge [sflag:s4], $0x4000  }
0x1d7: {  	s25 =	simm.s32 $0x16800;
	[sflag:s4] =	ssyncset.done $0x0  }
0x1d8: {  	s24 =	simm.s32 $0x16480;
	s22 =	simm.s32 $0x16400;
	[sflag:s4] =	ssyncadd.s32 $0xFFFFC000  }
0x1d9: {  	[bflag:$0x0] =	sbarrier.arrive $0xFFFF  }
0x1da: {  	s13 =	rddreg [dreg:$0x11]  }
0x1db: {  	s12 =	rddreg [dreg:$0x12]  }
0x1dc: {  	s5 =	rddreg [dreg:$0x1a]  }
0x1dd: {  	[hbm:s12], [sflag:s13] =	dma.local [spmem:s5], $0x2780  }
0x1de: {  	_ =	swait.ge [sflag:s4], $0x2780  }
0x1df: {  	[sflag:s4] =	ssyncset.done $0x0  }
0x1e0: {  	s21 =	simm.s32 $0x400;
	s12 =	rddreg [dreg:$0x15];
	[sflag:s4] =	ssyncadd.s32 $0xFFFFD880  }
0x1e1: {  	[hbm4b:s12+s6] =	stream.strided.scatter [tilespmem:s10], [sflag:$0x3], $0x2780, s21, s6, $0x38;
	[tilespmem:$0x1F380] =	vst v63  }
0x1e2: {  	_ =	swait.ge [sflag:s4], $0x2780  }
0x1e3: {  	[sflag:s4] =	ssyncset.done $0x0  }
0x1e4: {  	[sflag:s4] =	ssyncadd.s32 $0xFFFFD880  }
0x1e5: {  	[bflag:$0x0] =	sbarrier.arrive $0xFFFF  }
0x1e6: {  	s21 =	rddreg [dreg:$0xe]  }
0x1e7: {  	[spmem:s5], [sflag:s13] =	dma.local [hbm:s21], $0x2780  }
0x1e8: {  	_ =	swait.ge [sflag:s4], $0x2780  }
0x1e9: {  	[sflag:s4] =	ssyncset.done $0x0  }
0x1ea: {  	s13 =	rddreg [dreg:$0xf];
	[sflag:s4] =	ssyncadd.s32 $0xFFFFD880  }
0x1eb: {  	[tilespmem:s10], [sflag:$0x3] =	stream.linear.gather [hbm4b:s13+s19], $0x2780, $0x38;
	[tilespmem:$0x1F380] =	vst v63  }
0x1ec: {  	_ =	swait.ge [sflag:s4], $0x2780  }
0x1ed: {  	[sflag:s4] =	ssyncset.done $0x0  }
0x1ee: {  	[sflag:s4] =	ssyncadd.s32 $0xFFFFD880  }
0x1ef: {  	[bflag:$0x0] =	sbarrier.arrive $0xFFFF  }
0x1f0: {  	s12 =	simm.s32 @p0 $0x0;
	s13 =	simm.s32 @p0 $0x16380;
	s21 =	rddreg [dreg:$0x6]  }
0x1f1: {  	[tilespmem:s13], [sflag:$0x3] =	stream.linear.gather @p0 [hbm4b:s21+s12], $0x400, $0x38;
	[tilespmem:$0x1F380] =	vst v63  }
0x1f2: {  	s12 =	simm.s32 @p0 $0x3  }
0x1f3: {  	_ =	swait.ge @p0 [sflag:s12], $0x400  }
0x1f4: {  	s13 =	simm.s32 @!p0 $0x16380;
	[sflag:s12] =	ssyncset.done @p0 $0x0  }
0x1f5: {  	s21 =	rddreg [dreg:$0xc];
	[sflag:s12] =	ssyncadd.s32 @p0 $0xFFFFFC00;
	s12 =	simm.s32 @!p0 $0x0  }
0x1f6: {  	[tilespmem:s13], [sflag:$0x3] =	stream.linear.gather @!p0 [hbm4b:s21+s12], $0x400, $0x38;
	[tilespmem:$0x1F380] =	vst v63  }
0x1f7: {  	s12 =	simm.s32 @!p0 $0x3  }
0x1f8: {  	_ =	swait.ge @!p0 [sflag:s12], $0x400  }
0x1f9: {  	[sflag:s12] =	ssyncset.done @!p0 $0x0;
	s13 =	rddreg [dreg:$0xd]  }
0x1fa: {  	[sflag:s12] =	ssyncadd.s32 @!p0 $0xFFFFFC00;
	s12 =	rddreg [dreg:$0x7]  }
0x1fb: {  	s13 =	smov.u32 @p0 s12;
	s12 =	simm.s32 $0x0  }
0x1fc: {  	[tilespmem:s29], [sflag:$0x3] =	stream.linear.gather [hbm4b:s13+s12], $0x400, $0x38;
	[tilespmem:$0x1F380] =	vst v63  }
0x1fd: {  	_ =	swait.ge [sflag:s4], $0x400  }
0x1fe: {  	[sflag:s4] =	ssyncset.done $0x0  }
0x1ff: {  	s5 =	simm.s32 $0x16500;
	s21 =	simm.s32 $0x16380;
	[sflag:s4] =	ssyncadd.s32 $0xFFFFFC00  }
0x200: {  	[tilespmem:s8], [sflag:$0x1] =	stream.indirect.gather [hbm4b:s1+s6], $0x80, s21, s6, $0xb8;
	[tilespmem:$0x1F380] =	vst v63  }
.LBB2_4:
0x201: {  	s13 =	sadd.s32 s12, s17  }
0x202: {  	s13 =	sadd.s32 $0x80, s13  }
0x203: {  	[tilespmem:s9], [sflag:$0x3] =	stream.linear.gather [hbm4b:s13+s19], $0x400, $0x38;
	[tilespmem:$0x1F380] =	vst v63  }
0x204: {  	_ =	swait.ge [sflag:s4], $0x400  }
0x205: {  	s21 =	sadd.s32 s12, s16;
	[sflag:s4] =	ssyncset.done $0x0  }
0x206: {  	s13 =	sadd.s32 $0x80, s21;
	[sflag:s4] =	ssyncadd.s32 $0xFFFFFC00  }
0x207: {  	[tilespmem:s23], [sflag:$0x3] =	stream.linear.gather [hbm4b:s13+s19], $0x400, $0x38;
	[tilespmem:$0x1F380] =	vst v63  }
0x208: {  	_ =	swait.ge [sflag:s4], $0x400  }
0x209: {  	[sflag:s4] =	ssyncset.done $0x0  }
0x20a: {  	[sflag:s4] =	ssyncadd.s32 $0xFFFFFC00  }
0x20b: {  	[tilespmem:s26], [sflag:$0x2] =	stream.indirect.gather [hbm4b:s1+s6], $0x80, s22, s6, $0xb8;
	[tilespmem:$0x1F380] =	vst v63  }
0x20c: {  	v1 =	vld [tilespmem:$0x16780];
	_ =	sdelay $0x7  }
0x20d: {  	[tilespmem:v1+s10+$0x0] =	vst.idx.add.f32.msk $0xffff, v0  }
0x20e: {  	v1 =	vld [tilespmem:$0x16790];
	_ =	sdelay $0x7  }
0x20f: {  	[tilespmem:v1+s10+$0x0] =	vst.idx.add.f32.msk $0xffff, v0  }
0x210: {  	v1 =	vld [tilespmem:$0x167A0];
	_ =	sdelay $0x7  }
0x211: {  	[tilespmem:v1+s10+$0x0] =	vst.idx.add.f32.msk $0xffff, v0  }
0x212: {  	v1 =	vld [tilespmem:$0x167B0];
	_ =	sdelay $0x7  }
0x213: {  	[tilespmem:v1+s10+$0x0] =	vst.idx.add.f32.msk $0xffff, v0  }
0x214: {  	v1 =	vld [tilespmem:$0x167C0];
	_ =	sdelay $0x7  }
0x215: {  	[tilespmem:v1+s10+$0x0] =	vst.idx.add.f32.msk $0xffff, v0  }
0x216: {  	v1 =	vld [tilespmem:$0x167D0];
	_ =	sdelay $0x7  }
0x217: {  	[tilespmem:v1+s10+$0x0] =	vst.idx.add.f32.msk $0xffff, v0  }
0x218: {  	v1 =	vld [tilespmem:$0x167E0];
	_ =	sdelay $0x7  }
0x219: {  	[tilespmem:v1+s10+$0x0] =	vst.idx.add.f32.msk $0xffff, v0  }
0x21a: {  	v1 =	vld [tilespmem:$0x167F0];
	_ =	sdelay $0x7  }
0x21b: {  	[tilespmem:v1+s10+$0x0] =	vst.idx.add.f32.msk $0xffff, v0  }
0x21c: {  	_ =	swait.ge [sflag:s28], $0x4000  }
0x21d: {  	[sflag:s28] =	ssyncset.done $0x0  }
0x21e: {  	[sflag:s28] =	ssyncadd.s32 $0xFFFFC000  }
0x21f: {  	[spmem:s3] =	stream.indirect.scatter.add.f32 [tilespmem:s8], [sflag:$0x3], $0x80, s29, s6, $0xb8;
	[tilespmem:$0x1F380] =	vst v63  }
0x220: {  	_ =	swait.ge [sflag:s4], $0x4000  }
0x221: {  	[sflag:s4] =	ssyncset.done $0x0  }
0x222: {  	[sflag:s4] =	ssyncadd.s32 $0xFFFFC000  }
0x223: {  	[tilespmem:s8], [sflag:$0x1] =	stream.indirect.gather [hbm4b:s1+s6], $0x80, s24, s6, $0xb8;
	[tilespmem:$0x1F380] =	vst v63  }
0x224: {  	v1 =	vld [tilespmem:$0x16800];
	_ =	sdelay $0x7  }
0x225: {  	[tilespmem:v1+s10+$0x0] =	vst.idx.add.f32.msk $0xffff, v0  }
0x226: {  	v1 =	vld [tilespmem:$0x16810];
	_ =	sdelay $0x7  }
0x227: {  	[tilespmem:v1+s10+$0x0] =	vst.idx.add.f32.msk $0xffff, v0  }
0x228: {  	v1 =	vld [tilespmem:$0x16820];
	_ =	sdelay $0x7  }
0x229: {  	[tilespmem:v1+s10+$0x0] =	vst.idx.add.f32.msk $0xffff, v0  }
0x22a: {  	v1 =	vld [tilespmem:$0x16830];
	_ =	sdelay $0x7  }
0x22b: {  	[tilespmem:v1+s10+$0x0] =	vst.idx.add.f32.msk $0xffff, v0  }
0x22c: {  	v1 =	vld [tilespmem:$0x16840];
	_ =	sdelay $0x7  }
0x22d: {  	[tilespmem:v1+s10+$0x0] =	vst.idx.add.f32.msk $0xffff, v0  }
0x22e: {  	v1 =	vld [tilespmem:$0x16850];
	_ =	sdelay $0x7  }
0x22f: {  	[tilespmem:v1+s10+$0x0] =	vst.idx.add.f32.msk $0xffff, v0  }
0x230: {  	v1 =	vld [tilespmem:$0x16860];
	_ =	sdelay $0x7  }
0x231: {  	[tilespmem:v1+s10+$0x0] =	vst.idx.add.f32.msk $0xffff, v0  }
0x232: {  	v1 =	vld [tilespmem:$0x16870];
	_ =	sdelay $0x7  }
0x233: {  	[tilespmem:v1+s10+$0x0] =	vst.idx.add.f32.msk $0xffff, v0  }
0x234: {  	_ =	swait.ge [sflag:s30], $0x4000  }
0x235: {  	[sflag:s30] =	ssyncset.done $0x0  }
0x236: {  	[sflag:s30] =	ssyncadd.s32 $0xFFFFC000  }
0x237: {  	[spmem:s3] =	stream.indirect.scatter.add.f32 [tilespmem:s26], [sflag:$0x3], $0x80, s25, s6, $0xb8;
	[tilespmem:$0x1F380] =	vst v63  }
0x238: {  	_ =	swait.ge [sflag:s4], $0x4000  }
0x239: {  	[sflag:s4] =	ssyncset.done $0x0  }
0x23a: {  	[sflag:s4] =	ssyncadd.s32 $0xFFFFC000  }
0x23b: {  	[tilespmem:s26], [sflag:$0x2] =	stream.indirect.gather [hbm4b:s1+s6], $0x80, s5, s6, $0xb8;
	[tilespmem:$0x1F380] =	vst v63  }
0x23c: {  	v1 =	vld [tilespmem:$0x16880];
	_ =	sdelay $0x7  }
0x23d: {  	[tilespmem:v1+s10+$0x0] =	vst.idx.add.f32.msk $0xffff, v0  }
0x23e: {  	v1 =	vld [tilespmem:$0x16890];
	_ =	sdelay $0x7  }
0x23f: {  	[tilespmem:v1+s10+$0x0] =	vst.idx.add.f32.msk $0xffff, v0  }
0x240: {  	v1 =	vld [tilespmem:$0x168A0];
	_ =	sdelay $0x7  }
0x241: {  	[tilespmem:v1+s10+$0x0] =	vst.idx.add.f32.msk $0xffff, v0  }
0x242: {  	v1 =	vld [tilespmem:$0x168B0];
	_ =	sdelay $0x7  }
0x243: {  	[tilespmem:v1+s10+$0x0] =	vst.idx.add.f32.msk $0xffff, v0  }
0x244: {  	v1 =	vld [tilespmem:$0x168C0];
	_ =	sdelay $0x7  }
0x245: {  	[tilespmem:v1+s10+$0x0] =	vst.idx.add.f32.msk $0xffff, v0  }
0x246: {  	v1 =	vld [tilespmem:$0x168D0];
	_ =	sdelay $0x7  }
0x247: {  	[tilespmem:v1+s10+$0x0] =	vst.idx.add.f32.msk $0xffff, v0  }
0x248: {  	v1 =	vld [tilespmem:$0x168E0];
	_ =	sdelay $0x7  }
0x249: {  	[tilespmem:v1+s10+$0x0] =	vst.idx.add.f32.msk $0xffff, v0  }
0x24a: {  	v1 =	vld [tilespmem:$0x168F0];
	_ =	sdelay $0x7  }
0x24b: {  	[tilespmem:v1+s10+$0x0] =	vst.idx.add.f32.msk $0xffff, v0  }
0x24c: {  	_ =	swait.ge [sflag:s28], $0x4000  }
0x24d: {  	[sflag:s28] =	ssyncset.done $0x0  }
0x24e: {  	s25 =	simm.s32 $0x16880;
	[sflag:s28] =	ssyncadd.s32 $0xFFFFC000  }
0x24f: {  	[spmem:s3] =	stream.indirect.scatter.add.f32 [tilespmem:s8], [sflag:$0x3], $0x80, s25, s6, $0xb8;
	[tilespmem:$0x1F380] =	vst v63  }
0x250: {  	_ =	swait.ge [sflag:s4], $0x4000  }
0x251: {  	[sflag:s4] =	ssyncset.done $0x0  }
0x252: {  	s21 =	simm.s32 $0x16580;
	[sflag:s4] =	ssyncadd.s32 $0xFFFFC000  }
0x253: {  	[tilespmem:s8], [sflag:$0x1] =	stream.indirect.gather [hbm4b:s1+s6], $0x80, s21, s6, $0xb8;
	[tilespmem:$0x1F380] =	vst v63  }
0x254: {  	v1 =	vld [tilespmem:$0x16900];
	_ =	sdelay $0x7  }
0x255: {  	[tilespmem:v1+s10+$0x0] =	vst.idx.add.f32.msk $0xffff, v0  }
0x256: {  	v1 =	vld [tilespmem:$0x16910];
	_ =	sdelay $0x7  }
0x257: {  	[tilespmem:v1+s10+$0x0] =	vst.idx.add.f32.msk $0xffff, v0  }
0x258: {  	v1 =	vld [tilespmem:$0x16920];
	_ =	sdelay $0x7  }
0x259: {  	[tilespmem:v1+s10+$0x0] =	vst.idx.add.f32.msk $0xffff, v0  }
0x25a: {  	v1 =	vld [tilespmem:$0x16930];
	_ =	sdelay $0x7  }
0x25b: {  	[tilespmem:v1+s10+$0x0] =	vst.idx.add.f32.msk $0xffff, v0  }
0x25c: {  	v1 =	vld [tilespmem:$0x16940];
	_ =	sdelay $0x7  }
0x25d: {  	[tilespmem:v1+s10+$0x0] =	vst.idx.add.f32.msk $0xffff, v0  }
0x25e: {  	v1 =	vld [tilespmem:$0x16950];
	_ =	sdelay $0x7  }
0x25f: {  	[tilespmem:v1+s10+$0x0] =	vst.idx.add.f32.msk $0xffff, v0  }
0x260: {  	v1 =	vld [tilespmem:$0x16960];
	_ =	sdelay $0x7  }
0x261: {  	[tilespmem:v1+s10+$0x0] =	vst.idx.add.f32.msk $0xffff, v0  }
0x262: {  	v1 =	vld [tilespmem:$0x16970];
	_ =	sdelay $0x7  }
0x263: {  	[tilespmem:v1+s10+$0x0] =	vst.idx.add.f32.msk $0xffff, v0  }
0x264: {  	_ =	swait.ge [sflag:s30], $0x4000  }
0x265: {  	[sflag:s30] =	ssyncset.done $0x0  }
0x266: {  	s22 =	simm.s32 $0x16900;
	[sflag:s30] =	ssyncadd.s32 $0xFFFFC000  }
0x267: {  	[spmem:s3] =	stream.indirect.scatter.add.f32 [tilespmem:s26], [sflag:$0x3], $0x80, s22, s6, $0xb8;
	[tilespmem:$0x1F380] =	vst v63  }
0x268: {  	_ =	swait.ge [sflag:s4], $0x4000  }
0x269: {  	[sflag:s4] =	ssyncset.done $0x0  }
0x26a: {  	s24 =	simm.s32 $0x16600;
	[sflag:s4] =	ssyncadd.s32 $0xFFFFC000  }
0x26b: {  	[tilespmem:s26], [sflag:$0x2] =	stream.indirect.gather [hbm4b:s1+s6], $0x80, s24, s6, $0xb8;
	[tilespmem:$0x1F380] =	vst v63  }
0x26c: {  	v1 =	vld [tilespmem:$0x16980];
	_ =	sdelay $0x7  }
0x26d: {  	[tilespmem:v1+s10+$0x0] =	vst.idx.add.f32.msk $0xffff, v0  }
0x26e: {  	v1 =	vld [tilespmem:$0x16990];
	_ =	sdelay $0x7  }
0x26f: {  	[tilespmem:v1+s10+$0x0] =	vst.idx.add.f32.msk $0xffff, v0  }
0x270: {  	v1 =	vld [tilespmem:$0x169A0];
	_ =	sdelay $0x7  }
0x271: {  	[tilespmem:v1+s10+$0x0] =	vst.idx.add.f32.msk $0xffff, v0  }
0x272: {  	v1 =	vld [tilespmem:$0x169B0];
	_ =	sdelay $0x7  }
0x273: {  	[tilespmem:v1+s10+$0x0] =	vst.idx.add.f32.msk $0xffff, v0  }
0x274: {  	v1 =	vld [tilespmem:$0x169C0];
	_ =	sdelay $0x7  }
0x275: {  	[tilespmem:v1+s10+$0x0] =	vst.idx.add.f32.msk $0xffff, v0  }
0x276: {  	v1 =	vld [tilespmem:$0x169D0];
	_ =	sdelay $0x7  }
0x277: {  	[tilespmem:v1+s10+$0x0] =	vst.idx.add.f32.msk $0xffff, v0  }
0x278: {  	v1 =	vld [tilespmem:$0x169E0];
	_ =	sdelay $0x7  }
0x279: {  	[tilespmem:v1+s10+$0x0] =	vst.idx.add.f32.msk $0xffff, v0  }
0x27a: {  	v1 =	vld [tilespmem:$0x169F0];
	_ =	sdelay $0x7  }
0x27b: {  	[tilespmem:v1+s10+$0x0] =	vst.idx.add.f32.msk $0xffff, v0  }
0x27c: {  	_ =	swait.ge [sflag:s28], $0x4000  }
0x27d: {  	[sflag:s28] =	ssyncset.done $0x0  }
0x27e: {  	s25 =	simm.s32 $0x16980;
	[sflag:s28] =	ssyncadd.s32 $0xFFFFC000  }
0x27f: {  	[spmem:s3] =	stream.indirect.scatter.add.f32 [tilespmem:s8], [sflag:$0x3], $0x80, s25, s6, $0xb8;
	[tilespmem:$0x1F380] =	vst v63  }
0x280: {  	_ =	swait.ge [sflag:s4], $0x4000  }
0x281: {  	[sflag:s4] =	ssyncset.done $0x0  }
0x282: {  	s21 =	simm.s32 $0x16680;
	[sflag:s4] =	ssyncadd.s32 $0xFFFFC000  }
0x283: {  	[tilespmem:s8], [sflag:$0x1] =	stream.indirect.gather [hbm4b:s1+s6], $0x80, s21, s6, $0xb8;
	[tilespmem:$0x1F380] =	vst v63  }
0x284: {  	v1 =	vld [tilespmem:$0x16A00];
	_ =	sdelay $0x7  }
0x285: {  	[tilespmem:v1+s10+$0x0] =	vst.idx.add.f32.msk $0xffff, v0  }
0x286: {  	v1 =	vld [tilespmem:$0x16A10];
	_ =	sdelay $0x7  }
0x287: {  	[tilespmem:v1+s10+$0x0] =	vst.idx.add.f32.msk $0xffff, v0  }
0x288: {  	v1 =	vld [tilespmem:$0x16A20];
	_ =	sdelay $0x7  }
0x289: {  	[tilespmem:v1+s10+$0x0] =	vst.idx.add.f32.msk $0xffff, v0  }
0x28a: {  	v1 =	vld [tilespmem:$0x16A30];
	_ =	sdelay $0x7  }
0x28b: {  	[tilespmem:v1+s10+$0x0] =	vst.idx.add.f32.msk $0xffff, v0  }
0x28c: {  	v1 =	vld [tilespmem:$0x16A40];
	_ =	sdelay $0x7  }
0x28d: {  	[tilespmem:v1+s10+$0x0] =	vst.idx.add.f32.msk $0xffff, v0  }
0x28e: {  	v1 =	vld [tilespmem:$0x16A50];
	_ =	sdelay $0x7  }
0x28f: {  	[tilespmem:v1+s10+$0x0] =	vst.idx.add.f32.msk $0xffff, v0  }
0x290: {  	v1 =	vld [tilespmem:$0x16A60];
	_ =	sdelay $0x7  }
0x291: {  	[tilespmem:v1+s10+$0x0] =	vst.idx.add.f32.msk $0xffff, v0  }
0x292: {  	v1 =	vld [tilespmem:$0x16A70];
	_ =	sdelay $0x7  }
0x293: {  	[tilespmem:v1+s10+$0x0] =	vst.idx.add.f32.msk $0xffff, v0  }
0x294: {  	_ =	swait.ge [sflag:s30], $0x4000  }
0x295: {  	[sflag:s30] =	ssyncset.done $0x0  }
0x296: {  	s22 =	simm.s32 $0x16A00;
	[sflag:s30] =	ssyncadd.s32 $0xFFFFC000  }
0x297: {  	[spmem:s3] =	stream.indirect.scatter.add.f32 [tilespmem:s26], [sflag:$0x3], $0x80, s22, s6, $0xb8;
	[tilespmem:$0x1F380] =	vst v63  }
0x298: {  	_ =	swait.ge [sflag:s4], $0x4000  }
0x299: {  	[sflag:s4] =	ssyncset.done $0x0  }
0x29a: {  	s24 =	simm.s32 $0x16700;
	[sflag:s4] =	ssyncadd.s32 $0xFFFFC000  }
0x29b: {  	[tilespmem:s26], [sflag:$0x2] =	stream.indirect.gather [hbm4b:s1+s6], $0x80, s24, s6, $0xb8;
	[tilespmem:$0x1F380] =	vst v63  }
0x29c: {  	v1 =	vld [tilespmem:$0x16A80];
	_ =	sdelay $0x7  }
0x29d: {  	[tilespmem:v1+s10+$0x0] =	vst.idx.add.f32.msk $0xffff, v0  }
0x29e: {  	v1 =	vld [tilespmem:$0x16A90];
	_ =	sdelay $0x7  }
0x29f: {  	[tilespmem:v1+s10+$0x0] =	vst.idx.add.f32.msk $0xffff, v0  }
0x2a0: {  	v1 =	vld [tilespmem:$0x16AA0];
	_ =	sdelay $0x7  }
0x2a1: {  	[tilespmem:v1+s10+$0x0] =	vst.idx.add.f32.msk $0xffff, v0  }
0x2a2: {  	v1 =	vld [tilespmem:$0x16AB0];
	_ =	sdelay $0x7  }
0x2a3: {  	[tilespmem:v1+s10+$0x0] =	vst.idx.add.f32.msk $0xffff, v0  }
0x2a4: {  	v1 =	vld [tilespmem:$0x16AC0];
	_ =	sdelay $0x7  }
0x2a5: {  	[tilespmem:v1+s10+$0x0] =	vst.idx.add.f32.msk $0xffff, v0  }
0x2a6: {  	v1 =	vld [tilespmem:$0x16AD0];
	_ =	sdelay $0x7  }
0x2a7: {  	[tilespmem:v1+s10+$0x0] =	vst.idx.add.f32.msk $0xffff, v0  }
0x2a8: {  	v1 =	vld [tilespmem:$0x16AE0];
	_ =	sdelay $0x7  }
0x2a9: {  	[tilespmem:v1+s10+$0x0] =	vst.idx.add.f32.msk $0xffff, v0  }
0x2aa: {  	v1 =	vld [tilespmem:$0x16AF0];
	_ =	sdelay $0x7  }
0x2ab: {  	[tilespmem:v1+s10+$0x0] =	vst.idx.add.f32.msk $0xffff, v0  }
0x2ac: {  	_ =	swait.ge [sflag:s28], $0x4000  }
0x2ad: {  	[sflag:s28] =	ssyncset.done $0x0  }
0x2ae: {  	s25 =	simm.s32 $0x16A80;
	[sflag:s28] =	ssyncadd.s32 $0xFFFFC000  }
0x2af: {  	[spmem:s3] =	stream.indirect.scatter.add.f32 [tilespmem:s8], [sflag:$0x3], $0x80, s25, s6, $0xb8;
	[tilespmem:$0x1F380] =	vst v63  }
0x2b0: {  	_ =	swait.ge [sflag:s4], $0x4000  }
0x2b1: {  	[sflag:s4] =	ssyncset.done $0x0  }
0x2b2: {  	[sflag:s4] =	ssyncadd.s32 $0xFFFFC000  }
0x2b3: {  	[tilespmem:s8], [sflag:$0x1] =	stream.indirect.gather [hbm4b:s1+s6], $0x80, s9, s6, $0xb8;
	[tilespmem:$0x1F380] =	vst v63  }
0x2b4: {  	v1 =	vld [tilespmem:$0x16B00];
	_ =	sdelay $0x7  }
0x2b5: {  	[tilespmem:v1+s10+$0x0] =	vst.idx.add.f32.msk $0xffff, v0  }
0x2b6: {  	v1 =	vld [tilespmem:$0x16B10];
	_ =	sdelay $0x7  }
0x2b7: {  	[tilespmem:v1+s10+$0x0] =	vst.idx.add.f32.msk $0xffff, v0  }
0x2b8: {  	v1 =	vld [tilespmem:$0x16B20];
	_ =	sdelay $0x7  }
0x2b9: {  	[tilespmem:v1+s10+$0x0] =	vst.idx.add.f32.msk $0xffff, v0  }
0x2ba: {  	v1 =	vld [tilespmem:$0x16B30];
	_ =	sdelay $0x7  }
0x2bb: {  	[tilespmem:v1+s10+$0x0] =	vst.idx.add.f32.msk $0xffff, v0  }
0x2bc: {  	v1 =	vld [tilespmem:$0x16B40];
	_ =	sdelay $0x7  }
0x2bd: {  	[tilespmem:v1+s10+$0x0] =	vst.idx.add.f32.msk $0xffff, v0  }
0x2be: {  	v1 =	vld [tilespmem:$0x16B50];
	_ =	sdelay $0x7  }
0x2bf: {  	[tilespmem:v1+s10+$0x0] =	vst.idx.add.f32.msk $0xffff, v0  }
0x2c0: {  	v1 =	vld [tilespmem:$0x16B60];
	_ =	sdelay $0x7  }
0x2c1: {  	[tilespmem:v1+s10+$0x0] =	vst.idx.add.f32.msk $0xffff, v0  }
0x2c2: {  	v1 =	vld [tilespmem:$0x16B70];
	_ =	sdelay $0x7  }
0x2c3: {  	[tilespmem:v1+s10+$0x0] =	vst.idx.add.f32.msk $0xffff, v0  }
0x2c4: {  	_ =	swait.ge [sflag:s30], $0x4000  }
0x2c5: {  	[sflag:s30] =	ssyncset.done $0x0  }
0x2c6: {  	s21 =	simm.s32 $0x16B00;
	[sflag:s30] =	ssyncadd.s32 $0xFFFFC000  }
0x2c7: {  	[spmem:s3] =	stream.indirect.scatter.add.f32 [tilespmem:s26], [sflag:$0x3], $0x80, s21, s6, $0xb8;
	[tilespmem:$0x1F380] =	vst v63  }
0x2c8: {  	p1 =	seq.s32 s12, $0x400;
	_ =	swait.ge [sflag:s4], $0x4000  }
0x2c9: {  	s13 =	sadd.s32 @!p1 s12, s17;
	s22 =	simm.s32 @!p1 $0x0;
	[sflag:s4] =	ssyncset.done $0x0  }
0x2ca: {  	s21 =	sadd.s32 @!p1 $0x100, s13;
	s13 =	simm.s32 @!p1 $0x16380;
	[sflag:s4] =	ssyncadd.s32 $0xFFFFC000  }
0x2cb: {  	[tilespmem:s13], [sflag:$0x3] =	stream.linear.gather @!p1 [hbm4b:s21+s22], $0x400, $0x38;
	[tilespmem:$0x1F380] =	vst v63  }
0x2cc: {  	s21 =	simm.s32 @!p1 $0x3  }
0x2cd: {  	_ =	swait.ge @!p1 [sflag:s21], $0x400  }
0x2ce: {  	s24 =	sadd.s32 @!p1 s12, s16;
	[sflag:s21] =	ssyncset.done @!p1 $0x0  }
0x2cf: {  	s24 =	sadd.s32 @!p1 $0x100, s24;
	s25 =	simm.s32 @!p1 $0x16780;
	[sflag:s21] =	ssyncadd.s32 @!p1 $0xFFFFFC00  }
0x2d0: {  	[tilespmem:s25], [sflag:$0x3] =	stream.linear.gather @!p1 [hbm4b:s24+s22], $0x400, $0x38;
	[tilespmem:$0x1F380] =	vst v63  }
0x2d1: {  	_ =	swait.ge @!p1 [sflag:s21], $0x400  }
0x2d2: {  	[sflag:s21] =	ssyncset.done @!p1 $0x0  }
0x2d3: {  	s22 =	simm.s32 $0x16C00;
	[sflag:s21] =	ssyncadd.s32 @!p1 $0xFFFFFC00  }
0x2d4: {  	[tilespmem:s26], [sflag:$0x2] =	stream.indirect.gather [hbm4b:s1+s6], $0x80, s22, s6, $0xb8;
	[tilespmem:$0x1F380] =	vst v63  }
0x2d5: {  	v1 =	vld [tilespmem:$0x16F80];
	_ =	sdelay $0x7  }
0x2d6: {  	[tilespmem:v1+s10+$0x0] =	vst.idx.add.f32.msk $0xffff, v0  }
0x2d7: {  	v1 =	vld [tilespmem:$0x16F90];
	_ =	sdelay $0x7  }
0x2d8: {  	[tilespmem:v1+s10+$0x0] =	vst.idx.add.f32.msk $0xffff, v0  }
0x2d9: {  	v1 =	vld [tilespmem:$0x16FA0];
	_ =	sdelay $0x7  }
0x2da: {  	[tilespmem:v1+s10+$0x0] =	vst.idx.add.f32.msk $0xffff, v0  }
0x2db: {  	v1 =	vld [tilespmem:$0x16FB0];
	_ =	sdelay $0x7  }
0x2dc: {  	[tilespmem:v1+s10+$0x0] =	vst.idx.add.f32.msk $0xffff, v0  }
0x2dd: {  	v1 =	vld [tilespmem:$0x16FC0];
	_ =	sdelay $0x7  }
0x2de: {  	[tilespmem:v1+s10+$0x0] =	vst.idx.add.f32.msk $0xffff, v0  }
0x2df: {  	v1 =	vld [tilespmem:$0x16FD0];
	_ =	sdelay $0x7  }
0x2e0: {  	[tilespmem:v1+s10+$0x0] =	vst.idx.add.f32.msk $0xffff, v0  }
0x2e1: {  	v1 =	vld [tilespmem:$0x16FE0];
	_ =	sdelay $0x7  }
0x2e2: {  	[tilespmem:v1+s10+$0x0] =	vst.idx.add.f32.msk $0xffff, v0  }
0x2e3: {  	v1 =	vld [tilespmem:$0x16FF0];
	_ =	sdelay $0x7  }
0x2e4: {  	[tilespmem:v1+s10+$0x0] =	vst.idx.add.f32.msk $0xffff, v0  }
0x2e5: {  	_ =	swait.ge [sflag:s28], $0x4000  }
0x2e6: {  	[sflag:s28] =	ssyncset.done $0x0  }
0x2e7: {  	[sflag:s28] =	ssyncadd.s32 $0xFFFFC000  }
0x2e8: {  	[spmem:s3] =	stream.indirect.scatter.add.f32 [tilespmem:s8], [sflag:$0x3], $0x80, s23, s6, $0xb8;
	[tilespmem:$0x1F380] =	vst v63  }
0x2e9: {  	_ =	swait.ge [sflag:s4], $0x4000  }
0x2ea: {  	[sflag:s4] =	ssyncset.done $0x0  }
0x2eb: {  	s22 =	simm.s32 $0x16C80;
	[sflag:s4] =	ssyncadd.s32 $0xFFFFC000  }
0x2ec: {  	[tilespmem:s8], [sflag:$0x1] =	stream.indirect.gather [hbm4b:s1+s6], $0x80, s22, s6, $0xb8;
	[tilespmem:$0x1F380] =	vst v63  }
0x2ed: {  	v1 =	vld [tilespmem:$0x17000];
	_ =	sdelay $0x7  }
0x2ee: {  	[tilespmem:v1+s10+$0x0] =	vst.idx.add.f32.msk $0xffff, v0  }
0x2ef: {  	v1 =	vld [tilespmem:$0x17010];
	_ =	sdelay $0x7  }
0x2f0: {  	[tilespmem:v1+s10+$0x0] =	vst.idx.add.f32.msk $0xffff, v0  }
0x2f1: {  	v1 =	vld [tilespmem:$0x17020];
	_ =	sdelay $0x7  }
0x2f2: {  	[tilespmem:v1+s10+$0x0] =	vst.idx.add.f32.msk $0xffff, v0  }
0x2f3: {  	v1 =	vld [tilespmem:$0x17030];
	_ =	sdelay $0x7  }
0x2f4: {  	[tilespmem:v1+s10+$0x0] =	vst.idx.add.f32.msk $0xffff, v0  }
0x2f5: {  	v1 =	vld [tilespmem:$0x17040];
	_ =	sdelay $0x7  }
0x2f6: {  	[tilespmem:v1+s10+$0x0] =	vst.idx.add.f32.msk $0xffff, v0  }
0x2f7: {  	v1 =	vld [tilespmem:$0x17050];
	_ =	sdelay $0x7  }
0x2f8: {  	[tilespmem:v1+s10+$0x0] =	vst.idx.add.f32.msk $0xffff, v0  }
0x2f9: {  	v1 =	vld [tilespmem:$0x17060];
	_ =	sdelay $0x7  }
0x2fa: {  	[tilespmem:v1+s10+$0x0] =	vst.idx.add.f32.msk $0xffff, v0  }
0x2fb: {  	v1 =	vld [tilespmem:$0x17070];
	_ =	sdelay $0x7  }
0x2fc: {  	[tilespmem:v1+s10+$0x0] =	vst.idx.add.f32.msk $0xffff, v0  }
0x2fd: {  	_ =	swait.ge [sflag:s30], $0x4000  }
0x2fe: {  	[sflag:s30] =	ssyncset.done $0x0  }
0x2ff: {  	s22 =	simm.s32 $0x17000;
	[sflag:s30] =	ssyncadd.s32 $0xFFFFC000  }
0x300: {  	[spmem:s3] =	stream.indirect.scatter.add.f32 [tilespmem:s26], [sflag:$0x3], $0x80, s22, s6, $0xb8;
	[tilespmem:$0x1F380] =	vst v63  }
0x301: {  	_ =	swait.ge [sflag:s4], $0x4000  }
0x302: {  	[sflag:s4] =	ssyncset.done $0x0  }
0x303: {  	s22 =	simm.s32 $0x16D00;
	[sflag:s4] =	ssyncadd.s32 $0xFFFFC000  }
0x304: {  	[tilespmem:s26], [sflag:$0x2] =	stream.indirect.gather [hbm4b:s1+s6], $0x80, s22, s6, $0xb8;
	[tilespmem:$0x1F380] =	vst v63  }
0x305: {  	v1 =	vld [tilespmem:$0x17080];
	_ =	sdelay $0x7  }
0x306: {  	[tilespmem:v1+s10+$0x0] =	vst.idx.add.f32.msk $0xffff, v0  }
0x307: {  	v1 =	vld [tilespmem:$0x17090];
	_ =	sdelay $0x7  }
0x308: {  	[tilespmem:v1+s10+$0x0] =	vst.idx.add.f32.msk $0xffff, v0  }
0x309: {  	v1 =	vld [tilespmem:$0x170A0];
	_ =	sdelay $0x7  }
0x30a: {  	[tilespmem:v1+s10+$0x0] =	vst.idx.add.f32.msk $0xffff, v0  }
0x30b: {  	v1 =	vld [tilespmem:$0x170B0];
	_ =	sdelay $0x7  }
0x30c: {  	[tilespmem:v1+s10+$0x0] =	vst.idx.add.f32.msk $0xffff, v0  }
0x30d: {  	v1 =	vld [tilespmem:$0x170C0];
	_ =	sdelay $0x7  }
0x30e: {  	[tilespmem:v1+s10+$0x0] =	vst.idx.add.f32.msk $0xffff, v0  }
0x30f: {  	v1 =	vld [tilespmem:$0x170D0];
	_ =	sdelay $0x7  }
0x310: {  	[tilespmem:v1+s10+$0x0] =	vst.idx.add.f32.msk $0xffff, v0  }
0x311: {  	v1 =	vld [tilespmem:$0x170E0];
	_ =	sdelay $0x7  }
0x312: {  	[tilespmem:v1+s10+$0x0] =	vst.idx.add.f32.msk $0xffff, v0  }
0x313: {  	v1 =	vld [tilespmem:$0x170F0];
	_ =	sdelay $0x7  }
0x314: {  	[tilespmem:v1+s10+$0x0] =	vst.idx.add.f32.msk $0xffff, v0  }
0x315: {  	_ =	swait.ge [sflag:s28], $0x4000  }
0x316: {  	[sflag:s28] =	ssyncset.done $0x0  }
0x317: {  	s22 =	simm.s32 $0x17080;
	[sflag:s28] =	ssyncadd.s32 $0xFFFFC000  }
0x318: {  	[spmem:s3] =	stream.indirect.scatter.add.f32 [tilespmem:s8], [sflag:$0x3], $0x80, s22, s6, $0xb8;
	[tilespmem:$0x1F380] =	vst v63  }
0x319: {  	_ =	swait.ge [sflag:s4], $0x4000  }
0x31a: {  	[sflag:s4] =	ssyncset.done $0x0  }
0x31b: {  	s22 =	simm.s32 $0x16D80;
	[sflag:s4] =	ssyncadd.s32 $0xFFFFC000  }
0x31c: {  	[tilespmem:s8], [sflag:$0x1] =	stream.indirect.gather [hbm4b:s1+s6], $0x80, s22, s6, $0xb8;
	[tilespmem:$0x1F380] =	vst v63  }
0x31d: {  	v1 =	vld [tilespmem:$0x17100];
	_ =	sdelay $0x7  }
0x31e: {  	[tilespmem:v1+s10+$0x0] =	vst.idx.add.f32.msk $0xffff, v0  }
0x31f: {  	v1 =	vld [tilespmem:$0x17110];
	_ =	sdelay $0x7  }
0x320: {  	[tilespmem:v1+s10+$0x0] =	vst.idx.add.f32.msk $0xffff, v0  }
0x321: {  	v1 =	vld [tilespmem:$0x17120];
	_ =	sdelay $0x7  }
0x322: {  	[tilespmem:v1+s10+$0x0] =	vst.idx.add.f32.msk $0xffff, v0  }
0x323: {  	v1 =	vld [tilespmem:$0x17130];
	_ =	sdelay $0x7  }
0x324: {  	[tilespmem:v1+s10+$0x0] =	vst.idx.add.f32.msk $0xffff, v0  }
0x325: {  	v1 =	vld [tilespmem:$0x17140];
	_ =	sdelay $0x7  }
0x326: {  	[tilespmem:v1+s10+$0x0] =	vst.idx.add.f32.msk $0xffff, v0  }
0x327: {  	v1 =	vld [tilespmem:$0x17150];
	_ =	sdelay $0x7  }
0x328: {  	[tilespmem:v1+s10+$0x0] =	vst.idx.add.f32.msk $0xffff, v0  }
0x329: {  	v1 =	vld [tilespmem:$0x17160];
	_ =	sdelay $0x7  }
0x32a: {  	[tilespmem:v1+s10+$0x0] =	vst.idx.add.f32.msk $0xffff, v0  }
0x32b: {  	v1 =	vld [tilespmem:$0x17170];
	_ =	sdelay $0x7  }
0x32c: {  	[tilespmem:v1+s10+$0x0] =	vst.idx.add.f32.msk $0xffff, v0  }
0x32d: {  	_ =	swait.ge [sflag:s30], $0x4000  }
0x32e: {  	[sflag:s30] =	ssyncset.done $0x0  }
0x32f: {  	s22 =	simm.s32 $0x17100;
	[sflag:s30] =	ssyncadd.s32 $0xFFFFC000  }
0x330: {  	[spmem:s3] =	stream.indirect.scatter.add.f32 [tilespmem:s26], [sflag:$0x3], $0x80, s22, s6, $0xb8;
	[tilespmem:$0x1F380] =	vst v63  }
0x331: {  	_ =	swait.ge [sflag:s4], $0x4000  }
0x332: {  	[sflag:s4] =	ssyncset.done $0x0  }
0x333: {  	s22 =	simm.s32 $0x16E00;
	[sflag:s4] =	ssyncadd.s32 $0xFFFFC000  }
0x334: {  	[tilespmem:s26], [sflag:$0x2] =	stream.indirect.gather [hbm4b:s1+s6], $0x80, s22, s6, $0xb8;
	[tilespmem:$0x1F380] =	vst v63  }
0x335: {  	v1 =	vld [tilespmem:$0x17180];
	_ =	sdelay $0x7  }
0x336: {  	[tilespmem:v1+s10+$0x0] =	vst.idx.add.f32.msk $0xffff, v0  }
0x337: {  	v1 =	vld [tilespmem:$0x17190];
	_ =	sdelay $0x7  }
0x338: {  	[tilespmem:v1+s10+$0x0] =	vst.idx.add.f32.msk $0xffff, v0  }
0x339: {  	v1 =	vld [tilespmem:$0x171A0];
	_ =	sdelay $0x7  }
0x33a: {  	[tilespmem:v1+s10+$0x0] =	vst.idx.add.f32.msk $0xffff, v0  }
0x33b: {  	v1 =	vld [tilespmem:$0x171B0];
	_ =	sdelay $0x7  }
0x33c: {  	[tilespmem:v1+s10+$0x0] =	vst.idx.add.f32.msk $0xffff, v0  }
0x33d: {  	v1 =	vld [tilespmem:$0x171C0];
	_ =	sdelay $0x7  }
0x33e: {  	[tilespmem:v1+s10+$0x0] =	vst.idx.add.f32.msk $0xffff, v0  }
0x33f: {  	v1 =	vld [tilespmem:$0x171D0];
	_ =	sdelay $0x7  }
0x340: {  	[tilespmem:v1+s10+$0x0] =	vst.idx.add.f32.msk $0xffff, v0  }
0x341: {  	v1 =	vld [tilespmem:$0x171E0];
	_ =	sdelay $0x7  }
0x342: {  	[tilespmem:v1+s10+$0x0] =	vst.idx.add.f32.msk $0xffff, v0  }
0x343: {  	v1 =	vld [tilespmem:$0x171F0];
	_ =	sdelay $0x7  }
0x344: {  	[tilespmem:v1+s10+$0x0] =	vst.idx.add.f32.msk $0xffff, v0  }
0x345: {  	_ =	swait.ge [sflag:s28], $0x4000  }
0x346: {  	[sflag:s28] =	ssyncset.done $0x0  }
0x347: {  	s22 =	simm.s32 $0x17180;
	[sflag:s28] =	ssyncadd.s32 $0xFFFFC000  }
0x348: {  	[spmem:s3] =	stream.indirect.scatter.add.f32 [tilespmem:s8], [sflag:$0x3], $0x80, s22, s6, $0xb8;
	[tilespmem:$0x1F380] =	vst v63  }
0x349: {  	_ =	swait.ge [sflag:s4], $0x4000  }
0x34a: {  	[sflag:s4] =	ssyncset.done $0x0  }
0x34b: {  	s22 =	simm.s32 $0x16E80;
	[sflag:s4] =	ssyncadd.s32 $0xFFFFC000  }
0x34c: {  	[tilespmem:s8], [sflag:$0x1] =	stream.indirect.gather [hbm4b:s1+s6], $0x80, s22, s6, $0xb8;
	[tilespmem:$0x1F380] =	vst v63  }
0x34d: {  	v1 =	vld [tilespmem:$0x17200];
	_ =	sdelay $0x7  }
0x34e: {  	[tilespmem:v1+s10+$0x0] =	vst.idx.add.f32.msk $0xffff, v0  }
0x34f: {  	v1 =	vld [tilespmem:$0x17210];
	_ =	sdelay $0x7  }
0x350: {  	[tilespmem:v1+s10+$0x0] =	vst.idx.add.f32.msk $0xffff, v0  }
0x351: {  	v1 =	vld [tilespmem:$0x17220];
	_ =	sdelay $0x7  }
0x352: {  	[tilespmem:v1+s10+$0x0] =	vst.idx.add.f32.msk $0xffff, v0  }
0x353: {  	v1 =	vld [tilespmem:$0x17230];
	_ =	sdelay $0x7  }
0x354: {  	[tilespmem:v1+s10+$0x0] =	vst.idx.add.f32.msk $0xffff, v0  }
0x355: {  	v1 =	vld [tilespmem:$0x17240];
	_ =	sdelay $0x7  }
0x356: {  	[tilespmem:v1+s10+$0x0] =	vst.idx.add.f32.msk $0xffff, v0  }
0x357: {  	v1 =	vld [tilespmem:$0x17250];
	_ =	sdelay $0x7  }
0x358: {  	[tilespmem:v1+s10+$0x0] =	vst.idx.add.f32.msk $0xffff, v0  }
0x359: {  	v1 =	vld [tilespmem:$0x17260];
	_ =	sdelay $0x7  }
0x35a: {  	[tilespmem:v1+s10+$0x0] =	vst.idx.add.f32.msk $0xffff, v0  }
0x35b: {  	v1 =	vld [tilespmem:$0x17270];
	_ =	sdelay $0x7  }
0x35c: {  	[tilespmem:v1+s10+$0x0] =	vst.idx.add.f32.msk $0xffff, v0  }
0x35d: {  	_ =	swait.ge [sflag:s30], $0x4000  }
0x35e: {  	[sflag:s30] =	ssyncset.done $0x0  }
0x35f: {  	[sflag:s30] =	ssyncadd.s32 $0xFFFFC000  }
0x360: {  	[spmem:s3] =	stream.indirect.scatter.add.f32 [tilespmem:s26], [sflag:$0x3], $0x80, s31, s6, $0xb8;
	[tilespmem:$0x1F380] =	vst v63  }
0x361: {  	_ =	swait.ge [sflag:s4], $0x4000  }
0x362: {  	[sflag:s4] =	ssyncset.done $0x0  }
0x363: {  	[sflag:s4] =	ssyncadd.s32 $0xFFFFC000  }
0x364: {  	[tilespmem:s26], [sflag:$0x2] =	stream.indirect.gather [hbm4b:s1+s6], $0x80, s0, s6, $0xb8;
	[tilespmem:$0x1F380] =	vst v63  }
0x365: {  	v1 =	vld [tilespmem:$0x17280];
	_ =	sdelay $0x7  }
0x366: {  	[tilespmem:v1+s10+$0x0] =	vst.idx.add.f32.msk $0xffff, v0  }
0x367: {  	v1 =	vld [tilespmem:$0x17290];
	_ =	sdelay $0x7  }
0x368: {  	[tilespmem:v1+s10+$0x0] =	vst.idx.add.f32.msk $0xffff, v0  }
0x369: {  	v1 =	vld [tilespmem:$0x172A0];
	_ =	sdelay $0x7  }
0x36a: {  	[tilespmem:v1+s10+$0x0] =	vst.idx.add.f32.msk $0xffff, v0  }
0x36b: {  	v1 =	vld [tilespmem:$0x172B0];
	_ =	sdelay $0x7  }
0x36c: {  	[tilespmem:v1+s10+$0x0] =	vst.idx.add.f32.msk $0xffff, v0  }
0x36d: {  	v1 =	vld [tilespmem:$0x172C0];
	_ =	sdelay $0x7  }
0x36e: {  	[tilespmem:v1+s10+$0x0] =	vst.idx.add.f32.msk $0xffff, v0  }
0x36f: {  	v1 =	vld [tilespmem:$0x172D0];
	_ =	sdelay $0x7  }
0x370: {  	[tilespmem:v1+s10+$0x0] =	vst.idx.add.f32.msk $0xffff, v0  }
0x371: {  	v1 =	vld [tilespmem:$0x172E0];
	_ =	sdelay $0x7  }
0x372: {  	[tilespmem:v1+s10+$0x0] =	vst.idx.add.f32.msk $0xffff, v0  }
0x373: {  	v1 =	vld [tilespmem:$0x172F0];
	_ =	sdelay $0x7  }
0x374: {  	[tilespmem:v1+s10+$0x0] =	vst.idx.add.f32.msk $0xffff, v0  }
0x375: {  	_ =	swait.ge [sflag:s28], $0x4000  }
0x376: {  	[sflag:s28] =	ssyncset.done $0x0  }
0x377: {  	[sflag:s28] =	ssyncadd.s32 $0xFFFFC000  }
0x378: {  	[spmem:s3] =	stream.indirect.scatter.add.f32 [tilespmem:s8], [sflag:$0x3], $0x80, s11, s6, $0xb8;
	[tilespmem:$0x1F380] =	vst v63  }
0x379: {  	_ =	swait.ge [sflag:s4], $0x4000  }
0x37a: {  	[sflag:s4] =	ssyncset.done $0x0  }
0x37b: {  	s21 =	simm.s32 @!p1 $0x80;
	s22 =	simm.s32 @!p1 $0x17380;
	[sflag:s4] =	ssyncadd.s32 $0xFFFFC000  }
0x37c: {  	[tilespmem:s22], [sflag:$0x1] =	stream.indirect.gather @!p1 [hbm4b:s1+s21], $0x80, s13, s21, $0xb8;
	[tilespmem:$0x1F380] =	vst v63  }
0x37d: {  	v1 =	vld [tilespmem:$0x17300];
	_ =	sdelay $0x7  }
0x37e: {  	[tilespmem:v1+s10+$0x0] =	vst.idx.add.f32.msk $0xffff, v0  }
0x37f: {  	v1 =	vld [tilespmem:$0x17310];
	_ =	sdelay $0x7  }
0x380: {  	[tilespmem:v1+s10+$0x0] =	vst.idx.add.f32.msk $0xffff, v0  }
0x381: {  	v1 =	vld [tilespmem:$0x17320];
	_ =	sdelay $0x7  }
0x382: {  	[tilespmem:v1+s10+$0x0] =	vst.idx.add.f32.msk $0xffff, v0  }
0x383: {  	v1 =	vld [tilespmem:$0x17330];
	_ =	sdelay $0x7  }
0x384: {  	[tilespmem:v1+s10+$0x0] =	vst.idx.add.f32.msk $0xffff, v0  }
0x385: {  	v1 =	vld [tilespmem:$0x17340];
	_ =	sdelay $0x7  }
0x386: {  	[tilespmem:v1+s10+$0x0] =	vst.idx.add.f32.msk $0xffff, v0  }
0x387: {  	v1 =	vld [tilespmem:$0x17350];
	_ =	sdelay $0x7  }
0x388: {  	[tilespmem:v1+s10+$0x0] =	vst.idx.add.f32.msk $0xffff, v0  }
0x389: {  	v1 =	vld [tilespmem:$0x17360];
	_ =	sdelay $0x7  }
0x38a: {  	[tilespmem:v1+s10+$0x0] =	vst.idx.add.f32.msk $0xffff, v0  }
0x38b: {  	v1 =	vld [tilespmem:$0x17370];
	_ =	sdelay $0x7  }
0x38c: {  	[tilespmem:v1+s10+$0x0] =	vst.idx.add.f32.msk $0xffff, v0  }
0x38d: {  	s12 =	sadd.s32 $0x100, s12;
	_ =	swait.ge [sflag:s30], $0x4000  }
0x38e: {  	p1 =	sne.s32 s12, $0x500;
	[sflag:s30] =	ssyncset.done $0x0  }
.Ltmp1:
0x38f: {  	[sflag:s30] =	ssyncadd.s32 $0xFFFFC000;
	(pc) =	sbr.rel @p1 .LBB2_4-.Ltmp1, $4  }
0x390: {  	[spmem:s3] =	stream.indirect.scatter.add.f32 [tilespmem:s26], [sflag:$0x3], $0x80, s7, s6, $0xb8;
	[tilespmem:$0x1F380] =	vst v63  }
0x391: {  	_ =	swait.ge [sflag:s4], $0x4000  }
0x392: {  	s25 =	simm.s32 $0x16800;
	[sflag:s4] =	ssyncset.done $0x0  }
0x393: {  	s24 =	simm.s32 $0x16480;
	s22 =	simm.s32 $0x16400;
	[sflag:s4] =	ssyncadd.s32 $0xFFFFC000  }
0x394: {  	[bflag:$0x0] =	sbarrier.arrive $0xFFFF  }
0x395: {  	s13 =	rddreg [dreg:$0x11]  }
0x396: {  	s12 =	rddreg [dreg:$0x13]  }
0x397: {  	s5 =	rddreg [dreg:$0x1a]  }
0x398: {  	[hbm:s12], [sflag:s13] =	dma.local [spmem:s5], $0x2780  }
0x399: {  	_ =	swait.ge [sflag:s4], $0x2780  }
0x39a: {  	[sflag:s4] =	ssyncset.done $0x0  }
0x39b: {  	s21 =	simm.s32 $0x400;
	s12 =	rddreg [dreg:$0x16];
	[sflag:s4] =	ssyncadd.s32 $0xFFFFD880  }
0x39c: {  	[hbm4b:s12+s6] =	stream.strided.scatter [tilespmem:s10], [sflag:$0x3], $0x2780, s21, s6, $0x38;
	[tilespmem:$0x1F380] =	vst v63  }
0x39d: {  	_ =	swait.ge [sflag:s4], $0x2780  }
0x39e: {  	[sflag:s4] =	ssyncset.done $0x0  }
0x39f: {  	[sflag:s4] =	ssyncadd.s32 $0xFFFFD880  }
0x3a0: {  	[bflag:$0x0] =	sbarrier.arrive $0xFFFF  }
0x3a1: {  	s21 =	rddreg [dreg:$0xe]  }
0x3a2: {  	[spmem:s5], [sflag:s13] =	dma.local [hbm:s21], $0x2780  }
0x3a3: {  	_ =	swait.ge [sflag:s4], $0x2780  }
0x3a4: {  	[sflag:s4] =	ssyncset.done $0x0  }
0x3a5: {  	s13 =	rddreg [dreg:$0xf];
	[sflag:s4] =	ssyncadd.s32 $0xFFFFD880  }
0x3a6: {  	[tilespmem:s10], [sflag:$0x3] =	stream.linear.gather [hbm4b:s13+s19], $0x2780, $0x38;
	[tilespmem:$0x1F380] =	vst v63  }
0x3a7: {  	_ =	swait.ge [sflag:s4], $0x2780  }
0x3a8: {  	[sflag:s4] =	ssyncset.done $0x0  }
0x3a9: {  	[sflag:s4] =	ssyncadd.s32 $0xFFFFD880  }
0x3aa: {  	[bflag:$0x0] =	sbarrier.arrive $0xFFFF  }
0x3ab: {  	s12 =	simm.s32 @p0 $0x0;
	s13 =	simm.s32 @p0 $0x16380;
	s21 =	rddreg [dreg:$0x8]  }
0x3ac: {  	[tilespmem:s13], [sflag:$0x3] =	stream.linear.gather @p0 [hbm4b:s21+s12], $0x400, $0x38;
	[tilespmem:$0x1F380] =	vst v63  }
0x3ad: {  	s12 =	simm.s32 @p0 $0x3  }
0x3ae: {  	_ =	swait.ge @p0 [sflag:s12], $0x400  }
0x3af: {  	s13 =	simm.s32 @!p0 $0x16380;
	[sflag:s12] =	ssyncset.done @p0 $0x0  }
0x3b0: {  	s21 =	rddreg [dreg:$0xd];
	[sflag:s12] =	ssyncadd.s32 @p0 $0xFFFFFC00;
	s12 =	simm.s32 @!p0 $0x0  }
0x3b1: {  	[tilespmem:s13], [sflag:$0x3] =	stream.linear.gather @!p0 [hbm4b:s21+s12], $0x400, $0x38;
	[tilespmem:$0x1F380] =	vst v63  }
0x3b2: {  	s12 =	simm.s32 @!p0 $0x3  }
0x3b3: {  	_ =	swait.ge @!p0 [sflag:s12], $0x400  }
0x3b4: {  	[sflag:s12] =	ssyncset.done @!p0 $0x0;
	s13 =	rddreg [dreg:$0xc]  }
0x3b5: {  	[sflag:s12] =	ssyncadd.s32 @!p0 $0xFFFFFC00;
	s12 =	rddreg [dreg:$0x9]  }
0x3b6: {  	s13 =	smov.u32 @p0 s12;
	s12 =	simm.s32 $0x0  }
0x3b7: {  	[tilespmem:s29], [sflag:$0x3] =	stream.linear.gather [hbm4b:s13+s12], $0x400, $0x38;
	[tilespmem:$0x1F380] =	vst v63  }
0x3b8: {  	_ =	swait.ge [sflag:s4], $0x400  }
0x3b9: {  	[sflag:s4] =	ssyncset.done $0x0  }
0x3ba: {  	s5 =	simm.s32 $0x16500;
	s21 =	simm.s32 $0x16380;
	[sflag:s4] =	ssyncadd.s32 $0xFFFFFC00  }
0x3bb: {  	[tilespmem:s8], [sflag:$0x1] =	stream.indirect.gather [hbm4b:s2+s6], $0x80, s21, s6, $0xb8;
	[tilespmem:$0x1F380] =	vst v63  }
.LBB2_6:
0x3bc: {  	s13 =	sadd.s32 s12, s20  }
0x3bd: {  	s13 =	sadd.s32 $0x80, s13  }
0x3be: {  	[tilespmem:s9], [sflag:$0x3] =	stream.linear.gather [hbm4b:s13+s19], $0x400, $0x38;
	[tilespmem:$0x1F380] =	vst v63  }
0x3bf: {  	_ =	swait.ge [sflag:s4], $0x400  }
0x3c0: {  	s21 =	sadd.s32 s12, s18;
	[sflag:s4] =	ssyncset.done $0x0  }
0x3c1: {  	s13 =	sadd.s32 $0x80, s21;
	[sflag:s4] =	ssyncadd.s32 $0xFFFFFC00  }
0x3c2: {  	[tilespmem:s23], [sflag:$0x3] =	stream.linear.gather [hbm4b:s13+s19], $0x400, $0x38;
	[tilespmem:$0x1F380] =	vst v63  }
0x3c3: {  	_ =	swait.ge [sflag:s4], $0x400  }
0x3c4: {  	[sflag:s4] =	ssyncset.done $0x0  }
0x3c5: {  	[sflag:s4] =	ssyncadd.s32 $0xFFFFFC00  }
0x3c6: {  	[tilespmem:s26], [sflag:$0x2] =	stream.indirect.gather [hbm4b:s2+s6], $0x80, s22, s6, $0xb8;
	[tilespmem:$0x1F380] =	vst v63  }
0x3c7: {  	v1 =	vld [tilespmem:$0x16780];
	_ =	sdelay $0x7  }
0x3c8: {  	[tilespmem:v1+s10+$0x0] =	vst.idx.add.f32.msk $0xffff, v0  }
0x3c9: {  	v1 =	vld [tilespmem:$0x16790];
	_ =	sdelay $0x7  }
0x3ca: {  	[tilespmem:v1+s10+$0x0] =	vst.idx.add.f32.msk $0xffff, v0  }
0x3cb: {  	v1 =	vld [tilespmem:$0x167A0];
	_ =	sdelay $0x7  }
0x3cc: {  	[tilespmem:v1+s10+$0x0] =	vst.idx.add.f32.msk $0xffff, v0  }
0x3cd: {  	v1 =	vld [tilespmem:$0x167B0];
	_ =	sdelay $0x7  }
0x3ce: {  	[tilespmem:v1+s10+$0x0] =	vst.idx.add.f32.msk $0xffff, v0  }
0x3cf: {  	v1 =	vld [tilespmem:$0x167C0];
	_ =	sdelay $0x7  }
0x3d0: {  	[tilespmem:v1+s10+$0x0] =	vst.idx.add.f32.msk $0xffff, v0  }
0x3d1: {  	v1 =	vld [tilespmem:$0x167D0];
	_ =	sdelay $0x7  }
0x3d2: {  	[tilespmem:v1+s10+$0x0] =	vst.idx.add.f32.msk $0xffff, v0  }
0x3d3: {  	v1 =	vld [tilespmem:$0x167E0];
	_ =	sdelay $0x7  }
0x3d4: {  	[tilespmem:v1+s10+$0x0] =	vst.idx.add.f32.msk $0xffff, v0  }
0x3d5: {  	v1 =	vld [tilespmem:$0x167F0];
	_ =	sdelay $0x7  }
0x3d6: {  	[tilespmem:v1+s10+$0x0] =	vst.idx.add.f32.msk $0xffff, v0  }
0x3d7: {  	_ =	swait.ge [sflag:s28], $0x4000  }
0x3d8: {  	[sflag:s28] =	ssyncset.done $0x0  }
0x3d9: {  	[sflag:s28] =	ssyncadd.s32 $0xFFFFC000  }
0x3da: {  	[spmem:s3] =	stream.indirect.scatter.add.f32 [tilespmem:s8], [sflag:$0x3], $0x80, s29, s6, $0xb8;
	[tilespmem:$0x1F380] =	vst v63  }
0x3db: {  	_ =	swait.ge [sflag:s4], $0x4000  }
0x3dc: {  	[sflag:s4] =	ssyncset.done $0x0  }
0x3dd: {  	[sflag:s4] =	ssyncadd.s32 $0xFFFFC000  }
0x3de: {  	[tilespmem:s8], [sflag:$0x1] =	stream.indirect.gather [hbm4b:s2+s6], $0x80, s24, s6, $0xb8;
	[tilespmem:$0x1F380] =	vst v63  }
0x3df: {  	v1 =	vld [tilespmem:$0x16800];
	_ =	sdelay $0x7  }
0x3e0: {  	[tilespmem:v1+s10+$0x0] =	vst.idx.add.f32.msk $0xffff, v0  }
0x3e1: {  	v1 =	vld [tilespmem:$0x16810];
	_ =	sdelay $0x7  }
0x3e2: {  	[tilespmem:v1+s10+$0x0] =	vst.idx.add.f32.msk $0xffff, v0  }
0x3e3: {  	v1 =	vld [tilespmem:$0x16820];
	_ =	sdelay $0x7  }
0x3e4: {  	[tilespmem:v1+s10+$0x0] =	vst.idx.add.f32.msk $0xffff, v0  }
0x3e5: {  	v1 =	vld [tilespmem:$0x16830];
	_ =	sdelay $0x7  }
0x3e6: {  	[tilespmem:v1+s10+$0x0] =	vst.idx.add.f32.msk $0xffff, v0  }
0x3e7: {  	v1 =	vld [tilespmem:$0x16840];
	_ =	sdelay $0x7  }
0x3e8: {  	[tilespmem:v1+s10+$0x0] =	vst.idx.add.f32.msk $0xffff, v0  }
0x3e9: {  	v1 =	vld [tilespmem:$0x16850];
	_ =	sdelay $0x7  }
0x3ea: {  	[tilespmem:v1+s10+$0x0] =	vst.idx.add.f32.msk $0xffff, v0  }
0x3eb: {  	v1 =	vld [tilespmem:$0x16860];
	_ =	sdelay $0x7  }
0x3ec: {  	[tilespmem:v1+s10+$0x0] =	vst.idx.add.f32.msk $0xffff, v0  }
0x3ed: {  	v1 =	vld [tilespmem:$0x16870];
	_ =	sdelay $0x7  }
0x3ee: {  	[tilespmem:v1+s10+$0x0] =	vst.idx.add.f32.msk $0xffff, v0  }
0x3ef: {  	_ =	swait.ge [sflag:s30], $0x4000  }
0x3f0: {  	[sflag:s30] =	ssyncset.done $0x0  }
0x3f1: {  	[sflag:s30] =	ssyncadd.s32 $0xFFFFC000  }
0x3f2: {  	[spmem:s3] =	stream.indirect.scatter.add.f32 [tilespmem:s26], [sflag:$0x3], $0x80, s25, s6, $0xb8;
	[tilespmem:$0x1F380] =	vst v63  }
0x3f3: {  	_ =	swait.ge [sflag:s4], $0x4000  }
0x3f4: {  	[sflag:s4] =	ssyncset.done $0x0  }
0x3f5: {  	[sflag:s4] =	ssyncadd.s32 $0xFFFFC000  }
0x3f6: {  	[tilespmem:s26], [sflag:$0x2] =	stream.indirect.gather [hbm4b:s2+s6], $0x80, s5, s6, $0xb8;
	[tilespmem:$0x1F380] =	vst v63  }
0x3f7: {  	v1 =	vld [tilespmem:$0x16880];
	_ =	sdelay $0x7  }
0x3f8: {  	[tilespmem:v1+s10+$0x0] =	vst.idx.add.f32.msk $0xffff, v0  }
0x3f9: {  	v1 =	vld [tilespmem:$0x16890];
	_ =	sdelay $0x7  }
0x3fa: {  	[tilespmem:v1+s10+$0x0] =	vst.idx.add.f32.msk $0xffff, v0  }
0x3fb: {  	v1 =	vld [tilespmem:$0x168A0];
	_ =	sdelay $0x7  }
0x3fc: {  	[tilespmem:v1+s10+$0x0] =	vst.idx.add.f32.msk $0xffff, v0  }
0x3fd: {  	v1 =	vld [tilespmem:$0x168B0];
	_ =	sdelay $0x7  }
0x3fe: {  	[tilespmem:v1+s10+$0x0] =	vst.idx.add.f32.msk $0xffff, v0  }
0x3ff: {  	v1 =	vld [tilespmem:$0x168C0];
	_ =	sdelay $0x7  }
0x400: {  	[tilespmem:v1+s10+$0x0] =	vst.idx.add.f32.msk $0xffff, v0  }
0x401: {  	v1 =	vld [tilespmem:$0x168D0];
	_ =	sdelay $0x7  }
0x402: {  	[tilespmem:v1+s10+$0x0] =	vst.idx.add.f32.msk $0xffff, v0  }
0x403: {  	v1 =	vld [tilespmem:$0x168E0];
	_ =	sdelay $0x7  }
0x404: {  	[tilespmem:v1+s10+$0x0] =	vst.idx.add.f32.msk $0xffff, v0  }
0x405: {  	v1 =	vld [tilespmem:$0x168F0];
	_ =	sdelay $0x7  }
0x406: {  	[tilespmem:v1+s10+$0x0] =	vst.idx.add.f32.msk $0xffff, v0  }
0x407: {  	_ =	swait.ge [sflag:s28], $0x4000  }
0x408: {  	[sflag:s28] =	ssyncset.done $0x0  }
0x409: {  	s25 =	simm.s32 $0x16880;
	[sflag:s28] =	ssyncadd.s32 $0xFFFFC000  }
0x40a: {  	[spmem:s3] =	stream.indirect.scatter.add.f32 [tilespmem:s8], [sflag:$0x3], $0x80, s25, s6, $0xb8;
	[tilespmem:$0x1F380] =	vst v63  }
0x40b: {  	_ =	swait.ge [sflag:s4], $0x4000  }
0x40c: {  	[sflag:s4] =	ssyncset.done $0x0  }
0x40d: {  	s21 =	simm.s32 $0x16580;
	[sflag:s4] =	ssyncadd.s32 $0xFFFFC000  }
0x40e: {  	[tilespmem:s8], [sflag:$0x1] =	stream.indirect.gather [hbm4b:s2+s6], $0x80, s21, s6, $0xb8;
	[tilespmem:$0x1F380] =	vst v63  }
0x40f: {  	v1 =	vld [tilespmem:$0x16900];
	_ =	sdelay $0x7  }
0x410: {  	[tilespmem:v1+s10+$0x0] =	vst.idx.add.f32.msk $0xffff, v0  }
0x411: {  	v1 =	vld [tilespmem:$0x16910];
	_ =	sdelay $0x7  }
0x412: {  	[tilespmem:v1+s10+$0x0] =	vst.idx.add.f32.msk $0xffff, v0  }
0x413: {  	v1 =	vld [tilespmem:$0x16920];
	_ =	sdelay $0x7  }
0x414: {  	[tilespmem:v1+s10+$0x0] =	vst.idx.add.f32.msk $0xffff, v0  }
0x415: {  	v1 =	vld [tilespmem:$0x16930];
	_ =	sdelay $0x7  }
0x416: {  	[tilespmem:v1+s10+$0x0] =	vst.idx.add.f32.msk $0xffff, v0  }
0x417: {  	v1 =	vld [tilespmem:$0x16940];
	_ =	sdelay $0x7  }
0x418: {  	[tilespmem:v1+s10+$0x0] =	vst.idx.add.f32.msk $0xffff, v0  }
0x419: {  	v1 =	vld [tilespmem:$0x16950];
	_ =	sdelay $0x7  }
0x41a: {  	[tilespmem:v1+s10+$0x0] =	vst.idx.add.f32.msk $0xffff, v0  }
0x41b: {  	v1 =	vld [tilespmem:$0x16960];
	_ =	sdelay $0x7  }
0x41c: {  	[tilespmem:v1+s10+$0x0] =	vst.idx.add.f32.msk $0xffff, v0  }
0x41d: {  	v1 =	vld [tilespmem:$0x16970];
	_ =	sdelay $0x7  }
0x41e: {  	[tilespmem:v1+s10+$0x0] =	vst.idx.add.f32.msk $0xffff, v0  }
0x41f: {  	_ =	swait.ge [sflag:s30], $0x4000  }
0x420: {  	[sflag:s30] =	ssyncset.done $0x0  }
0x421: {  	s22 =	simm.s32 $0x16900;
	[sflag:s30] =	ssyncadd.s32 $0xFFFFC000  }
0x422: {  	[spmem:s3] =	stream.indirect.scatter.add.f32 [tilespmem:s26], [sflag:$0x3], $0x80, s22, s6, $0xb8;
	[tilespmem:$0x1F380] =	vst v63  }
0x423: {  	_ =	swait.ge [sflag:s4], $0x4000  }
0x424: {  	[sflag:s4] =	ssyncset.done $0x0  }
0x425: {  	s24 =	simm.s32 $0x16600;
	[sflag:s4] =	ssyncadd.s32 $0xFFFFC000  }
0x426: {  	[tilespmem:s26], [sflag:$0x2] =	stream.indirect.gather [hbm4b:s2+s6], $0x80, s24, s6, $0xb8;
	[tilespmem:$0x1F380] =	vst v63  }
0x427: {  	v1 =	vld [tilespmem:$0x16980];
	_ =	sdelay $0x7  }
0x428: {  	[tilespmem:v1+s10+$0x0] =	vst.idx.add.f32.msk $0xffff, v0  }
0x429: {  	v1 =	vld [tilespmem:$0x16990];
	_ =	sdelay $0x7  }
0x42a: {  	[tilespmem:v1+s10+$0x0] =	vst.idx.add.f32.msk $0xffff, v0  }
0x42b: {  	v1 =	vld [tilespmem:$0x169A0];
	_ =	sdelay $0x7  }
0x42c: {  	[tilespmem:v1+s10+$0x0] =	vst.idx.add.f32.msk $0xffff, v0  }
0x42d: {  	v1 =	vld [tilespmem:$0x169B0];
	_ =	sdelay $0x7  }
0x42e: {  	[tilespmem:v1+s10+$0x0] =	vst.idx.add.f32.msk $0xffff, v0  }
0x42f: {  	v1 =	vld [tilespmem:$0x169C0];
	_ =	sdelay $0x7  }
0x430: {  	[tilespmem:v1+s10+$0x0] =	vst.idx.add.f32.msk $0xffff, v0  }
0x431: {  	v1 =	vld [tilespmem:$0x169D0];
	_ =	sdelay $0x7  }
0x432: {  	[tilespmem:v1+s10+$0x0] =	vst.idx.add.f32.msk $0xffff, v0  }
0x433: {  	v1 =	vld [tilespmem:$0x169E0];
	_ =	sdelay $0x7  }
0x434: {  	[tilespmem:v1+s10+$0x0] =	vst.idx.add.f32.msk $0xffff, v0  }
0x435: {  	v1 =	vld [tilespmem:$0x169F0];
	_ =	sdelay $0x7  }
0x436: {  	[tilespmem:v1+s10+$0x0] =	vst.idx.add.f32.msk $0xffff, v0  }
0x437: {  	_ =	swait.ge [sflag:s28], $0x4000  }
0x438: {  	[sflag:s28] =	ssyncset.done $0x0  }
0x439: {  	s25 =	simm.s32 $0x16980;
	[sflag:s28] =	ssyncadd.s32 $0xFFFFC000  }
0x43a: {  	[spmem:s3] =	stream.indirect.scatter.add.f32 [tilespmem:s8], [sflag:$0x3], $0x80, s25, s6, $0xb8;
	[tilespmem:$0x1F380] =	vst v63  }
0x43b: {  	_ =	swait.ge [sflag:s4], $0x4000  }
0x43c: {  	[sflag:s4] =	ssyncset.done $0x0  }
0x43d: {  	s21 =	simm.s32 $0x16680;
	[sflag:s4] =	ssyncadd.s32 $0xFFFFC000  }
0x43e: {  	[tilespmem:s8], [sflag:$0x1] =	stream.indirect.gather [hbm4b:s2+s6], $0x80, s21, s6, $0xb8;
	[tilespmem:$0x1F380] =	vst v63  }
0x43f: {  	v1 =	vld [tilespmem:$0x16A00];
	_ =	sdelay $0x7  }
0x440: {  	[tilespmem:v1+s10+$0x0] =	vst.idx.add.f32.msk $0xffff, v0  }
0x441: {  	v1 =	vld [tilespmem:$0x16A10];
	_ =	sdelay $0x7  }
0x442: {  	[tilespmem:v1+s10+$0x0] =	vst.idx.add.f32.msk $0xffff, v0  }
0x443: {  	v1 =	vld [tilespmem:$0x16A20];
	_ =	sdelay $0x7  }
0x444: {  	[tilespmem:v1+s10+$0x0] =	vst.idx.add.f32.msk $0xffff, v0  }
0x445: {  	v1 =	vld [tilespmem:$0x16A30];
	_ =	sdelay $0x7  }
0x446: {  	[tilespmem:v1+s10+$0x0] =	vst.idx.add.f32.msk $0xffff, v0  }
0x447: {  	v1 =	vld [tilespmem:$0x16A40];
	_ =	sdelay $0x7  }
0x448: {  	[tilespmem:v1+s10+$0x0] =	vst.idx.add.f32.msk $0xffff, v0  }
0x449: {  	v1 =	vld [tilespmem:$0x16A50];
	_ =	sdelay $0x7  }
0x44a: {  	[tilespmem:v1+s10+$0x0] =	vst.idx.add.f32.msk $0xffff, v0  }
0x44b: {  	v1 =	vld [tilespmem:$0x16A60];
	_ =	sdelay $0x7  }
0x44c: {  	[tilespmem:v1+s10+$0x0] =	vst.idx.add.f32.msk $0xffff, v0  }
0x44d: {  	v1 =	vld [tilespmem:$0x16A70];
	_ =	sdelay $0x7  }
0x44e: {  	[tilespmem:v1+s10+$0x0] =	vst.idx.add.f32.msk $0xffff, v0  }
0x44f: {  	_ =	swait.ge [sflag:s30], $0x4000  }
0x450: {  	[sflag:s30] =	ssyncset.done $0x0  }
0x451: {  	s22 =	simm.s32 $0x16A00;
	[sflag:s30] =	ssyncadd.s32 $0xFFFFC000  }
0x452: {  	[spmem:s3] =	stream.indirect.scatter.add.f32 [tilespmem:s26], [sflag:$0x3], $0x80, s22, s6, $0xb8;
	[tilespmem:$0x1F380] =	vst v63  }
0x453: {  	_ =	swait.ge [sflag:s4], $0x4000  }
0x454: {  	[sflag:s4] =	ssyncset.done $0x0  }
0x455: {  	s24 =	simm.s32 $0x16700;
	[sflag:s4] =	ssyncadd.s32 $0xFFFFC000  }
0x456: {  	[tilespmem:s26], [sflag:$0x2] =	stream.indirect.gather [hbm4b:s2+s6], $0x80, s24, s6, $0xb8;
	[tilespmem:$0x1F380] =	vst v63  }
0x457: {  	v1 =	vld [tilespmem:$0x16A80];
	_ =	sdelay $0x7  }
0x458: {  	[tilespmem:v1+s10+$0x0] =	vst.idx.add.f32.msk $0xffff, v0  }
0x459: {  	v1 =	vld [tilespmem:$0x16A90];
	_ =	sdelay $0x7  }
0x45a: {  	[tilespmem:v1+s10+$0x0] =	vst.idx.add.f32.msk $0xffff, v0  }
0x45b: {  	v1 =	vld [tilespmem:$0x16AA0];
	_ =	sdelay $0x7  }
0x45c: {  	[tilespmem:v1+s10+$0x0] =	vst.idx.add.f32.msk $0xffff, v0  }
0x45d: {  	v1 =	vld [tilespmem:$0x16AB0];
	_ =	sdelay $0x7  }
0x45e: {  	[tilespmem:v1+s10+$0x0] =	vst.idx.add.f32.msk $0xffff, v0  }
0x45f: {  	v1 =	vld [tilespmem:$0x16AC0];
	_ =	sdelay $0x7  }
0x460: {  	[tilespmem:v1+s10+$0x0] =	vst.idx.add.f32.msk $0xffff, v0  }
0x461: {  	v1 =	vld [tilespmem:$0x16AD0];
	_ =	sdelay $0x7  }
0x462: {  	[tilespmem:v1+s10+$0x0] =	vst.idx.add.f32.msk $0xffff, v0  }
0x463: {  	v1 =	vld [tilespmem:$0x16AE0];
	_ =	sdelay $0x7  }
0x464: {  	[tilespmem:v1+s10+$0x0] =	vst.idx.add.f32.msk $0xffff, v0  }
0x465: {  	v1 =	vld [tilespmem:$0x16AF0];
	_ =	sdelay $0x7  }
0x466: {  	[tilespmem:v1+s10+$0x0] =	vst.idx.add.f32.msk $0xffff, v0  }
0x467: {  	_ =	swait.ge [sflag:s28], $0x4000  }
0x468: {  	[sflag:s28] =	ssyncset.done $0x0  }
0x469: {  	s25 =	simm.s32 $0x16A80;
	[sflag:s28] =	ssyncadd.s32 $0xFFFFC000  }
0x46a: {  	[spmem:s3] =	stream.indirect.scatter.add.f32 [tilespmem:s8], [sflag:$0x3], $0x80, s25, s6, $0xb8;
	[tilespmem:$0x1F380] =	vst v63  }
0x46b: {  	_ =	swait.ge [sflag:s4], $0x4000  }
0x46c: {  	[sflag:s4] =	ssyncset.done $0x0  }
0x46d: {  	[sflag:s4] =	ssyncadd.s32 $0xFFFFC000  }
0x46e: {  	[tilespmem:s8], [sflag:$0x1] =	stream.indirect.gather [hbm4b:s2+s6], $0x80, s9, s6, $0xb8;
	[tilespmem:$0x1F380] =	vst v63  }
0x46f: {  	v1 =	vld [tilespmem:$0x16B00];
	_ =	sdelay $0x7  }
0x470: {  	[tilespmem:v1+s10+$0x0] =	vst.idx.add.f32.msk $0xffff, v0  }
0x471: {  	v1 =	vld [tilespmem:$0x16B10];
	_ =	sdelay $0x7  }
0x472: {  	[tilespmem:v1+s10+$0x0] =	vst.idx.add.f32.msk $0xffff, v0  }
0x473: {  	v1 =	vld [tilespmem:$0x16B20];
	_ =	sdelay $0x7  }
0x474: {  	[tilespmem:v1+s10+$0x0] =	vst.idx.add.f32.msk $0xffff, v0  }
0x475: {  	v1 =	vld [tilespmem:$0x16B30];
	_ =	sdelay $0x7  }
0x476: {  	[tilespmem:v1+s10+$0x0] =	vst.idx.add.f32.msk $0xffff, v0  }
0x477: {  	v1 =	vld [tilespmem:$0x16B40];
	_ =	sdelay $0x7  }
0x478: {  	[tilespmem:v1+s10+$0x0] =	vst.idx.add.f32.msk $0xffff, v0  }
0x479: {  	v1 =	vld [tilespmem:$0x16B50];
	_ =	sdelay $0x7  }
0x47a: {  	[tilespmem:v1+s10+$0x0] =	vst.idx.add.f32.msk $0xffff, v0  }
0x47b: {  	v1 =	vld [tilespmem:$0x16B60];
	_ =	sdelay $0x7  }
0x47c: {  	[tilespmem:v1+s10+$0x0] =	vst.idx.add.f32.msk $0xffff, v0  }
0x47d: {  	v1 =	vld [tilespmem:$0x16B70];
	_ =	sdelay $0x7  }
0x47e: {  	[tilespmem:v1+s10+$0x0] =	vst.idx.add.f32.msk $0xffff, v0  }
0x47f: {  	_ =	swait.ge [sflag:s30], $0x4000  }
0x480: {  	[sflag:s30] =	ssyncset.done $0x0  }
0x481: {  	s21 =	simm.s32 $0x16B00;
	[sflag:s30] =	ssyncadd.s32 $0xFFFFC000  }
0x482: {  	[spmem:s3] =	stream.indirect.scatter.add.f32 [tilespmem:s26], [sflag:$0x3], $0x80, s21, s6, $0xb8;
	[tilespmem:$0x1F380] =	vst v63  }
0x483: {  	p1 =	seq.s32 s12, $0x400;
	_ =	swait.ge [sflag:s4], $0x4000  }
0x484: {  	s13 =	sadd.s32 @!p1 s12, s20;
	s22 =	simm.s32 @!p1 $0x0;
	[sflag:s4] =	ssyncset.done $0x0  }
0x485: {  	s21 =	sadd.s32 @!p1 $0x100, s13;
	s13 =	simm.s32 @!p1 $0x16380;
	[sflag:s4] =	ssyncadd.s32 $0xFFFFC000  }
0x486: {  	[tilespmem:s13], [sflag:$0x3] =	stream.linear.gather @!p1 [hbm4b:s21+s22], $0x400, $0x38;
	[tilespmem:$0x1F380] =	vst v63  }
0x487: {  	s21 =	simm.s32 @!p1 $0x3  }
0x488: {  	_ =	swait.ge @!p1 [sflag:s21], $0x400  }
0x489: {  	s24 =	sadd.s32 @!p1 s12, s18;
	[sflag:s21] =	ssyncset.done @!p1 $0x0  }
0x48a: {  	s24 =	sadd.s32 @!p1 $0x100, s24;
	s25 =	simm.s32 @!p1 $0x16780;
	[sflag:s21] =	ssyncadd.s32 @!p1 $0xFFFFFC00  }
0x48b: {  	[tilespmem:s25], [sflag:$0x3] =	stream.linear.gather @!p1 [hbm4b:s24+s22], $0x400, $0x38;
	[tilespmem:$0x1F380] =	vst v63  }
0x48c: {  	_ =	swait.ge @!p1 [sflag:s21], $0x400  }
0x48d: {  	[sflag:s21] =	ssyncset.done @!p1 $0x0  }
0x48e: {  	s22 =	simm.s32 $0x16C00;
	[sflag:s21] =	ssyncadd.s32 @!p1 $0xFFFFFC00  }
0x48f: {  	[tilespmem:s26], [sflag:$0x2] =	stream.indirect.gather [hbm4b:s2+s6], $0x80, s22, s6, $0xb8;
	[tilespmem:$0x1F380] =	vst v63  }
0x490: {  	v1 =	vld [tilespmem:$0x16F80];
	_ =	sdelay $0x7  }
0x491: {  	[tilespmem:v1+s10+$0x0] =	vst.idx.add.f32.msk $0xffff, v0  }
0x492: {  	v1 =	vld [tilespmem:$0x16F90];
	_ =	sdelay $0x7  }
0x493: {  	[tilespmem:v1+s10+$0x0] =	vst.idx.add.f32.msk $0xffff, v0  }
0x494: {  	v1 =	vld [tilespmem:$0x16FA0];
	_ =	sdelay $0x7  }
0x495: {  	[tilespmem:v1+s10+$0x0] =	vst.idx.add.f32.msk $0xffff, v0  }
0x496: {  	v1 =	vld [tilespmem:$0x16FB0];
	_ =	sdelay $0x7  }
0x497: {  	[tilespmem:v1+s10+$0x0] =	vst.idx.add.f32.msk $0xffff, v0  }
0x498: {  	v1 =	vld [tilespmem:$0x16FC0];
	_ =	sdelay $0x7  }
0x499: {  	[tilespmem:v1+s10+$0x0] =	vst.idx.add.f32.msk $0xffff, v0  }
0x49a: {  	v1 =	vld [tilespmem:$0x16FD0];
	_ =	sdelay $0x7  }
0x49b: {  	[tilespmem:v1+s10+$0x0] =	vst.idx.add.f32.msk $0xffff, v0  }
0x49c: {  	v1 =	vld [tilespmem:$0x16FE0];
	_ =	sdelay $0x7  }
0x49d: {  	[tilespmem:v1+s10+$0x0] =	vst.idx.add.f32.msk $0xffff, v0  }
0x49e: {  	v1 =	vld [tilespmem:$0x16FF0];
	_ =	sdelay $0x7  }
0x49f: {  	[tilespmem:v1+s10+$0x0] =	vst.idx.add.f32.msk $0xffff, v0  }
0x4a0: {  	_ =	swait.ge [sflag:s28], $0x4000  }
0x4a1: {  	[sflag:s28] =	ssyncset.done $0x0  }
0x4a2: {  	[sflag:s28] =	ssyncadd.s32 $0xFFFFC000  }
0x4a3: {  	[spmem:s3] =	stream.indirect.scatter.add.f32 [tilespmem:s8], [sflag:$0x3], $0x80, s23, s6, $0xb8;
	[tilespmem:$0x1F380] =	vst v63  }
0x4a4: {  	_ =	swait.ge [sflag:s4], $0x4000  }
0x4a5: {  	[sflag:s4] =	ssyncset.done $0x0  }
0x4a6: {  	s22 =	simm.s32 $0x16C80;
	[sflag:s4] =	ssyncadd.s32 $0xFFFFC000  }
0x4a7: {  	[tilespmem:s8], [sflag:$0x1] =	stream.indirect.gather [hbm4b:s2+s6], $0x80, s22, s6, $0xb8;
	[tilespmem:$0x1F380] =	vst v63  }
0x4a8: {  	v1 =	vld [tilespmem:$0x17000];
	_ =	sdelay $0x7  }
0x4a9: {  	[tilespmem:v1+s10+$0x0] =	vst.idx.add.f32.msk $0xffff, v0  }
0x4aa: {  	v1 =	vld [tilespmem:$0x17010];
	_ =	sdelay $0x7  }
0x4ab: {  	[tilespmem:v1+s10+$0x0] =	vst.idx.add.f32.msk $0xffff, v0  }
0x4ac: {  	v1 =	vld [tilespmem:$0x17020];
	_ =	sdelay $0x7  }
0x4ad: {  	[tilespmem:v1+s10+$0x0] =	vst.idx.add.f32.msk $0xffff, v0  }
0x4ae: {  	v1 =	vld [tilespmem:$0x17030];
	_ =	sdelay $0x7  }
0x4af: {  	[tilespmem:v1+s10+$0x0] =	vst.idx.add.f32.msk $0xffff, v0  }
0x4b0: {  	v1 =	vld [tilespmem:$0x17040];
	_ =	sdelay $0x7  }
0x4b1: {  	[tilespmem:v1+s10+$0x0] =	vst.idx.add.f32.msk $0xffff, v0  }
0x4b2: {  	v1 =	vld [tilespmem:$0x17050];
	_ =	sdelay $0x7  }
0x4b3: {  	[tilespmem:v1+s10+$0x0] =	vst.idx.add.f32.msk $0xffff, v0  }
0x4b4: {  	v1 =	vld [tilespmem:$0x17060];
	_ =	sdelay $0x7  }
0x4b5: {  	[tilespmem:v1+s10+$0x0] =	vst.idx.add.f32.msk $0xffff, v0  }
0x4b6: {  	v1 =	vld [tilespmem:$0x17070];
	_ =	sdelay $0x7  }
0x4b7: {  	[tilespmem:v1+s10+$0x0] =	vst.idx.add.f32.msk $0xffff, v0  }
0x4b8: {  	_ =	swait.ge [sflag:s30], $0x4000  }
0x4b9: {  	[sflag:s30] =	ssyncset.done $0x0  }
0x4ba: {  	s22 =	simm.s32 $0x17000;
	[sflag:s30] =	ssyncadd.s32 $0xFFFFC000  }
0x4bb: {  	[spmem:s3] =	stream.indirect.scatter.add.f32 [tilespmem:s26], [sflag:$0x3], $0x80, s22, s6, $0xb8;
	[tilespmem:$0x1F380] =	vst v63  }
0x4bc: {  	_ =	swait.ge [sflag:s4], $0x4000  }
0x4bd: {  	[sflag:s4] =	ssyncset.done $0x0  }
0x4be: {  	s22 =	simm.s32 $0x16D00;
	[sflag:s4] =	ssyncadd.s32 $0xFFFFC000  }
0x4bf: {  	[tilespmem:s26], [sflag:$0x2] =	stream.indirect.gather [hbm4b:s2+s6], $0x80, s22, s6, $0xb8;
	[tilespmem:$0x1F380] =	vst v63  }
0x4c0: {  	v1 =	vld [tilespmem:$0x17080];
	_ =	sdelay $0x7  }
0x4c1: {  	[tilespmem:v1+s10+$0x0] =	vst.idx.add.f32.msk $0xffff, v0  }
0x4c2: {  	v1 =	vld [tilespmem:$0x17090];
	_ =	sdelay $0x7  }
0x4c3: {  	[tilespmem:v1+s10+$0x0] =	vst.idx.add.f32.msk $0xffff, v0  }
0x4c4: {  	v1 =	vld [tilespmem:$0x170A0];
	_ =	sdelay $0x7  }
0x4c5: {  	[tilespmem:v1+s10+$0x0] =	vst.idx.add.f32.msk $0xffff, v0  }
0x4c6: {  	v1 =	vld [tilespmem:$0x170B0];
	_ =	sdelay $0x7  }
0x4c7: {  	[tilespmem:v1+s10+$0x0] =	vst.idx.add.f32.msk $0xffff, v0  }
0x4c8: {  	v1 =	vld [tilespmem:$0x170C0];
	_ =	sdelay $0x7  }
0x4c9: {  	[tilespmem:v1+s10+$0x0] =	vst.idx.add.f32.msk $0xffff, v0  }
0x4ca: {  	v1 =	vld [tilespmem:$0x170D0];
	_ =	sdelay $0x7  }
0x4cb: {  	[tilespmem:v1+s10+$0x0] =	vst.idx.add.f32.msk $0xffff, v0  }
0x4cc: {  	v1 =	vld [tilespmem:$0x170E0];
	_ =	sdelay $0x7  }
0x4cd: {  	[tilespmem:v1+s10+$0x0] =	vst.idx.add.f32.msk $0xffff, v0  }
0x4ce: {  	v1 =	vld [tilespmem:$0x170F0];
	_ =	sdelay $0x7  }
0x4cf: {  	[tilespmem:v1+s10+$0x0] =	vst.idx.add.f32.msk $0xffff, v0  }
0x4d0: {  	_ =	swait.ge [sflag:s28], $0x4000  }
0x4d1: {  	[sflag:s28] =	ssyncset.done $0x0  }
0x4d2: {  	s22 =	simm.s32 $0x17080;
	[sflag:s28] =	ssyncadd.s32 $0xFFFFC000  }
0x4d3: {  	[spmem:s3] =	stream.indirect.scatter.add.f32 [tilespmem:s8], [sflag:$0x3], $0x80, s22, s6, $0xb8;
	[tilespmem:$0x1F380] =	vst v63  }
0x4d4: {  	_ =	swait.ge [sflag:s4], $0x4000  }
0x4d5: {  	[sflag:s4] =	ssyncset.done $0x0  }
0x4d6: {  	s22 =	simm.s32 $0x16D80;
	[sflag:s4] =	ssyncadd.s32 $0xFFFFC000  }
0x4d7: {  	[tilespmem:s8], [sflag:$0x1] =	stream.indirect.gather [hbm4b:s2+s6], $0x80, s22, s6, $0xb8;
	[tilespmem:$0x1F380] =	vst v63  }
0x4d8: {  	v1 =	vld [tilespmem:$0x17100];
	_ =	sdelay $0x7  }
0x4d9: {  	[tilespmem:v1+s10+$0x0] =	vst.idx.add.f32.msk $0xffff, v0  }
0x4da: {  	v1 =	vld [tilespmem:$0x17110];
	_ =	sdelay $0x7  }
0x4db: {  	[tilespmem:v1+s10+$0x0] =	vst.idx.add.f32.msk $0xffff, v0  }
0x4dc: {  	v1 =	vld [tilespmem:$0x17120];
	_ =	sdelay $0x7  }
0x4dd: {  	[tilespmem:v1+s10+$0x0] =	vst.idx.add.f32.msk $0xffff, v0  }
0x4de: {  	v1 =	vld [tilespmem:$0x17130];
	_ =	sdelay $0x7  }
0x4df: {  	[tilespmem:v1+s10+$0x0] =	vst.idx.add.f32.msk $0xffff, v0  }
0x4e0: {  	v1 =	vld [tilespmem:$0x17140];
	_ =	sdelay $0x7  }
0x4e1: {  	[tilespmem:v1+s10+$0x0] =	vst.idx.add.f32.msk $0xffff, v0  }
0x4e2: {  	v1 =	vld [tilespmem:$0x17150];
	_ =	sdelay $0x7  }
0x4e3: {  	[tilespmem:v1+s10+$0x0] =	vst.idx.add.f32.msk $0xffff, v0  }
0x4e4: {  	v1 =	vld [tilespmem:$0x17160];
	_ =	sdelay $0x7  }
0x4e5: {  	[tilespmem:v1+s10+$0x0] =	vst.idx.add.f32.msk $0xffff, v0  }
0x4e6: {  	v1 =	vld [tilespmem:$0x17170];
	_ =	sdelay $0x7  }
0x4e7: {  	[tilespmem:v1+s10+$0x0] =	vst.idx.add.f32.msk $0xffff, v0  }
0x4e8: {  	_ =	swait.ge [sflag:s30], $0x4000  }
0x4e9: {  	[sflag:s30] =	ssyncset.done $0x0  }
0x4ea: {  	s22 =	simm.s32 $0x17100;
	[sflag:s30] =	ssyncadd.s32 $0xFFFFC000  }
0x4eb: {  	[spmem:s3] =	stream.indirect.scatter.add.f32 [tilespmem:s26], [sflag:$0x3], $0x80, s22, s6, $0xb8;
	[tilespmem:$0x1F380] =	vst v63  }
0x4ec: {  	_ =	swait.ge [sflag:s4], $0x4000  }
0x4ed: {  	[sflag:s4] =	ssyncset.done $0x0  }
0x4ee: {  	s22 =	simm.s32 $0x16E00;
	[sflag:s4] =	ssyncadd.s32 $0xFFFFC000  }
0x4ef: {  	[tilespmem:s26], [sflag:$0x2] =	stream.indirect.gather [hbm4b:s2+s6], $0x80, s22, s6, $0xb8;
	[tilespmem:$0x1F380] =	vst v63  }
0x4f0: {  	v1 =	vld [tilespmem:$0x17180];
	_ =	sdelay $0x7  }
0x4f1: {  	[tilespmem:v1+s10+$0x0] =	vst.idx.add.f32.msk $0xffff, v0  }
0x4f2: {  	v1 =	vld [tilespmem:$0x17190];
	_ =	sdelay $0x7  }
0x4f3: {  	[tilespmem:v1+s10+$0x0] =	vst.idx.add.f32.msk $0xffff, v0  }
0x4f4: {  	v1 =	vld [tilespmem:$0x171A0];
	_ =	sdelay $0x7  }
0x4f5: {  	[tilespmem:v1+s10+$0x0] =	vst.idx.add.f32.msk $0xffff, v0  }
0x4f6: {  	v1 =	vld [tilespmem:$0x171B0];
	_ =	sdelay $0x7  }
0x4f7: {  	[tilespmem:v1+s10+$0x0] =	vst.idx.add.f32.msk $0xffff, v0  }
0x4f8: {  	v1 =	vld [tilespmem:$0x171C0];
	_ =	sdelay $0x7  }
0x4f9: {  	[tilespmem:v1+s10+$0x0] =	vst.idx.add.f32.msk $0xffff, v0  }
0x4fa: {  	v1 =	vld [tilespmem:$0x171D0];
	_ =	sdelay $0x7  }
0x4fb: {  	[tilespmem:v1+s10+$0x0] =	vst.idx.add.f32.msk $0xffff, v0  }
0x4fc: {  	v1 =	vld [tilespmem:$0x171E0];
	_ =	sdelay $0x7  }
0x4fd: {  	[tilespmem:v1+s10+$0x0] =	vst.idx.add.f32.msk $0xffff, v0  }
0x4fe: {  	v1 =	vld [tilespmem:$0x171F0];
	_ =	sdelay $0x7  }
0x4ff: {  	[tilespmem:v1+s10+$0x0] =	vst.idx.add.f32.msk $0xffff, v0  }
0x500: {  	_ =	swait.ge [sflag:s28], $0x4000  }
0x501: {  	[sflag:s28] =	ssyncset.done $0x0  }
0x502: {  	s22 =	simm.s32 $0x17180;
	[sflag:s28] =	ssyncadd.s32 $0xFFFFC000  }
0x503: {  	[spmem:s3] =	stream.indirect.scatter.add.f32 [tilespmem:s8], [sflag:$0x3], $0x80, s22, s6, $0xb8;
	[tilespmem:$0x1F380] =	vst v63  }
0x504: {  	_ =	swait.ge [sflag:s4], $0x4000  }
0x505: {  	[sflag:s4] =	ssyncset.done $0x0  }
0x506: {  	s22 =	simm.s32 $0x16E80;
	[sflag:s4] =	ssyncadd.s32 $0xFFFFC000  }
0x507: {  	[tilespmem:s8], [sflag:$0x1] =	stream.indirect.gather [hbm4b:s2+s6], $0x80, s22, s6, $0xb8;
	[tilespmem:$0x1F380] =	vst v63  }
0x508: {  	v1 =	vld [tilespmem:$0x17200];
	_ =	sdelay $0x7  }
0x509: {  	[tilespmem:v1+s10+$0x0] =	vst.idx.add.f32.msk $0xffff, v0  }
0x50a: {  	v1 =	vld [tilespmem:$0x17210];
	_ =	sdelay $0x7  }
0x50b: {  	[tilespmem:v1+s10+$0x0] =	vst.idx.add.f32.msk $0xffff, v0  }
0x50c: {  	v1 =	vld [tilespmem:$0x17220];
	_ =	sdelay $0x7  }
0x50d: {  	[tilespmem:v1+s10+$0x0] =	vst.idx.add.f32.msk $0xffff, v0  }
0x50e: {  	v1 =	vld [tilespmem:$0x17230];
	_ =	sdelay $0x7  }
0x50f: {  	[tilespmem:v1+s10+$0x0] =	vst.idx.add.f32.msk $0xffff, v0  }
0x510: {  	v1 =	vld [tilespmem:$0x17240];
	_ =	sdelay $0x7  }
0x511: {  	[tilespmem:v1+s10+$0x0] =	vst.idx.add.f32.msk $0xffff, v0  }
0x512: {  	v1 =	vld [tilespmem:$0x17250];
	_ =	sdelay $0x7  }
0x513: {  	[tilespmem:v1+s10+$0x0] =	vst.idx.add.f32.msk $0xffff, v0  }
0x514: {  	v1 =	vld [tilespmem:$0x17260];
	_ =	sdelay $0x7  }
0x515: {  	[tilespmem:v1+s10+$0x0] =	vst.idx.add.f32.msk $0xffff, v0  }
0x516: {  	v1 =	vld [tilespmem:$0x17270];
	_ =	sdelay $0x7  }
0x517: {  	[tilespmem:v1+s10+$0x0] =	vst.idx.add.f32.msk $0xffff, v0  }
0x518: {  	_ =	swait.ge [sflag:s30], $0x4000  }
0x519: {  	[sflag:s30] =	ssyncset.done $0x0  }
0x51a: {  	[sflag:s30] =	ssyncadd.s32 $0xFFFFC000  }
0x51b: {  	[spmem:s3] =	stream.indirect.scatter.add.f32 [tilespmem:s26], [sflag:$0x3], $0x80, s31, s6, $0xb8;
	[tilespmem:$0x1F380] =	vst v63  }
0x51c: {  	_ =	swait.ge [sflag:s4], $0x4000  }
0x51d: {  	[sflag:s4] =	ssyncset.done $0x0  }
0x51e: {  	[sflag:s4] =	ssyncadd.s32 $0xFFFFC000  }
0x51f: {  	[tilespmem:s26], [sflag:$0x2] =	stream.indirect.gather [hbm4b:s2+s6], $0x80, s0, s6, $0xb8;
	[tilespmem:$0x1F380] =	vst v63  }
0x520: {  	v1 =	vld [tilespmem:$0x17280];
	_ =	sdelay $0x7  }
0x521: {  	[tilespmem:v1+s10+$0x0] =	vst.idx.add.f32.msk $0xffff, v0  }
0x522: {  	v1 =	vld [tilespmem:$0x17290];
	_ =	sdelay $0x7  }
0x523: {  	[tilespmem:v1+s10+$0x0] =	vst.idx.add.f32.msk $0xffff, v0  }
0x524: {  	v1 =	vld [tilespmem:$0x172A0];
	_ =	sdelay $0x7  }
0x525: {  	[tilespmem:v1+s10+$0x0] =	vst.idx.add.f32.msk $0xffff, v0  }
0x526: {  	v1 =	vld [tilespmem:$0x172B0];
	_ =	sdelay $0x7  }
0x527: {  	[tilespmem:v1+s10+$0x0] =	vst.idx.add.f32.msk $0xffff, v0  }
0x528: {  	v1 =	vld [tilespmem:$0x172C0];
	_ =	sdelay $0x7  }
0x529: {  	[tilespmem:v1+s10+$0x0] =	vst.idx.add.f32.msk $0xffff, v0  }
0x52a: {  	v1 =	vld [tilespmem:$0x172D0];
	_ =	sdelay $0x7  }
0x52b: {  	[tilespmem:v1+s10+$0x0] =	vst.idx.add.f32.msk $0xffff, v0  }
0x52c: {  	v1 =	vld [tilespmem:$0x172E0];
	_ =	sdelay $0x7  }
0x52d: {  	[tilespmem:v1+s10+$0x0] =	vst.idx.add.f32.msk $0xffff, v0  }
0x52e: {  	v1 =	vld [tilespmem:$0x172F0];
	_ =	sdelay $0x7  }
0x52f: {  	[tilespmem:v1+s10+$0x0] =	vst.idx.add.f32.msk $0xffff, v0  }
0x530: {  	_ =	swait.ge [sflag:s28], $0x4000  }
0x531: {  	[sflag:s28] =	ssyncset.done $0x0  }
0x532: {  	[sflag:s28] =	ssyncadd.s32 $0xFFFFC000  }
0x533: {  	[spmem:s3] =	stream.indirect.scatter.add.f32 [tilespmem:s8], [sflag:$0x3], $0x80, s11, s6, $0xb8;
	[tilespmem:$0x1F380] =	vst v63  }
0x534: {  	_ =	swait.ge [sflag:s4], $0x4000  }
0x535: {  	[sflag:s4] =	ssyncset.done $0x0  }
0x536: {  	s21 =	simm.s32 @!p1 $0x80;
	s22 =	simm.s32 @!p1 $0x17380;
	[sflag:s4] =	ssyncadd.s32 $0xFFFFC000  }
0x537: {  	[tilespmem:s22], [sflag:$0x1] =	stream.indirect.gather @!p1 [hbm4b:s2+s21], $0x80, s13, s21, $0xb8;
	[tilespmem:$0x1F380] =	vst v63  }
0x538: {  	v1 =	vld [tilespmem:$0x17300];
	_ =	sdelay $0x7  }
0x539: {  	[tilespmem:v1+s10+$0x0] =	vst.idx.add.f32.msk $0xffff, v0  }
0x53a: {  	v1 =	vld [tilespmem:$0x17310];
	_ =	sdelay $0x7  }
0x53b: {  	[tilespmem:v1+s10+$0x0] =	vst.idx.add.f32.msk $0xffff, v0  }
0x53c: {  	v1 =	vld [tilespmem:$0x17320];
	_ =	sdelay $0x7  }
0x53d: {  	[tilespmem:v1+s10+$0x0] =	vst.idx.add.f32.msk $0xffff, v0  }
0x53e: {  	v1 =	vld [tilespmem:$0x17330];
	_ =	sdelay $0x7  }
0x53f: {  	[tilespmem:v1+s10+$0x0] =	vst.idx.add.f32.msk $0xffff, v0  }
0x540: {  	v1 =	vld [tilespmem:$0x17340];
	_ =	sdelay $0x7  }
0x541: {  	[tilespmem:v1+s10+$0x0] =	vst.idx.add.f32.msk $0xffff, v0  }
0x542: {  	v1 =	vld [tilespmem:$0x17350];
	_ =	sdelay $0x7  }
0x543: {  	[tilespmem:v1+s10+$0x0] =	vst.idx.add.f32.msk $0xffff, v0  }
0x544: {  	v1 =	vld [tilespmem:$0x17360];
	_ =	sdelay $0x7  }
0x545: {  	[tilespmem:v1+s10+$0x0] =	vst.idx.add.f32.msk $0xffff, v0  }
0x546: {  	v1 =	vld [tilespmem:$0x17370];
	_ =	sdelay $0x7  }
0x547: {  	[tilespmem:v1+s10+$0x0] =	vst.idx.add.f32.msk $0xffff, v0  }
0x548: {  	s12 =	sadd.s32 $0x100, s12;
	_ =	swait.ge [sflag:s30], $0x4000  }
0x549: {  	p1 =	sne.s32 s12, $0x500;
	[sflag:s30] =	ssyncset.done $0x0  }
.Ltmp2:
0x54a: {  	[sflag:s30] =	ssyncadd.s32 $0xFFFFC000;
	(pc) =	sbr.rel @p1 .LBB2_6-.Ltmp2, $4  }
0x54b: {  	[spmem:s3] =	stream.indirect.scatter.add.f32 [tilespmem:s26], [sflag:$0x3], $0x80, s7, s6, $0xb8;
	[tilespmem:$0x1F380] =	vst v63  }
0x54c: {  	_ =	swait.ge [sflag:s4], $0x4000  }
0x54d: {  	s25 =	simm.s32 $0x16800;
	[sflag:s4] =	ssyncset.done $0x0  }
0x54e: {  	s24 =	simm.s32 $0x16480;
	s22 =	simm.s32 $0x16400;
	[sflag:s4] =	ssyncadd.s32 $0xFFFFC000  }
0x54f: {  	[bflag:$0x0] =	sbarrier.arrive $0xFFFF  }
0x550: {  	s13 =	rddreg [dreg:$0x11]  }
0x551: {  	s12 =	rddreg [dreg:$0x14]  }
0x552: {  	s0 =	rddreg [dreg:$0x1a]  }
0x553: {  	[hbm:s12], [sflag:s13] =	dma.local [spmem:s0], $0x2780  }
0x554: {  	_ =	swait.ge [sflag:s4], $0x2780  }
0x555: {  	[sflag:s4] =	ssyncset.done $0x0  }
0x556: {  	s5 =	simm.s32 $0x400;
	s0 =	rddreg [dreg:$0x17];
	[sflag:s4] =	ssyncadd.s32 $0xFFFFD880  }
0x557: {  	[hbm4b:s0+s6] =	stream.strided.scatter [tilespmem:s10], [sflag:$0x3], $0x2780, s5, s6, $0x38;
	[tilespmem:$0x1F380] =	vst v63  }
0x558: {  	_ =	swait.ge [sflag:s4], $0x2780  }
0x559: {  	s5 =	rddreg [dreg:$0x19]  }
0x55a: {  	s21 =	rddreg [dreg:$0x18];
	s5 =	sadd.s32 $0x1, s5  }
0x55b: {  	p1 =	sne.s32 s5, s21  }
.Ltmp3:
0x55c: {  	_ = 	snop;
	(pc) =	sbr.rel @p1 .LBB2_1-.Ltmp3, $4  }
0x55d: {  	[sflag:s4] =	ssyncset.done $0x0  }
0x55e: {  	[sflag:s4] =	ssyncadd.s32 $0xFFFFD880  }
0x55f: {  	[bflag:$0x0] =	sbarrier.arrive $0xFFFF  }
0x560: {  	s0 =	simm.s32 $0x16780  }
0x561: {  	_ =	sfence.sel $0x180000  }
0x562: {  	[bflag:$0x0] =	sbarrier.arrive $0xFFFF  }
0x563: {  	_ =	strace $0x90000047  }
0x564: {  	s0 =	stileid.u32;
	[bflag:$0x2] =	sbarrier.arrive $0xFFFF  }
0x565: {  	p0 =	sne.s32 s0, $0x0;
	s0 =	rddreg [dreg:$0x4]  }
0x566: {  	s0 =	sadd.s32 @!p0 $0x100000, s0  }
0x567: {  	[sflag:s0] =	ssyncadd.tile.s32 @!p0 $0x1;
	_ =	shalt  }
.Lfunc_end2:
_tile_overlayer_lowered:
.L_overlay_start_2:
0x568: {  	(tag) =	ssettag $0x2  }
0x569: {  	s0 =	rddreg [dreg:$0x0];
	s2 =	stileid.u32  }
0x56a: {  	s1 =	rddreg [dreg:$0x1];
	p0 =	sne.s32 s2, $0x0  }
0x56b: {  	s3 =	rddreg [dreg:$0x2];
	[bflag:$0x3] =	sbarrier.arrive $0xFFFF;
	s2 =	simm.s32 @!p0 $0x1C03  }
0x56c: {  	[timem:s3], [sflag:s2] =	dma.local @!p0 [hbm:s0], s1  }
0x56d: {  	s0 =	simm.s32 @!p0 $0x3  }
0x56e: {  	_ =	swait.ge @!p0 [sflag:s0], s1  }
0x56f: {  	s1 =	ssub.s32 @!p0 $0x0, s1;
	[sflag:s0] =	ssyncset.done @!p0 $0x0  }
0x570: {  	[sflag:s0] =	ssyncadd.s32 @!p0 s1  }
0x571: {  	[bflag:$0x3] =	sbarrier.arrive $0xFFFF  }
0x572: {  	_ =	shalt  }

</sc_bundles>
